<compile_context>
chip_gen: v7x
topology: tpu7x:2x2x1
jax: 0.10.2.dev20260603
libtpu: 0.0.44.dev20260713+nightly
codegen_flags: <defaults>
</compile_context>

<pallas_src>
import functools

import jax
import jax.numpy as jnp
from jax import lax
from jax.experimental import pallas as pl
from jax.experimental.pallas import tpu as pltpu
from jax.experimental.pallas import tpu_sc as plsc

D = 64
L = 200
B = 16384
IDXW = 128
STEP_IROWS = 5
ROWS_PER_STEP = STEP_IROWS * IDXW
NCHUNK = D // 16

_info = plsc.get_sparse_core_info()
NC, NS = _info.num_cores, _info.num_subcores
NW = NC * NS


def _sc_partial_sums(ids2d, table):
    irows_per_w = ids2d.shape[0] // NW
    nsteps = irows_per_w // STEP_IROWS
    mesh = plsc.VectorSubcoreMesh(core_axis_name="c", subcore_axis_name="s")

    @functools.partial(
        pl.kernel,
        mesh=mesh,
        out_type=jax.ShapeDtypeStruct((NW, L, D), jnp.float32),
        compiler_params=pltpu.CompilerParams(use_tc_tiling_on_sc=False),
        scratch_types=[
            pltpu.VMEM((STEP_IROWS, IDXW), jnp.int32),
            pltpu.VMEM((STEP_IROWS, IDXW), jnp.int32),
            pltpu.VMEM((ROWS_PER_STEP, D), jnp.float32),
            pltpu.VMEM((ROWS_PER_STEP, D), jnp.float32),
            pltpu.VMEM((L, D), jnp.float32),
            pltpu.SemaphoreType.DMA,
            pltpu.SemaphoreType.DMA,
            pltpu.SemaphoreType.DMA,
        ],
    )
    def k(ids_hbm, table_hbm, out_hbm, idx0, idx1, buf0, buf1, acc,
          sem0, sem1, isem):
        wid = lax.axis_index("s") * NC + lax.axis_index("c")
        base_irow = wid * irows_per_w
        idxbufs = (idx0, idx1)
        bufs = (buf0, buf1)
        sems = (sem0, sem1)

        def zero_body(l, _):
            for c in range(NCHUNK):
                acc[l, pl.ds(c * 16, 16)] = jnp.zeros((16,), jnp.float32)
            return 0
        lax.fori_loop(0, L, zero_body, 0)

        def idx_fetch(g, slot):
            irow = base_irow + g * STEP_IROWS
            pltpu.async_copy(ids_hbm.at[pl.ds(irow, STEP_IROWS)],
                             idxbufs[slot], isem)

        def idx_wait(slot):
            pltpu.make_async_copy(ids_hbm.at[pl.ds(0, STEP_IROWS)],
                                  idxbufs[slot], isem).wait()

        def fire(slot):
            for j in range(STEP_IROWS):
                pltpu.async_copy(
                    table_hbm.at[idxbufs[slot].at[j]],
                    bufs[slot].at[pl.ds(j * IDXW, IDXW)],
                    sems[slot],
                )

        def drain(slot):
            pltpu.make_async_copy(
                table_hbm.at[pl.ds(0, ROWS_PER_STEP)], bufs[slot], sems[slot]
            ).wait()

        def accumulate(slot, irow0):
            buf = bufs[slot]
            for j in range(STEP_IROWS):
                lj = (irow0 + j) >> 7
                base = j * IDXW

                def body(r4, vaccs, base=base):
                    row = base + r4 * 4
                    out = []
                    for c in range(NCHUNK):
                        sl = pl.ds(c * 16, 16)
                        v01 = buf[row, sl] + buf[row + 1, sl]
                        v23 = buf[row + 2, sl] + buf[row + 3, sl]
                        out.append(vaccs[c] + (v01 + v23))
                    return tuple(out)

                zero = jnp.zeros((16,), jnp.float32)
                vaccs = lax.fori_loop(0, IDXW // 4, body,
                                      (zero, zero, zero, zero))
                for c in range(NCHUNK):
                    plsc.addupdate(acc.at[lj, pl.ds(c * 16, 16)], vaccs[c])

        idx_fetch(0, 0)
        idx_wait(0)
        fire(0)
        idx_fetch(1, 1)

        def phase(g, slot, nslot, fetch_ahead):
            idx_wait(nslot)
            fire(nslot)
            drain(slot)
            if fetch_ahead:
                idx_fetch(g + 2, slot)
            accumulate(slot, base_irow + g * STEP_IROWS)

        def main_body(g2, _):
            g = g2 * 2
            phase(g, 0, 1, True)
            phase(g + 1, 1, 0, True)
            return 0
        lax.fori_loop(0, nsteps // 2 - 1, main_body, 0)

        phase(nsteps - 2, 0, 1, False)
        drain(1)
        accumulate(1, base_irow + (nsteps - 1) * STEP_IROWS)

        pltpu.sync_copy(acc, out_hbm.at[wid])

    return k(ids2d, table)


def _mlp(partials, W1, b1, W2, b2, W3, b3):
    def body(p_ref, w1_ref, b1_ref, w2_ref, b2_ref, w3_ref, b3_ref, o_ref):
        s = jnp.sum(p_ref[...], axis=0) * (1.0 / B)
        h = jnp.maximum(
            jnp.dot(s, w1_ref[...], preferred_element_type=jnp.float32)
            + b1_ref[...], 0.0)
        h = jnp.maximum(
            jnp.dot(h, w2_ref[...], preferred_element_type=jnp.float32)
            + b2_ref[...], 0.0)
        o_ref[...] = (
            jnp.dot(h, w3_ref[...], preferred_element_type=jnp.float32)
            + b3_ref[...])

    return pl.pallas_call(
        body,
        out_shape=jax.ShapeDtypeStruct((L, D), jnp.float32),
    )(partials, W1, b1.reshape(1, D), W2, b2.reshape(1, D), W3,
      b3.reshape(1, D))


def kernel(tag_ids, table, W1, b1, W2, b2, W3, b3):
    ids2d = tag_ids.astype(jnp.int32).T.reshape(-1, IDXW)
    partials = _sc_partial_sums(ids2d, table)
    return _mlp(partials, W1, b1, W2, b2, W3, b3)

# --- scband reference (transcript-rebuilt; emitter-appended) ---
"""Pipeline reference for scband-tags-train-model-17557826306442 (READ-ONLY COPY).

The authoritative reference and input builder live on the scoring server;
editing this copy changes nothing except your own understanding.
"""

import jax, jax.numpy as jnp
import numpy as np

NUM_TAGS = 1000000
EMB_DIM = 64
B = 16384
L = 200

def setup_inputs(seed: int = 0) -> dict:
    key = jax.random.key(seed)
    k_idx, k_tab, k1, k2, k3, kb1, kb2, kb3 = jax.random.split(key, 8)
    tag_ids = jax.random.randint(k_idx, (B, L), 0, NUM_TAGS, dtype=jnp.int64 if jax.config.jax_enable_x64 else jnp.int32)
    table = jax.random.normal(k_tab, (NUM_TAGS, EMB_DIM), dtype=jnp.float32) * 0.02
    W1 = jax.random.normal(k1, (EMB_DIM, EMB_DIM), dtype=jnp.float32) * (1.0 / np.sqrt(EMB_DIM))
    b1 = jnp.zeros((EMB_DIM,), dtype=jnp.float32)
    W2 = jax.random.normal(k2, (EMB_DIM, EMB_DIM), dtype=jnp.float32) * (1.0 / np.sqrt(EMB_DIM))
    b2 = jnp.zeros((EMB_DIM,), dtype=jnp.float32)
    W3 = jax.random.normal(k3, (EMB_DIM, EMB_DIM), dtype=jnp.float32) * (1.0 / np.sqrt(EMB_DIM))
    b3 = jnp.zeros((EMB_DIM,), dtype=jnp.float32)
    return {"tag_ids": tag_ids, "table": table, "W1": W1, "b1": b1, "W2": W2, "b2": b2, "W3": W3, "b3": b3}

def reference(tag_ids, table, W1, b1, W2, b2, W3, b3):
    # embedding lookup: [B, L, D]
    emb = jnp.take(table, tag_ids, axis=0)
    # mean over dim 0 (batch): [L, D]
    out = jnp.mean(emb, axis=0)
    # MLP: Linear -> ReLU -> Linear -> ReLU -> Linear
    out = jax.nn.relu(out @ W1 + b1)
    out = jax.nn.relu(out @ W2 + b2)
    out = out @ W3 + b3
    return out

if __name__ == "__main__":
    import jax
    _d = setup_inputs()
    print(jax.jit(kernel)(*tuple(_d.values())))

</pallas_src>

<mosaic_0001>
#map = affine_map<(d0, d1) -> (0, 0)>
#map1 = affine_map<(d0, d1) -> (0, 0, 0)>
module attributes {stable_mosaic.version = 14 : i64} {
  func.func @k(%arg0: i32, %arg1: i32, %arg2: memref<25600x128xi32, #tpu.memory_space<hbm>>, %arg3: memref<1000000x64xf32, #tpu.memory_space<hbm>>, %arg4: memref<32x200x64xf32, #tpu.memory_space<hbm>>, %arg5: memref<5x128xi32, #tpu.memory_space<vmem>>, %arg6: memref<5x128xi32, #tpu.memory_space<vmem>>, %arg7: memref<640x64xf32, #tpu.memory_space<vmem>>, %arg8: memref<640x64xf32, #tpu.memory_space<vmem>>, %arg9: memref<200x64xf32, #tpu.memory_space<vmem>>, %arg10: memref<!tpu.dma_semaphore, #tpu.memory_space<semaphore_mem>>, %arg11: memref<!tpu.dma_semaphore, #tpu.memory_space<semaphore_mem>>, %arg12: memref<!tpu.dma_semaphore, #tpu.memory_space<semaphore_mem>>) attributes {dimension_semantics = [#tpu.dimension_semantics<core_parallel>, #tpu.dimension_semantics<subcore_parallel>], iteration_bounds = array<i64: 2, 16>, scalar_prefetch = 0 : i64, scratch_operands = 8 : i64, tpu.core_type = #tpu.core_type<sc_vector_subcore>, window_params = [{transform_indices = #map}, {transform_indices = #map}, {transform_indices = #map1}]} {
    %mul3A = arith.constant 2 : i32
    %mul3A_0 = arith.muli %arg1, %mul3A : i32
    %add3A = arith.addi %mul3A_0, %arg0 : i32
    %mul3A_1 = arith.constant 800 : i32
    %mul3A_2 = arith.muli %add3A, %mul3A_1 : i32
    %scan3A = arith.constant 0 : i32
    %scan3A_3 = arith.constant 0 : i32
    %scan3A_4 = arith.constant 200 : i32
    %scan3A_5 = arith.addi %scan3A_3, %scan3A_4 : i32
    %scan3A_6 = arith.constant 1 : i32
    %scan3A_7 = scf.for %scan3A_471 = %scan3A_3 to %scan3A_5 step %scan3A_6 iter_args(%scan3A_472 = %scan3A) -> (i32)  : i32 {
      %broadcast_in_dim3A_473 = arith.constant 0.000000e+00 : f32
      %broadcast_in_dim3A_474 = vector.broadcast %broadcast_in_dim3A_473 : f32 to vector<16xf32>
      %swap3A_475 = arith.index_cast %scan3A_471 : i32 to index
      %swap3A_476 = arith.constant 0 : index
      %swap3A_477 = tpu.vector_load %arg9[%swap3A_475, %swap3A_476] {strides = array<i32>} : memref<200x64xf32, #tpu.memory_space<vmem>>, vector<1x16xf32>,
      %swap3A_478 = vector.shape_cast %swap3A_477 : vector<1x16xf32> to vector<16xf32>
      %swap3A_479 = vector.shape_cast %broadcast_in_dim3A_474 : vector<16xf32> to vector<1x16xf32>
      tpu.vector_store %arg9[%swap3A_475, %swap3A_476], %swap3A_479 {strides = array<i32>} : memref<200x64xf32, #tpu.memory_space<vmem>>, vector<1x16xf32>,
      %broadcast_in_dim3A_480 = arith.constant 0.000000e+00 : f32
      %broadcast_in_dim3A_481 = vector.broadcast %broadcast_in_dim3A_480 : f32 to vector<16xf32>
      %swap3A_482 = arith.index_cast %scan3A_471 : i32 to index
      %swap3A_483 = arith.constant 16 : index
      %swap3A_484 = tpu.vector_load %arg9[%swap3A_482, %swap3A_483] {strides = array<i32>} : memref<200x64xf32, #tpu.memory_space<vmem>>, vector<1x16xf32>,
      %swap3A_485 = vector.shape_cast %swap3A_484 : vector<1x16xf32> to vector<16xf32>
      %swap3A_486 = vector.shape_cast %broadcast_in_dim3A_481 : vector<16xf32> to vector<1x16xf32>
      tpu.vector_store %arg9[%swap3A_482, %swap3A_483], %swap3A_486 {strides = array<i32>} : memref<200x64xf32, #tpu.memory_space<vmem>>, vector<1x16xf32>,
      %broadcast_in_dim3A_487 = arith.constant 0.000000e+00 : f32
      %broadcast_in_dim3A_488 = vector.broadcast %broadcast_in_dim3A_487 : f32 to vector<16xf32>
      %swap3A_489 = arith.index_cast %scan3A_471 : i32 to index
      %swap3A_490 = arith.constant 32 : index
      %swap3A_491 = tpu.vector_load %arg9[%swap3A_489, %swap3A_490] {strides = array<i32>} : memref<200x64xf32, #tpu.memory_space<vmem>>, vector<1x16xf32>,
      %swap3A_492 = vector.shape_cast %swap3A_491 : vector<1x16xf32> to vector<16xf32>
      %swap3A_493 = vector.shape_cast %broadcast_in_dim3A_488 : vector<16xf32> to vector<1x16xf32>
      tpu.vector_store %arg9[%swap3A_489, %swap3A_490], %swap3A_493 {strides = array<i32>} : memref<200x64xf32, #tpu.memory_space<vmem>>, vector<1x16xf32>,
      %broadcast_in_dim3A_494 = arith.constant 0.000000e+00 : f32
      %broadcast_in_dim3A_495 = vector.broadcast %broadcast_in_dim3A_494 : f32 to vector<16xf32>
      %swap3A_496 = arith.index_cast %scan3A_471 : i32 to index
      %swap3A_497 = arith.constant 48 : index
      %swap3A_498 = tpu.vector_load %arg9[%swap3A_496, %swap3A_497] {strides = array<i32>} : memref<200x64xf32, #tpu.memory_space<vmem>>, vector<1x16xf32>,
      %swap3A_499 = vector.shape_cast %swap3A_498 : vector<1x16xf32> to vector<16xf32>
      %swap3A_500 = vector.shape_cast %broadcast_in_dim3A_495 : vector<16xf32> to vector<1x16xf32>
      tpu.vector_store %arg9[%swap3A_496, %swap3A_497], %swap3A_500 {strides = array<i32>} : memref<200x64xf32, #tpu.memory_space<vmem>>, vector<1x16xf32>,
      %scan3A_501 = arith.constant 0 : i32
      scf.yield %scan3A_501 : i32
    }
    %scan3A_8 = arith.constant 200 : i32
    %add3A_9 = arith.constant 0 : i32
    %add3A_10 = arith.addi %mul3A_2, %add3A_9 : i32
    %dma_start3A = arith.constant 0 : i32
    %dma_start3A_11 = tpu.memref_slice %arg2[%add3A_10, %dma_start3A] : memref<25600x128xi32, #tpu.memory_space<hbm>> -> memref<5x128xi32, #tpu.memory_space<hbm>>
    %dma_start3A_12 = arith.constant 0 : i32
    %dma_start3A_13 = tpu.memref_slice %arg2[%add3A_10, %dma_start3A_12] : memref<25600x128xi32, #tpu.memory_space<hbm>> -> memref<5x128xi32, #tpu.memory_space<hbm>>
    tpu.enqueue_dma source(%dma_start3A_13 : memref<5x128xi32, #tpu.memory_space<hbm>>) target(%arg5 : memref<5x128xi32, #tpu.memory_space<vmem>>) target_semaphore(%arg12 : memref<!tpu.dma_semaphore, #tpu.memory_space<semaphore_mem>>)
    %dma_wait3A = arith.constant 0 : i32
    %dma_wait3A_14 = arith.constant 0 : i32
    %dma_wait3A_15 = tpu.memref_slice %arg2[%dma_wait3A, %dma_wait3A_14] : memref<25600x128xi32, #tpu.memory_space<hbm>> -> memref<5x128xi32, #tpu.memory_space<hbm>>
    %dma_wait3A_16 = arith.constant 0 : i32
    %dma_wait3A_17 = arith.constant 0 : i32
    %dma_wait3A_18 = tpu.memref_slice %arg2[%dma_wait3A_16, %dma_wait3A_17] : memref<25600x128xi32, #tpu.memory_space<hbm>> -> memref<5x128xi32, #tpu.memory_space<hbm>>
    tpu.wait_dma2 semaphore(%arg12 : memref<!tpu.dma_semaphore, #tpu.memory_space<semaphore_mem>>) src(%dma_wait3A_18 : memref<5x128xi32, #tpu.memory_space<hbm>>) dst(%arg5 : memref<5x128xi32, #tpu.memory_space<vmem>>)
    %dma_start3A_19 = arith.constant 0 : i32
    %dma_start3A_20 = arith.constant 0 : i32
    %dma_start3A_21 = arith.constant 0 : i32
    %dma_start3A_22 = tpu.memref_slice %arg7[%dma_start3A_20, %dma_start3A_21] : memref<640x64xf32, #tpu.memory_space<vmem>> -> memref<128x64xf32, #tpu.memory_space<vmem>>
    %dma_start3A_23 = arith.constant 0 : i32
    %dma_start3A_24 = tpu.memref_slice %arg5[%dma_start3A_19, %dma_start3A_23] : memref<5x128xi32, #tpu.memory_space<vmem>> -> memref<1x128xi32, #tpu.memory_space<vmem>>
    %dma_start3A_25 = tpu.memref_squeeze %dma_start3A_24 : memref<1x128xi32, #tpu.memory_space<vmem>> -> memref<128xi32, #tpu.memory_space<vmem>>
    %dma_start3A_26 = arith.constant 0 : i32
    %dma_start3A_27 = arith.constant 0 : i32
    %dma_start3A_28 = tpu.memref_slice %arg3[%dma_start3A_26, %dma_start3A_27] : memref<1000000x64xf32, #tpu.memory_space<hbm>> -> memref<1000000x64xf32, #tpu.memory_space<hbm>>
    tpu.enqueue_indirect_dma source(%dma_start3A_28 : memref<1000000x64xf32, #tpu.memory_space<hbm>>) target(%dma_start3A_22 : memref<128x64xf32, #tpu.memory_space<vmem>>) offsets(%dma_start3A_25 : memref<128xi32, #tpu.memory_space<vmem>>) semaphore(%arg10 : memref<!tpu.dma_semaphore, #tpu.memory_space<semaphore_mem>>)
    %dma_start3A_29 = arith.constant 1 : i32
    %dma_start3A_30 = arith.constant 128 : i32
    %dma_start3A_31 = arith.constant 0 : i32
    %dma_start3A_32 = tpu.memref_slice %arg7[%dma_start3A_30, %dma_start3A_31] : memref<640x64xf32, #tpu.memory_space<vmem>> -> memref<128x64xf32, #tpu.memory_space<vmem>>
    %dma_start3A_33 = arith.constant 0 : i32
    %dma_start3A_34 = tpu.memref_slice %arg5[%dma_start3A_29, %dma_start3A_33] : memref<5x128xi32, #tpu.memory_space<vmem>> -> memref<1x128xi32, #tpu.memory_space<vmem>>
    %dma_start3A_35 = tpu.memref_squeeze %dma_start3A_34 : memref<1x128xi32, #tpu.memory_space<vmem>> -> memref<128xi32, #tpu.memory_space<vmem>>
    %dma_start3A_36 = arith.constant 0 : i32
    %dma_start3A_37 = arith.constant 0 : i32
    %dma_start3A_38 = tpu.memref_slice %arg3[%dma_start3A_36, %dma_start3A_37] : memref<1000000x64xf32, #tpu.memory_space<hbm>> -> memref<1000000x64xf32, #tpu.memory_space<hbm>>
    tpu.enqueue_indirect_dma source(%dma_start3A_38 : memref<1000000x64xf32, #tpu.memory_space<hbm>>) target(%dma_start3A_32 : memref<128x64xf32, #tpu.memory_space<vmem>>) offsets(%dma_start3A_35 : memref<128xi32, #tpu.memory_space<vmem>>) semaphore(%arg10 : memref<!tpu.dma_semaphore, #tpu.memory_space<semaphore_mem>>)
    %dma_start3A_39 = arith.constant 2 : i32
    %dma_start3A_40 = arith.constant 256 : i32
    %dma_start3A_41 = arith.constant 0 : i32
    %dma_start3A_42 = tpu.memref_slice %arg7[%dma_start3A_40, %dma_start3A_41] : memref<640x64xf32, #tpu.memory_space<vmem>> -> memref<128x64xf32, #tpu.memory_space<vmem>>
    %dma_start3A_43 = arith.constant 0 : i32
    %dma_start3A_44 = tpu.memref_slice %arg5[%dma_start3A_39, %dma_start3A_43] : memref<5x128xi32, #tpu.memory_space<vmem>> -> memref<1x128xi32, #tpu.memory_space<vmem>>
    %dma_start3A_45 = tpu.memref_squeeze %dma_start3A_44 : memref<1x128xi32, #tpu.memory_space<vmem>> -> memref<128xi32, #tpu.memory_space<vmem>>
    %dma_start3A_46 = arith.constant 0 : i32
    %dma_start3A_47 = arith.constant 0 : i32
    %dma_start3A_48 = tpu.memref_slice %arg3[%dma_start3A_46, %dma_start3A_47] : memref<1000000x64xf32, #tpu.memory_space<hbm>> -> memref<1000000x64xf32, #tpu.memory_space<hbm>>
    tpu.enqueue_indirect_dma source(%dma_start3A_48 : memref<1000000x64xf32, #tpu.memory_space<hbm>>) target(%dma_start3A_42 : memref<128x64xf32, #tpu.memory_space<vmem>>) offsets(%dma_start3A_45 : memref<128xi32, #tpu.memory_space<vmem>>) semaphore(%arg10 : memref<!tpu.dma_semaphore, #tpu.memory_space<semaphore_mem>>)
    %dma_start3A_49 = arith.constant 3 : i32
    %dma_start3A_50 = arith.constant 384 : i32
    %dma_start3A_51 = arith.constant 0 : i32
    %dma_start3A_52 = tpu.memref_slice %arg7[%dma_start3A_50, %dma_start3A_51] : memref<640x64xf32, #tpu.memory_space<vmem>> -> memref<128x64xf32, #tpu.memory_space<vmem>>
    %dma_start3A_53 = arith.constant 0 : i32
    %dma_start3A_54 = tpu.memref_slice %arg5[%dma_start3A_49, %dma_start3A_53] : memref<5x128xi32, #tpu.memory_space<vmem>> -> memref<1x128xi32, #tpu.memory_space<vmem>>
    %dma_start3A_55 = tpu.memref_squeeze %dma_start3A_54 : memref<1x128xi32, #tpu.memory_space<vmem>> -> memref<128xi32, #tpu.memory_space<vmem>>
    %dma_start3A_56 = arith.constant 0 : i32
    %dma_start3A_57 = arith.constant 0 : i32
    %dma_start3A_58 = tpu.memref_slice %arg3[%dma_start3A_56, %dma_start3A_57] : memref<1000000x64xf32, #tpu.memory_space<hbm>> -> memref<1000000x64xf32, #tpu.memory_space<hbm>>
    tpu.enqueue_indirect_dma source(%dma_start3A_58 : memref<1000000x64xf32, #tpu.memory_space<hbm>>) target(%dma_start3A_52 : memref<128x64xf32, #tpu.memory_space<vmem>>) offsets(%dma_start3A_55 : memref<128xi32, #tpu.memory_space<vmem>>) semaphore(%arg10 : memref<!tpu.dma_semaphore, #tpu.memory_space<semaphore_mem>>)
    %dma_start3A_59 = arith.constant 4 : i32
    %dma_start3A_60 = arith.constant 512 : i32
    %dma_start3A_61 = arith.constant 0 : i32
    %dma_start3A_62 = tpu.memref_slice %arg7[%dma_start3A_60, %dma_start3A_61] : memref<640x64xf32, #tpu.memory_space<vmem>> -> memref<128x64xf32, #tpu.memory_space<vmem>>
    %dma_start3A_63 = arith.constant 0 : i32
    %dma_start3A_64 = tpu.memref_slice %arg5[%dma_start3A_59, %dma_start3A_63] : memref<5x128xi32, #tpu.memory_space<vmem>> -> memref<1x128xi32, #tpu.memory_space<vmem>>
    %dma_start3A_65 = tpu.memref_squeeze %dma_start3A_64 : memref<1x128xi32, #tpu.memory_space<vmem>> -> memref<128xi32, #tpu.memory_space<vmem>>
    %dma_start3A_66 = arith.constant 0 : i32
    %dma_start3A_67 = arith.constant 0 : i32
    %dma_start3A_68 = tpu.memref_slice %arg3[%dma_start3A_66, %dma_start3A_67] : memref<1000000x64xf32, #tpu.memory_space<hbm>> -> memref<1000000x64xf32, #tpu.memory_space<hbm>>
    tpu.enqueue_indirect_dma source(%dma_start3A_68 : memref<1000000x64xf32, #tpu.memory_space<hbm>>) target(%dma_start3A_62 : memref<128x64xf32, #tpu.memory_space<vmem>>) offsets(%dma_start3A_65 : memref<128xi32, #tpu.memory_space<vmem>>) semaphore(%arg10 : memref<!tpu.dma_semaphore, #tpu.memory_space<semaphore_mem>>)
    %add3A_69 = arith.constant 5 : i32
    %add3A_70 = arith.addi %mul3A_2, %add3A_69 : i32
    %dma_start3A_71 = arith.constant 0 : i32
    %dma_start3A_72 = tpu.memref_slice %arg2[%add3A_70, %dma_start3A_71] : memref<25600x128xi32, #tpu.memory_space<hbm>> -> memref<5x128xi32, #tpu.memory_space<hbm>>
    %dma_start3A_73 = arith.constant 0 : i32
    %dma_start3A_74 = tpu.memref_slice %arg2[%add3A_70, %dma_start3A_73] : memref<25600x128xi32, #tpu.memory_space<hbm>> -> memref<5x128xi32, #tpu.memory_space<hbm>>
    tpu.enqueue_dma source(%dma_start3A_74 : memref<5x128xi32, #tpu.memory_space<hbm>>) target(%arg6 : memref<5x128xi32, #tpu.memory_space<vmem>>) target_semaphore(%arg12 : memref<!tpu.dma_semaphore, #tpu.memory_space<semaphore_mem>>)
    %scan3A_75 = arith.constant 0 : i32
    %scan3A_76 = arith.constant 0 : i32
    %scan3A_77 = arith.constant 79 : i32
    %scan3A_78 = arith.addi %scan3A_76, %scan3A_77 : i32
    %scan3A_79 = arith.constant 1 : i32
    %scan3A_80 = scf.for %scan3A_471 = %scan3A_76 to %scan3A_78 step %scan3A_79 iter_args(%scan3A_472 = %scan3A_75) -> (i32)  : i32 {
      %mul3A_473 = arith.constant 2 : i32
      %mul3A_474 = arith.muli %scan3A_471, %mul3A_473 : i32
      %dma_wait3A_475 = arith.constant 0 : i32
      %dma_wait3A_476 = arith.constant 0 : i32
      %dma_wait3A_477 = tpu.memref_slice %arg2[%dma_wait3A_475, %dma_wait3A_476] : memref<25600x128xi32, #tpu.memory_space<hbm>> -> memref<5x128xi32, #tpu.memory_space<hbm>>
      %dma_wait3A_478 = arith.constant 0 : i32
      %dma_wait3A_479 = arith.constant 0 : i32
      %dma_wait3A_480 = tpu.memref_slice %arg2[%dma_wait3A_478, %dma_wait3A_479] : memref<25600x128xi32, #tpu.memory_space<hbm>> -> memref<5x128xi32, #tpu.memory_space<hbm>>
      tpu.wait_dma2 semaphore(%arg12 : memref<!tpu.dma_semaphore, #tpu.memory_space<semaphore_mem>>) src(%dma_wait3A_480 : memref<5x128xi32, #tpu.memory_space<hbm>>) dst(%arg6 : memref<5x128xi32, #tpu.memory_space<vmem>>)
      %dma_start3A_481 = arith.constant 0 : i32
      %dma_start3A_482 = arith.constant 0 : i32
      %dma_start3A_483 = arith.constant 0 : i32
      %dma_start3A_484 = tpu.memref_slice %arg8[%dma_start3A_482, %dma_start3A_483] : memref<640x64xf32, #tpu.memory_space<vmem>> -> memref<128x64xf32, #tpu.memory_space<vmem>>
      %dma_start3A_485 = arith.constant 0 : i32
      %dma_start3A_486 = tpu.memref_slice %arg6[%dma_start3A_481, %dma_start3A_485] : memref<5x128xi32, #tpu.memory_space<vmem>> -> memref<1x128xi32, #tpu.memory_space<vmem>>
      %dma_start3A_487 = tpu.memref_squeeze %dma_start3A_486 : memref<1x128xi32, #tpu.memory_space<vmem>> -> memref<128xi32, #tpu.memory_space<vmem>>
      %dma_start3A_488 = arith.constant 0 : i32
      %dma_start3A_489 = arith.constant 0 : i32
      %dma_start3A_490 = tpu.memref_slice %arg3[%dma_start3A_488, %dma_start3A_489] : memref<1000000x64xf32, #tpu.memory_space<hbm>> -> memref<1000000x64xf32, #tpu.memory_space<hbm>>
      tpu.enqueue_indirect_dma source(%dma_start3A_490 : memref<1000000x64xf32, #tpu.memory_space<hbm>>) target(%dma_start3A_484 : memref<128x64xf32, #tpu.memory_space<vmem>>) offsets(%dma_start3A_487 : memref<128xi32, #tpu.memory_space<vmem>>) semaphore(%arg11 : memref<!tpu.dma_semaphore, #tpu.memory_space<semaphore_mem>>)
      %dma_start3A_491 = arith.constant 1 : i32
      %dma_start3A_492 = arith.constant 128 : i32
      %dma_start3A_493 = arith.constant 0 : i32
      %dma_start3A_494 = tpu.memref_slice %arg8[%dma_start3A_492, %dma_start3A_493] : memref<640x64xf32, #tpu.memory_space<vmem>> -> memref<128x64xf32, #tpu.memory_space<vmem>>
      %dma_start3A_495 = arith.constant 0 : i32
      %dma_start3A_496 = tpu.memref_slice %arg6[%dma_start3A_491, %dma_start3A_495] : memref<5x128xi32, #tpu.memory_space<vmem>> -> memref<1x128xi32, #tpu.memory_space<vmem>>
      %dma_start3A_497 = tpu.memref_squeeze %dma_start3A_496 : memref<1x128xi32, #tpu.memory_space<vmem>> -> memref<128xi32, #tpu.memory_space<vmem>>
      %dma_start3A_498 = arith.constant 0 : i32
      %dma_start3A_499 = arith.constant 0 : i32
      %dma_start3A_500 = tpu.memref_slice %arg3[%dma_start3A_498, %dma_start3A_499] : memref<1000000x64xf32, #tpu.memory_space<hbm>> -> memref<1000000x64xf32, #tpu.memory_space<hbm>>
      tpu.enqueue_indirect_dma source(%dma_start3A_500 : memref<1000000x64xf32, #tpu.memory_space<hbm>>) target(%dma_start3A_494 : memref<128x64xf32, #tpu.memory_space<vmem>>) offsets(%dma_start3A_497 : memref<128xi32, #tpu.memory_space<vmem>>) semaphore(%arg11 : memref<!tpu.dma_semaphore, #tpu.memory_space<semaphore_mem>>)
      %dma_start3A_501 = arith.constant 2 : i32
      %dma_start3A_502 = arith.constant 256 : i32
      %dma_start3A_503 = arith.constant 0 : i32
      %dma_start3A_504 = tpu.memref_slice %arg8[%dma_start3A_502, %dma_start3A_503] : memref<640x64xf32, #tpu.memory_space<vmem>> -> memref<128x64xf32, #tpu.memory_space<vmem>>
      %dma_start3A_505 = arith.constant 0 : i32
      %dma_start3A_506 = tpu.memref_slice %arg6[%dma_start3A_501, %dma_start3A_505] : memref<5x128xi32, #tpu.memory_space<vmem>> -> memref<1x128xi32, #tpu.memory_space<vmem>>
      %dma_start3A_507 = tpu.memref_squeeze %dma_start3A_506 : memref<1x128xi32, #tpu.memory_space<vmem>> -> memref<128xi32, #tpu.memory_space<vmem>>
      %dma_start3A_508 = arith.constant 0 : i32
      %dma_start3A_509 = arith.constant 0 : i32
      %dma_start3A_510 = tpu.memref_slice %arg3[%dma_start3A_508, %dma_start3A_509] : memref<1000000x64xf32, #tpu.memory_space<hbm>> -> memref<1000000x64xf32, #tpu.memory_space<hbm>>
      tpu.enqueue_indirect_dma source(%dma_start3A_510 : memref<1000000x64xf32, #tpu.memory_space<hbm>>) target(%dma_start3A_504 : memref<128x64xf32, #tpu.memory_space<vmem>>) offsets(%dma_start3A_507 : memref<128xi32, #tpu.memory_space<vmem>>) semaphore(%arg11 : memref<!tpu.dma_semaphore, #tpu.memory_space<semaphore_mem>>)
      %dma_start3A_511 = arith.constant 3 : i32
      %dma_start3A_512 = arith.constant 384 : i32
      %dma_start3A_513 = arith.constant 0 : i32
      %dma_start3A_514 = tpu.memref_slice %arg8[%dma_start3A_512, %dma_start3A_513] : memref<640x64xf32, #tpu.memory_space<vmem>> -> memref<128x64xf32, #tpu.memory_space<vmem>>
      %dma_start3A_515 = arith.constant 0 : i32
      %dma_start3A_516 = tpu.memref_slice %arg6[%dma_start3A_511, %dma_start3A_515] : memref<5x128xi32, #tpu.memory_space<vmem>> -> memref<1x128xi32, #tpu.memory_space<vmem>>
      %dma_start3A_517 = tpu.memref_squeeze %dma_start3A_516 : memref<1x128xi32, #tpu.memory_space<vmem>> -> memref<128xi32, #tpu.memory_space<vmem>>
      %dma_start3A_518 = arith.constant 0 : i32
      %dma_start3A_519 = arith.constant 0 : i32
      %dma_start3A_520 = tpu.memref_slice %arg3[%dma_start3A_518, %dma_start3A_519] : memref<1000000x64xf32, #tpu.memory_space<hbm>> -> memref<1000000x64xf32, #tpu.memory_space<hbm>>
      tpu.enqueue_indirect_dma source(%dma_start3A_520 : memref<1000000x64xf32, #tpu.memory_space<hbm>>) target(%dma_start3A_514 : memref<128x64xf32, #tpu.memory_space<vmem>>) offsets(%dma_start3A_517 : memref<128xi32, #tpu.memory_space<vmem>>) semaphore(%arg11 : memref<!tpu.dma_semaphore, #tpu.memory_space<semaphore_mem>>)
      %dma_start3A_521 = arith.constant 4 : i32
      %dma_start3A_522 = arith.constant 512 : i32
      %dma_start3A_523 = arith.constant 0 : i32
      %dma_start3A_524 = tpu.memref_slice %arg8[%dma_start3A_522, %dma_start3A_523] : memref<640x64xf32, #tpu.memory_space<vmem>> -> memref<128x64xf32, #tpu.memory_space<vmem>>
      %dma_start3A_525 = arith.constant 0 : i32
      %dma_start3A_526 = tpu.memref_slice %arg6[%dma_start3A_521, %dma_start3A_525] : memref<5x128xi32, #tpu.memory_space<vmem>> -> memref<1x128xi32, #tpu.memory_space<vmem>>
      %dma_start3A_527 = tpu.memref_squeeze %dma_start3A_526 : memref<1x128xi32, #tpu.memory_space<vmem>> -> memref<128xi32, #tpu.memory_space<vmem>>
      %dma_start3A_528 = arith.constant 0 : i32
      %dma_start3A_529 = arith.constant 0 : i32
      %dma_start3A_530 = tpu.memref_slice %arg3[%dma_start3A_528, %dma_start3A_529] : memref<1000000x64xf32, #tpu.memory_space<hbm>> -> memref<1000000x64xf32, #tpu.memory_space<hbm>>
      tpu.enqueue_indirect_dma source(%dma_start3A_530 : memref<1000000x64xf32, #tpu.memory_space<hbm>>) target(%dma_start3A_524 : memref<128x64xf32, #tpu.memory_space<vmem>>) offsets(%dma_start3A_527 : memref<128xi32, #tpu.memory_space<vmem>>) semaphore(%arg11 : memref<!tpu.dma_semaphore, #tpu.memory_space<semaphore_mem>>)
      %dma_wait3A_531 = arith.constant 0 : i32
      %dma_wait3A_532 = arith.constant 0 : i32
      %dma_wait3A_533 = tpu.memref_slice %arg3[%dma_wait3A_531, %dma_wait3A_532] : memref<1000000x64xf32, #tpu.memory_space<hbm>> -> memref<640x64xf32, #tpu.memory_space<hbm>>
      %dma_wait3A_534 = arith.constant 0 : i32
      %dma_wait3A_535 = arith.constant 0 : i32
      %dma_wait3A_536 = tpu.memref_slice %arg3[%dma_wait3A_534, %dma_wait3A_535] : memref<1000000x64xf32, #tpu.memory_space<hbm>> -> memref<640x64xf32, #tpu.memory_space<hbm>>
      tpu.wait_dma2 semaphore(%arg10 : memref<!tpu.dma_semaphore, #tpu.memory_space<semaphore_mem>>) src(%dma_wait3A_536 : memref<640x64xf32, #tpu.memory_space<hbm>>) dst(%arg7 : memref<640x64xf32, #tpu.memory_space<vmem>>)
      %add3A_537 = arith.constant 2 : i32
      %add3A_538 = arith.addi %mul3A_474, %add3A_537 : i32
      %mul3A_539 = arith.constant 5 : i32
      %mul3A_540 = arith.muli %add3A_538, %mul3A_539 : i32
      %add3A_541 = arith.addi %mul3A_2, %mul3A_540 : i32
      %dma_start3A_542 = arith.constant 0 : i32
      %dma_start3A_543 = tpu.memref_slice %arg2[%add3A_541, %dma_start3A_542] : memref<25600x128xi32, #tpu.memory_space<hbm>> -> memref<5x128xi32, #tpu.memory_space<hbm>>
      %dma_start3A_544 = arith.constant 0 : i32
      %dma_start3A_545 = tpu.memref_slice %arg2[%add3A_541, %dma_start3A_544] : memref<25600x128xi32, #tpu.memory_space<hbm>> -> memref<5x128xi32, #tpu.memory_space<hbm>>
      tpu.enqueue_dma source(%dma_start3A_545 : memref<5x128xi32, #tpu.memory_space<hbm>>) target(%arg5 : memref<5x128xi32, #tpu.memory_space<vmem>>) target_semaphore(%arg12 : memref<!tpu.dma_semaphore, #tpu.memory_space<semaphore_mem>>)
      %mul3A_546 = arith.constant 5 : i32
      %mul3A_547 = arith.muli %mul3A_474, %mul3A_546 : i32
      %add3A_548 = arith.addi %mul3A_2, %mul3A_547 : i32
      %add3A_549 = arith.constant 0 : i32
      %add3A_550 = arith.addi %add3A_548, %add3A_549 : i32
      %shift_right_arithmetic3A_551 = arith.constant 7 : i32
      %shift_right_arithmetic3A_552 = arith.shrsi %add3A_550, %shift_right_arithmetic3A_551 : i32
      %broadcast_in_dim3A_553 = arith.constant 0.000000e+00 : f32
      %broadcast_in_dim3A_554 = vector.broadcast %broadcast_in_dim3A_553 : f32 to vector<16xf32>
      %scan3A_555 = arith.constant 0 : i32
      %scan3A_556 = arith.constant 32 : i32
      %scan3A_557 = arith.addi %scan3A_555, %scan3A_556 : i32
      %scan3A_558 = arith.constant 1 : i32
      %scan3A_559:4 = scf.for %scan3A_946 = %scan3A_555 to %scan3A_557 step %scan3A_558 iter_args(%scan3A_947 = %broadcast_in_dim3A_554, %scan3A_948 = %broadcast_in_dim3A_554, %scan3A_949 = %broadcast_in_dim3A_554, %scan3A_950 = %broadcast_in_dim3A_554) -> (vector<16xf32>, vector<16xf32>, vector<16xf32>, vector<16xf32>)  : i32 {
        %mul3A_951 = arith.constant 4 : i32
        %mul3A_952 = arith.muli %scan3A_946, %mul3A_951 : i32
        %add3A_953 = arith.constant 0 : i32
        %add3A_954 = arith.addi %add3A_953, %mul3A_952 : i32
        %get3A = arith.index_cast %add3A_954 : i32 to index
        %get3A_955 = arith.constant 0 : index
        %get3A_956 = tpu.vector_load %arg7[%get3A, %get3A_955] {strides = array<i32>} : memref<640x64xf32, #tpu.memory_space<vmem>>, vector<1x16xf32>,
        %get3A_957 = vector.shape_cast %get3A_956 : vector<1x16xf32> to vector<16xf32>
        %add3A_958 = arith.constant 1 : i32
        %add3A_959 = arith.addi %add3A_954, %add3A_958 : i32
        %get3A_960 = arith.index_cast %add3A_959 : i32 to index
        %get3A_961 = arith.constant 0 : index
        %get3A_962 = tpu.vector_load %arg7[%get3A_960, %get3A_961] {strides = array<i32>} : memref<640x64xf32, #tpu.memory_space<vmem>>, vector<1x16xf32>,
        %get3A_963 = vector.shape_cast %get3A_962 : vector<1x16xf32> to vector<16xf32>
        %add3A_964 = arith.addf %get3A_957, %get3A_963 : vector<16xf32>
        %add3A_965 = arith.constant 2 : i32
        %add3A_966 = arith.addi %add3A_954, %add3A_965 : i32
        %get3A_967 = arith.index_cast %add3A_966 : i32 to index
        %get3A_968 = arith.constant 0 : index
        %get3A_969 = tpu.vector_load %arg7[%get3A_967, %get3A_968] {strides = array<i32>} : memref<640x64xf32, #tpu.memory_space<vmem>>, vector<1x16xf32>,
        %get3A_970 = vector.shape_cast %get3A_969 : vector<1x16xf32> to vector<16xf32>
        %add3A_971 = arith.constant 3 : i32
        %add3A_972 = arith.addi %add3A_954, %add3A_971 : i32
        %get3A_973 = arith.index_cast %add3A_972 : i32 to index
        %get3A_974 = arith.constant 0 : index
        %get3A_975 = tpu.vector_load %arg7[%get3A_973, %get3A_974] {strides = array<i32>} : memref<640x64xf32, #tpu.memory_space<vmem>>, vector<1x16xf32>,
        %get3A_976 = vector.shape_cast %get3A_975 : vector<1x16xf32> to vector<16xf32>
        %add3A_977 = arith.addf %get3A_970, %get3A_976 : vector<16xf32>
        %add3A_978 = arith.addf %add3A_964, %add3A_977 : vector<16xf32>
        %add3A_979 = arith.addf %scan3A_947, %add3A_978 : vector<16xf32>
        %get3A_980 = arith.index_cast %add3A_954 : i32 to index
        %get3A_981 = arith.constant 16 : index
        %get3A_982 = tpu.vector_load %arg7[%get3A_980, %get3A_981] {strides = array<i32>} : memref<640x64xf32, #tpu.memory_space<vmem>>, vector<1x16xf32>,
        %get3A_983 = vector.shape_cast %get3A_982 : vector<1x16xf32> to vector<16xf32>
        %add3A_984 = arith.constant 1 : i32
        %add3A_985 = arith.addi %add3A_954, %add3A_984 : i32
        %get3A_986 = arith.index_cast %add3A_985 : i32 to index
        %get3A_987 = arith.constant 16 : index
        %get3A_988 = tpu.vector_load %arg7[%get3A_986, %get3A_987] {strides = array<i32>} : memref<640x64xf32, #tpu.memory_space<vmem>>, vector<1x16xf32>,
        %get3A_989 = vector.shape_cast %get3A_988 : vector<1x16xf32> to vector<16xf32>
        %add3A_990 = arith.addf %get3A_983, %get3A_989 : vector<16xf32>
        %add3A_991 = arith.constant 2 : i32
        %add3A_992 = arith.addi %add3A_954, %add3A_991 : i32
        %get3A_993 = arith.index_cast %add3A_992 : i32 to index
        %get3A_994 = arith.constant 16 : index
        %get3A_995 = tpu.vector_load %arg7[%get3A_993, %get3A_994] {strides = array<i32>} : memref<640x64xf32, #tpu.memory_space<vmem>>, vector<1x16xf32>,
        %get3A_996 = vector.shape_cast %get3A_995 : vector<1x16xf32> to vector<16xf32>
        %add3A_997 = arith.constant 3 : i32
        %add3A_998 = arith.addi %add3A_954, %add3A_997 : i32
        %get3A_999 = arith.index_cast %add3A_998 : i32 to index
        %get3A_1000 = arith.constant 16 : index
        %get3A_1001 = tpu.vector_load %arg7[%get3A_999, %get3A_1000] {strides = array<i32>} : memref<640x64xf32, #tpu.memory_space<vmem>>, vector<1x16xf32>,
        %get3A_1002 = vector.shape_cast %get3A_1001 : vector<1x16xf32> to vector<16xf32>
        %add3A_1003 = arith.addf %get3A_996, %get3A_1002 : vector<16xf32>
        %add3A_1004 = arith.addf %add3A_990, %add3A_1003 : vector<16xf32>
        %add3A_1005 = arith.addf %scan3A_948, %add3A_1004 : vector<16xf32>
        %get3A_1006 = arith.index_cast %add3A_954 : i32 to index
        %get3A_1007 = arith.constant 32 : index
        %get3A_1008 = tpu.vector_load %arg7[%get3A_1006, %get3A_1007] {strides = array<i32>} : memref<640x64xf32, #tpu.memory_space<vmem>>, vector<1x16xf32>,
        %get3A_1009 = vector.shape_cast %get3A_1008 : vector<1x16xf32> to vector<16xf32>
        %add3A_1010 = arith.constant 1 : i32
        %add3A_1011 = arith.addi %add3A_954, %add3A_1010 : i32
        %get3A_1012 = arith.index_cast %add3A_1011 : i32 to index
        %get3A_1013 = arith.constant 32 : index
        %get3A_1014 = tpu.vector_load %arg7[%get3A_1012, %get3A_1013] {strides = array<i32>} : memref<640x64xf32, #tpu.memory_space<vmem>>, vector<1x16xf32>,
        %get3A_1015 = vector.shape_cast %get3A_1014 : vector<1x16xf32> to vector<16xf32>
        %add3A_1016 = arith.addf %get3A_1009, %get3A_1015 : vector<16xf32>
        %add3A_1017 = arith.constant 2 : i32
        %add3A_1018 = arith.addi %add3A_954, %add3A_1017 : i32
        %get3A_1019 = arith.index_cast %add3A_1018 : i32 to index
        %get3A_1020 = arith.constant 32 : index
        %get3A_1021 = tpu.vector_load %arg7[%get3A_1019, %get3A_1020] {strides = array<i32>} : memref<640x64xf32, #tpu.memory_space<vmem>>, vector<1x16xf32>,
        %get3A_1022 = vector.shape_cast %get3A_1021 : vector<1x16xf32> to vector<16xf32>
        %add3A_1023 = arith.constant 3 : i32
        %add3A_1024 = arith.addi %add3A_954, %add3A_1023 : i32
        %get3A_1025 = arith.index_cast %add3A_1024 : i32 to index
        %get3A_1026 = arith.constant 32 : index
        %get3A_1027 = tpu.vector_load %arg7[%get3A_1025, %get3A_1026] {strides = array<i32>} : memref<640x64xf32, #tpu.memory_space<vmem>>, vector<1x16xf32>,
        %get3A_1028 = vector.shape_cast %get3A_1027 : vector<1x16xf32> to vector<16xf32>
        %add3A_1029 = arith.addf %get3A_1022, %get3A_1028 : vector<16xf32>
        %add3A_1030 = arith.addf %add3A_1016, %add3A_1029 : vector<16xf32>
        %add3A_1031 = arith.addf %scan3A_949, %add3A_1030 : vector<16xf32>
        %get3A_1032 = arith.index_cast %add3A_954 : i32 to index
        %get3A_1033 = arith.constant 48 : index
        %get3A_1034 = tpu.vector_load %arg7[%get3A_1032, %get3A_1033] {strides = array<i32>} : memref<640x64xf32, #tpu.memory_space<vmem>>, vector<1x16xf32>,
        %get3A_1035 = vector.shape_cast %get3A_1034 : vector<1x16xf32> to vector<16xf32>
        %add3A_1036 = arith.constant 1 : i32
        %add3A_1037 = arith.addi %add3A_954, %add3A_1036 : i32
        %get3A_1038 = arith.index_cast %add3A_1037 : i32 to index
        %get3A_1039 = arith.constant 48 : index
        %get3A_1040 = tpu.vector_load %arg7[%get3A_1038, %get3A_1039] {strides = array<i32>} : memref<640x64xf32, #tpu.memory_space<vmem>>, vector<1x16xf32>,
        %get3A_1041 = vector.shape_cast %get3A_1040 : vector<1x16xf32> to vector<16xf32>
        %add3A_1042 = arith.addf %get3A_1035, %get3A_1041 : vector<16xf32>
        %add3A_1043 = arith.constant 2 : i32
        %add3A_1044 = arith.addi %add3A_954, %add3A_1043 : i32
        %get3A_1045 = arith.index_cast %add3A_1044 : i32 to index
        %get3A_1046 = arith.constant 48 : index
        %get3A_1047 = tpu.vector_load %arg7[%get3A_1045, %get3A_1046] {strides = array<i32>} : memref<640x64xf32, #tpu.memory_space<vmem>>, vector<1x16xf32>,
        %get3A_1048 = vector.shape_cast %get3A_1047 : vector<1x16xf32> to vector<16xf32>
        %add3A_1049 = arith.constant 3 : i32
        %add3A_1050 = arith.addi %add3A_954, %add3A_1049 : i32
        %get3A_1051 = arith.index_cast %add3A_1050 : i32 to index
        %get3A_1052 = arith.constant 48 : index
        %get3A_1053 = tpu.vector_load %arg7[%get3A_1051, %get3A_1052] {strides = array<i32>} : memref<640x64xf32, #tpu.memory_space<vmem>>, vector<1x16xf32>,
        %get3A_1054 = vector.shape_cast %get3A_1053 : vector<1x16xf32> to vector<16xf32>
        %add3A_1055 = arith.addf %get3A_1048, %get3A_1054 : vector<16xf32>
        %add3A_1056 = arith.addf %add3A_1042, %add3A_1055 : vector<16xf32>
        %add3A_1057 = arith.addf %scan3A_950, %add3A_1056 : vector<16xf32>
        scf.yield %add3A_979, %add3A_1005, %add3A_1031, %add3A_1057 : vector<16xf32>, vector<16xf32>, vector<16xf32>, vector<16xf32>
      }
      %scan3A_560 = arith.constant 32 : i32
      %swap3A_561 = arith.index_cast %shift_right_arithmetic3A_552 : i32 to index
      %swap3A_562 = arith.constant 0 : index
      %swap3A_563 = tpu.vector_load %arg9[%swap3A_561, %swap3A_562] {strides = array<i32>} : memref<200x64xf32, #tpu.memory_space<vmem>>, vector<1x16xf32>,
      %swap3A_564 = vector.shape_cast %swap3A_563 : vector<1x16xf32> to vector<16xf32>
      %swap3A_565 = vector.shape_cast %scan3A_559#0 : vector<16xf32> to vector<1x16xf32>
      tpu.vector_store %arg9[%swap3A_561, %swap3A_562], %swap3A_565 {add = true, strides = array<i32>} : memref<200x64xf32, #tpu.memory_space<vmem>>, vector<1x16xf32>,
      %swap3A_566 = arith.index_cast %shift_right_arithmetic3A_552 : i32 to index
      %swap3A_567 = arith.constant 16 : index
      %swap3A_568 = tpu.vector_load %arg9[%swap3A_566, %swap3A_567] {strides = array<i32>} : memref<200x64xf32, #tpu.memory_space<vmem>>, vector<1x16xf32>,
      %swap3A_569 = vector.shape_cast %swap3A_568 : vector<1x16xf32> to vector<16xf32>
      %swap3A_570 = vector.shape_cast %scan3A_559#1 : vector<16xf32> to vector<1x16xf32>
      tpu.vector_store %arg9[%swap3A_566, %swap3A_567], %swap3A_570 {add = true, strides = array<i32>} : memref<200x64xf32, #tpu.memory_space<vmem>>, vector<1x16xf32>,
      %swap3A_571 = arith.index_cast %shift_right_arithmetic3A_552 : i32 to index
      %swap3A_572 = arith.constant 32 : index
      %swap3A_573 = tpu.vector_load %arg9[%swap3A_571, %swap3A_572] {strides = array<i32>} : memref<200x64xf32, #tpu.memory_space<vmem>>, vector<1x16xf32>,
      %swap3A_574 = vector.shape_cast %swap3A_573 : vector<1x16xf32> to vector<16xf32>
      %swap3A_575 = vector.shape_cast %scan3A_559#2 : vector<16xf32> to vector<1x16xf32>
      tpu.vector_store %arg9[%swap3A_571, %swap3A_572], %swap3A_575 {add = true, strides = array<i32>} : memref<200x64xf32, #tpu.memory_space<vmem>>, vector<1x16xf32>,
      %swap3A_576 = arith.index_cast %shift_right_arithmetic3A_552 : i32 to index
      %swap3A_577 = arith.constant 48 : index
      %swap3A_578 = tpu.vector_load %arg9[%swap3A_576, %swap3A_577] {strides = array<i32>} : memref<200x64xf32, #tpu.memory_space<vmem>>, vector<1x16xf32>,
      %swap3A_579 = vector.shape_cast %swap3A_578 : vector<1x16xf32> to vector<16xf32>
      %swap3A_580 = vector.shape_cast %scan3A_559#3 : vector<16xf32> to vector<1x16xf32>
      tpu.vector_store %arg9[%swap3A_576, %swap3A_577], %swap3A_580 {add = true, strides = array<i32>} : memref<200x64xf32, #tpu.memory_space<vmem>>, vector<1x16xf32>,
      %add3A_581 = arith.constant 1 : i32
      %add3A_582 = arith.addi %add3A_548, %add3A_581 : i32
      %shift_right_arithmetic3A_583 = arith.constant 7 : i32
      %shift_right_arithmetic3A_584 = arith.shrsi %add3A_582, %shift_right_arithmetic3A_583 : i32
      %broadcast_in_dim3A_585 = arith.constant 0.000000e+00 : f32
      %broadcast_in_dim3A_586 = vector.broadcast %broadcast_in_dim3A_585 : f32 to vector<16xf32>
      %scan3A_587 = arith.constant 0 : i32
      %scan3A_588 = arith.constant 32 : i32
      %scan3A_589 = arith.addi %scan3A_587, %scan3A_588 : i32
      %scan3A_590 = arith.constant 1 : i32
      %scan3A_591:4 = scf.for %scan3A_946 = %scan3A_587 to %scan3A_589 step %scan3A_590 iter_args(%scan3A_947 = %broadcast_in_dim3A_586, %scan3A_948 = %broadcast_in_dim3A_586, %scan3A_949 = %broadcast_in_dim3A_586, %scan3A_950 = %broadcast_in_dim3A_586) -> (vector<16xf32>, vector<16xf32>, vector<16xf32>, vector<16xf32>)  : i32 {
        %mul3A_951 = arith.constant 4 : i32
        %mul3A_952 = arith.muli %scan3A_946, %mul3A_951 : i32
        %add3A_953 = arith.constant 128 : i32
        %add3A_954 = arith.addi %add3A_953, %mul3A_952 : i32
        %get3A = arith.index_cast %add3A_954 : i32 to index
        %get3A_955 = arith.constant 0 : index
        %get3A_956 = tpu.vector_load %arg7[%get3A, %get3A_955] {strides = array<i32>} : memref<640x64xf32, #tpu.memory_space<vmem>>, vector<1x16xf32>,
        %get3A_957 = vector.shape_cast %get3A_956 : vector<1x16xf32> to vector<16xf32>
        %add3A_958 = arith.constant 1 : i32
        %add3A_959 = arith.addi %add3A_954, %add3A_958 : i32
        %get3A_960 = arith.index_cast %add3A_959 : i32 to index
        %get3A_961 = arith.constant 0 : index
        %get3A_962 = tpu.vector_load %arg7[%get3A_960, %get3A_961] {strides = array<i32>} : memref<640x64xf32, #tpu.memory_space<vmem>>, vector<1x16xf32>,
        %get3A_963 = vector.shape_cast %get3A_962 : vector<1x16xf32> to vector<16xf32>
        %add3A_964 = arith.addf %get3A_957, %get3A_963 : vector<16xf32>
        %add3A_965 = arith.constant 2 : i32
        %add3A_966 = arith.addi %add3A_954, %add3A_965 : i32
        %get3A_967 = arith.index_cast %add3A_966 : i32 to index
        %get3A_968 = arith.constant 0 : index
        %get3A_969 = tpu.vector_load %arg7[%get3A_967, %get3A_968] {strides = array<i32>} : memref<640x64xf32, #tpu.memory_space<vmem>>, vector<1x16xf32>,
        %get3A_970 = vector.shape_cast %get3A_969 : vector<1x16xf32> to vector<16xf32>
        %add3A_971 = arith.constant 3 : i32
        %add3A_972 = arith.addi %add3A_954, %add3A_971 : i32
        %get3A_973 = arith.index_cast %add3A_972 : i32 to index
        %get3A_974 = arith.constant 0 : index
        %get3A_975 = tpu.vector_load %arg7[%get3A_973, %get3A_974] {strides = array<i32>} : memref<640x64xf32, #tpu.memory_space<vmem>>, vector<1x16xf32>,
        %get3A_976 = vector.shape_cast %get3A_975 : vector<1x16xf32> to vector<16xf32>
        %add3A_977 = arith.addf %get3A_970, %get3A_976 : vector<16xf32>
        %add3A_978 = arith.addf %add3A_964, %add3A_977 : vector<16xf32>
        %add3A_979 = arith.addf %scan3A_947, %add3A_978 : vector<16xf32>
        %get3A_980 = arith.index_cast %add3A_954 : i32 to index
        %get3A_981 = arith.constant 16 : index
        %get3A_982 = tpu.vector_load %arg7[%get3A_980, %get3A_981] {strides = array<i32>} : memref<640x64xf32, #tpu.memory_space<vmem>>, vector<1x16xf32>,
        %get3A_983 = vector.shape_cast %get3A_982 : vector<1x16xf32> to vector<16xf32>
        %add3A_984 = arith.constant 1 : i32
        %add3A_985 = arith.addi %add3A_954, %add3A_984 : i32
        %get3A_986 = arith.index_cast %add3A_985 : i32 to index
        %get3A_987 = arith.constant 16 : index
        %get3A_988 = tpu.vector_load %arg7[%get3A_986, %get3A_987] {strides = array<i32>} : memref<640x64xf32, #tpu.memory_space<vmem>>, vector<1x16xf32>,
        %get3A_989 = vector.shape_cast %get3A_988 : vector<1x16xf32> to vector<16xf32>
        %add3A_990 = arith.addf %get3A_983, %get3A_989 : vector<16xf32>
        %add3A_991 = arith.constant 2 : i32
        %add3A_992 = arith.addi %add3A_954, %add3A_991 : i32
        %get3A_993 = arith.index_cast %add3A_992 : i32 to index
        %get3A_994 = arith.constant 16 : index
        %get3A_995 = tpu.vector_load %arg7[%get3A_993, %get3A_994] {strides = array<i32>} : memref<640x64xf32, #tpu.memory_space<vmem>>, vector<1x16xf32>,
        %get3A_996 = vector.shape_cast %get3A_995 : vector<1x16xf32> to vector<16xf32>
        %add3A_997 = arith.constant 3 : i32
        %add3A_998 = arith.addi %add3A_954, %add3A_997 : i32
        %get3A_999 = arith.index_cast %add3A_998 : i32 to index
        %get3A_1000 = arith.constant 16 : index
        %get3A_1001 = tpu.vector_load %arg7[%get3A_999, %get3A_1000] {strides = array<i32>} : memref<640x64xf32, #tpu.memory_space<vmem>>, vector<1x16xf32>,
        %get3A_1002 = vector.shape_cast %get3A_1001 : vector<1x16xf32> to vector<16xf32>
        %add3A_1003 = arith.addf %get3A_996, %get3A_1002 : vector<16xf32>
        %add3A_1004 = arith.addf %add3A_990, %add3A_1003 : vector<16xf32>
        %add3A_1005 = arith.addf %scan3A_948, %add3A_1004 : vector<16xf32>
        %get3A_1006 = arith.index_cast %add3A_954 : i32 to index
        %get3A_1007 = arith.constant 32 : index
        %get3A_1008 = tpu.vector_load %arg7[%get3A_1006, %get3A_1007] {strides = array<i32>} : memref<640x64xf32, #tpu.memory_space<vmem>>, vector<1x16xf32>,
        %get3A_1009 = vector.shape_cast %get3A_1008 : vector<1x16xf32> to vector<16xf32>
        %add3A_1010 = arith.constant 1 : i32
        %add3A_1011 = arith.addi %add3A_954, %add3A_1010 : i32
        %get3A_1012 = arith.index_cast %add3A_1011 : i32 to index
        %get3A_1013 = arith.constant 32 : index
        %get3A_1014 = tpu.vector_load %arg7[%get3A_1012, %get3A_1013] {strides = array<i32>} : memref<640x64xf32, #tpu.memory_space<vmem>>, vector<1x16xf32>,
        %get3A_1015 = vector.shape_cast %get3A_1014 : vector<1x16xf32> to vector<16xf32>
        %add3A_1016 = arith.addf %get3A_1009, %get3A_1015 : vector<16xf32>
        %add3A_1017 = arith.constant 2 : i32
        %add3A_1018 = arith.addi %add3A_954, %add3A_1017 : i32
        %get3A_1019 = arith.index_cast %add3A_1018 : i32 to index
        %get3A_1020 = arith.constant 32 : index
        %get3A_1021 = tpu.vector_load %arg7[%get3A_1019, %get3A_1020] {strides = array<i32>} : memref<640x64xf32, #tpu.memory_space<vmem>>, vector<1x16xf32>,
        %get3A_1022 = vector.shape_cast %get3A_1021 : vector<1x16xf32> to vector<16xf32>
        %add3A_1023 = arith.constant 3 : i32
        %add3A_1024 = arith.addi %add3A_954, %add3A_1023 : i32
        %get3A_1025 = arith.index_cast %add3A_1024 : i32 to index
        %get3A_1026 = arith.constant 32 : index
        %get3A_1027 = tpu.vector_load %arg7[%get3A_1025, %get3A_1026] {strides = array<i32>} : memref<640x64xf32, #tpu.memory_space<vmem>>, vector<1x16xf32>,
        %get3A_1028 = vector.shape_cast %get3A_1027 : vector<1x16xf32> to vector<16xf32>
        %add3A_1029 = arith.addf %get3A_1022, %get3A_1028 : vector<16xf32>
        %add3A_1030 = arith.addf %add3A_1016, %add3A_1029 : vector<16xf32>
        %add3A_1031 = arith.addf %scan3A_949, %add3A_1030 : vector<16xf32>
        %get3A_1032 = arith.index_cast %add3A_954 : i32 to index
        %get3A_1033 = arith.constant 48 : index
        %get3A_1034 = tpu.vector_load %arg7[%get3A_1032, %get3A_1033] {strides = array<i32>} : memref<640x64xf32, #tpu.memory_space<vmem>>, vector<1x16xf32>,
        %get3A_1035 = vector.shape_cast %get3A_1034 : vector<1x16xf32> to vector<16xf32>
        %add3A_1036 = arith.constant 1 : i32
        %add3A_1037 = arith.addi %add3A_954, %add3A_1036 : i32
        %get3A_1038 = arith.index_cast %add3A_1037 : i32 to index
        %get3A_1039 = arith.constant 48 : index
        %get3A_1040 = tpu.vector_load %arg7[%get3A_1038, %get3A_1039] {strides = array<i32>} : memref<640x64xf32, #tpu.memory_space<vmem>>, vector<1x16xf32>,
        %get3A_1041 = vector.shape_cast %get3A_1040 : vector<1x16xf32> to vector<16xf32>
        %add3A_1042 = arith.addf %get3A_1035, %get3A_1041 : vector<16xf32>
        %add3A_1043 = arith.constant 2 : i32
        %add3A_1044 = arith.addi %add3A_954, %add3A_1043 : i32
        %get3A_1045 = arith.index_cast %add3A_1044 : i32 to index
        %get3A_1046 = arith.constant 48 : index
        %get3A_1047 = tpu.vector_load %arg7[%get3A_1045, %get3A_1046] {strides = array<i32>} : memref<640x64xf32, #tpu.memory_space<vmem>>, vector<1x16xf32>,
        %get3A_1048 = vector.shape_cast %get3A_1047 : vector<1x16xf32> to vector<16xf32>
        %add3A_1049 = arith.constant 3 : i32
        %add3A_1050 = arith.addi %add3A_954, %add3A_1049 : i32
        %get3A_1051 = arith.index_cast %add3A_1050 : i32 to index
        %get3A_1052 = arith.constant 48 : index
        %get3A_1053 = tpu.vector_load %arg7[%get3A_1051, %get3A_1052] {strides = array<i32>} : memref<640x64xf32, #tpu.memory_space<vmem>>, vector<1x16xf32>,
        %get3A_1054 = vector.shape_cast %get3A_1053 : vector<1x16xf32> to vector<16xf32>
        %add3A_1055 = arith.addf %get3A_1048, %get3A_1054 : vector<16xf32>
        %add3A_1056 = arith.addf %add3A_1042, %add3A_1055 : vector<16xf32>
        %add3A_1057 = arith.addf %scan3A_950, %add3A_1056 : vector<16xf32>
        scf.yield %add3A_979, %add3A_1005, %add3A_1031, %add3A_1057 : vector<16xf32>, vector<16xf32>, vector<16xf32>, vector<16xf32>
      }
      %scan3A_592 = arith.constant 32 : i32
      %swap3A_593 = arith.index_cast %shift_right_arithmetic3A_584 : i32 to index
      %swap3A_594 = arith.constant 0 : index
      %swap3A_595 = tpu.vector_load %arg9[%swap3A_593, %swap3A_594] {strides = array<i32>} : memref<200x64xf32, #tpu.memory_space<vmem>>, vector<1x16xf32>,
      %swap3A_596 = vector.shape_cast %swap3A_595 : vector<1x16xf32> to vector<16xf32>
      %swap3A_597 = vector.shape_cast %scan3A_591#0 : vector<16xf32> to vector<1x16xf32>
      tpu.vector_store %arg9[%swap3A_593, %swap3A_594], %swap3A_597 {add = true, strides = array<i32>} : memref<200x64xf32, #tpu.memory_space<vmem>>, vector<1x16xf32>,
      %swap3A_598 = arith.index_cast %shift_right_arithmetic3A_584 : i32 to index
      %swap3A_599 = arith.constant 16 : index
      %swap3A_600 = tpu.vector_load %arg9[%swap3A_598, %swap3A_599] {strides = array<i32>} : memref<200x64xf32, #tpu.memory_space<vmem>>, vector<1x16xf32>,
      %swap3A_601 = vector.shape_cast %swap3A_600 : vector<1x16xf32> to vector<16xf32>
      %swap3A_602 = vector.shape_cast %scan3A_591#1 : vector<16xf32> to vector<1x16xf32>
      tpu.vector_store %arg9[%swap3A_598, %swap3A_599], %swap3A_602 {add = true, strides = array<i32>} : memref<200x64xf32, #tpu.memory_space<vmem>>, vector<1x16xf32>,
      %swap3A_603 = arith.index_cast %shift_right_arithmetic3A_584 : i32 to index
      %swap3A_604 = arith.constant 32 : index
      %swap3A_605 = tpu.vector_load %arg9[%swap3A_603, %swap3A_604] {strides = array<i32>} : memref<200x64xf32, #tpu.memory_space<vmem>>, vector<1x16xf32>,
      %swap3A_606 = vector.shape_cast %swap3A_605 : vector<1x16xf32> to vector<16xf32>
      %swap3A_607 = vector.shape_cast %scan3A_591#2 : vector<16xf32> to vector<1x16xf32>
      tpu.vector_store %arg9[%swap3A_603, %swap3A_604], %swap3A_607 {add = true, strides = array<i32>} : memref<200x64xf32, #tpu.memory_space<vmem>>, vector<1x16xf32>,
      %swap3A_608 = arith.index_cast %shift_right_arithmetic3A_584 : i32 to index
      %swap3A_609 = arith.constant 48 : index
      %swap3A_610 = tpu.vector_load %arg9[%swap3A_608, %swap3A_609] {strides = array<i32>} : memref<200x64xf32, #tpu.memory_space<vmem>>, vector<1x16xf32>,
      %swap3A_611 = vector.shape_cast %swap3A_610 : vector<1x16xf32> to vector<16xf32>
      %swap3A_612 = vector.shape_cast %scan3A_591#3 : vector<16xf32> to vector<1x16xf32>
      tpu.vector_store %arg9[%swap3A_608, %swap3A_609], %swap3A_612 {add = true, strides = array<i32>} : memref<200x64xf32, #tpu.memory_space<vmem>>, vector<1x16xf32>,
      %add3A_613 = arith.constant 2 : i32
      %add3A_614 = arith.addi %add3A_548, %add3A_613 : i32
      %shift_right_arithmetic3A_615 = arith.constant 7 : i32
      %shift_right_arithmetic3A_616 = arith.shrsi %add3A_614, %shift_right_arithmetic3A_615 : i32
      %broadcast_in_dim3A_617 = arith.constant 0.000000e+00 : f32
      %broadcast_in_dim3A_618 = vector.broadcast %broadcast_in_dim3A_617 : f32 to vector<16xf32>
      %scan3A_619 = arith.constant 0 : i32
      %scan3A_620 = arith.constant 32 : i32
      %scan3A_621 = arith.addi %scan3A_619, %scan3A_620 : i32
      %scan3A_622 = arith.constant 1 : i32
      %scan3A_623:4 = scf.for %scan3A_946 = %scan3A_619 to %scan3A_621 step %scan3A_622 iter_args(%scan3A_947 = %broadcast_in_dim3A_618, %scan3A_948 = %broadcast_in_dim3A_618, %scan3A_949 = %broadcast_in_dim3A_618, %scan3A_950 = %broadcast_in_dim3A_618) -> (vector<16xf32>, vector<16xf32>, vector<16xf32>, vector<16xf32>)  : i32 {
        %mul3A_951 = arith.constant 4 : i32
        %mul3A_952 = arith.muli %scan3A_946, %mul3A_951 : i32
        %add3A_953 = arith.constant 256 : i32
        %add3A_954 = arith.addi %add3A_953, %mul3A_952 : i32
        %get3A = arith.index_cast %add3A_954 : i32 to index
        %get3A_955 = arith.constant 0 : index
        %get3A_956 = tpu.vector_load %arg7[%get3A, %get3A_955] {strides = array<i32>} : memref<640x64xf32, #tpu.memory_space<vmem>>, vector<1x16xf32>,
        %get3A_957 = vector.shape_cast %get3A_956 : vector<1x16xf32> to vector<16xf32>
        %add3A_958 = arith.constant 1 : i32
        %add3A_959 = arith.addi %add3A_954, %add3A_958 : i32
        %get3A_960 = arith.index_cast %add3A_959 : i32 to index
        %get3A_961 = arith.constant 0 : index
        %get3A_962 = tpu.vector_load %arg7[%get3A_960, %get3A_961] {strides = array<i32>} : memref<640x64xf32, #tpu.memory_space<vmem>>, vector<1x16xf32>,
        %get3A_963 = vector.shape_cast %get3A_962 : vector<1x16xf32> to vector<16xf32>
        %add3A_964 = arith.addf %get3A_957, %get3A_963 : vector<16xf32>
        %add3A_965 = arith.constant 2 : i32
        %add3A_966 = arith.addi %add3A_954, %add3A_965 : i32
        %get3A_967 = arith.index_cast %add3A_966 : i32 to index
        %get3A_968 = arith.constant 0 : index
        %get3A_969 = tpu.vector_load %arg7[%get3A_967, %get3A_968] {strides = array<i32>} : memref<640x64xf32, #tpu.memory_space<vmem>>, vector<1x16xf32>,
        %get3A_970 = vector.shape_cast %get3A_969 : vector<1x16xf32> to vector<16xf32>
        %add3A_971 = arith.constant 3 : i32
        %add3A_972 = arith.addi %add3A_954, %add3A_971 : i32
        %get3A_973 = arith.index_cast %add3A_972 : i32 to index
        %get3A_974 = arith.constant 0 : index
        %get3A_975 = tpu.vector_load %arg7[%get3A_973, %get3A_974] {strides = array<i32>} : memref<640x64xf32, #tpu.memory_space<vmem>>, vector<1x16xf32>,
        %get3A_976 = vector.shape_cast %get3A_975 : vector<1x16xf32> to vector<16xf32>
        %add3A_977 = arith.addf %get3A_970, %get3A_976 : vector<16xf32>
        %add3A_978 = arith.addf %add3A_964, %add3A_977 : vector<16xf32>
        %add3A_979 = arith.addf %scan3A_947, %add3A_978 : vector<16xf32>
        %get3A_980 = arith.index_cast %add3A_954 : i32 to index
        %get3A_981 = arith.constant 16 : index
        %get3A_982 = tpu.vector_load %arg7[%get3A_980, %get3A_981] {strides = array<i32>} : memref<640x64xf32, #tpu.memory_space<vmem>>, vector<1x16xf32>,
        %get3A_983 = vector.shape_cast %get3A_982 : vector<1x16xf32> to vector<16xf32>
        %add3A_984 = arith.constant 1 : i32
        %add3A_985 = arith.addi %add3A_954, %add3A_984 : i32
        %get3A_986 = arith.index_cast %add3A_985 : i32 to index
        %get3A_987 = arith.constant 16 : index
        %get3A_988 = tpu.vector_load %arg7[%get3A_986, %get3A_987] {strides = array<i32>} : memref<640x64xf32, #tpu.memory_space<vmem>>, vector<1x16xf32>,
        %get3A_989 = vector.shape_cast %get3A_988 : vector<1x16xf32> to vector<16xf32>
        %add3A_990 = arith.addf %get3A_983, %get3A_989 : vector<16xf32>
        %add3A_991 = arith.constant 2 : i32
        %add3A_992 = arith.addi %add3A_954, %add3A_991 : i32
        %get3A_993 = arith.index_cast %add3A_992 : i32 to index
        %get3A_994 = arith.constant 16 : index
        %get3A_995 = tpu.vector_load %arg7[%get3A_993, %get3A_994] {strides = array<i32>} : memref<640x64xf32, #tpu.memory_space<vmem>>, vector<1x16xf32>,
        %get3A_996 = vector.shape_cast %get3A_995 : vector<1x16xf32> to vector<16xf32>
        %add3A_997 = arith.constant 3 : i32
        %add3A_998 = arith.addi %add3A_954, %add3A_997 : i32
        %get3A_999 = arith.index_cast %add3A_998 : i32 to index
        %get3A_1000 = arith.constant 16 : index
        %get3A_1001 = tpu.vector_load %arg7[%get3A_999, %get3A_1000] {strides = array<i32>} : memref<640x64xf32, #tpu.memory_space<vmem>>, vector<1x16xf32>,
        %get3A_1002 = vector.shape_cast %get3A_1001 : vector<1x16xf32> to vector<16xf32>
        %add3A_1003 = arith.addf %get3A_996, %get3A_1002 : vector<16xf32>
        %add3A_1004 = arith.addf %add3A_990, %add3A_1003 : vector<16xf32>
        %add3A_1005 = arith.addf %scan3A_948, %add3A_1004 : vector<16xf32>
        %get3A_1006 = arith.index_cast %add3A_954 : i32 to index
        %get3A_1007 = arith.constant 32 : index
        %get3A_1008 = tpu.vector_load %arg7[%get3A_1006, %get3A_1007] {strides = array<i32>} : memref<640x64xf32, #tpu.memory_space<vmem>>, vector<1x16xf32>,
        %get3A_1009 = vector.shape_cast %get3A_1008 : vector<1x16xf32> to vector<16xf32>
        %add3A_1010 = arith.constant 1 : i32
        %add3A_1011 = arith.addi %add3A_954, %add3A_1010 : i32
        %get3A_1012 = arith.index_cast %add3A_1011 : i32 to index
        %get3A_1013 = arith.constant 32 : index
        %get3A_1014 = tpu.vector_load %arg7[%get3A_1012, %get3A_1013] {strides = array<i32>} : memref<640x64xf32, #tpu.memory_space<vmem>>, vector<1x16xf32>,
        %get3A_1015 = vector.shape_cast %get3A_1014 : vector<1x16xf32> to vector<16xf32>
        %add3A_1016 = arith.addf %get3A_1009, %get3A_1015 : vector<16xf32>
        %add3A_1017 = arith.constant 2 : i32
        %add3A_1018 = arith.addi %add3A_954, %add3A_1017 : i32
        %get3A_1019 = arith.index_cast %add3A_1018 : i32 to index
        %get3A_1020 = arith.constant 32 : index
        %get3A_1021 = tpu.vector_load %arg7[%get3A_1019, %get3A_1020] {strides = array<i32>} : memref<640x64xf32, #tpu.memory_space<vmem>>, vector<1x16xf32>,
        %get3A_1022 = vector.shape_cast %get3A_1021 : vector<1x16xf32> to vector<16xf32>
        %add3A_1023 = arith.constant 3 : i32
        %add3A_1024 = arith.addi %add3A_954, %add3A_1023 : i32
        %get3A_1025 = arith.index_cast %add3A_1024 : i32 to index
        %get3A_1026 = arith.constant 32 : index
        %get3A_1027 = tpu.vector_load %arg7[%get3A_1025, %get3A_1026] {strides = array<i32>} : memref<640x64xf32, #tpu.memory_space<vmem>>, vector<1x16xf32>,
        %get3A_1028 = vector.shape_cast %get3A_1027 : vector<1x16xf32> to vector<16xf32>
        %add3A_1029 = arith.addf %get3A_1022, %get3A_1028 : vector<16xf32>
        %add3A_1030 = arith.addf %add3A_1016, %add3A_1029 : vector<16xf32>
        %add3A_1031 = arith.addf %scan3A_949, %add3A_1030 : vector<16xf32>
        %get3A_1032 = arith.index_cast %add3A_954 : i32 to index
        %get3A_1033 = arith.constant 48 : index
        %get3A_1034 = tpu.vector_load %arg7[%get3A_1032, %get3A_1033] {strides = array<i32>} : memref<640x64xf32, #tpu.memory_space<vmem>>, vector<1x16xf32>,
        %get3A_1035 = vector.shape_cast %get3A_1034 : vector<1x16xf32> to vector<16xf32>
        %add3A_1036 = arith.constant 1 : i32
        %add3A_1037 = arith.addi %add3A_954, %add3A_1036 : i32
        %get3A_1038 = arith.index_cast %add3A_1037 : i32 to index
        %get3A_1039 = arith.constant 48 : index
        %get3A_1040 = tpu.vector_load %arg7[%get3A_1038, %get3A_1039] {strides = array<i32>} : memref<640x64xf32, #tpu.memory_space<vmem>>, vector<1x16xf32>,
        %get3A_1041 = vector.shape_cast %get3A_1040 : vector<1x16xf32> to vector<16xf32>
        %add3A_1042 = arith.addf %get3A_1035, %get3A_1041 : vector<16xf32>
        %add3A_1043 = arith.constant 2 : i32
        %add3A_1044 = arith.addi %add3A_954, %add3A_1043 : i32
        %get3A_1045 = arith.index_cast %add3A_1044 : i32 to index
        %get3A_1046 = arith.constant 48 : index
        %get3A_1047 = tpu.vector_load %arg7[%get3A_1045, %get3A_1046] {strides = array<i32>} : memref<640x64xf32, #tpu.memory_space<vmem>>, vector<1x16xf32>,
        %get3A_1048 = vector.shape_cast %get3A_1047 : vector<1x16xf32> to vector<16xf32>
        %add3A_1049 = arith.constant 3 : i32
        %add3A_1050 = arith.addi %add3A_954, %add3A_1049 : i32
        %get3A_1051 = arith.index_cast %add3A_1050 : i32 to index
        %get3A_1052 = arith.constant 48 : index
        %get3A_1053 = tpu.vector_load %arg7[%get3A_1051, %get3A_1052] {strides = array<i32>} : memref<640x64xf32, #tpu.memory_space<vmem>>, vector<1x16xf32>,
        %get3A_1054 = vector.shape_cast %get3A_1053 : vector<1x16xf32> to vector<16xf32>
        %add3A_1055 = arith.addf %get3A_1048, %get3A_1054 : vector<16xf32>
        %add3A_1056 = arith.addf %add3A_1042, %add3A_1055 : vector<16xf32>
        %add3A_1057 = arith.addf %scan3A_950, %add3A_1056 : vector<16xf32>
        scf.yield %add3A_979, %add3A_1005, %add3A_1031, %add3A_1057 : vector<16xf32>, vector<16xf32>, vector<16xf32>, vector<16xf32>
      }
      %scan3A_624 = arith.constant 32 : i32
      %swap3A_625 = arith.index_cast %shift_right_arithmetic3A_616 : i32 to index
      %swap3A_626 = arith.constant 0 : index
      %swap3A_627 = tpu.vector_load %arg9[%swap3A_625, %swap3A_626] {strides = array<i32>} : memref<200x64xf32, #tpu.memory_space<vmem>>, vector<1x16xf32>,
      %swap3A_628 = vector.shape_cast %swap3A_627 : vector<1x16xf32> to vector<16xf32>
      %swap3A_629 = vector.shape_cast %scan3A_623#0 : vector<16xf32> to vector<1x16xf32>
      tpu.vector_store %arg9[%swap3A_625, %swap3A_626], %swap3A_629 {add = true, strides = array<i32>} : memref<200x64xf32, #tpu.memory_space<vmem>>, vector<1x16xf32>,
      %swap3A_630 = arith.index_cast %shift_right_arithmetic3A_616 : i32 to index
      %swap3A_631 = arith.constant 16 : index
      %swap3A_632 = tpu.vector_load %arg9[%swap3A_630, %swap3A_631] {strides = array<i32>} : memref<200x64xf32, #tpu.memory_space<vmem>>, vector<1x16xf32>,
      %swap3A_633 = vector.shape_cast %swap3A_632 : vector<1x16xf32> to vector<16xf32>
      %swap3A_634 = vector.shape_cast %scan3A_623#1 : vector<16xf32> to vector<1x16xf32>
      tpu.vector_store %arg9[%swap3A_630, %swap3A_631], %swap3A_634 {add = true, strides = array<i32>} : memref<200x64xf32, #tpu.memory_space<vmem>>, vector<1x16xf32>,
      %swap3A_635 = arith.index_cast %shift_right_arithmetic3A_616 : i32 to index
      %swap3A_636 = arith.constant 32 : index
      %swap3A_637 = tpu.vector_load %arg9[%swap3A_635, %swap3A_636] {strides = array<i32>} : memref<200x64xf32, #tpu.memory_space<vmem>>, vector<1x16xf32>,
      %swap3A_638 = vector.shape_cast %swap3A_637 : vector<1x16xf32> to vector<16xf32>
      %swap3A_639 = vector.shape_cast %scan3A_623#2 : vector<16xf32> to vector<1x16xf32>
      tpu.vector_store %arg9[%swap3A_635, %swap3A_636], %swap3A_639 {add = true, strides = array<i32>} : memref<200x64xf32, #tpu.memory_space<vmem>>, vector<1x16xf32>,
      %swap3A_640 = arith.index_cast %shift_right_arithmetic3A_616 : i32 to index
      %swap3A_641 = arith.constant 48 : index
      %swap3A_642 = tpu.vector_load %arg9[%swap3A_640, %swap3A_641] {strides = array<i32>} : memref<200x64xf32, #tpu.memory_space<vmem>>, vector<1x16xf32>,
      %swap3A_643 = vector.shape_cast %swap3A_642 : vector<1x16xf32> to vector<16xf32>
      %swap3A_644 = vector.shape_cast %scan3A_623#3 : vector<16xf32> to vector<1x16xf32>
      tpu.vector_store %arg9[%swap3A_640, %swap3A_641], %swap3A_644 {add = true, strides = array<i32>} : memref<200x64xf32, #tpu.memory_space<vmem>>, vector<1x16xf32>,
      %add3A_645 = arith.constant 3 : i32
      %add3A_646 = arith.addi %add3A_548, %add3A_645 : i32
      %shift_right_arithmetic3A_647 = arith.constant 7 : i32
      %shift_right_arithmetic3A_648 = arith.shrsi %add3A_646, %shift_right_arithmetic3A_647 : i32
      %broadcast_in_dim3A_649 = arith.constant 0.000000e+00 : f32
      %broadcast_in_dim3A_650 = vector.broadcast %broadcast_in_dim3A_649 : f32 to vector<16xf32>
      %scan3A_651 = arith.constant 0 : i32
      %scan3A_652 = arith.constant 32 : i32
      %scan3A_653 = arith.addi %scan3A_651, %scan3A_652 : i32
      %scan3A_654 = arith.constant 1 : i32
      %scan3A_655:4 = scf.for %scan3A_946 = %scan3A_651 to %scan3A_653 step %scan3A_654 iter_args(%scan3A_947 = %broadcast_in_dim3A_650, %scan3A_948 = %broadcast_in_dim3A_650, %scan3A_949 = %broadcast_in_dim3A_650, %scan3A_950 = %broadcast_in_dim3A_650) -> (vector<16xf32>, vector<16xf32>, vector<16xf32>, vector<16xf32>)  : i32 {
        %mul3A_951 = arith.constant 4 : i32
        %mul3A_952 = arith.muli %scan3A_946, %mul3A_951 : i32
        %add3A_953 = arith.constant 384 : i32
        %add3A_954 = arith.addi %add3A_953, %mul3A_952 : i32
        %get3A = arith.index_cast %add3A_954 : i32 to index
        %get3A_955 = arith.constant 0 : index
        %get3A_956 = tpu.vector_load %arg7[%get3A, %get3A_955] {strides = array<i32>} : memref<640x64xf32, #tpu.memory_space<vmem>>, vector<1x16xf32>,
        %get3A_957 = vector.shape_cast %get3A_956 : vector<1x16xf32> to vector<16xf32>
        %add3A_958 = arith.constant 1 : i32
        %add3A_959 = arith.addi %add3A_954, %add3A_958 : i32
        %get3A_960 = arith.index_cast %add3A_959 : i32 to index
        %get3A_961 = arith.constant 0 : index
        %get3A_962 = tpu.vector_load %arg7[%get3A_960, %get3A_961] {strides = array<i32>} : memref<640x64xf32, #tpu.memory_space<vmem>>, vector<1x16xf32>,
        %get3A_963 = vector.shape_cast %get3A_962 : vector<1x16xf32> to vector<16xf32>
        %add3A_964 = arith.addf %get3A_957, %get3A_963 : vector<16xf32>
        %add3A_965 = arith.constant 2 : i32
        %add3A_966 = arith.addi %add3A_954, %add3A_965 : i32
        %get3A_967 = arith.index_cast %add3A_966 : i32 to index
        %get3A_968 = arith.constant 0 : index
        %get3A_969 = tpu.vector_load %arg7[%get3A_967, %get3A_968] {strides = array<i32>} : memref<640x64xf32, #tpu.memory_space<vmem>>, vector<1x16xf32>,
        %get3A_970 = vector.shape_cast %get3A_969 : vector<1x16xf32> to vector<16xf32>
        %add3A_971 = arith.constant 3 : i32
        %add3A_972 = arith.addi %add3A_954, %add3A_971 : i32
        %get3A_973 = arith.index_cast %add3A_972 : i32 to index
        %get3A_974 = arith.constant 0 : index
        %get3A_975 = tpu.vector_load %arg7[%get3A_973, %get3A_974] {strides = array<i32>} : memref<640x64xf32, #tpu.memory_space<vmem>>, vector<1x16xf32>,
        %get3A_976 = vector.shape_cast %get3A_975 : vector<1x16xf32> to vector<16xf32>
        %add3A_977 = arith.addf %get3A_970, %get3A_976 : vector<16xf32>
        %add3A_978 = arith.addf %add3A_964, %add3A_977 : vector<16xf32>
        %add3A_979 = arith.addf %scan3A_947, %add3A_978 : vector<16xf32>
        %get3A_980 = arith.index_cast %add3A_954 : i32 to index
        %get3A_981 = arith.constant 16 : index
        %get3A_982 = tpu.vector_load %arg7[%get3A_980, %get3A_981] {strides = array<i32>} : memref<640x64xf32, #tpu.memory_space<vmem>>, vector<1x16xf32>,
        %get3A_983 = vector.shape_cast %get3A_982 : vector<1x16xf32> to vector<16xf32>
        %add3A_984 = arith.constant 1 : i32
        %add3A_985 = arith.addi %add3A_954, %add3A_984 : i32
        %get3A_986 = arith.index_cast %add3A_985 : i32 to index
        %get3A_987 = arith.constant 16 : index
        %get3A_988 = tpu.vector_load %arg7[%get3A_986, %get3A_987] {strides = array<i32>} : memref<640x64xf32, #tpu.memory_space<vmem>>, vector<1x16xf32>,
        %get3A_989 = vector.shape_cast %get3A_988 : vector<1x16xf32> to vector<16xf32>
        %add3A_990 = arith.addf %get3A_983, %get3A_989 : vector<16xf32>
        %add3A_991 = arith.constant 2 : i32
        %add3A_992 = arith.addi %add3A_954, %add3A_991 : i32
        %get3A_993 = arith.index_cast %add3A_992 : i32 to index
        %get3A_994 = arith.constant 16 : index
        %get3A_995 = tpu.vector_load %arg7[%get3A_993, %get3A_994] {strides = array<i32>} : memref<640x64xf32, #tpu.memory_space<vmem>>, vector<1x16xf32>,
        %get3A_996 = vector.shape_cast %get3A_995 : vector<1x16xf32> to vector<16xf32>
        %add3A_997 = arith.constant 3 : i32
        %add3A_998 = arith.addi %add3A_954, %add3A_997 : i32
        %get3A_999 = arith.index_cast %add3A_998 : i32 to index
        %get3A_1000 = arith.constant 16 : index
        %get3A_1001 = tpu.vector_load %arg7[%get3A_999, %get3A_1000] {strides = array<i32>} : memref<640x64xf32, #tpu.memory_space<vmem>>, vector<1x16xf32>,
        %get3A_1002 = vector.shape_cast %get3A_1001 : vector<1x16xf32> to vector<16xf32>
        %add3A_1003 = arith.addf %get3A_996, %get3A_1002 : vector<16xf32>
        %add3A_1004 = arith.addf %add3A_990, %add3A_1003 : vector<16xf32>
        %add3A_1005 = arith.addf %scan3A_948, %add3A_1004 : vector<16xf32>
        %get3A_1006 = arith.index_cast %add3A_954 : i32 to index
        %get3A_1007 = arith.constant 32 : index
        %get3A_1008 = tpu.vector_load %arg7[%get3A_1006, %get3A_1007] {strides = array<i32>} : memref<640x64xf32, #tpu.memory_space<vmem>>, vector<1x16xf32>,
        %get3A_1009 = vector.shape_cast %get3A_1008 : vector<1x16xf32> to vector<16xf32>
        %add3A_1010 = arith.constant 1 : i32
        %add3A_1011 = arith.addi %add3A_954, %add3A_1010 : i32
        %get3A_1012 = arith.index_cast %add3A_1011 : i32 to index
        %get3A_1013 = arith.constant 32 : index
        %get3A_1014 = tpu.vector_load %arg7[%get3A_1012, %get3A_1013] {strides = array<i32>} : memref<640x64xf32, #tpu.memory_space<vmem>>, vector<1x16xf32>,
        %get3A_1015 = vector.shape_cast %get3A_1014 : vector<1x16xf32> to vector<16xf32>
        %add3A_1016 = arith.addf %get3A_1009, %get3A_1015 : vector<16xf32>
        %add3A_1017 = arith.constant 2 : i32
        %add3A_1018 = arith.addi %add3A_954, %add3A_1017 : i32
        %get3A_1019 = arith.index_cast %add3A_1018 : i32 to index
        %get3A_1020 = arith.constant 32 : index
        %get3A_1021 = tpu.vector_load %arg7[%get3A_1019, %get3A_1020] {strides = array<i32>} : memref<640x64xf32, #tpu.memory_space<vmem>>, vector<1x16xf32>,
        %get3A_1022 = vector.shape_cast %get3A_1021 : vector<1x16xf32> to vector<16xf32>
        %add3A_1023 = arith.constant 3 : i32
        %add3A_1024 = arith.addi %add3A_954, %add3A_1023 : i32
        %get3A_1025 = arith.index_cast %add3A_1024 : i32 to index
        %get3A_1026 = arith.constant 32 : index
        %get3A_1027 = tpu.vector_load %arg7[%get3A_1025, %get3A_1026] {strides = array<i32>} : memref<640x64xf32, #tpu.memory_space<vmem>>, vector<1x16xf32>,
        %get3A_1028 = vector.shape_cast %get3A_1027 : vector<1x16xf32> to vector<16xf32>
        %add3A_1029 = arith.addf %get3A_1022, %get3A_1028 : vector<16xf32>
        %add3A_1030 = arith.addf %add3A_1016, %add3A_1029 : vector<16xf32>
        %add3A_1031 = arith.addf %scan3A_949, %add3A_1030 : vector<16xf32>
        %get3A_1032 = arith.index_cast %add3A_954 : i32 to index
        %get3A_1033 = arith.constant 48 : index
        %get3A_1034 = tpu.vector_load %arg7[%get3A_1032, %get3A_1033] {strides = array<i32>} : memref<640x64xf32, #tpu.memory_space<vmem>>, vector<1x16xf32>,
        %get3A_1035 = vector.shape_cast %get3A_1034 : vector<1x16xf32> to vector<16xf32>
        %add3A_1036 = arith.constant 1 : i32
        %add3A_1037 = arith.addi %add3A_954, %add3A_1036 : i32
        %get3A_1038 = arith.index_cast %add3A_1037 : i32 to index
        %get3A_1039 = arith.constant 48 : index
        %get3A_1040 = tpu.vector_load %arg7[%get3A_1038, %get3A_1039] {strides = array<i32>} : memref<640x64xf32, #tpu.memory_space<vmem>>, vector<1x16xf32>,
        %get3A_1041 = vector.shape_cast %get3A_1040 : vector<1x16xf32> to vector<16xf32>
        %add3A_1042 = arith.addf %get3A_1035, %get3A_1041 : vector<16xf32>
        %add3A_1043 = arith.constant 2 : i32
        %add3A_1044 = arith.addi %add3A_954, %add3A_1043 : i32
        %get3A_1045 = arith.index_cast %add3A_1044 : i32 to index
        %get3A_1046 = arith.constant 48 : index
        %get3A_1047 = tpu.vector_load %arg7[%get3A_1045, %get3A_1046] {strides = array<i32>} : memref<640x64xf32, #tpu.memory_space<vmem>>, vector<1x16xf32>,
        %get3A_1048 = vector.shape_cast %get3A_1047 : vector<1x16xf32> to vector<16xf32>
        %add3A_1049 = arith.constant 3 : i32
        %add3A_1050 = arith.addi %add3A_954, %add3A_1049 : i32
        %get3A_1051 = arith.index_cast %add3A_1050 : i32 to index
        %get3A_1052 = arith.constant 48 : index
        %get3A_1053 = tpu.vector_load %arg7[%get3A_1051, %get3A_1052] {strides = array<i32>} : memref<640x64xf32, #tpu.memory_space<vmem>>, vector<1x16xf32>,
        %get3A_1054 = vector.shape_cast %get3A_1053 : vector<1x16xf32> to vector<16xf32>
        %add3A_1055 = arith.addf %get3A_1048, %get3A_1054 : vector<16xf32>
        %add3A_1056 = arith.addf %add3A_1042, %add3A_1055 : vector<16xf32>
        %add3A_1057 = arith.addf %scan3A_950, %add3A_1056 : vector<16xf32>
        scf.yield %add3A_979, %add3A_1005, %add3A_1031, %add3A_1057 : vector<16xf32>, vector<16xf32>, vector<16xf32>, vector<16xf32>
      }
      %scan3A_656 = arith.constant 32 : i32
      %swap3A_657 = arith.index_cast %shift_right_arithmetic3A_648 : i32 to index
      %swap3A_658 = arith.constant 0 : index
      %swap3A_659 = tpu.vector_load %arg9[%swap3A_657, %swap3A_658] {strides = array<i32>} : memref<200x64xf32, #tpu.memory_space<vmem>>, vector<1x16xf32>,
      %swap3A_660 = vector.shape_cast %swap3A_659 : vector<1x16xf32> to vector<16xf32>
      %swap3A_661 = vector.shape_cast %scan3A_655#0 : vector<16xf32> to vector<1x16xf32>
      tpu.vector_store %arg9[%swap3A_657, %swap3A_658], %swap3A_661 {add = true, strides = array<i32>} : memref<200x64xf32, #tpu.memory_space<vmem>>, vector<1x16xf32>,
      %swap3A_662 = arith.index_cast %shift_right_arithmetic3A_648 : i32 to index
      %swap3A_663 = arith.constant 16 : index
      %swap3A_664 = tpu.vector_load %arg9[%swap3A_662, %swap3A_663] {strides = array<i32>} : memref<200x64xf32, #tpu.memory_space<vmem>>, vector<1x16xf32>,
      %swap3A_665 = vector.shape_cast %swap3A_664 : vector<1x16xf32> to vector<16xf32>
      %swap3A_666 = vector.shape_cast %scan3A_655#1 : vector<16xf32> to vector<1x16xf32>
      tpu.vector_store %arg9[%swap3A_662, %swap3A_663], %swap3A_666 {add = true, strides = array<i32>} : memref<200x64xf32, #tpu.memory_space<vmem>>, vector<1x16xf32>,
      %swap3A_667 = arith.index_cast %shift_right_arithmetic3A_648 : i32 to index
      %swap3A_668 = arith.constant 32 : index
      %swap3A_669 = tpu.vector_load %arg9[%swap3A_667, %swap3A_668] {strides = array<i32>} : memref<200x64xf32, #tpu.memory_space<vmem>>, vector<1x16xf32>,
      %swap3A_670 = vector.shape_cast %swap3A_669 : vector<1x16xf32> to vector<16xf32>
      %swap3A_671 = vector.shape_cast %scan3A_655#2 : vector<16xf32> to vector<1x16xf32>
      tpu.vector_store %arg9[%swap3A_667, %swap3A_668], %swap3A_671 {add = true, strides = array<i32>} : memref<200x64xf32, #tpu.memory_space<vmem>>, vector<1x16xf32>,
      %swap3A_672 = arith.index_cast %shift_right_arithmetic3A_648 : i32 to index
      %swap3A_673 = arith.constant 48 : index
      %swap3A_674 = tpu.vector_load %arg9[%swap3A_672, %swap3A_673] {strides = array<i32>} : memref<200x64xf32, #tpu.memory_space<vmem>>, vector<1x16xf32>,
      %swap3A_675 = vector.shape_cast %swap3A_674 : vector<1x16xf32> to vector<16xf32>
      %swap3A_676 = vector.shape_cast %scan3A_655#3 : vector<16xf32> to vector<1x16xf32>
      tpu.vector_store %arg9[%swap3A_672, %swap3A_673], %swap3A_676 {add = true, strides = array<i32>} : memref<200x64xf32, #tpu.memory_space<vmem>>, vector<1x16xf32>,
      %add3A_677 = arith.constant 4 : i32
      %add3A_678 = arith.addi %add3A_548, %add3A_677 : i32
      %shift_right_arithmetic3A_679 = arith.constant 7 : i32
      %shift_right_arithmetic3A_680 = arith.shrsi %add3A_678, %shift_right_arithmetic3A_679 : i32
      %broadcast_in_dim3A_681 = arith.constant 0.000000e+00 : f32
      %broadcast_in_dim3A_682 = vector.broadcast %broadcast_in_dim3A_681 : f32 to vector<16xf32>
      %scan3A_683 = arith.constant 0 : i32
      %scan3A_684 = arith.constant 32 : i32
      %scan3A_685 = arith.addi %scan3A_683, %scan3A_684 : i32
      %scan3A_686 = arith.constant 1 : i32
      %scan3A_687:4 = scf.for %scan3A_946 = %scan3A_683 to %scan3A_685 step %scan3A_686 iter_args(%scan3A_947 = %broadcast_in_dim3A_682, %scan3A_948 = %broadcast_in_dim3A_682, %scan3A_949 = %broadcast_in_dim3A_682, %scan3A_950 = %broadcast_in_dim3A_682) -> (vector<16xf32>, vector<16xf32>, vector<16xf32>, vector<16xf32>)  : i32 {
        %mul3A_951 = arith.constant 4 : i32
        %mul3A_952 = arith.muli %scan3A_946, %mul3A_951 : i32
        %add3A_953 = arith.constant 512 : i32
        %add3A_954 = arith.addi %add3A_953, %mul3A_952 : i32
        %get3A = arith.index_cast %add3A_954 : i32 to index
        %get3A_955 = arith.constant 0 : index
        %get3A_956 = tpu.vector_load %arg7[%get3A, %get3A_955] {strides = array<i32>} : memref<640x64xf32, #tpu.memory_space<vmem>>, vector<1x16xf32>,
        %get3A_957 = vector.shape_cast %get3A_956 : vector<1x16xf32> to vector<16xf32>
        %add3A_958 = arith.constant 1 : i32
        %add3A_959 = arith.addi %add3A_954, %add3A_958 : i32
        %get3A_960 = arith.index_cast %add3A_959 : i32 to index
        %get3A_961 = arith.constant 0 : index
        %get3A_962 = tpu.vector_load %arg7[%get3A_960, %get3A_961] {strides = array<i32>} : memref<640x64xf32, #tpu.memory_space<vmem>>, vector<1x16xf32>,
        %get3A_963 = vector.shape_cast %get3A_962 : vector<1x16xf32> to vector<16xf32>
        %add3A_964 = arith.addf %get3A_957, %get3A_963 : vector<16xf32>
        %add3A_965 = arith.constant 2 : i32
        %add3A_966 = arith.addi %add3A_954, %add3A_965 : i32
        %get3A_967 = arith.index_cast %add3A_966 : i32 to index
        %get3A_968 = arith.constant 0 : index
        %get3A_969 = tpu.vector_load %arg7[%get3A_967, %get3A_968] {strides = array<i32>} : memref<640x64xf32, #tpu.memory_space<vmem>>, vector<1x16xf32>,
        %get3A_970 = vector.shape_cast %get3A_969 : vector<1x16xf32> to vector<16xf32>
        %add3A_971 = arith.constant 3 : i32
        %add3A_972 = arith.addi %add3A_954, %add3A_971 : i32
        %get3A_973 = arith.index_cast %add3A_972 : i32 to index
        %get3A_974 = arith.constant 0 : index
        %get3A_975 = tpu.vector_load %arg7[%get3A_973, %get3A_974] {strides = array<i32>} : memref<640x64xf32, #tpu.memory_space<vmem>>, vector<1x16xf32>,
        %get3A_976 = vector.shape_cast %get3A_975 : vector<1x16xf32> to vector<16xf32>
        %add3A_977 = arith.addf %get3A_970, %get3A_976 : vector<16xf32>
        %add3A_978 = arith.addf %add3A_964, %add3A_977 : vector<16xf32>
        %add3A_979 = arith.addf %scan3A_947, %add3A_978 : vector<16xf32>
        %get3A_980 = arith.index_cast %add3A_954 : i32 to index
        %get3A_981 = arith.constant 16 : index
        %get3A_982 = tpu.vector_load %arg7[%get3A_980, %get3A_981] {strides = array<i32>} : memref<640x64xf32, #tpu.memory_space<vmem>>, vector<1x16xf32>,
        %get3A_983 = vector.shape_cast %get3A_982 : vector<1x16xf32> to vector<16xf32>
        %add3A_984 = arith.constant 1 : i32
        %add3A_985 = arith.addi %add3A_954, %add3A_984 : i32
        %get3A_986 = arith.index_cast %add3A_985 : i32 to index
        %get3A_987 = arith.constant 16 : index
        %get3A_988 = tpu.vector_load %arg7[%get3A_986, %get3A_987] {strides = array<i32>} : memref<640x64xf32, #tpu.memory_space<vmem>>, vector<1x16xf32>,
        %get3A_989 = vector.shape_cast %get3A_988 : vector<1x16xf32> to vector<16xf32>
        %add3A_990 = arith.addf %get3A_983, %get3A_989 : vector<16xf32>
        %add3A_991 = arith.constant 2 : i32
        %add3A_992 = arith.addi %add3A_954, %add3A_991 : i32
        %get3A_993 = arith.index_cast %add3A_992 : i32 to index
        %get3A_994 = arith.constant 16 : index
        %get3A_995 = tpu.vector_load %arg7[%get3A_993, %get3A_994] {strides = array<i32>} : memref<640x64xf32, #tpu.memory_space<vmem>>, vector<1x16xf32>,
        %get3A_996 = vector.shape_cast %get3A_995 : vector<1x16xf32> to vector<16xf32>
        %add3A_997 = arith.constant 3 : i32
        %add3A_998 = arith.addi %add3A_954, %add3A_997 : i32
        %get3A_999 = arith.index_cast %add3A_998 : i32 to index
        %get3A_1000 = arith.constant 16 : index
        %get3A_1001 = tpu.vector_load %arg7[%get3A_999, %get3A_1000] {strides = array<i32>} : memref<640x64xf32, #tpu.memory_space<vmem>>, vector<1x16xf32>,
        %get3A_1002 = vector.shape_cast %get3A_1001 : vector<1x16xf32> to vector<16xf32>
        %add3A_1003 = arith.addf %get3A_996, %get3A_1002 : vector<16xf32>
        %add3A_1004 = arith.addf %add3A_990, %add3A_1003 : vector<16xf32>
        %add3A_1005 = arith.addf %scan3A_948, %add3A_1004 : vector<16xf32>
        %get3A_1006 = arith.index_cast %add3A_954 : i32 to index
        %get3A_1007 = arith.constant 32 : index
        %get3A_1008 = tpu.vector_load %arg7[%get3A_1006, %get3A_1007] {strides = array<i32>} : memref<640x64xf32, #tpu.memory_space<vmem>>, vector<1x16xf32>,
        %get3A_1009 = vector.shape_cast %get3A_1008 : vector<1x16xf32> to vector<16xf32>
        %add3A_1010 = arith.constant 1 : i32
        %add3A_1011 = arith.addi %add3A_954, %add3A_1010 : i32
        %get3A_1012 = arith.index_cast %add3A_1011 : i32 to index
        %get3A_1013 = arith.constant 32 : index
        %get3A_1014 = tpu.vector_load %arg7[%get3A_1012, %get3A_1013] {strides = array<i32>} : memref<640x64xf32, #tpu.memory_space<vmem>>, vector<1x16xf32>,
        %get3A_1015 = vector.shape_cast %get3A_1014 : vector<1x16xf32> to vector<16xf32>
        %add3A_1016 = arith.addf %get3A_1009, %get3A_1015 : vector<16xf32>
        %add3A_1017 = arith.constant 2 : i32
        %add3A_1018 = arith.addi %add3A_954, %add3A_1017 : i32
        %get3A_1019 = arith.index_cast %add3A_1018 : i32 to index
        %get3A_1020 = arith.constant 32 : index
        %get3A_1021 = tpu.vector_load %arg7[%get3A_1019, %get3A_1020] {strides = array<i32>} : memref<640x64xf32, #tpu.memory_space<vmem>>, vector<1x16xf32>,
        %get3A_1022 = vector.shape_cast %get3A_1021 : vector<1x16xf32> to vector<16xf32>
        %add3A_1023 = arith.constant 3 : i32
        %add3A_1024 = arith.addi %add3A_954, %add3A_1023 : i32
        %get3A_1025 = arith.index_cast %add3A_1024 : i32 to index
        %get3A_1026 = arith.constant 32 : index
        %get3A_1027 = tpu.vector_load %arg7[%get3A_1025, %get3A_1026] {strides = array<i32>} : memref<640x64xf32, #tpu.memory_space<vmem>>, vector<1x16xf32>,
        %get3A_1028 = vector.shape_cast %get3A_1027 : vector<1x16xf32> to vector<16xf32>
        %add3A_1029 = arith.addf %get3A_1022, %get3A_1028 : vector<16xf32>
        %add3A_1030 = arith.addf %add3A_1016, %add3A_1029 : vector<16xf32>
        %add3A_1031 = arith.addf %scan3A_949, %add3A_1030 : vector<16xf32>
        %get3A_1032 = arith.index_cast %add3A_954 : i32 to index
        %get3A_1033 = arith.constant 48 : index
        %get3A_1034 = tpu.vector_load %arg7[%get3A_1032, %get3A_1033] {strides = array<i32>} : memref<640x64xf32, #tpu.memory_space<vmem>>, vector<1x16xf32>,
        %get3A_1035 = vector.shape_cast %get3A_1034 : vector<1x16xf32> to vector<16xf32>
        %add3A_1036 = arith.constant 1 : i32
        %add3A_1037 = arith.addi %add3A_954, %add3A_1036 : i32
        %get3A_1038 = arith.index_cast %add3A_1037 : i32 to index
        %get3A_1039 = arith.constant 48 : index
        %get3A_1040 = tpu.vector_load %arg7[%get3A_1038, %get3A_1039] {strides = array<i32>} : memref<640x64xf32, #tpu.memory_space<vmem>>, vector<1x16xf32>,
        %get3A_1041 = vector.shape_cast %get3A_1040 : vector<1x16xf32> to vector<16xf32>
        %add3A_1042 = arith.addf %get3A_1035, %get3A_1041 : vector<16xf32>
        %add3A_1043 = arith.constant 2 : i32
        %add3A_1044 = arith.addi %add3A_954, %add3A_1043 : i32
        %get3A_1045 = arith.index_cast %add3A_1044 : i32 to index
        %get3A_1046 = arith.constant 48 : index
        %get3A_1047 = tpu.vector_load %arg7[%get3A_1045, %get3A_1046] {strides = array<i32>} : memref<640x64xf32, #tpu.memory_space<vmem>>, vector<1x16xf32>,
        %get3A_1048 = vector.shape_cast %get3A_1047 : vector<1x16xf32> to vector<16xf32>
        %add3A_1049 = arith.constant 3 : i32
        %add3A_1050 = arith.addi %add3A_954, %add3A_1049 : i32
        %get3A_1051 = arith.index_cast %add3A_1050 : i32 to index
        %get3A_1052 = arith.constant 48 : index
        %get3A_1053 = tpu.vector_load %arg7[%get3A_1051, %get3A_1052] {strides = array<i32>} : memref<640x64xf32, #tpu.memory_space<vmem>>, vector<1x16xf32>,
        %get3A_1054 = vector.shape_cast %get3A_1053 : vector<1x16xf32> to vector<16xf32>
        %add3A_1055 = arith.addf %get3A_1048, %get3A_1054 : vector<16xf32>
        %add3A_1056 = arith.addf %add3A_1042, %add3A_1055 : vector<16xf32>
        %add3A_1057 = arith.addf %scan3A_950, %add3A_1056 : vector<16xf32>
        scf.yield %add3A_979, %add3A_1005, %add3A_1031, %add3A_1057 : vector<16xf32>, vector<16xf32>, vector<16xf32>, vector<16xf32>
      }
      %scan3A_688 = arith.constant 32 : i32
      %swap3A_689 = arith.index_cast %shift_right_arithmetic3A_680 : i32 to index
      %swap3A_690 = arith.constant 0 : index
      %swap3A_691 = tpu.vector_load %arg9[%swap3A_689, %swap3A_690] {strides = array<i32>} : memref<200x64xf32, #tpu.memory_space<vmem>>, vector<1x16xf32>,
      %swap3A_692 = vector.shape_cast %swap3A_691 : vector<1x16xf32> to vector<16xf32>
      %swap3A_693 = vector.shape_cast %scan3A_687#0 : vector<16xf32> to vector<1x16xf32>
      tpu.vector_store %arg9[%swap3A_689, %swap3A_690], %swap3A_693 {add = true, strides = array<i32>} : memref<200x64xf32, #tpu.memory_space<vmem>>, vector<1x16xf32>,
      %swap3A_694 = arith.index_cast %shift_right_arithmetic3A_680 : i32 to index
      %swap3A_695 = arith.constant 16 : index
      %swap3A_696 = tpu.vector_load %arg9[%swap3A_694, %swap3A_695] {strides = array<i32>} : memref<200x64xf32, #tpu.memory_space<vmem>>, vector<1x16xf32>,
      %swap3A_697 = vector.shape_cast %swap3A_696 : vector<1x16xf32> to vector<16xf32>
      %swap3A_698 = vector.shape_cast %scan3A_687#1 : vector<16xf32> to vector<1x16xf32>
      tpu.vector_store %arg9[%swap3A_694, %swap3A_695], %swap3A_698 {add = true, strides = array<i32>} : memref<200x64xf32, #tpu.memory_space<vmem>>, vector<1x16xf32>,
      %swap3A_699 = arith.index_cast %shift_right_arithmetic3A_680 : i32 to index
      %swap3A_700 = arith.constant 32 : index
      %swap3A_701 = tpu.vector_load %arg9[%swap3A_699, %swap3A_700] {strides = array<i32>} : memref<200x64xf32, #tpu.memory_space<vmem>>, vector<1x16xf32>,
      %swap3A_702 = vector.shape_cast %swap3A_701 : vector<1x16xf32> to vector<16xf32>
      %swap3A_703 = vector.shape_cast %scan3A_687#2 : vector<16xf32> to vector<1x16xf32>
      tpu.vector_store %arg9[%swap3A_699, %swap3A_700], %swap3A_703 {add = true, strides = array<i32>} : memref<200x64xf32, #tpu.memory_space<vmem>>, vector<1x16xf32>,
      %swap3A_704 = arith.index_cast %shift_right_arithmetic3A_680 : i32 to index
      %swap3A_705 = arith.constant 48 : index
      %swap3A_706 = tpu.vector_load %arg9[%swap3A_704, %swap3A_705] {strides = array<i32>} : memref<200x64xf32, #tpu.memory_space<vmem>>, vector<1x16xf32>,
      %swap3A_707 = vector.shape_cast %swap3A_706 : vector<1x16xf32> to vector<16xf32>
      %swap3A_708 = vector.shape_cast %scan3A_687#3 : vector<16xf32> to vector<1x16xf32>
      tpu.vector_store %arg9[%swap3A_704, %swap3A_705], %swap3A_708 {add = true, strides = array<i32>} : memref<200x64xf32, #tpu.memory_space<vmem>>, vector<1x16xf32>,
      %add3A_709 = arith.constant 1 : i32
      %add3A_710 = arith.addi %mul3A_474, %add3A_709 : i32
      %dma_wait3A_711 = arith.constant 0 : i32
      %dma_wait3A_712 = arith.constant 0 : i32
      %dma_wait3A_713 = tpu.memref_slice %arg2[%dma_wait3A_711, %dma_wait3A_712] : memref<25600x128xi32, #tpu.memory_space<hbm>> -> memref<5x128xi32, #tpu.memory_space<hbm>>
      %dma_wait3A_714 = arith.constant 0 : i32
      %dma_wait3A_715 = arith.constant 0 : i32
      %dma_wait3A_716 = tpu.memref_slice %arg2[%dma_wait3A_714, %dma_wait3A_715] : memref<25600x128xi32, #tpu.memory_space<hbm>> -> memref<5x128xi32, #tpu.memory_space<hbm>>
      tpu.wait_dma2 semaphore(%arg12 : memref<!tpu.dma_semaphore, #tpu.memory_space<semaphore_mem>>) src(%dma_wait3A_716 : memref<5x128xi32, #tpu.memory_space<hbm>>) dst(%arg5 : memref<5x128xi32, #tpu.memory_space<vmem>>)
      %dma_start3A_717 = arith.constant 0 : i32
      %dma_start3A_718 = arith.constant 0 : i32
      %dma_start3A_719 = arith.constant 0 : i32
      %dma_start3A_720 = tpu.memref_slice %arg7[%dma_start3A_718, %dma_start3A_719] : memref<640x64xf32, #tpu.memory_space<vmem>> -> memref<128x64xf32, #tpu.memory_space<vmem>>
      %dma_start3A_721 = arith.constant 0 : i32
      %dma_start3A_722 = tpu.memref_slice %arg5[%dma_start3A_717, %dma_start3A_721] : memref<5x128xi32, #tpu.memory_space<vmem>> -> memref<1x128xi32, #tpu.memory_space<vmem>>
      %dma_start3A_723 = tpu.memref_squeeze %dma_start3A_722 : memref<1x128xi32, #tpu.memory_space<vmem>> -> memref<128xi32, #tpu.memory_space<vmem>>
      %dma_start3A_724 = arith.constant 0 : i32
      %dma_start3A_725 = arith.constant 0 : i32
      %dma_start3A_726 = tpu.memref_slice %arg3[%dma_start3A_724, %dma_start3A_725] : memref<1000000x64xf32, #tpu.memory_space<hbm>> -> memref<1000000x64xf32, #tpu.memory_space<hbm>>
      tpu.enqueue_indirect_dma source(%dma_start3A_726 : memref<1000000x64xf32, #tpu.memory_space<hbm>>) target(%dma_start3A_720 : memref<128x64xf32, #tpu.memory_space<vmem>>) offsets(%dma_start3A_723 : memref<128xi32, #tpu.memory_space<vmem>>) semaphore(%arg10 : memref<!tpu.dma_semaphore, #tpu.memory_space<semaphore_mem>>)
      %dma_start3A_727 = arith.constant 1 : i32
      %dma_start3A_728 = arith.constant 128 : i32
      %dma_start3A_729 = arith.constant 0 : i32
      %dma_start3A_730 = tpu.memref_slice %arg7[%dma_start3A_728, %dma_start3A_729] : memref<640x64xf32, #tpu.memory_space<vmem>> -> memref<128x64xf32, #tpu.memory_space<vmem>>
      %dma_start3A_731 = arith.constant 0 : i32
      %dma_start3A_732 = tpu.memref_slice %arg5[%dma_start3A_727, %dma_start3A_731] : memref<5x128xi32, #tpu.memory_space<vmem>> -> memref<1x128xi32, #tpu.memory_space<vmem>>
      %dma_start3A_733 = tpu.memref_squeeze %dma_start3A_732 : memref<1x128xi32, #tpu.memory_space<vmem>> -> memref<128xi32, #tpu.memory_space<vmem>>
      %dma_start3A_734 = arith.constant 0 : i32
      %dma_start3A_735 = arith.constant 0 : i32
      %dma_start3A_736 = tpu.memref_slice %arg3[%dma_start3A_734, %dma_start3A_735] : memref<1000000x64xf32, #tpu.memory_space<hbm>> -> memref<1000000x64xf32, #tpu.memory_space<hbm>>
      tpu.enqueue_indirect_dma source(%dma_start3A_736 : memref<1000000x64xf32, #tpu.memory_space<hbm>>) target(%dma_start3A_730 : memref<128x64xf32, #tpu.memory_space<vmem>>) offsets(%dma_start3A_733 : memref<128xi32, #tpu.memory_space<vmem>>) semaphore(%arg10 : memref<!tpu.dma_semaphore, #tpu.memory_space<semaphore_mem>>)
      %dma_start3A_737 = arith.constant 2 : i32
      %dma_start3A_738 = arith.constant 256 : i32
      %dma_start3A_739 = arith.constant 0 : i32
      %dma_start3A_740 = tpu.memref_slice %arg7[%dma_start3A_738, %dma_start3A_739] : memref<640x64xf32, #tpu.memory_space<vmem>> -> memref<128x64xf32, #tpu.memory_space<vmem>>
      %dma_start3A_741 = arith.constant 0 : i32
      %dma_start3A_742 = tpu.memref_slice %arg5[%dma_start3A_737, %dma_start3A_741] : memref<5x128xi32, #tpu.memory_space<vmem>> -> memref<1x128xi32, #tpu.memory_space<vmem>>
      %dma_start3A_743 = tpu.memref_squeeze %dma_start3A_742 : memref<1x128xi32, #tpu.memory_space<vmem>> -> memref<128xi32, #tpu.memory_space<vmem>>
      %dma_start3A_744 = arith.constant 0 : i32
      %dma_start3A_745 = arith.constant 0 : i32
      %dma_start3A_746 = tpu.memref_slice %arg3[%dma_start3A_744, %dma_start3A_745] : memref<1000000x64xf32, #tpu.memory_space<hbm>> -> memref<1000000x64xf32, #tpu.memory_space<hbm>>
      tpu.enqueue_indirect_dma source(%dma_start3A_746 : memref<1000000x64xf32, #tpu.memory_space<hbm>>) target(%dma_start3A_740 : memref<128x64xf32, #tpu.memory_space<vmem>>) offsets(%dma_start3A_743 : memref<128xi32, #tpu.memory_space<vmem>>) semaphore(%arg10 : memref<!tpu.dma_semaphore, #tpu.memory_space<semaphore_mem>>)
      %dma_start3A_747 = arith.constant 3 : i32
      %dma_start3A_748 = arith.constant 384 : i32
      %dma_start3A_749 = arith.constant 0 : i32
      %dma_start3A_750 = tpu.memref_slice %arg7[%dma_start3A_748, %dma_start3A_749] : memref<640x64xf32, #tpu.memory_space<vmem>> -> memref<128x64xf32, #tpu.memory_space<vmem>>
      %dma_start3A_751 = arith.constant 0 : i32
      %dma_start3A_752 = tpu.memref_slice %arg5[%dma_start3A_747, %dma_start3A_751] : memref<5x128xi32, #tpu.memory_space<vmem>> -> memref<1x128xi32, #tpu.memory_space<vmem>>
      %dma_start3A_753 = tpu.memref_squeeze %dma_start3A_752 : memref<1x128xi32, #tpu.memory_space<vmem>> -> memref<128xi32, #tpu.memory_space<vmem>>
      %dma_start3A_754 = arith.constant 0 : i32
      %dma_start3A_755 = arith.constant 0 : i32
      %dma_start3A_756 = tpu.memref_slice %arg3[%dma_start3A_754, %dma_start3A_755] : memref<1000000x64xf32, #tpu.memory_space<hbm>> -> memref<1000000x64xf32, #tpu.memory_space<hbm>>
      tpu.enqueue_indirect_dma source(%dma_start3A_756 : memref<1000000x64xf32, #tpu.memory_space<hbm>>) target(%dma_start3A_750 : memref<128x64xf32, #tpu.memory_space<vmem>>) offsets(%dma_start3A_753 : memref<128xi32, #tpu.memory_space<vmem>>) semaphore(%arg10 : memref<!tpu.dma_semaphore, #tpu.memory_space<semaphore_mem>>)
      %dma_start3A_757 = arith.constant 4 : i32
      %dma_start3A_758 = arith.constant 512 : i32
      %dma_start3A_759 = arith.constant 0 : i32
      %dma_start3A_760 = tpu.memref_slice %arg7[%dma_start3A_758, %dma_start3A_759] : memref<640x64xf32, #tpu.memory_space<vmem>> -> memref<128x64xf32, #tpu.memory_space<vmem>>
      %dma_start3A_761 = arith.constant 0 : i32
      %dma_start3A_762 = tpu.memref_slice %arg5[%dma_start3A_757, %dma_start3A_761] : memref<5x128xi32, #tpu.memory_space<vmem>> -> memref<1x128xi32, #tpu.memory_space<vmem>>
      %dma_start3A_763 = tpu.memref_squeeze %dma_start3A_762 : memref<1x128xi32, #tpu.memory_space<vmem>> -> memref<128xi32, #tpu.memory_space<vmem>>
      %dma_start3A_764 = arith.constant 0 : i32
      %dma_start3A_765 = arith.constant 0 : i32
      %dma_start3A_766 = tpu.memref_slice %arg3[%dma_start3A_764, %dma_start3A_765] : memref<1000000x64xf32, #tpu.memory_space<hbm>> -> memref<1000000x64xf32, #tpu.memory_space<hbm>>
      tpu.enqueue_indirect_dma source(%dma_start3A_766 : memref<1000000x64xf32, #tpu.memory_space<hbm>>) target(%dma_start3A_760 : memref<128x64xf32, #tpu.memory_space<vmem>>) offsets(%dma_start3A_763 : memref<128xi32, #tpu.memory_space<vmem>>) semaphore(%arg10 : memref<!tpu.dma_semaphore, #tpu.memory_space<semaphore_mem>>)
      %dma_wait3A_767 = arith.constant 0 : i32
      %dma_wait3A_768 = arith.constant 0 : i32
      %dma_wait3A_769 = tpu.memref_slice %arg3[%dma_wait3A_767, %dma_wait3A_768] : memref<1000000x64xf32, #tpu.memory_space<hbm>> -> memref<640x64xf32, #tpu.memory_space<hbm>>
      %dma_wait3A_770 = arith.constant 0 : i32
      %dma_wait3A_771 = arith.constant 0 : i32
      %dma_wait3A_772 = tpu.memref_slice %arg3[%dma_wait3A_770, %dma_wait3A_771] : memref<1000000x64xf32, #tpu.memory_space<hbm>> -> memref<640x64xf32, #tpu.memory_space<hbm>>
      tpu.wait_dma2 semaphore(%arg11 : memref<!tpu.dma_semaphore, #tpu.memory_space<semaphore_mem>>) src(%dma_wait3A_772 : memref<640x64xf32, #tpu.memory_space<hbm>>) dst(%arg8 : memref<640x64xf32, #tpu.memory_space<vmem>>)
      %add3A_773 = arith.constant 2 : i32
      %add3A_774 = arith.addi %add3A_710, %add3A_773 : i32
      %mul3A_775 = arith.constant 5 : i32
      %mul3A_776 = arith.muli %add3A_774, %mul3A_775 : i32
      %add3A_777 = arith.addi %mul3A_2, %mul3A_776 : i32
      %dma_start3A_778 = arith.constant 0 : i32
      %dma_start3A_779 = tpu.memref_slice %arg2[%add3A_777, %dma_start3A_778] : memref<25600x128xi32, #tpu.memory_space<hbm>> -> memref<5x128xi32, #tpu.memory_space<hbm>>
      %dma_start3A_780 = arith.constant 0 : i32
      %dma_start3A_781 = tpu.memref_slice %arg2[%add3A_777, %dma_start3A_780] : memref<25600x128xi32, #tpu.memory_space<hbm>> -> memref<5x128xi32, #tpu.memory_space<hbm>>
      tpu.enqueue_dma source(%dma_start3A_781 : memref<5x128xi32, #tpu.memory_space<hbm>>) target(%arg6 : memref<5x128xi32, #tpu.memory_space<vmem>>) target_semaphore(%arg12 : memref<!tpu.dma_semaphore, #tpu.memory_space<semaphore_mem>>)
      %mul3A_782 = arith.constant 5 : i32
      %mul3A_783 = arith.muli %add3A_710, %mul3A_782 : i32
      %add3A_784 = arith.addi %mul3A_2, %mul3A_783 : i32
      %add3A_785 = arith.constant 0 : i32
      %add3A_786 = arith.addi %add3A_784, %add3A_785 : i32
      %shift_right_arithmetic3A_787 = arith.constant 7 : i32
      %shift_right_arithmetic3A_788 = arith.shrsi %add3A_786, %shift_right_arithmetic3A_787 : i32
      %broadcast_in_dim3A_789 = arith.constant 0.000000e+00 : f32
      %broadcast_in_dim3A_790 = vector.broadcast %broadcast_in_dim3A_789 : f32 to vector<16xf32>
      %scan3A_791 = arith.constant 0 : i32
      %scan3A_792 = arith.constant 32 : i32
      %scan3A_793 = arith.addi %scan3A_791, %scan3A_792 : i32
      %scan3A_794 = arith.constant 1 : i32
      %scan3A_795:4 = scf.for %scan3A_946 = %scan3A_791 to %scan3A_793 step %scan3A_794 iter_args(%scan3A_947 = %broadcast_in_dim3A_790, %scan3A_948 = %broadcast_in_dim3A_790, %scan3A_949 = %broadcast_in_dim3A_790, %scan3A_950 = %broadcast_in_dim3A_790) -> (vector<16xf32>, vector<16xf32>, vector<16xf32>, vector<16xf32>)  : i32 {
        %mul3A_951 = arith.constant 4 : i32
        %mul3A_952 = arith.muli %scan3A_946, %mul3A_951 : i32
        %add3A_953 = arith.constant 0 : i32
        %add3A_954 = arith.addi %add3A_953, %mul3A_952 : i32
        %get3A = arith.index_cast %add3A_954 : i32 to index
        %get3A_955 = arith.constant 0 : index
        %get3A_956 = tpu.vector_load %arg8[%get3A, %get3A_955] {strides = array<i32>} : memref<640x64xf32, #tpu.memory_space<vmem>>, vector<1x16xf32>,
        %get3A_957 = vector.shape_cast %get3A_956 : vector<1x16xf32> to vector<16xf32>
        %add3A_958 = arith.constant 1 : i32
        %add3A_959 = arith.addi %add3A_954, %add3A_958 : i32
        %get3A_960 = arith.index_cast %add3A_959 : i32 to index
        %get3A_961 = arith.constant 0 : index
        %get3A_962 = tpu.vector_load %arg8[%get3A_960, %get3A_961] {strides = array<i32>} : memref<640x64xf32, #tpu.memory_space<vmem>>, vector<1x16xf32>,
        %get3A_963 = vector.shape_cast %get3A_962 : vector<1x16xf32> to vector<16xf32>
        %add3A_964 = arith.addf %get3A_957, %get3A_963 : vector<16xf32>
        %add3A_965 = arith.constant 2 : i32
        %add3A_966 = arith.addi %add3A_954, %add3A_965 : i32
        %get3A_967 = arith.index_cast %add3A_966 : i32 to index
        %get3A_968 = arith.constant 0 : index
        %get3A_969 = tpu.vector_load %arg8[%get3A_967, %get3A_968] {strides = array<i32>} : memref<640x64xf32, #tpu.memory_space<vmem>>, vector<1x16xf32>,
        %get3A_970 = vector.shape_cast %get3A_969 : vector<1x16xf32> to vector<16xf32>
        %add3A_971 = arith.constant 3 : i32
        %add3A_972 = arith.addi %add3A_954, %add3A_971 : i32
        %get3A_973 = arith.index_cast %add3A_972 : i32 to index
        %get3A_974 = arith.constant 0 : index
        %get3A_975 = tpu.vector_load %arg8[%get3A_973, %get3A_974] {strides = array<i32>} : memref<640x64xf32, #tpu.memory_space<vmem>>, vector<1x16xf32>,
        %get3A_976 = vector.shape_cast %get3A_975 : vector<1x16xf32> to vector<16xf32>
        %add3A_977 = arith.addf %get3A_970, %get3A_976 : vector<16xf32>
        %add3A_978 = arith.addf %add3A_964, %add3A_977 : vector<16xf32>
        %add3A_979 = arith.addf %scan3A_947, %add3A_978 : vector<16xf32>
        %get3A_980 = arith.index_cast %add3A_954 : i32 to index
        %get3A_981 = arith.constant 16 : index
        %get3A_982 = tpu.vector_load %arg8[%get3A_980, %get3A_981] {strides = array<i32>} : memref<640x64xf32, #tpu.memory_space<vmem>>, vector<1x16xf32>,
        %get3A_983 = vector.shape_cast %get3A_982 : vector<1x16xf32> to vector<16xf32>
        %add3A_984 = arith.constant 1 : i32
        %add3A_985 = arith.addi %add3A_954, %add3A_984 : i32
        %get3A_986 = arith.index_cast %add3A_985 : i32 to index
        %get3A_987 = arith.constant 16 : index
        %get3A_988 = tpu.vector_load %arg8[%get3A_986, %get3A_987] {strides = array<i32>} : memref<640x64xf32, #tpu.memory_space<vmem>>, vector<1x16xf32>,
        %get3A_989 = vector.shape_cast %get3A_988 : vector<1x16xf32> to vector<16xf32>
        %add3A_990 = arith.addf %get3A_983, %get3A_989 : vector<16xf32>
        %add3A_991 = arith.constant 2 : i32
        %add3A_992 = arith.addi %add3A_954, %add3A_991 : i32
        %get3A_993 = arith.index_cast %add3A_992 : i32 to index
        %get3A_994 = arith.constant 16 : index
        %get3A_995 = tpu.vector_load %arg8[%get3A_993, %get3A_994] {strides = array<i32>} : memref<640x64xf32, #tpu.memory_space<vmem>>, vector<1x16xf32>,
        %get3A_996 = vector.shape_cast %get3A_995 : vector<1x16xf32> to vector<16xf32>
        %add3A_997 = arith.constant 3 : i32
        %add3A_998 = arith.addi %add3A_954, %add3A_997 : i32
        %get3A_999 = arith.index_cast %add3A_998 : i32 to index
        %get3A_1000 = arith.constant 16 : index
        %get3A_1001 = tpu.vector_load %arg8[%get3A_999, %get3A_1000] {strides = array<i32>} : memref<640x64xf32, #tpu.memory_space<vmem>>, vector<1x16xf32>,
        %get3A_1002 = vector.shape_cast %get3A_1001 : vector<1x16xf32> to vector<16xf32>
        %add3A_1003 = arith.addf %get3A_996, %get3A_1002 : vector<16xf32>
        %add3A_1004 = arith.addf %add3A_990, %add3A_1003 : vector<16xf32>
        %add3A_1005 = arith.addf %scan3A_948, %add3A_1004 : vector<16xf32>
        %get3A_1006 = arith.index_cast %add3A_954 : i32 to index
        %get3A_1007 = arith.constant 32 : index
        %get3A_1008 = tpu.vector_load %arg8[%get3A_1006, %get3A_1007] {strides = array<i32>} : memref<640x64xf32, #tpu.memory_space<vmem>>, vector<1x16xf32>,
        %get3A_1009 = vector.shape_cast %get3A_1008 : vector<1x16xf32> to vector<16xf32>
        %add3A_1010 = arith.constant 1 : i32
        %add3A_1011 = arith.addi %add3A_954, %add3A_1010 : i32
        %get3A_1012 = arith.index_cast %add3A_1011 : i32 to index
        %get3A_1013 = arith.constant 32 : index
        %get3A_1014 = tpu.vector_load %arg8[%get3A_1012, %get3A_1013] {strides = array<i32>} : memref<640x64xf32, #tpu.memory_space<vmem>>, vector<1x16xf32>,
        %get3A_1015 = vector.shape_cast %get3A_1014 : vector<1x16xf32> to vector<16xf32>
        %add3A_1016 = arith.addf %get3A_1009, %get3A_1015 : vector<16xf32>
        %add3A_1017 = arith.constant 2 : i32
        %add3A_1018 = arith.addi %add3A_954, %add3A_1017 : i32
        %get3A_1019 = arith.index_cast %add3A_1018 : i32 to index
        %get3A_1020 = arith.constant 32 : index
        %get3A_1021 = tpu.vector_load %arg8[%get3A_1019, %get3A_1020] {strides = array<i32>} : memref<640x64xf32, #tpu.memory_space<vmem>>, vector<1x16xf32>,
        %get3A_1022 = vector.shape_cast %get3A_1021 : vector<1x16xf32> to vector<16xf32>
        %add3A_1023 = arith.constant 3 : i32
        %add3A_1024 = arith.addi %add3A_954, %add3A_1023 : i32
        %get3A_1025 = arith.index_cast %add3A_1024 : i32 to index
        %get3A_1026 = arith.constant 32 : index
        %get3A_1027 = tpu.vector_load %arg8[%get3A_1025, %get3A_1026] {strides = array<i32>} : memref<640x64xf32, #tpu.memory_space<vmem>>, vector<1x16xf32>,
        %get3A_1028 = vector.shape_cast %get3A_1027 : vector<1x16xf32> to vector<16xf32>
        %add3A_1029 = arith.addf %get3A_1022, %get3A_1028 : vector<16xf32>
        %add3A_1030 = arith.addf %add3A_1016, %add3A_1029 : vector<16xf32>
        %add3A_1031 = arith.addf %scan3A_949, %add3A_1030 : vector<16xf32>
        %get3A_1032 = arith.index_cast %add3A_954 : i32 to index
        %get3A_1033 = arith.constant 48 : index
        %get3A_1034 = tpu.vector_load %arg8[%get3A_1032, %get3A_1033] {strides = array<i32>} : memref<640x64xf32, #tpu.memory_space<vmem>>, vector<1x16xf32>,
        %get3A_1035 = vector.shape_cast %get3A_1034 : vector<1x16xf32> to vector<16xf32>
        %add3A_1036 = arith.constant 1 : i32
        %add3A_1037 = arith.addi %add3A_954, %add3A_1036 : i32
        %get3A_1038 = arith.index_cast %add3A_1037 : i32 to index
        %get3A_1039 = arith.constant 48 : index
        %get3A_1040 = tpu.vector_load %arg8[%get3A_1038, %get3A_1039] {strides = array<i32>} : memref<640x64xf32, #tpu.memory_space<vmem>>, vector<1x16xf32>,
        %get3A_1041 = vector.shape_cast %get3A_1040 : vector<1x16xf32> to vector<16xf32>
        %add3A_1042 = arith.addf %get3A_1035, %get3A_1041 : vector<16xf32>
        %add3A_1043 = arith.constant 2 : i32
        %add3A_1044 = arith.addi %add3A_954, %add3A_1043 : i32
        %get3A_1045 = arith.index_cast %add3A_1044 : i32 to index
        %get3A_1046 = arith.constant 48 : index
        %get3A_1047 = tpu.vector_load %arg8[%get3A_1045, %get3A_1046] {strides = array<i32>} : memref<640x64xf32, #tpu.memory_space<vmem>>, vector<1x16xf32>,
        %get3A_1048 = vector.shape_cast %get3A_1047 : vector<1x16xf32> to vector<16xf32>
        %add3A_1049 = arith.constant 3 : i32
        %add3A_1050 = arith.addi %add3A_954, %add3A_1049 : i32
        %get3A_1051 = arith.index_cast %add3A_1050 : i32 to index
        %get3A_1052 = arith.constant 48 : index
        %get3A_1053 = tpu.vector_load %arg8[%get3A_1051, %get3A_1052] {strides = array<i32>} : memref<640x64xf32, #tpu.memory_space<vmem>>, vector<1x16xf32>,
        %get3A_1054 = vector.shape_cast %get3A_1053 : vector<1x16xf32> to vector<16xf32>
        %add3A_1055 = arith.addf %get3A_1048, %get3A_1054 : vector<16xf32>
        %add3A_1056 = arith.addf %add3A_1042, %add3A_1055 : vector<16xf32>
        %add3A_1057 = arith.addf %scan3A_950, %add3A_1056 : vector<16xf32>
        scf.yield %add3A_979, %add3A_1005, %add3A_1031, %add3A_1057 : vector<16xf32>, vector<16xf32>, vector<16xf32>, vector<16xf32>
      }
      %scan3A_796 = arith.constant 32 : i32
      %swap3A_797 = arith.index_cast %shift_right_arithmetic3A_788 : i32 to index
      %swap3A_798 = arith.constant 0 : index
      %swap3A_799 = tpu.vector_load %arg9[%swap3A_797, %swap3A_798] {strides = array<i32>} : memref<200x64xf32, #tpu.memory_space<vmem>>, vector<1x16xf32>,
      %swap3A_800 = vector.shape_cast %swap3A_799 : vector<1x16xf32> to vector<16xf32>
      %swap3A_801 = vector.shape_cast %scan3A_795#0 : vector<16xf32> to vector<1x16xf32>
      tpu.vector_store %arg9[%swap3A_797, %swap3A_798], %swap3A_801 {add = true, strides = array<i32>} : memref<200x64xf32, #tpu.memory_space<vmem>>, vector<1x16xf32>,
      %swap3A_802 = arith.index_cast %shift_right_arithmetic3A_788 : i32 to index
      %swap3A_803 = arith.constant 16 : index
      %swap3A_804 = tpu.vector_load %arg9[%swap3A_802, %swap3A_803] {strides = array<i32>} : memref<200x64xf32, #tpu.memory_space<vmem>>, vector<1x16xf32>,
      %swap3A_805 = vector.shape_cast %swap3A_804 : vector<1x16xf32> to vector<16xf32>
      %swap3A_806 = vector.shape_cast %scan3A_795#1 : vector<16xf32> to vector<1x16xf32>
      tpu.vector_store %arg9[%swap3A_802, %swap3A_803], %swap3A_806 {add = true, strides = array<i32>} : memref<200x64xf32, #tpu.memory_space<vmem>>, vector<1x16xf32>,
      %swap3A_807 = arith.index_cast %shift_right_arithmetic3A_788 : i32 to index
      %swap3A_808 = arith.constant 32 : index
      %swap3A_809 = tpu.vector_load %arg9[%swap3A_807, %swap3A_808] {strides = array<i32>} : memref<200x64xf32, #tpu.memory_space<vmem>>, vector<1x16xf32>,
      %swap3A_810 = vector.shape_cast %swap3A_809 : vector<1x16xf32> to vector<16xf32>
      %swap3A_811 = vector.shape_cast %scan3A_795#2 : vector<16xf32> to vector<1x16xf32>
      tpu.vector_store %arg9[%swap3A_807, %swap3A_808], %swap3A_811 {add = true, strides = array<i32>} : memref<200x64xf32, #tpu.memory_space<vmem>>, vector<1x16xf32>,
      %swap3A_812 = arith.index_cast %shift_right_arithmetic3A_788 : i32 to index
      %swap3A_813 = arith.constant 48 : index
      %swap3A_814 = tpu.vector_load %arg9[%swap3A_812, %swap3A_813] {strides = array<i32>} : memref<200x64xf32, #tpu.memory_space<vmem>>, vector<1x16xf32>,
      %swap3A_815 = vector.shape_cast %swap3A_814 : vector<1x16xf32> to vector<16xf32>
      %swap3A_816 = vector.shape_cast %scan3A_795#3 : vector<16xf32> to vector<1x16xf32>
      tpu.vector_store %arg9[%swap3A_812, %swap3A_813], %swap3A_816 {add = true, strides = array<i32>} : memref<200x64xf32, #tpu.memory_space<vmem>>, vector<1x16xf32>,
      %add3A_817 = arith.constant 1 : i32
      %add3A_818 = arith.addi %add3A_784, %add3A_817 : i32
      %shift_right_arithmetic3A_819 = arith.constant 7 : i32
      %shift_right_arithmetic3A_820 = arith.shrsi %add3A_818, %shift_right_arithmetic3A_819 : i32
      %broadcast_in_dim3A_821 = arith.constant 0.000000e+00 : f32
      %broadcast_in_dim3A_822 = vector.broadcast %broadcast_in_dim3A_821 : f32 to vector<16xf32>
      %scan3A_823 = arith.constant 0 : i32
      %scan3A_824 = arith.constant 32 : i32
      %scan3A_825 = arith.addi %scan3A_823, %scan3A_824 : i32
      %scan3A_826 = arith.constant 1 : i32
      %scan3A_827:4 = scf.for %scan3A_946 = %scan3A_823 to %scan3A_825 step %scan3A_826 iter_args(%scan3A_947 = %broadcast_in_dim3A_822, %scan3A_948 = %broadcast_in_dim3A_822, %scan3A_949 = %broadcast_in_dim3A_822, %scan3A_950 = %broadcast_in_dim3A_822) -> (vector<16xf32>, vector<16xf32>, vector<16xf32>, vector<16xf32>)  : i32 {
        %mul3A_951 = arith.constant 4 : i32
        %mul3A_952 = arith.muli %scan3A_946, %mul3A_951 : i32
        %add3A_953 = arith.constant 128 : i32
        %add3A_954 = arith.addi %add3A_953, %mul3A_952 : i32
        %get3A = arith.index_cast %add3A_954 : i32 to index
        %get3A_955 = arith.constant 0 : index
        %get3A_956 = tpu.vector_load %arg8[%get3A, %get3A_955] {strides = array<i32>} : memref<640x64xf32, #tpu.memory_space<vmem>>, vector<1x16xf32>,
        %get3A_957 = vector.shape_cast %get3A_956 : vector<1x16xf32> to vector<16xf32>
        %add3A_958 = arith.constant 1 : i32
        %add3A_959 = arith.addi %add3A_954, %add3A_958 : i32
        %get3A_960 = arith.index_cast %add3A_959 : i32 to index
        %get3A_961 = arith.constant 0 : index
        %get3A_962 = tpu.vector_load %arg8[%get3A_960, %get3A_961] {strides = array<i32>} : memref<640x64xf32, #tpu.memory_space<vmem>>, vector<1x16xf32>,
        %get3A_963 = vector.shape_cast %get3A_962 : vector<1x16xf32> to vector<16xf32>
        %add3A_964 = arith.addf %get3A_957, %get3A_963 : vector<16xf32>
        %add3A_965 = arith.constant 2 : i32
        %add3A_966 = arith.addi %add3A_954, %add3A_965 : i32
        %get3A_967 = arith.index_cast %add3A_966 : i32 to index
        %get3A_968 = arith.constant 0 : index
        %get3A_969 = tpu.vector_load %arg8[%get3A_967, %get3A_968] {strides = array<i32>} : memref<640x64xf32, #tpu.memory_space<vmem>>, vector<1x16xf32>,
        %get3A_970 = vector.shape_cast %get3A_969 : vector<1x16xf32> to vector<16xf32>
        %add3A_971 = arith.constant 3 : i32
        %add3A_972 = arith.addi %add3A_954, %add3A_971 : i32
        %get3A_973 = arith.index_cast %add3A_972 : i32 to index
        %get3A_974 = arith.constant 0 : index
        %get3A_975 = tpu.vector_load %arg8[%get3A_973, %get3A_974] {strides = array<i32>} : memref<640x64xf32, #tpu.memory_space<vmem>>, vector<1x16xf32>,
        %get3A_976 = vector.shape_cast %get3A_975 : vector<1x16xf32> to vector<16xf32>
        %add3A_977 = arith.addf %get3A_970, %get3A_976 : vector<16xf32>
        %add3A_978 = arith.addf %add3A_964, %add3A_977 : vector<16xf32>
        %add3A_979 = arith.addf %scan3A_947, %add3A_978 : vector<16xf32>
        %get3A_980 = arith.index_cast %add3A_954 : i32 to index
        %get3A_981 = arith.constant 16 : index
        %get3A_982 = tpu.vector_load %arg8[%get3A_980, %get3A_981] {strides = array<i32>} : memref<640x64xf32, #tpu.memory_space<vmem>>, vector<1x16xf32>,
        %get3A_983 = vector.shape_cast %get3A_982 : vector<1x16xf32> to vector<16xf32>
        %add3A_984 = arith.constant 1 : i32
        %add3A_985 = arith.addi %add3A_954, %add3A_984 : i32
        %get3A_986 = arith.index_cast %add3A_985 : i32 to index
        %get3A_987 = arith.constant 16 : index
        %get3A_988 = tpu.vector_load %arg8[%get3A_986, %get3A_987] {strides = array<i32>} : memref<640x64xf32, #tpu.memory_space<vmem>>, vector<1x16xf32>,
        %get3A_989 = vector.shape_cast %get3A_988 : vector<1x16xf32> to vector<16xf32>
        %add3A_990 = arith.addf %get3A_983, %get3A_989 : vector<16xf32>
        %add3A_991 = arith.constant 2 : i32
        %add3A_992 = arith.addi %add3A_954, %add3A_991 : i32
        %get3A_993 = arith.index_cast %add3A_992 : i32 to index
        %get3A_994 = arith.constant 16 : index
        %get3A_995 = tpu.vector_load %arg8[%get3A_993, %get3A_994] {strides = array<i32>} : memref<640x64xf32, #tpu.memory_space<vmem>>, vector<1x16xf32>,
        %get3A_996 = vector.shape_cast %get3A_995 : vector<1x16xf32> to vector<16xf32>
        %add3A_997 = arith.constant 3 : i32
        %add3A_998 = arith.addi %add3A_954, %add3A_997 : i32
        %get3A_999 = arith.index_cast %add3A_998 : i32 to index
        %get3A_1000 = arith.constant 16 : index
        %get3A_1001 = tpu.vector_load %arg8[%get3A_999, %get3A_1000] {strides = array<i32>} : memref<640x64xf32, #tpu.memory_space<vmem>>, vector<1x16xf32>,
        %get3A_1002 = vector.shape_cast %get3A_1001 : vector<1x16xf32> to vector<16xf32>
        %add3A_1003 = arith.addf %get3A_996, %get3A_1002 : vector<16xf32>
        %add3A_1004 = arith.addf %add3A_990, %add3A_1003 : vector<16xf32>
        %add3A_1005 = arith.addf %scan3A_948, %add3A_1004 : vector<16xf32>
        %get3A_1006 = arith.index_cast %add3A_954 : i32 to index
        %get3A_1007 = arith.constant 32 : index
        %get3A_1008 = tpu.vector_load %arg8[%get3A_1006, %get3A_1007] {strides = array<i32>} : memref<640x64xf32, #tpu.memory_space<vmem>>, vector<1x16xf32>,
        %get3A_1009 = vector.shape_cast %get3A_1008 : vector<1x16xf32> to vector<16xf32>
        %add3A_1010 = arith.constant 1 : i32
        %add3A_1011 = arith.addi %add3A_954, %add3A_1010 : i32
        %get3A_1012 = arith.index_cast %add3A_1011 : i32 to index
        %get3A_1013 = arith.constant 32 : index
        %get3A_1014 = tpu.vector_load %arg8[%get3A_1012, %get3A_1013] {strides = array<i32>} : memref<640x64xf32, #tpu.memory_space<vmem>>, vector<1x16xf32>,
        %get3A_1015 = vector.shape_cast %get3A_1014 : vector<1x16xf32> to vector<16xf32>
        %add3A_1016 = arith.addf %get3A_1009, %get3A_1015 : vector<16xf32>
        %add3A_1017 = arith.constant 2 : i32
        %add3A_1018 = arith.addi %add3A_954, %add3A_1017 : i32
        %get3A_1019 = arith.index_cast %add3A_1018 : i32 to index
        %get3A_1020 = arith.constant 32 : index
        %get3A_1021 = tpu.vector_load %arg8[%get3A_1019, %get3A_1020] {strides = array<i32>} : memref<640x64xf32, #tpu.memory_space<vmem>>, vector<1x16xf32>,
        %get3A_1022 = vector.shape_cast %get3A_1021 : vector<1x16xf32> to vector<16xf32>
        %add3A_1023 = arith.constant 3 : i32
        %add3A_1024 = arith.addi %add3A_954, %add3A_1023 : i32
        %get3A_1025 = arith.index_cast %add3A_1024 : i32 to index
        %get3A_1026 = arith.constant 32 : index
        %get3A_1027 = tpu.vector_load %arg8[%get3A_1025, %get3A_1026] {strides = array<i32>} : memref<640x64xf32, #tpu.memory_space<vmem>>, vector<1x16xf32>,
        %get3A_1028 = vector.shape_cast %get3A_1027 : vector<1x16xf32> to vector<16xf32>
        %add3A_1029 = arith.addf %get3A_1022, %get3A_1028 : vector<16xf32>
        %add3A_1030 = arith.addf %add3A_1016, %add3A_1029 : vector<16xf32>
        %add3A_1031 = arith.addf %scan3A_949, %add3A_1030 : vector<16xf32>
        %get3A_1032 = arith.index_cast %add3A_954 : i32 to index
        %get3A_1033 = arith.constant 48 : index
        %get3A_1034 = tpu.vector_load %arg8[%get3A_1032, %get3A_1033] {strides = array<i32>} : memref<640x64xf32, #tpu.memory_space<vmem>>, vector<1x16xf32>,
        %get3A_1035 = vector.shape_cast %get3A_1034 : vector<1x16xf32> to vector<16xf32>
        %add3A_1036 = arith.constant 1 : i32
        %add3A_1037 = arith.addi %add3A_954, %add3A_1036 : i32
        %get3A_1038 = arith.index_cast %add3A_1037 : i32 to index
        %get3A_1039 = arith.constant 48 : index
        %get3A_1040 = tpu.vector_load %arg8[%get3A_1038, %get3A_1039] {strides = array<i32>} : memref<640x64xf32, #tpu.memory_space<vmem>>, vector<1x16xf32>,
        %get3A_1041 = vector.shape_cast %get3A_1040 : vector<1x16xf32> to vector<16xf32>
        %add3A_1042 = arith.addf %get3A_1035, %get3A_1041 : vector<16xf32>
        %add3A_1043 = arith.constant 2 : i32
        %add3A_1044 = arith.addi %add3A_954, %add3A_1043 : i32
        %get3A_1045 = arith.index_cast %add3A_1044 : i32 to index
        %get3A_1046 = arith.constant 48 : index
        %get3A_1047 = tpu.vector_load %arg8[%get3A_1045, %get3A_1046] {strides = array<i32>} : memref<640x64xf32, #tpu.memory_space<vmem>>, vector<1x16xf32>,
        %get3A_1048 = vector.shape_cast %get3A_1047 : vector<1x16xf32> to vector<16xf32>
        %add3A_1049 = arith.constant 3 : i32
        %add3A_1050 = arith.addi %add3A_954, %add3A_1049 : i32
        %get3A_1051 = arith.index_cast %add3A_1050 : i32 to index
        %get3A_1052 = arith.constant 48 : index
        %get3A_1053 = tpu.vector_load %arg8[%get3A_1051, %get3A_1052] {strides = array<i32>} : memref<640x64xf32, #tpu.memory_space<vmem>>, vector<1x16xf32>,
        %get3A_1054 = vector.shape_cast %get3A_1053 : vector<1x16xf32> to vector<16xf32>
        %add3A_1055 = arith.addf %get3A_1048, %get3A_1054 : vector<16xf32>
        %add3A_1056 = arith.addf %add3A_1042, %add3A_1055 : vector<16xf32>
        %add3A_1057 = arith.addf %scan3A_950, %add3A_1056 : vector<16xf32>
        scf.yield %add3A_979, %add3A_1005, %add3A_1031, %add3A_1057 : vector<16xf32>, vector<16xf32>, vector<16xf32>, vector<16xf32>
      }
      %scan3A_828 = arith.constant 32 : i32
      %swap3A_829 = arith.index_cast %shift_right_arithmetic3A_820 : i32 to index
      %swap3A_830 = arith.constant 0 : index
      %swap3A_831 = tpu.vector_load %arg9[%swap3A_829, %swap3A_830] {strides = array<i32>} : memref<200x64xf32, #tpu.memory_space<vmem>>, vector<1x16xf32>,
      %swap3A_832 = vector.shape_cast %swap3A_831 : vector<1x16xf32> to vector<16xf32>
      %swap3A_833 = vector.shape_cast %scan3A_827#0 : vector<16xf32> to vector<1x16xf32>
      tpu.vector_store %arg9[%swap3A_829, %swap3A_830], %swap3A_833 {add = true, strides = array<i32>} : memref<200x64xf32, #tpu.memory_space<vmem>>, vector<1x16xf32>,
      %swap3A_834 = arith.index_cast %shift_right_arithmetic3A_820 : i32 to index
      %swap3A_835 = arith.constant 16 : index
      %swap3A_836 = tpu.vector_load %arg9[%swap3A_834, %swap3A_835] {strides = array<i32>} : memref<200x64xf32, #tpu.memory_space<vmem>>, vector<1x16xf32>,
      %swap3A_837 = vector.shape_cast %swap3A_836 : vector<1x16xf32> to vector<16xf32>
      %swap3A_838 = vector.shape_cast %scan3A_827#1 : vector<16xf32> to vector<1x16xf32>
      tpu.vector_store %arg9[%swap3A_834, %swap3A_835], %swap3A_838 {add = true, strides = array<i32>} : memref<200x64xf32, #tpu.memory_space<vmem>>, vector<1x16xf32>,
      %swap3A_839 = arith.index_cast %shift_right_arithmetic3A_820 : i32 to index
      %swap3A_840 = arith.constant 32 : index
      %swap3A_841 = tpu.vector_load %arg9[%swap3A_839, %swap3A_840] {strides = array<i32>} : memref<200x64xf32, #tpu.memory_space<vmem>>, vector<1x16xf32>,
      %swap3A_842 = vector.shape_cast %swap3A_841 : vector<1x16xf32> to vector<16xf32>
      %swap3A_843 = vector.shape_cast %scan3A_827#2 : vector<16xf32> to vector<1x16xf32>
      tpu.vector_store %arg9[%swap3A_839, %swap3A_840], %swap3A_843 {add = true, strides = array<i32>} : memref<200x64xf32, #tpu.memory_space<vmem>>, vector<1x16xf32>,
      %swap3A_844 = arith.index_cast %shift_right_arithmetic3A_820 : i32 to index
      %swap3A_845 = arith.constant 48 : index
      %swap3A_846 = tpu.vector_load %arg9[%swap3A_844, %swap3A_845] {strides = array<i32>} : memref<200x64xf32, #tpu.memory_space<vmem>>, vector<1x16xf32>,
      %swap3A_847 = vector.shape_cast %swap3A_846 : vector<1x16xf32> to vector<16xf32>
      %swap3A_848 = vector.shape_cast %scan3A_827#3 : vector<16xf32> to vector<1x16xf32>
      tpu.vector_store %arg9[%swap3A_844, %swap3A_845], %swap3A_848 {add = true, strides = array<i32>} : memref<200x64xf32, #tpu.memory_space<vmem>>, vector<1x16xf32>,
      %add3A_849 = arith.constant 2 : i32
      %add3A_850 = arith.addi %add3A_784, %add3A_849 : i32
      %shift_right_arithmetic3A_851 = arith.constant 7 : i32
      %shift_right_arithmetic3A_852 = arith.shrsi %add3A_850, %shift_right_arithmetic3A_851 : i32
      %broadcast_in_dim3A_853 = arith.constant 0.000000e+00 : f32
      %broadcast_in_dim3A_854 = vector.broadcast %broadcast_in_dim3A_853 : f32 to vector<16xf32>
      %scan3A_855 = arith.constant 0 : i32
      %scan3A_856 = arith.constant 32 : i32
      %scan3A_857 = arith.addi %scan3A_855, %scan3A_856 : i32
      %scan3A_858 = arith.constant 1 : i32
      %scan3A_859:4 = scf.for %scan3A_946 = %scan3A_855 to %scan3A_857 step %scan3A_858 iter_args(%scan3A_947 = %broadcast_in_dim3A_854, %scan3A_948 = %broadcast_in_dim3A_854, %scan3A_949 = %broadcast_in_dim3A_854, %scan3A_950 = %broadcast_in_dim3A_854) -> (vector<16xf32>, vector<16xf32>, vector<16xf32>, vector<16xf32>)  : i32 {
        %mul3A_951 = arith.constant 4 : i32
        %mul3A_952 = arith.muli %scan3A_946, %mul3A_951 : i32
        %add3A_953 = arith.constant 256 : i32
        %add3A_954 = arith.addi %add3A_953, %mul3A_952 : i32
        %get3A = arith.index_cast %add3A_954 : i32 to index
        %get3A_955 = arith.constant 0 : index
        %get3A_956 = tpu.vector_load %arg8[%get3A, %get3A_955] {strides = array<i32>} : memref<640x64xf32, #tpu.memory_space<vmem>>, vector<1x16xf32>,
        %get3A_957 = vector.shape_cast %get3A_956 : vector<1x16xf32> to vector<16xf32>
        %add3A_958 = arith.constant 1 : i32
        %add3A_959 = arith.addi %add3A_954, %add3A_958 : i32
        %get3A_960 = arith.index_cast %add3A_959 : i32 to index
        %get3A_961 = arith.constant 0 : index
        %get3A_962 = tpu.vector_load %arg8[%get3A_960, %get3A_961] {strides = array<i32>} : memref<640x64xf32, #tpu.memory_space<vmem>>, vector<1x16xf32>,
        %get3A_963 = vector.shape_cast %get3A_962 : vector<1x16xf32> to vector<16xf32>
        %add3A_964 = arith.addf %get3A_957, %get3A_963 : vector<16xf32>
        %add3A_965 = arith.constant 2 : i32
        %add3A_966 = arith.addi %add3A_954, %add3A_965 : i32
        %get3A_967 = arith.index_cast %add3A_966 : i32 to index
        %get3A_968 = arith.constant 0 : index
        %get3A_969 = tpu.vector_load %arg8[%get3A_967, %get3A_968] {strides = array<i32>} : memref<640x64xf32, #tpu.memory_space<vmem>>, vector<1x16xf32>,
        %get3A_970 = vector.shape_cast %get3A_969 : vector<1x16xf32> to vector<16xf32>
        %add3A_971 = arith.constant 3 : i32
        %add3A_972 = arith.addi %add3A_954, %add3A_971 : i32
        %get3A_973 = arith.index_cast %add3A_972 : i32 to index
        %get3A_974 = arith.constant 0 : index
        %get3A_975 = tpu.vector_load %arg8[%get3A_973, %get3A_974] {strides = array<i32>} : memref<640x64xf32, #tpu.memory_space<vmem>>, vector<1x16xf32>,
        %get3A_976 = vector.shape_cast %get3A_975 : vector<1x16xf32> to vector<16xf32>
        %add3A_977 = arith.addf %get3A_970, %get3A_976 : vector<16xf32>
        %add3A_978 = arith.addf %add3A_964, %add3A_977 : vector<16xf32>
        %add3A_979 = arith.addf %scan3A_947, %add3A_978 : vector<16xf32>
        %get3A_980 = arith.index_cast %add3A_954 : i32 to index
        %get3A_981 = arith.constant 16 : index
        %get3A_982 = tpu.vector_load %arg8[%get3A_980, %get3A_981] {strides = array<i32>} : memref<640x64xf32, #tpu.memory_space<vmem>>, vector<1x16xf32>,
        %get3A_983 = vector.shape_cast %get3A_982 : vector<1x16xf32> to vector<16xf32>
        %add3A_984 = arith.constant 1 : i32
        %add3A_985 = arith.addi %add3A_954, %add3A_984 : i32
        %get3A_986 = arith.index_cast %add3A_985 : i32 to index
        %get3A_987 = arith.constant 16 : index
        %get3A_988 = tpu.vector_load %arg8[%get3A_986, %get3A_987] {strides = array<i32>} : memref<640x64xf32, #tpu.memory_space<vmem>>, vector<1x16xf32>,
        %get3A_989 = vector.shape_cast %get3A_988 : vector<1x16xf32> to vector<16xf32>
        %add3A_990 = arith.addf %get3A_983, %get3A_989 : vector<16xf32>
        %add3A_991 = arith.constant 2 : i32
        %add3A_992 = arith.addi %add3A_954, %add3A_991 : i32
        %get3A_993 = arith.index_cast %add3A_992 : i32 to index
        %get3A_994 = arith.constant 16 : index
        %get3A_995 = tpu.vector_load %arg8[%get3A_993, %get3A_994] {strides = array<i32>} : memref<640x64xf32, #tpu.memory_space<vmem>>, vector<1x16xf32>,
        %get3A_996 = vector.shape_cast %get3A_995 : vector<1x16xf32> to vector<16xf32>
        %add3A_997 = arith.constant 3 : i32
        %add3A_998 = arith.addi %add3A_954, %add3A_997 : i32
        %get3A_999 = arith.index_cast %add3A_998 : i32 to index
        %get3A_1000 = arith.constant 16 : index
        %get3A_1001 = tpu.vector_load %arg8[%get3A_999, %get3A_1000] {strides = array<i32>} : memref<640x64xf32, #tpu.memory_space<vmem>>, vector<1x16xf32>,
        %get3A_1002 = vector.shape_cast %get3A_1001 : vector<1x16xf32> to vector<16xf32>
        %add3A_1003 = arith.addf %get3A_996, %get3A_1002 : vector<16xf32>
        %add3A_1004 = arith.addf %add3A_990, %add3A_1003 : vector<16xf32>
        %add3A_1005 = arith.addf %scan3A_948, %add3A_1004 : vector<16xf32>
        %get3A_1006 = arith.index_cast %add3A_954 : i32 to index
        %get3A_1007 = arith.constant 32 : index
        %get3A_1008 = tpu.vector_load %arg8[%get3A_1006, %get3A_1007] {strides = array<i32>} : memref<640x64xf32, #tpu.memory_space<vmem>>, vector<1x16xf32>,
        %get3A_1009 = vector.shape_cast %get3A_1008 : vector<1x16xf32> to vector<16xf32>
        %add3A_1010 = arith.constant 1 : i32
        %add3A_1011 = arith.addi %add3A_954, %add3A_1010 : i32
        %get3A_1012 = arith.index_cast %add3A_1011 : i32 to index
        %get3A_1013 = arith.constant 32 : index
        %get3A_1014 = tpu.vector_load %arg8[%get3A_1012, %get3A_1013] {strides = array<i32>} : memref<640x64xf32, #tpu.memory_space<vmem>>, vector<1x16xf32>,
        %get3A_1015 = vector.shape_cast %get3A_1014 : vector<1x16xf32> to vector<16xf32>
        %add3A_1016 = arith.addf %get3A_1009, %get3A_1015 : vector<16xf32>
        %add3A_1017 = arith.constant 2 : i32
        %add3A_1018 = arith.addi %add3A_954, %add3A_1017 : i32
        %get3A_1019 = arith.index_cast %add3A_1018 : i32 to index
        %get3A_1020 = arith.constant 32 : index
        %get3A_1021 = tpu.vector_load %arg8[%get3A_1019, %get3A_1020] {strides = array<i32>} : memref<640x64xf32, #tpu.memory_space<vmem>>, vector<1x16xf32>,
        %get3A_1022 = vector.shape_cast %get3A_1021 : vector<1x16xf32> to vector<16xf32>
        %add3A_1023 = arith.constant 3 : i32
        %add3A_1024 = arith.addi %add3A_954, %add3A_1023 : i32
        %get3A_1025 = arith.index_cast %add3A_1024 : i32 to index
        %get3A_1026 = arith.constant 32 : index
        %get3A_1027 = tpu.vector_load %arg8[%get3A_1025, %get3A_1026] {strides = array<i32>} : memref<640x64xf32, #tpu.memory_space<vmem>>, vector<1x16xf32>,
        %get3A_1028 = vector.shape_cast %get3A_1027 : vector<1x16xf32> to vector<16xf32>
        %add3A_1029 = arith.addf %get3A_1022, %get3A_1028 : vector<16xf32>
        %add3A_1030 = arith.addf %add3A_1016, %add3A_1029 : vector<16xf32>
        %add3A_1031 = arith.addf %scan3A_949, %add3A_1030 : vector<16xf32>
        %get3A_1032 = arith.index_cast %add3A_954 : i32 to index
        %get3A_1033 = arith.constant 48 : index
        %get3A_1034 = tpu.vector_load %arg8[%get3A_1032, %get3A_1033] {strides = array<i32>} : memref<640x64xf32, #tpu.memory_space<vmem>>, vector<1x16xf32>,
        %get3A_1035 = vector.shape_cast %get3A_1034 : vector<1x16xf32> to vector<16xf32>
        %add3A_1036 = arith.constant 1 : i32
        %add3A_1037 = arith.addi %add3A_954, %add3A_1036 : i32
        %get3A_1038 = arith.index_cast %add3A_1037 : i32 to index
        %get3A_1039 = arith.constant 48 : index
        %get3A_1040 = tpu.vector_load %arg8[%get3A_1038, %get3A_1039] {strides = array<i32>} : memref<640x64xf32, #tpu.memory_space<vmem>>, vector<1x16xf32>,
        %get3A_1041 = vector.shape_cast %get3A_1040 : vector<1x16xf32> to vector<16xf32>
        %add3A_1042 = arith.addf %get3A_1035, %get3A_1041 : vector<16xf32>
        %add3A_1043 = arith.constant 2 : i32
        %add3A_1044 = arith.addi %add3A_954, %add3A_1043 : i32
        %get3A_1045 = arith.index_cast %add3A_1044 : i32 to index
        %get3A_1046 = arith.constant 48 : index
        %get3A_1047 = tpu.vector_load %arg8[%get3A_1045, %get3A_1046] {strides = array<i32>} : memref<640x64xf32, #tpu.memory_space<vmem>>, vector<1x16xf32>,
        %get3A_1048 = vector.shape_cast %get3A_1047 : vector<1x16xf32> to vector<16xf32>
        %add3A_1049 = arith.constant 3 : i32
        %add3A_1050 = arith.addi %add3A_954, %add3A_1049 : i32
        %get3A_1051 = arith.index_cast %add3A_1050 : i32 to index
        %get3A_1052 = arith.constant 48 : index
        %get3A_1053 = tpu.vector_load %arg8[%get3A_1051, %get3A_1052] {strides = array<i32>} : memref<640x64xf32, #tpu.memory_space<vmem>>, vector<1x16xf32>,
        %get3A_1054 = vector.shape_cast %get3A_1053 : vector<1x16xf32> to vector<16xf32>
        %add3A_1055 = arith.addf %get3A_1048, %get3A_1054 : vector<16xf32>
        %add3A_1056 = arith.addf %add3A_1042, %add3A_1055 : vector<16xf32>
        %add3A_1057 = arith.addf %scan3A_950, %add3A_1056 : vector<16xf32>
        scf.yield %add3A_979, %add3A_1005, %add3A_1031, %add3A_1057 : vector<16xf32>, vector<16xf32>, vector<16xf32>, vector<16xf32>
      }
      %scan3A_860 = arith.constant 32 : i32
      %swap3A_861 = arith.index_cast %shift_right_arithmetic3A_852 : i32 to index
      %swap3A_862 = arith.constant 0 : index
      %swap3A_863 = tpu.vector_load %arg9[%swap3A_861, %swap3A_862] {strides = array<i32>} : memref<200x64xf32, #tpu.memory_space<vmem>>, vector<1x16xf32>,
      %swap3A_864 = vector.shape_cast %swap3A_863 : vector<1x16xf32> to vector<16xf32>
      %swap3A_865 = vector.shape_cast %scan3A_859#0 : vector<16xf32> to vector<1x16xf32>
      tpu.vector_store %arg9[%swap3A_861, %swap3A_862], %swap3A_865 {add = true, strides = array<i32>} : memref<200x64xf32, #tpu.memory_space<vmem>>, vector<1x16xf32>,
      %swap3A_866 = arith.index_cast %shift_right_arithmetic3A_852 : i32 to index
      %swap3A_867 = arith.constant 16 : index
      %swap3A_868 = tpu.vector_load %arg9[%swap3A_866, %swap3A_867] {strides = array<i32>} : memref<200x64xf32, #tpu.memory_space<vmem>>, vector<1x16xf32>,
      %swap3A_869 = vector.shape_cast %swap3A_868 : vector<1x16xf32> to vector<16xf32>
      %swap3A_870 = vector.shape_cast %scan3A_859#1 : vector<16xf32> to vector<1x16xf32>
      tpu.vector_store %arg9[%swap3A_866, %swap3A_867], %swap3A_870 {add = true, strides = array<i32>} : memref<200x64xf32, #tpu.memory_space<vmem>>, vector<1x16xf32>,
      %swap3A_871 = arith.index_cast %shift_right_arithmetic3A_852 : i32 to index
      %swap3A_872 = arith.constant 32 : index
      %swap3A_873 = tpu.vector_load %arg9[%swap3A_871, %swap3A_872] {strides = array<i32>} : memref<200x64xf32, #tpu.memory_space<vmem>>, vector<1x16xf32>,
      %swap3A_874 = vector.shape_cast %swap3A_873 : vector<1x16xf32> to vector<16xf32>
      %swap3A_875 = vector.shape_cast %scan3A_859#2 : vector<16xf32> to vector<1x16xf32>
      tpu.vector_store %arg9[%swap3A_871, %swap3A_872], %swap3A_875 {add = true, strides = array<i32>} : memref<200x64xf32, #tpu.memory_space<vmem>>, vector<1x16xf32>,
      %swap3A_876 = arith.index_cast %shift_right_arithmetic3A_852 : i32 to index
      %swap3A_877 = arith.constant 48 : index
      %swap3A_878 = tpu.vector_load %arg9[%swap3A_876, %swap3A_877] {strides = array<i32>} : memref<200x64xf32, #tpu.memory_space<vmem>>, vector<1x16xf32>,
      %swap3A_879 = vector.shape_cast %swap3A_878 : vector<1x16xf32> to vector<16xf32>
      %swap3A_880 = vector.shape_cast %scan3A_859#3 : vector<16xf32> to vector<1x16xf32>
      tpu.vector_store %arg9[%swap3A_876, %swap3A_877], %swap3A_880 {add = true, strides = array<i32>} : memref<200x64xf32, #tpu.memory_space<vmem>>, vector<1x16xf32>,
      %add3A_881 = arith.constant 3 : i32
      %add3A_882 = arith.addi %add3A_784, %add3A_881 : i32
      %shift_right_arithmetic3A_883 = arith.constant 7 : i32
      %shift_right_arithmetic3A_884 = arith.shrsi %add3A_882, %shift_right_arithmetic3A_883 : i32
      %broadcast_in_dim3A_885 = arith.constant 0.000000e+00 : f32
      %broadcast_in_dim3A_886 = vector.broadcast %broadcast_in_dim3A_885 : f32 to vector<16xf32>
      %scan3A_887 = arith.constant 0 : i32
      %scan3A_888 = arith.constant 32 : i32
      %scan3A_889 = arith.addi %scan3A_887, %scan3A_888 : i32
      %scan3A_890 = arith.constant 1 : i32
      %scan3A_891:4 = scf.for %scan3A_946 = %scan3A_887 to %scan3A_889 step %scan3A_890 iter_args(%scan3A_947 = %broadcast_in_dim3A_886, %scan3A_948 = %broadcast_in_dim3A_886, %scan3A_949 = %broadcast_in_dim3A_886, %scan3A_950 = %broadcast_in_dim3A_886) -> (vector<16xf32>, vector<16xf32>, vector<16xf32>, vector<16xf32>)  : i32 {
        %mul3A_951 = arith.constant 4 : i32
        %mul3A_952 = arith.muli %scan3A_946, %mul3A_951 : i32
        %add3A_953 = arith.constant 384 : i32
        %add3A_954 = arith.addi %add3A_953, %mul3A_952 : i32
        %get3A = arith.index_cast %add3A_954 : i32 to index
        %get3A_955 = arith.constant 0 : index
        %get3A_956 = tpu.vector_load %arg8[%get3A, %get3A_955] {strides = array<i32>} : memref<640x64xf32, #tpu.memory_space<vmem>>, vector<1x16xf32>,
        %get3A_957 = vector.shape_cast %get3A_956 : vector<1x16xf32> to vector<16xf32>
        %add3A_958 = arith.constant 1 : i32
        %add3A_959 = arith.addi %add3A_954, %add3A_958 : i32
        %get3A_960 = arith.index_cast %add3A_959 : i32 to index
        %get3A_961 = arith.constant 0 : index
        %get3A_962 = tpu.vector_load %arg8[%get3A_960, %get3A_961] {strides = array<i32>} : memref<640x64xf32, #tpu.memory_space<vmem>>, vector<1x16xf32>,
        %get3A_963 = vector.shape_cast %get3A_962 : vector<1x16xf32> to vector<16xf32>
        %add3A_964 = arith.addf %get3A_957, %get3A_963 : vector<16xf32>
        %add3A_965 = arith.constant 2 : i32
        %add3A_966 = arith.addi %add3A_954, %add3A_965 : i32
        %get3A_967 = arith.index_cast %add3A_966 : i32 to index
        %get3A_968 = arith.constant 0 : index
        %get3A_969 = tpu.vector_load %arg8[%get3A_967, %get3A_968] {strides = array<i32>} : memref<640x64xf32, #tpu.memory_space<vmem>>, vector<1x16xf32>,
        %get3A_970 = vector.shape_cast %get3A_969 : vector<1x16xf32> to vector<16xf32>
        %add3A_971 = arith.constant 3 : i32
        %add3A_972 = arith.addi %add3A_954, %add3A_971 : i32
        %get3A_973 = arith.index_cast %add3A_972 : i32 to index
        %get3A_974 = arith.constant 0 : index
        %get3A_975 = tpu.vector_load %arg8[%get3A_973, %get3A_974] {strides = array<i32>} : memref<640x64xf32, #tpu.memory_space<vmem>>, vector<1x16xf32>,
        %get3A_976 = vector.shape_cast %get3A_975 : vector<1x16xf32> to vector<16xf32>
        %add3A_977 = arith.addf %get3A_970, %get3A_976 : vector<16xf32>
        %add3A_978 = arith.addf %add3A_964, %add3A_977 : vector<16xf32>
        %add3A_979 = arith.addf %scan3A_947, %add3A_978 : vector<16xf32>
        %get3A_980 = arith.index_cast %add3A_954 : i32 to index
        %get3A_981 = arith.constant 16 : index
        %get3A_982 = tpu.vector_load %arg8[%get3A_980, %get3A_981] {strides = array<i32>} : memref<640x64xf32, #tpu.memory_space<vmem>>, vector<1x16xf32>,
        %get3A_983 = vector.shape_cast %get3A_982 : vector<1x16xf32> to vector<16xf32>
        %add3A_984 = arith.constant 1 : i32
        %add3A_985 = arith.addi %add3A_954, %add3A_984 : i32
        %get3A_986 = arith.index_cast %add3A_985 : i32 to index
        %get3A_987 = arith.constant 16 : index
        %get3A_988 = tpu.vector_load %arg8[%get3A_986, %get3A_987] {strides = array<i32>} : memref<640x64xf32, #tpu.memory_space<vmem>>, vector<1x16xf32>,
        %get3A_989 = vector.shape_cast %get3A_988 : vector<1x16xf32> to vector<16xf32>
        %add3A_990 = arith.addf %get3A_983, %get3A_989 : vector<16xf32>
        %add3A_991 = arith.constant 2 : i32
        %add3A_992 = arith.addi %add3A_954, %add3A_991 : i32
        %get3A_993 = arith.index_cast %add3A_992 : i32 to index
        %get3A_994 = arith.constant 16 : index
        %get3A_995 = tpu.vector_load %arg8[%get3A_993, %get3A_994] {strides = array<i32>} : memref<640x64xf32, #tpu.memory_space<vmem>>, vector<1x16xf32>,
        %get3A_996 = vector.shape_cast %get3A_995 : vector<1x16xf32> to vector<16xf32>
        %add3A_997 = arith.constant 3 : i32
        %add3A_998 = arith.addi %add3A_954, %add3A_997 : i32
        %get3A_999 = arith.index_cast %add3A_998 : i32 to index
        %get3A_1000 = arith.constant 16 : index
        %get3A_1001 = tpu.vector_load %arg8[%get3A_999, %get3A_1000] {strides = array<i32>} : memref<640x64xf32, #tpu.memory_space<vmem>>, vector<1x16xf32>,
        %get3A_1002 = vector.shape_cast %get3A_1001 : vector<1x16xf32> to vector<16xf32>
        %add3A_1003 = arith.addf %get3A_996, %get3A_1002 : vector<16xf32>
        %add3A_1004 = arith.addf %add3A_990, %add3A_1003 : vector<16xf32>
        %add3A_1005 = arith.addf %scan3A_948, %add3A_1004 : vector<16xf32>
        %get3A_1006 = arith.index_cast %add3A_954 : i32 to index
        %get3A_1007 = arith.constant 32 : index
        %get3A_1008 = tpu.vector_load %arg8[%get3A_1006, %get3A_1007] {strides = array<i32>} : memref<640x64xf32, #tpu.memory_space<vmem>>, vector<1x16xf32>,
        %get3A_1009 = vector.shape_cast %get3A_1008 : vector<1x16xf32> to vector<16xf32>
        %add3A_1010 = arith.constant 1 : i32
        %add3A_1011 = arith.addi %add3A_954, %add3A_1010 : i32
        %get3A_1012 = arith.index_cast %add3A_1011 : i32 to index
        %get3A_1013 = arith.constant 32 : index
        %get3A_1014 = tpu.vector_load %arg8[%get3A_1012, %get3A_1013] {strides = array<i32>} : memref<640x64xf32, #tpu.memory_space<vmem>>, vector<1x16xf32>,
        %get3A_1015 = vector.shape_cast %get3A_1014 : vector<1x16xf32> to vector<16xf32>
        %add3A_1016 = arith.addf %get3A_1009, %get3A_1015 : vector<16xf32>
        %add3A_1017 = arith.constant 2 : i32
        %add3A_1018 = arith.addi %add3A_954, %add3A_1017 : i32
        %get3A_1019 = arith.index_cast %add3A_1018 : i32 to index
        %get3A_1020 = arith.constant 32 : index
        %get3A_1021 = tpu.vector_load %arg8[%get3A_1019, %get3A_1020] {strides = array<i32>} : memref<640x64xf32, #tpu.memory_space<vmem>>, vector<1x16xf32>,
        %get3A_1022 = vector.shape_cast %get3A_1021 : vector<1x16xf32> to vector<16xf32>
        %add3A_1023 = arith.constant 3 : i32
        %add3A_1024 = arith.addi %add3A_954, %add3A_1023 : i32
        %get3A_1025 = arith.index_cast %add3A_1024 : i32 to index
        %get3A_1026 = arith.constant 32 : index
        %get3A_1027 = tpu.vector_load %arg8[%get3A_1025, %get3A_1026] {strides = array<i32>} : memref<640x64xf32, #tpu.memory_space<vmem>>, vector<1x16xf32>,
        %get3A_1028 = vector.shape_cast %get3A_1027 : vector<1x16xf32> to vector<16xf32>
        %add3A_1029 = arith.addf %get3A_1022, %get3A_1028 : vector<16xf32>
        %add3A_1030 = arith.addf %add3A_1016, %add3A_1029 : vector<16xf32>
        %add3A_1031 = arith.addf %scan3A_949, %add3A_1030 : vector<16xf32>
        %get3A_1032 = arith.index_cast %add3A_954 : i32 to index
        %get3A_1033 = arith.constant 48 : index
        %get3A_1034 = tpu.vector_load %arg8[%get3A_1032, %get3A_1033] {strides = array<i32>} : memref<640x64xf32, #tpu.memory_space<vmem>>, vector<1x16xf32>,
        %get3A_1035 = vector.shape_cast %get3A_1034 : vector<1x16xf32> to vector<16xf32>
        %add3A_1036 = arith.constant 1 : i32
        %add3A_1037 = arith.addi %add3A_954, %add3A_1036 : i32
        %get3A_1038 = arith.index_cast %add3A_1037 : i32 to index
        %get3A_1039 = arith.constant 48 : index
        %get3A_1040 = tpu.vector_load %arg8[%get3A_1038, %get3A_1039] {strides = array<i32>} : memref<640x64xf32, #tpu.memory_space<vmem>>, vector<1x16xf32>,
        %get3A_1041 = vector.shape_cast %get3A_1040 : vector<1x16xf32> to vector<16xf32>
        %add3A_1042 = arith.addf %get3A_1035, %get3A_1041 : vector<16xf32>
        %add3A_1043 = arith.constant 2 : i32
        %add3A_1044 = arith.addi %add3A_954, %add3A_1043 : i32
        %get3A_1045 = arith.index_cast %add3A_1044 : i32 to index
        %get3A_1046 = arith.constant 48 : index
        %get3A_1047 = tpu.vector_load %arg8[%get3A_1045, %get3A_1046] {strides = array<i32>} : memref<640x64xf32, #tpu.memory_space<vmem>>, vector<1x16xf32>,
        %get3A_1048 = vector.shape_cast %get3A_1047 : vector<1x16xf32> to vector<16xf32>
        %add3A_1049 = arith.constant 3 : i32
        %add3A_1050 = arith.addi %add3A_954, %add3A_1049 : i32
        %get3A_1051 = arith.index_cast %add3A_1050 : i32 to index
        %get3A_1052 = arith.constant 48 : index
        %get3A_1053 = tpu.vector_load %arg8[%get3A_1051, %get3A_1052] {strides = array<i32>} : memref<640x64xf32, #tpu.memory_space<vmem>>, vector<1x16xf32>,
        %get3A_1054 = vector.shape_cast %get3A_1053 : vector<1x16xf32> to vector<16xf32>
        %add3A_1055 = arith.addf %get3A_1048, %get3A_1054 : vector<16xf32>
        %add3A_1056 = arith.addf %add3A_1042, %add3A_1055 : vector<16xf32>
        %add3A_1057 = arith.addf %scan3A_950, %add3A_1056 : vector<16xf32>
        scf.yield %add3A_979, %add3A_1005, %add3A_1031, %add3A_1057 : vector<16xf32>, vector<16xf32>, vector<16xf32>, vector<16xf32>
      }
      %scan3A_892 = arith.constant 32 : i32
      %swap3A_893 = arith.index_cast %shift_right_arithmetic3A_884 : i32 to index
      %swap3A_894 = arith.constant 0 : index
      %swap3A_895 = tpu.vector_load %arg9[%swap3A_893, %swap3A_894] {strides = array<i32>} : memref<200x64xf32, #tpu.memory_space<vmem>>, vector<1x16xf32>,
      %swap3A_896 = vector.shape_cast %swap3A_895 : vector<1x16xf32> to vector<16xf32>
      %swap3A_897 = vector.shape_cast %scan3A_891#0 : vector<16xf32> to vector<1x16xf32>
      tpu.vector_store %arg9[%swap3A_893, %swap3A_894], %swap3A_897 {add = true, strides = array<i32>} : memref<200x64xf32, #tpu.memory_space<vmem>>, vector<1x16xf32>,
      %swap3A_898 = arith.index_cast %shift_right_arithmetic3A_884 : i32 to index
      %swap3A_899 = arith.constant 16 : index
      %swap3A_900 = tpu.vector_load %arg9[%swap3A_898, %swap3A_899] {strides = array<i32>} : memref<200x64xf32, #tpu.memory_space<vmem>>, vector<1x16xf32>,
      %swap3A_901 = vector.shape_cast %swap3A_900 : vector<1x16xf32> to vector<16xf32>
      %swap3A_902 = vector.shape_cast %scan3A_891#1 : vector<16xf32> to vector<1x16xf32>
      tpu.vector_store %arg9[%swap3A_898, %swap3A_899], %swap3A_902 {add = true, strides = array<i32>} : memref<200x64xf32, #tpu.memory_space<vmem>>, vector<1x16xf32>,
      %swap3A_903 = arith.index_cast %shift_right_arithmetic3A_884 : i32 to index
      %swap3A_904 = arith.constant 32 : index
      %swap3A_905 = tpu.vector_load %arg9[%swap3A_903, %swap3A_904] {strides = array<i32>} : memref<200x64xf32, #tpu.memory_space<vmem>>, vector<1x16xf32>,
      %swap3A_906 = vector.shape_cast %swap3A_905 : vector<1x16xf32> to vector<16xf32>
      %swap3A_907 = vector.shape_cast %scan3A_891#2 : vector<16xf32> to vector<1x16xf32>
      tpu.vector_store %arg9[%swap3A_903, %swap3A_904], %swap3A_907 {add = true, strides = array<i32>} : memref<200x64xf32, #tpu.memory_space<vmem>>, vector<1x16xf32>,
      %swap3A_908 = arith.index_cast %shift_right_arithmetic3A_884 : i32 to index
      %swap3A_909 = arith.constant 48 : index
      %swap3A_910 = tpu.vector_load %arg9[%swap3A_908, %swap3A_909] {strides = array<i32>} : memref<200x64xf32, #tpu.memory_space<vmem>>, vector<1x16xf32>,
      %swap3A_911 = vector.shape_cast %swap3A_910 : vector<1x16xf32> to vector<16xf32>
      %swap3A_912 = vector.shape_cast %scan3A_891#3 : vector<16xf32> to vector<1x16xf32>
      tpu.vector_store %arg9[%swap3A_908, %swap3A_909], %swap3A_912 {add = true, strides = array<i32>} : memref<200x64xf32, #tpu.memory_space<vmem>>, vector<1x16xf32>,
      %add3A_913 = arith.constant 4 : i32
      %add3A_914 = arith.addi %add3A_784, %add3A_913 : i32
      %shift_right_arithmetic3A_915 = arith.constant 7 : i32
      %shift_right_arithmetic3A_916 = arith.shrsi %add3A_914, %shift_right_arithmetic3A_915 : i32
      %broadcast_in_dim3A_917 = arith.constant 0.000000e+00 : f32
      %broadcast_in_dim3A_918 = vector.broadcast %broadcast_in_dim3A_917 : f32 to vector<16xf32>
      %scan3A_919 = arith.constant 0 : i32
      %scan3A_920 = arith.constant 32 : i32
      %scan3A_921 = arith.addi %scan3A_919, %scan3A_920 : i32
      %scan3A_922 = arith.constant 1 : i32
      %scan3A_923:4 = scf.for %scan3A_946 = %scan3A_919 to %scan3A_921 step %scan3A_922 iter_args(%scan3A_947 = %broadcast_in_dim3A_918, %scan3A_948 = %broadcast_in_dim3A_918, %scan3A_949 = %broadcast_in_dim3A_918, %scan3A_950 = %broadcast_in_dim3A_918) -> (vector<16xf32>, vector<16xf32>, vector<16xf32>, vector<16xf32>)  : i32 {
        %mul3A_951 = arith.constant 4 : i32
        %mul3A_952 = arith.muli %scan3A_946, %mul3A_951 : i32
        %add3A_953 = arith.constant 512 : i32
        %add3A_954 = arith.addi %add3A_953, %mul3A_952 : i32
        %get3A = arith.index_cast %add3A_954 : i32 to index
        %get3A_955 = arith.constant 0 : index
        %get3A_956 = tpu.vector_load %arg8[%get3A, %get3A_955] {strides = array<i32>} : memref<640x64xf32, #tpu.memory_space<vmem>>, vector<1x16xf32>,
        %get3A_957 = vector.shape_cast %get3A_956 : vector<1x16xf32> to vector<16xf32>
        %add3A_958 = arith.constant 1 : i32
        %add3A_959 = arith.addi %add3A_954, %add3A_958 : i32
        %get3A_960 = arith.index_cast %add3A_959 : i32 to index
        %get3A_961 = arith.constant 0 : index
        %get3A_962 = tpu.vector_load %arg8[%get3A_960, %get3A_961] {strides = array<i32>} : memref<640x64xf32, #tpu.memory_space<vmem>>, vector<1x16xf32>,
        %get3A_963 = vector.shape_cast %get3A_962 : vector<1x16xf32> to vector<16xf32>
        %add3A_964 = arith.addf %get3A_957, %get3A_963 : vector<16xf32>
        %add3A_965 = arith.constant 2 : i32
        %add3A_966 = arith.addi %add3A_954, %add3A_965 : i32
        %get3A_967 = arith.index_cast %add3A_966 : i32 to index
        %get3A_968 = arith.constant 0 : index
        %get3A_969 = tpu.vector_load %arg8[%get3A_967, %get3A_968] {strides = array<i32>} : memref<640x64xf32, #tpu.memory_space<vmem>>, vector<1x16xf32>,
        %get3A_970 = vector.shape_cast %get3A_969 : vector<1x16xf32> to vector<16xf32>
        %add3A_971 = arith.constant 3 : i32
        %add3A_972 = arith.addi %add3A_954, %add3A_971 : i32
        %get3A_973 = arith.index_cast %add3A_972 : i32 to index
        %get3A_974 = arith.constant 0 : index
        %get3A_975 = tpu.vector_load %arg8[%get3A_973, %get3A_974] {strides = array<i32>} : memref<640x64xf32, #tpu.memory_space<vmem>>, vector<1x16xf32>,
        %get3A_976 = vector.shape_cast %get3A_975 : vector<1x16xf32> to vector<16xf32>
        %add3A_977 = arith.addf %get3A_970, %get3A_976 : vector<16xf32>
        %add3A_978 = arith.addf %add3A_964, %add3A_977 : vector<16xf32>
        %add3A_979 = arith.addf %scan3A_947, %add3A_978 : vector<16xf32>
        %get3A_980 = arith.index_cast %add3A_954 : i32 to index
        %get3A_981 = arith.constant 16 : index
        %get3A_982 = tpu.vector_load %arg8[%get3A_980, %get3A_981] {strides = array<i32>} : memref<640x64xf32, #tpu.memory_space<vmem>>, vector<1x16xf32>,
        %get3A_983 = vector.shape_cast %get3A_982 : vector<1x16xf32> to vector<16xf32>
        %add3A_984 = arith.constant 1 : i32
        %add3A_985 = arith.addi %add3A_954, %add3A_984 : i32
        %get3A_986 = arith.index_cast %add3A_985 : i32 to index
        %get3A_987 = arith.constant 16 : index
        %get3A_988 = tpu.vector_load %arg8[%get3A_986, %get3A_987] {strides = array<i32>} : memref<640x64xf32, #tpu.memory_space<vmem>>, vector<1x16xf32>,
        %get3A_989 = vector.shape_cast %get3A_988 : vector<1x16xf32> to vector<16xf32>
        %add3A_990 = arith.addf %get3A_983, %get3A_989 : vector<16xf32>
        %add3A_991 = arith.constant 2 : i32
        %add3A_992 = arith.addi %add3A_954, %add3A_991 : i32
        %get3A_993 = arith.index_cast %add3A_992 : i32 to index
        %get3A_994 = arith.constant 16 : index
        %get3A_995 = tpu.vector_load %arg8[%get3A_993, %get3A_994] {strides = array<i32>} : memref<640x64xf32, #tpu.memory_space<vmem>>, vector<1x16xf32>,
        %get3A_996 = vector.shape_cast %get3A_995 : vector<1x16xf32> to vector<16xf32>
        %add3A_997 = arith.constant 3 : i32
        %add3A_998 = arith.addi %add3A_954, %add3A_997 : i32
        %get3A_999 = arith.index_cast %add3A_998 : i32 to index
        %get3A_1000 = arith.constant 16 : index
        %get3A_1001 = tpu.vector_load %arg8[%get3A_999, %get3A_1000] {strides = array<i32>} : memref<640x64xf32, #tpu.memory_space<vmem>>, vector<1x16xf32>,
        %get3A_1002 = vector.shape_cast %get3A_1001 : vector<1x16xf32> to vector<16xf32>
        %add3A_1003 = arith.addf %get3A_996, %get3A_1002 : vector<16xf32>
        %add3A_1004 = arith.addf %add3A_990, %add3A_1003 : vector<16xf32>
        %add3A_1005 = arith.addf %scan3A_948, %add3A_1004 : vector<16xf32>
        %get3A_1006 = arith.index_cast %add3A_954 : i32 to index
        %get3A_1007 = arith.constant 32 : index
        %get3A_1008 = tpu.vector_load %arg8[%get3A_1006, %get3A_1007] {strides = array<i32>} : memref<640x64xf32, #tpu.memory_space<vmem>>, vector<1x16xf32>,
        %get3A_1009 = vector.shape_cast %get3A_1008 : vector<1x16xf32> to vector<16xf32>
        %add3A_1010 = arith.constant 1 : i32
        %add3A_1011 = arith.addi %add3A_954, %add3A_1010 : i32
        %get3A_1012 = arith.index_cast %add3A_1011 : i32 to index
        %get3A_1013 = arith.constant 32 : index
        %get3A_1014 = tpu.vector_load %arg8[%get3A_1012, %get3A_1013] {strides = array<i32>} : memref<640x64xf32, #tpu.memory_space<vmem>>, vector<1x16xf32>,
        %get3A_1015 = vector.shape_cast %get3A_1014 : vector<1x16xf32> to vector<16xf32>
        %add3A_1016 = arith.addf %get3A_1009, %get3A_1015 : vector<16xf32>
        %add3A_1017 = arith.constant 2 : i32
        %add3A_1018 = arith.addi %add3A_954, %add3A_1017 : i32
        %get3A_1019 = arith.index_cast %add3A_1018 : i32 to index
        %get3A_1020 = arith.constant 32 : index
        %get3A_1021 = tpu.vector_load %arg8[%get3A_1019, %get3A_1020] {strides = array<i32>} : memref<640x64xf32, #tpu.memory_space<vmem>>, vector<1x16xf32>,
        %get3A_1022 = vector.shape_cast %get3A_1021 : vector<1x16xf32> to vector<16xf32>
        %add3A_1023 = arith.constant 3 : i32
        %add3A_1024 = arith.addi %add3A_954, %add3A_1023 : i32
        %get3A_1025 = arith.index_cast %add3A_1024 : i32 to index
        %get3A_1026 = arith.constant 32 : index
        %get3A_1027 = tpu.vector_load %arg8[%get3A_1025, %get3A_1026] {strides = array<i32>} : memref<640x64xf32, #tpu.memory_space<vmem>>, vector<1x16xf32>,
        %get3A_1028 = vector.shape_cast %get3A_1027 : vector<1x16xf32> to vector<16xf32>
        %add3A_1029 = arith.addf %get3A_1022, %get3A_1028 : vector<16xf32>
        %add3A_1030 = arith.addf %add3A_1016, %add3A_1029 : vector<16xf32>
        %add3A_1031 = arith.addf %scan3A_949, %add3A_1030 : vector<16xf32>
        %get3A_1032 = arith.index_cast %add3A_954 : i32 to index
        %get3A_1033 = arith.constant 48 : index
        %get3A_1034 = tpu.vector_load %arg8[%get3A_1032, %get3A_1033] {strides = array<i32>} : memref<640x64xf32, #tpu.memory_space<vmem>>, vector<1x16xf32>,
        %get3A_1035 = vector.shape_cast %get3A_1034 : vector<1x16xf32> to vector<16xf32>
        %add3A_1036 = arith.constant 1 : i32
        %add3A_1037 = arith.addi %add3A_954, %add3A_1036 : i32
        %get3A_1038 = arith.index_cast %add3A_1037 : i32 to index
        %get3A_1039 = arith.constant 48 : index
        %get3A_1040 = tpu.vector_load %arg8[%get3A_1038, %get3A_1039] {strides = array<i32>} : memref<640x64xf32, #tpu.memory_space<vmem>>, vector<1x16xf32>,
        %get3A_1041 = vector.shape_cast %get3A_1040 : vector<1x16xf32> to vector<16xf32>
        %add3A_1042 = arith.addf %get3A_1035, %get3A_1041 : vector<16xf32>
        %add3A_1043 = arith.constant 2 : i32
        %add3A_1044 = arith.addi %add3A_954, %add3A_1043 : i32
        %get3A_1045 = arith.index_cast %add3A_1044 : i32 to index
        %get3A_1046 = arith.constant 48 : index
        %get3A_1047 = tpu.vector_load %arg8[%get3A_1045, %get3A_1046] {strides = array<i32>} : memref<640x64xf32, #tpu.memory_space<vmem>>, vector<1x16xf32>,
        %get3A_1048 = vector.shape_cast %get3A_1047 : vector<1x16xf32> to vector<16xf32>
        %add3A_1049 = arith.constant 3 : i32
        %add3A_1050 = arith.addi %add3A_954, %add3A_1049 : i32
        %get3A_1051 = arith.index_cast %add3A_1050 : i32 to index
        %get3A_1052 = arith.constant 48 : index
        %get3A_1053 = tpu.vector_load %arg8[%get3A_1051, %get3A_1052] {strides = array<i32>} : memref<640x64xf32, #tpu.memory_space<vmem>>, vector<1x16xf32>,
        %get3A_1054 = vector.shape_cast %get3A_1053 : vector<1x16xf32> to vector<16xf32>
        %add3A_1055 = arith.addf %get3A_1048, %get3A_1054 : vector<16xf32>
        %add3A_1056 = arith.addf %add3A_1042, %add3A_1055 : vector<16xf32>
        %add3A_1057 = arith.addf %scan3A_950, %add3A_1056 : vector<16xf32>
        scf.yield %add3A_979, %add3A_1005, %add3A_1031, %add3A_1057 : vector<16xf32>, vector<16xf32>, vector<16xf32>, vector<16xf32>
      }
      %scan3A_924 = arith.constant 32 : i32
      %swap3A_925 = arith.index_cast %shift_right_arithmetic3A_916 : i32 to index
      %swap3A_926 = arith.constant 0 : index
      %swap3A_927 = tpu.vector_load %arg9[%swap3A_925, %swap3A_926] {strides = array<i32>} : memref<200x64xf32, #tpu.memory_space<vmem>>, vector<1x16xf32>,
      %swap3A_928 = vector.shape_cast %swap3A_927 : vector<1x16xf32> to vector<16xf32>
      %swap3A_929 = vector.shape_cast %scan3A_923#0 : vector<16xf32> to vector<1x16xf32>
      tpu.vector_store %arg9[%swap3A_925, %swap3A_926], %swap3A_929 {add = true, strides = array<i32>} : memref<200x64xf32, #tpu.memory_space<vmem>>, vector<1x16xf32>,
      %swap3A_930 = arith.index_cast %shift_right_arithmetic3A_916 : i32 to index
      %swap3A_931 = arith.constant 16 : index
      %swap3A_932 = tpu.vector_load %arg9[%swap3A_930, %swap3A_931] {strides = array<i32>} : memref<200x64xf32, #tpu.memory_space<vmem>>, vector<1x16xf32>,
      %swap3A_933 = vector.shape_cast %swap3A_932 : vector<1x16xf32> to vector<16xf32>
      %swap3A_934 = vector.shape_cast %scan3A_923#1 : vector<16xf32> to vector<1x16xf32>
      tpu.vector_store %arg9[%swap3A_930, %swap3A_931], %swap3A_934 {add = true, strides = array<i32>} : memref<200x64xf32, #tpu.memory_space<vmem>>, vector<1x16xf32>,
      %swap3A_935 = arith.index_cast %shift_right_arithmetic3A_916 : i32 to index
      %swap3A_936 = arith.constant 32 : index
      %swap3A_937 = tpu.vector_load %arg9[%swap3A_935, %swap3A_936] {strides = array<i32>} : memref<200x64xf32, #tpu.memory_space<vmem>>, vector<1x16xf32>,
      %swap3A_938 = vector.shape_cast %swap3A_937 : vector<1x16xf32> to vector<16xf32>
      %swap3A_939 = vector.shape_cast %scan3A_923#2 : vector<16xf32> to vector<1x16xf32>
      tpu.vector_store %arg9[%swap3A_935, %swap3A_936], %swap3A_939 {add = true, strides = array<i32>} : memref<200x64xf32, #tpu.memory_space<vmem>>, vector<1x16xf32>,
      %swap3A_940 = arith.index_cast %shift_right_arithmetic3A_916 : i32 to index
      %swap3A_941 = arith.constant 48 : index
      %swap3A_942 = tpu.vector_load %arg9[%swap3A_940, %swap3A_941] {strides = array<i32>} : memref<200x64xf32, #tpu.memory_space<vmem>>, vector<1x16xf32>,
      %swap3A_943 = vector.shape_cast %swap3A_942 : vector<1x16xf32> to vector<16xf32>
      %swap3A_944 = vector.shape_cast %scan3A_923#3 : vector<16xf32> to vector<1x16xf32>
      tpu.vector_store %arg9[%swap3A_940, %swap3A_941], %swap3A_944 {add = true, strides = array<i32>} : memref<200x64xf32, #tpu.memory_space<vmem>>, vector<1x16xf32>,
      %scan3A_945 = arith.constant 0 : i32
      scf.yield %scan3A_945 : i32
    }
    %scan3A_81 = arith.constant 79 : i32
    %dma_wait3A_82 = arith.constant 0 : i32
    %dma_wait3A_83 = arith.constant 0 : i32
    %dma_wait3A_84 = tpu.memref_slice %arg2[%dma_wait3A_82, %dma_wait3A_83] : memref<25600x128xi32, #tpu.memory_space<hbm>> -> memref<5x128xi32, #tpu.memory_space<hbm>>
    %dma_wait3A_85 = arith.constant 0 : i32
    %dma_wait3A_86 = arith.constant 0 : i32
    %dma_wait3A_87 = tpu.memref_slice %arg2[%dma_wait3A_85, %dma_wait3A_86] : memref<25600x128xi32, #tpu.memory_space<hbm>> -> memref<5x128xi32, #tpu.memory_space<hbm>>
    tpu.wait_dma2 semaphore(%arg12 : memref<!tpu.dma_semaphore, #tpu.memory_space<semaphore_mem>>) src(%dma_wait3A_87 : memref<5x128xi32, #tpu.memory_space<hbm>>) dst(%arg6 : memref<5x128xi32, #tpu.memory_space<vmem>>)
    %dma_start3A_88 = arith.constant 0 : i32
    %dma_start3A_89 = arith.constant 0 : i32
    %dma_start3A_90 = arith.constant 0 : i32
    %dma_start3A_91 = tpu.memref_slice %arg8[%dma_start3A_89, %dma_start3A_90] : memref<640x64xf32, #tpu.memory_space<vmem>> -> memref<128x64xf32, #tpu.memory_space<vmem>>
    %dma_start3A_92 = arith.constant 0 : i32
    %dma_start3A_93 = tpu.memref_slice %arg6[%dma_start3A_88, %dma_start3A_92] : memref<5x128xi32, #tpu.memory_space<vmem>> -> memref<1x128xi32, #tpu.memory_space<vmem>>
    %dma_start3A_94 = tpu.memref_squeeze %dma_start3A_93 : memref<1x128xi32, #tpu.memory_space<vmem>> -> memref<128xi32, #tpu.memory_space<vmem>>
    %dma_start3A_95 = arith.constant 0 : i32
    %dma_start3A_96 = arith.constant 0 : i32
    %dma_start3A_97 = tpu.memref_slice %arg3[%dma_start3A_95, %dma_start3A_96] : memref<1000000x64xf32, #tpu.memory_space<hbm>> -> memref<1000000x64xf32, #tpu.memory_space<hbm>>
    tpu.enqueue_indirect_dma source(%dma_start3A_97 : memref<1000000x64xf32, #tpu.memory_space<hbm>>) target(%dma_start3A_91 : memref<128x64xf32, #tpu.memory_space<vmem>>) offsets(%dma_start3A_94 : memref<128xi32, #tpu.memory_space<vmem>>) semaphore(%arg11 : memref<!tpu.dma_semaphore, #tpu.memory_space<semaphore_mem>>)
    %dma_start3A_98 = arith.constant 1 : i32
    %dma_start3A_99 = arith.constant 128 : i32
    %dma_start3A_100 = arith.constant 0 : i32
    %dma_start3A_101 = tpu.memref_slice %arg8[%dma_start3A_99, %dma_start3A_100] : memref<640x64xf32, #tpu.memory_space<vmem>> -> memref<128x64xf32, #tpu.memory_space<vmem>>
    %dma_start3A_102 = arith.constant 0 : i32
    %dma_start3A_103 = tpu.memref_slice %arg6[%dma_start3A_98, %dma_start3A_102] : memref<5x128xi32, #tpu.memory_space<vmem>> -> memref<1x128xi32, #tpu.memory_space<vmem>>
    %dma_start3A_104 = tpu.memref_squeeze %dma_start3A_103 : memref<1x128xi32, #tpu.memory_space<vmem>> -> memref<128xi32, #tpu.memory_space<vmem>>
    %dma_start3A_105 = arith.constant 0 : i32
    %dma_start3A_106 = arith.constant 0 : i32
    %dma_start3A_107 = tpu.memref_slice %arg3[%dma_start3A_105, %dma_start3A_106] : memref<1000000x64xf32, #tpu.memory_space<hbm>> -> memref<1000000x64xf32, #tpu.memory_space<hbm>>
    tpu.enqueue_indirect_dma source(%dma_start3A_107 : memref<1000000x64xf32, #tpu.memory_space<hbm>>) target(%dma_start3A_101 : memref<128x64xf32, #tpu.memory_space<vmem>>) offsets(%dma_start3A_104 : memref<128xi32, #tpu.memory_space<vmem>>) semaphore(%arg11 : memref<!tpu.dma_semaphore, #tpu.memory_space<semaphore_mem>>)
    %dma_start3A_108 = arith.constant 2 : i32
    %dma_start3A_109 = arith.constant 256 : i32
    %dma_start3A_110 = arith.constant 0 : i32
    %dma_start3A_111 = tpu.memref_slice %arg8[%dma_start3A_109, %dma_start3A_110] : memref<640x64xf32, #tpu.memory_space<vmem>> -> memref<128x64xf32, #tpu.memory_space<vmem>>
    %dma_start3A_112 = arith.constant 0 : i32
    %dma_start3A_113 = tpu.memref_slice %arg6[%dma_start3A_108, %dma_start3A_112] : memref<5x128xi32, #tpu.memory_space<vmem>> -> memref<1x128xi32, #tpu.memory_space<vmem>>
    %dma_start3A_114 = tpu.memref_squeeze %dma_start3A_113 : memref<1x128xi32, #tpu.memory_space<vmem>> -> memref<128xi32, #tpu.memory_space<vmem>>
    %dma_start3A_115 = arith.constant 0 : i32
    %dma_start3A_116 = arith.constant 0 : i32
    %dma_start3A_117 = tpu.memref_slice %arg3[%dma_start3A_115, %dma_start3A_116] : memref<1000000x64xf32, #tpu.memory_space<hbm>> -> memref<1000000x64xf32, #tpu.memory_space<hbm>>
    tpu.enqueue_indirect_dma source(%dma_start3A_117 : memref<1000000x64xf32, #tpu.memory_space<hbm>>) target(%dma_start3A_111 : memref<128x64xf32, #tpu.memory_space<vmem>>) offsets(%dma_start3A_114 : memref<128xi32, #tpu.memory_space<vmem>>) semaphore(%arg11 : memref<!tpu.dma_semaphore, #tpu.memory_space<semaphore_mem>>)
    %dma_start3A_118 = arith.constant 3 : i32
    %dma_start3A_119 = arith.constant 384 : i32
    %dma_start3A_120 = arith.constant 0 : i32
    %dma_start3A_121 = tpu.memref_slice %arg8[%dma_start3A_119, %dma_start3A_120] : memref<640x64xf32, #tpu.memory_space<vmem>> -> memref<128x64xf32, #tpu.memory_space<vmem>>
    %dma_start3A_122 = arith.constant 0 : i32
    %dma_start3A_123 = tpu.memref_slice %arg6[%dma_start3A_118, %dma_start3A_122] : memref<5x128xi32, #tpu.memory_space<vmem>> -> memref<1x128xi32, #tpu.memory_space<vmem>>
    %dma_start3A_124 = tpu.memref_squeeze %dma_start3A_123 : memref<1x128xi32, #tpu.memory_space<vmem>> -> memref<128xi32, #tpu.memory_space<vmem>>
    %dma_start3A_125 = arith.constant 0 : i32
    %dma_start3A_126 = arith.constant 0 : i32
    %dma_start3A_127 = tpu.memref_slice %arg3[%dma_start3A_125, %dma_start3A_126] : memref<1000000x64xf32, #tpu.memory_space<hbm>> -> memref<1000000x64xf32, #tpu.memory_space<hbm>>
    tpu.enqueue_indirect_dma source(%dma_start3A_127 : memref<1000000x64xf32, #tpu.memory_space<hbm>>) target(%dma_start3A_121 : memref<128x64xf32, #tpu.memory_space<vmem>>) offsets(%dma_start3A_124 : memref<128xi32, #tpu.memory_space<vmem>>) semaphore(%arg11 : memref<!tpu.dma_semaphore, #tpu.memory_space<semaphore_mem>>)
    %dma_start3A_128 = arith.constant 4 : i32
    %dma_start3A_129 = arith.constant 512 : i32
    %dma_start3A_130 = arith.constant 0 : i32
    %dma_start3A_131 = tpu.memref_slice %arg8[%dma_start3A_129, %dma_start3A_130] : memref<640x64xf32, #tpu.memory_space<vmem>> -> memref<128x64xf32, #tpu.memory_space<vmem>>
    %dma_start3A_132 = arith.constant 0 : i32
    %dma_start3A_133 = tpu.memref_slice %arg6[%dma_start3A_128, %dma_start3A_132] : memref<5x128xi32, #tpu.memory_space<vmem>> -> memref<1x128xi32, #tpu.memory_space<vmem>>
    %dma_start3A_134 = tpu.memref_squeeze %dma_start3A_133 : memref<1x128xi32, #tpu.memory_space<vmem>> -> memref<128xi32, #tpu.memory_space<vmem>>
    %dma_start3A_135 = arith.constant 0 : i32
    %dma_start3A_136 = arith.constant 0 : i32
    %dma_start3A_137 = tpu.memref_slice %arg3[%dma_start3A_135, %dma_start3A_136] : memref<1000000x64xf32, #tpu.memory_space<hbm>> -> memref<1000000x64xf32, #tpu.memory_space<hbm>>
    tpu.enqueue_indirect_dma source(%dma_start3A_137 : memref<1000000x64xf32, #tpu.memory_space<hbm>>) target(%dma_start3A_131 : memref<128x64xf32, #tpu.memory_space<vmem>>) offsets(%dma_start3A_134 : memref<128xi32, #tpu.memory_space<vmem>>) semaphore(%arg11 : memref<!tpu.dma_semaphore, #tpu.memory_space<semaphore_mem>>)
    %dma_wait3A_138 = arith.constant 0 : i32
    %dma_wait3A_139 = arith.constant 0 : i32
    %dma_wait3A_140 = tpu.memref_slice %arg3[%dma_wait3A_138, %dma_wait3A_139] : memref<1000000x64xf32, #tpu.memory_space<hbm>> -> memref<640x64xf32, #tpu.memory_space<hbm>>
    %dma_wait3A_141 = arith.constant 0 : i32
    %dma_wait3A_142 = arith.constant 0 : i32
    %dma_wait3A_143 = tpu.memref_slice %arg3[%dma_wait3A_141, %dma_wait3A_142] : memref<1000000x64xf32, #tpu.memory_space<hbm>> -> memref<640x64xf32, #tpu.memory_space<hbm>>
    tpu.wait_dma2 semaphore(%arg10 : memref<!tpu.dma_semaphore, #tpu.memory_space<semaphore_mem>>) src(%dma_wait3A_143 : memref<640x64xf32, #tpu.memory_space<hbm>>) dst(%arg7 : memref<640x64xf32, #tpu.memory_space<vmem>>)
    %add3A_144 = arith.constant 790 : i32
    %add3A_145 = arith.addi %mul3A_2, %add3A_144 : i32
    %add3A_146 = arith.constant 0 : i32
    %add3A_147 = arith.addi %add3A_145, %add3A_146 : i32
    %shift_right_arithmetic3A = arith.constant 7 : i32
    %shift_right_arithmetic3A_148 = arith.shrsi %add3A_147, %shift_right_arithmetic3A : i32
    %broadcast_in_dim3A = arith.constant 0.000000e+00 : f32
    %broadcast_in_dim3A_149 = vector.broadcast %broadcast_in_dim3A : f32 to vector<16xf32>
    %scan3A_150 = arith.constant 0 : i32
    %scan3A_151 = arith.constant 32 : i32
    %scan3A_152 = arith.addi %scan3A_150, %scan3A_151 : i32
    %scan3A_153 = arith.constant 1 : i32
    %scan3A_154:4 = scf.for %scan3A_471 = %scan3A_150 to %scan3A_152 step %scan3A_153 iter_args(%scan3A_472 = %broadcast_in_dim3A_149, %scan3A_473 = %broadcast_in_dim3A_149, %scan3A_474 = %broadcast_in_dim3A_149, %scan3A_475 = %broadcast_in_dim3A_149) -> (vector<16xf32>, vector<16xf32>, vector<16xf32>, vector<16xf32>)  : i32 {
      %mul3A_476 = arith.constant 4 : i32
      %mul3A_477 = arith.muli %scan3A_471, %mul3A_476 : i32
      %add3A_478 = arith.constant 0 : i32
      %add3A_479 = arith.addi %add3A_478, %mul3A_477 : i32
      %get3A = arith.index_cast %add3A_479 : i32 to index
      %get3A_480 = arith.constant 0 : index
      %get3A_481 = tpu.vector_load %arg7[%get3A, %get3A_480] {strides = array<i32>} : memref<640x64xf32, #tpu.memory_space<vmem>>, vector<1x16xf32>,
      %get3A_482 = vector.shape_cast %get3A_481 : vector<1x16xf32> to vector<16xf32>
      %add3A_483 = arith.constant 1 : i32
      %add3A_484 = arith.addi %add3A_479, %add3A_483 : i32
      %get3A_485 = arith.index_cast %add3A_484 : i32 to index
      %get3A_486 = arith.constant 0 : index
      %get3A_487 = tpu.vector_load %arg7[%get3A_485, %get3A_486] {strides = array<i32>} : memref<640x64xf32, #tpu.memory_space<vmem>>, vector<1x16xf32>,
      %get3A_488 = vector.shape_cast %get3A_487 : vector<1x16xf32> to vector<16xf32>
      %add3A_489 = arith.addf %get3A_482, %get3A_488 : vector<16xf32>
      %add3A_490 = arith.constant 2 : i32
      %add3A_491 = arith.addi %add3A_479, %add3A_490 : i32
      %get3A_492 = arith.index_cast %add3A_491 : i32 to index
      %get3A_493 = arith.constant 0 : index
      %get3A_494 = tpu.vector_load %arg7[%get3A_492, %get3A_493] {strides = array<i32>} : memref<640x64xf32, #tpu.memory_space<vmem>>, vector<1x16xf32>,
      %get3A_495 = vector.shape_cast %get3A_494 : vector<1x16xf32> to vector<16xf32>
      %add3A_496 = arith.constant 3 : i32
      %add3A_497 = arith.addi %add3A_479, %add3A_496 : i32
      %get3A_498 = arith.index_cast %add3A_497 : i32 to index
      %get3A_499 = arith.constant 0 : index
      %get3A_500 = tpu.vector_load %arg7[%get3A_498, %get3A_499] {strides = array<i32>} : memref<640x64xf32, #tpu.memory_space<vmem>>, vector<1x16xf32>,
      %get3A_501 = vector.shape_cast %get3A_500 : vector<1x16xf32> to vector<16xf32>
      %add3A_502 = arith.addf %get3A_495, %get3A_501 : vector<16xf32>
      %add3A_503 = arith.addf %add3A_489, %add3A_502 : vector<16xf32>
      %add3A_504 = arith.addf %scan3A_472, %add3A_503 : vector<16xf32>
      %get3A_505 = arith.index_cast %add3A_479 : i32 to index
      %get3A_506 = arith.constant 16 : index
      %get3A_507 = tpu.vector_load %arg7[%get3A_505, %get3A_506] {strides = array<i32>} : memref<640x64xf32, #tpu.memory_space<vmem>>, vector<1x16xf32>,
      %get3A_508 = vector.shape_cast %get3A_507 : vector<1x16xf32> to vector<16xf32>
      %add3A_509 = arith.constant 1 : i32
      %add3A_510 = arith.addi %add3A_479, %add3A_509 : i32
      %get3A_511 = arith.index_cast %add3A_510 : i32 to index
      %get3A_512 = arith.constant 16 : index
      %get3A_513 = tpu.vector_load %arg7[%get3A_511, %get3A_512] {strides = array<i32>} : memref<640x64xf32, #tpu.memory_space<vmem>>, vector<1x16xf32>,
      %get3A_514 = vector.shape_cast %get3A_513 : vector<1x16xf32> to vector<16xf32>
      %add3A_515 = arith.addf %get3A_508, %get3A_514 : vector<16xf32>
      %add3A_516 = arith.constant 2 : i32
      %add3A_517 = arith.addi %add3A_479, %add3A_516 : i32
      %get3A_518 = arith.index_cast %add3A_517 : i32 to index
      %get3A_519 = arith.constant 16 : index
      %get3A_520 = tpu.vector_load %arg7[%get3A_518, %get3A_519] {strides = array<i32>} : memref<640x64xf32, #tpu.memory_space<vmem>>, vector<1x16xf32>,
      %get3A_521 = vector.shape_cast %get3A_520 : vector<1x16xf32> to vector<16xf32>
      %add3A_522 = arith.constant 3 : i32
      %add3A_523 = arith.addi %add3A_479, %add3A_522 : i32
      %get3A_524 = arith.index_cast %add3A_523 : i32 to index
      %get3A_525 = arith.constant 16 : index
      %get3A_526 = tpu.vector_load %arg7[%get3A_524, %get3A_525] {strides = array<i32>} : memref<640x64xf32, #tpu.memory_space<vmem>>, vector<1x16xf32>,
      %get3A_527 = vector.shape_cast %get3A_526 : vector<1x16xf32> to vector<16xf32>
      %add3A_528 = arith.addf %get3A_521, %get3A_527 : vector<16xf32>
      %add3A_529 = arith.addf %add3A_515, %add3A_528 : vector<16xf32>
      %add3A_530 = arith.addf %scan3A_473, %add3A_529 : vector<16xf32>
      %get3A_531 = arith.index_cast %add3A_479 : i32 to index
      %get3A_532 = arith.constant 32 : index
      %get3A_533 = tpu.vector_load %arg7[%get3A_531, %get3A_532] {strides = array<i32>} : memref<640x64xf32, #tpu.memory_space<vmem>>, vector<1x16xf32>,
      %get3A_534 = vector.shape_cast %get3A_533 : vector<1x16xf32> to vector<16xf32>
      %add3A_535 = arith.constant 1 : i32
      %add3A_536 = arith.addi %add3A_479, %add3A_535 : i32
      %get3A_537 = arith.index_cast %add3A_536 : i32 to index
      %get3A_538 = arith.constant 32 : index
      %get3A_539 = tpu.vector_load %arg7[%get3A_537, %get3A_538] {strides = array<i32>} : memref<640x64xf32, #tpu.memory_space<vmem>>, vector<1x16xf32>,
      %get3A_540 = vector.shape_cast %get3A_539 : vector<1x16xf32> to vector<16xf32>
      %add3A_541 = arith.addf %get3A_534, %get3A_540 : vector<16xf32>
      %add3A_542 = arith.constant 2 : i32
      %add3A_543 = arith.addi %add3A_479, %add3A_542 : i32
      %get3A_544 = arith.index_cast %add3A_543 : i32 to index
      %get3A_545 = arith.constant 32 : index
      %get3A_546 = tpu.vector_load %arg7[%get3A_544, %get3A_545] {strides = array<i32>} : memref<640x64xf32, #tpu.memory_space<vmem>>, vector<1x16xf32>,
      %get3A_547 = vector.shape_cast %get3A_546 : vector<1x16xf32> to vector<16xf32>
      %add3A_548 = arith.constant 3 : i32
      %add3A_549 = arith.addi %add3A_479, %add3A_548 : i32
      %get3A_550 = arith.index_cast %add3A_549 : i32 to index
      %get3A_551 = arith.constant 32 : index
      %get3A_552 = tpu.vector_load %arg7[%get3A_550, %get3A_551] {strides = array<i32>} : memref<640x64xf32, #tpu.memory_space<vmem>>, vector<1x16xf32>,
      %get3A_553 = vector.shape_cast %get3A_552 : vector<1x16xf32> to vector<16xf32>
      %add3A_554 = arith.addf %get3A_547, %get3A_553 : vector<16xf32>
      %add3A_555 = arith.addf %add3A_541, %add3A_554 : vector<16xf32>
      %add3A_556 = arith.addf %scan3A_474, %add3A_555 : vector<16xf32>
      %get3A_557 = arith.index_cast %add3A_479 : i32 to index
      %get3A_558 = arith.constant 48 : index
      %get3A_559 = tpu.vector_load %arg7[%get3A_557, %get3A_558] {strides = array<i32>} : memref<640x64xf32, #tpu.memory_space<vmem>>, vector<1x16xf32>,
      %get3A_560 = vector.shape_cast %get3A_559 : vector<1x16xf32> to vector<16xf32>
      %add3A_561 = arith.constant 1 : i32
      %add3A_562 = arith.addi %add3A_479, %add3A_561 : i32
      %get3A_563 = arith.index_cast %add3A_562 : i32 to index
      %get3A_564 = arith.constant 48 : index
      %get3A_565 = tpu.vector_load %arg7[%get3A_563, %get3A_564] {strides = array<i32>} : memref<640x64xf32, #tpu.memory_space<vmem>>, vector<1x16xf32>,
      %get3A_566 = vector.shape_cast %get3A_565 : vector<1x16xf32> to vector<16xf32>
      %add3A_567 = arith.addf %get3A_560, %get3A_566 : vector<16xf32>
      %add3A_568 = arith.constant 2 : i32
      %add3A_569 = arith.addi %add3A_479, %add3A_568 : i32
      %get3A_570 = arith.index_cast %add3A_569 : i32 to index
      %get3A_571 = arith.constant 48 : index
      %get3A_572 = tpu.vector_load %arg7[%get3A_570, %get3A_571] {strides = array<i32>} : memref<640x64xf32, #tpu.memory_space<vmem>>, vector<1x16xf32>,
      %get3A_573 = vector.shape_cast %get3A_572 : vector<1x16xf32> to vector<16xf32>
      %add3A_574 = arith.constant 3 : i32
      %add3A_575 = arith.addi %add3A_479, %add3A_574 : i32
      %get3A_576 = arith.index_cast %add3A_575 : i32 to index
      %get3A_577 = arith.constant 48 : index
      %get3A_578 = tpu.vector_load %arg7[%get3A_576, %get3A_577] {strides = array<i32>} : memref<640x64xf32, #tpu.memory_space<vmem>>, vector<1x16xf32>,
      %get3A_579 = vector.shape_cast %get3A_578 : vector<1x16xf32> to vector<16xf32>
      %add3A_580 = arith.addf %get3A_573, %get3A_579 : vector<16xf32>
      %add3A_581 = arith.addf %add3A_567, %add3A_580 : vector<16xf32>
      %add3A_582 = arith.addf %scan3A_475, %add3A_581 : vector<16xf32>
      scf.yield %add3A_504, %add3A_530, %add3A_556, %add3A_582 : vector<16xf32>, vector<16xf32>, vector<16xf32>, vector<16xf32>
    }
    %scan3A_155 = arith.constant 32 : i32
    %swap3A = arith.index_cast %shift_right_arithmetic3A_148 : i32 to index
    %swap3A_156 = arith.constant 0 : index
    %swap3A_157 = tpu.vector_load %arg9[%swap3A, %swap3A_156] {strides = array<i32>} : memref<200x64xf32, #tpu.memory_space<vmem>>, vector<1x16xf32>,
    %swap3A_158 = vector.shape_cast %swap3A_157 : vector<1x16xf32> to vector<16xf32>
    %swap3A_159 = vector.shape_cast %scan3A_154#0 : vector<16xf32> to vector<1x16xf32>
    tpu.vector_store %arg9[%swap3A, %swap3A_156], %swap3A_159 {add = true, strides = array<i32>} : memref<200x64xf32, #tpu.memory_space<vmem>>, vector<1x16xf32>,
    %swap3A_160 = arith.index_cast %shift_right_arithmetic3A_148 : i32 to index
    %swap3A_161 = arith.constant 16 : index
    %swap3A_162 = tpu.vector_load %arg9[%swap3A_160, %swap3A_161] {strides = array<i32>} : memref<200x64xf32, #tpu.memory_space<vmem>>, vector<1x16xf32>,
    %swap3A_163 = vector.shape_cast %swap3A_162 : vector<1x16xf32> to vector<16xf32>
    %swap3A_164 = vector.shape_cast %scan3A_154#1 : vector<16xf32> to vector<1x16xf32>
    tpu.vector_store %arg9[%swap3A_160, %swap3A_161], %swap3A_164 {add = true, strides = array<i32>} : memref<200x64xf32, #tpu.memory_space<vmem>>, vector<1x16xf32>,
    %swap3A_165 = arith.index_cast %shift_right_arithmetic3A_148 : i32 to index
    %swap3A_166 = arith.constant 32 : index
    %swap3A_167 = tpu.vector_load %arg9[%swap3A_165, %swap3A_166] {strides = array<i32>} : memref<200x64xf32, #tpu.memory_space<vmem>>, vector<1x16xf32>,
    %swap3A_168 = vector.shape_cast %swap3A_167 : vector<1x16xf32> to vector<16xf32>
    %swap3A_169 = vector.shape_cast %scan3A_154#2 : vector<16xf32> to vector<1x16xf32>
    tpu.vector_store %arg9[%swap3A_165, %swap3A_166], %swap3A_169 {add = true, strides = array<i32>} : memref<200x64xf32, #tpu.memory_space<vmem>>, vector<1x16xf32>,
    %swap3A_170 = arith.index_cast %shift_right_arithmetic3A_148 : i32 to index
    %swap3A_171 = arith.constant 48 : index
    %swap3A_172 = tpu.vector_load %arg9[%swap3A_170, %swap3A_171] {strides = array<i32>} : memref<200x64xf32, #tpu.memory_space<vmem>>, vector<1x16xf32>,
    %swap3A_173 = vector.shape_cast %swap3A_172 : vector<1x16xf32> to vector<16xf32>
    %swap3A_174 = vector.shape_cast %scan3A_154#3 : vector<16xf32> to vector<1x16xf32>
    tpu.vector_store %arg9[%swap3A_170, %swap3A_171], %swap3A_174 {add = true, strides = array<i32>} : memref<200x64xf32, #tpu.memory_space<vmem>>, vector<1x16xf32>,
    %add3A_175 = arith.constant 1 : i32
    %add3A_176 = arith.addi %add3A_145, %add3A_175 : i32
    %shift_right_arithmetic3A_177 = arith.constant 7 : i32
    %shift_right_arithmetic3A_178 = arith.shrsi %add3A_176, %shift_right_arithmetic3A_177 : i32
    %broadcast_in_dim3A_179 = arith.constant 0.000000e+00 : f32
    %broadcast_in_dim3A_180 = vector.broadcast %broadcast_in_dim3A_179 : f32 to vector<16xf32>
    %scan3A_181 = arith.constant 0 : i32
    %scan3A_182 = arith.constant 32 : i32
    %scan3A_183 = arith.addi %scan3A_181, %scan3A_182 : i32
    %scan3A_184 = arith.constant 1 : i32
    %scan3A_185:4 = scf.for %scan3A_471 = %scan3A_181 to %scan3A_183 step %scan3A_184 iter_args(%scan3A_472 = %broadcast_in_dim3A_180, %scan3A_473 = %broadcast_in_dim3A_180, %scan3A_474 = %broadcast_in_dim3A_180, %scan3A_475 = %broadcast_in_dim3A_180) -> (vector<16xf32>, vector<16xf32>, vector<16xf32>, vector<16xf32>)  : i32 {
      %mul3A_476 = arith.constant 4 : i32
      %mul3A_477 = arith.muli %scan3A_471, %mul3A_476 : i32
      %add3A_478 = arith.constant 128 : i32
      %add3A_479 = arith.addi %add3A_478, %mul3A_477 : i32
      %get3A = arith.index_cast %add3A_479 : i32 to index
      %get3A_480 = arith.constant 0 : index
      %get3A_481 = tpu.vector_load %arg7[%get3A, %get3A_480] {strides = array<i32>} : memref<640x64xf32, #tpu.memory_space<vmem>>, vector<1x16xf32>,
      %get3A_482 = vector.shape_cast %get3A_481 : vector<1x16xf32> to vector<16xf32>
      %add3A_483 = arith.constant 1 : i32
      %add3A_484 = arith.addi %add3A_479, %add3A_483 : i32
      %get3A_485 = arith.index_cast %add3A_484 : i32 to index
      %get3A_486 = arith.constant 0 : index
      %get3A_487 = tpu.vector_load %arg7[%get3A_485, %get3A_486] {strides = array<i32>} : memref<640x64xf32, #tpu.memory_space<vmem>>, vector<1x16xf32>,
      %get3A_488 = vector.shape_cast %get3A_487 : vector<1x16xf32> to vector<16xf32>
      %add3A_489 = arith.addf %get3A_482, %get3A_488 : vector<16xf32>
      %add3A_490 = arith.constant 2 : i32
      %add3A_491 = arith.addi %add3A_479, %add3A_490 : i32
      %get3A_492 = arith.index_cast %add3A_491 : i32 to index
      %get3A_493 = arith.constant 0 : index
      %get3A_494 = tpu.vector_load %arg7[%get3A_492, %get3A_493] {strides = array<i32>} : memref<640x64xf32, #tpu.memory_space<vmem>>, vector<1x16xf32>,
      %get3A_495 = vector.shape_cast %get3A_494 : vector<1x16xf32> to vector<16xf32>
      %add3A_496 = arith.constant 3 : i32
      %add3A_497 = arith.addi %add3A_479, %add3A_496 : i32
      %get3A_498 = arith.index_cast %add3A_497 : i32 to index
      %get3A_499 = arith.constant 0 : index
      %get3A_500 = tpu.vector_load %arg7[%get3A_498, %get3A_499] {strides = array<i32>} : memref<640x64xf32, #tpu.memory_space<vmem>>, vector<1x16xf32>,
      %get3A_501 = vector.shape_cast %get3A_500 : vector<1x16xf32> to vector<16xf32>
      %add3A_502 = arith.addf %get3A_495, %get3A_501 : vector<16xf32>
      %add3A_503 = arith.addf %add3A_489, %add3A_502 : vector<16xf32>
      %add3A_504 = arith.addf %scan3A_472, %add3A_503 : vector<16xf32>
      %get3A_505 = arith.index_cast %add3A_479 : i32 to index
      %get3A_506 = arith.constant 16 : index
      %get3A_507 = tpu.vector_load %arg7[%get3A_505, %get3A_506] {strides = array<i32>} : memref<640x64xf32, #tpu.memory_space<vmem>>, vector<1x16xf32>,
      %get3A_508 = vector.shape_cast %get3A_507 : vector<1x16xf32> to vector<16xf32>
      %add3A_509 = arith.constant 1 : i32
      %add3A_510 = arith.addi %add3A_479, %add3A_509 : i32
      %get3A_511 = arith.index_cast %add3A_510 : i32 to index
      %get3A_512 = arith.constant 16 : index
      %get3A_513 = tpu.vector_load %arg7[%get3A_511, %get3A_512] {strides = array<i32>} : memref<640x64xf32, #tpu.memory_space<vmem>>, vector<1x16xf32>,
      %get3A_514 = vector.shape_cast %get3A_513 : vector<1x16xf32> to vector<16xf32>
      %add3A_515 = arith.addf %get3A_508, %get3A_514 : vector<16xf32>
      %add3A_516 = arith.constant 2 : i32
      %add3A_517 = arith.addi %add3A_479, %add3A_516 : i32
      %get3A_518 = arith.index_cast %add3A_517 : i32 to index
      %get3A_519 = arith.constant 16 : index
      %get3A_520 = tpu.vector_load %arg7[%get3A_518, %get3A_519] {strides = array<i32>} : memref<640x64xf32, #tpu.memory_space<vmem>>, vector<1x16xf32>,
      %get3A_521 = vector.shape_cast %get3A_520 : vector<1x16xf32> to vector<16xf32>
      %add3A_522 = arith.constant 3 : i32
      %add3A_523 = arith.addi %add3A_479, %add3A_522 : i32
      %get3A_524 = arith.index_cast %add3A_523 : i32 to index
      %get3A_525 = arith.constant 16 : index
      %get3A_526 = tpu.vector_load %arg7[%get3A_524, %get3A_525] {strides = array<i32>} : memref<640x64xf32, #tpu.memory_space<vmem>>, vector<1x16xf32>,
      %get3A_527 = vector.shape_cast %get3A_526 : vector<1x16xf32> to vector<16xf32>
      %add3A_528 = arith.addf %get3A_521, %get3A_527 : vector<16xf32>
      %add3A_529 = arith.addf %add3A_515, %add3A_528 : vector<16xf32>
      %add3A_530 = arith.addf %scan3A_473, %add3A_529 : vector<16xf32>
      %get3A_531 = arith.index_cast %add3A_479 : i32 to index
      %get3A_532 = arith.constant 32 : index
      %get3A_533 = tpu.vector_load %arg7[%get3A_531, %get3A_532] {strides = array<i32>} : memref<640x64xf32, #tpu.memory_space<vmem>>, vector<1x16xf32>,
      %get3A_534 = vector.shape_cast %get3A_533 : vector<1x16xf32> to vector<16xf32>
      %add3A_535 = arith.constant 1 : i32
      %add3A_536 = arith.addi %add3A_479, %add3A_535 : i32
      %get3A_537 = arith.index_cast %add3A_536 : i32 to index
      %get3A_538 = arith.constant 32 : index
      %get3A_539 = tpu.vector_load %arg7[%get3A_537, %get3A_538] {strides = array<i32>} : memref<640x64xf32, #tpu.memory_space<vmem>>, vector<1x16xf32>,
      %get3A_540 = vector.shape_cast %get3A_539 : vector<1x16xf32> to vector<16xf32>
      %add3A_541 = arith.addf %get3A_534, %get3A_540 : vector<16xf32>
      %add3A_542 = arith.constant 2 : i32
      %add3A_543 = arith.addi %add3A_479, %add3A_542 : i32
      %get3A_544 = arith.index_cast %add3A_543 : i32 to index
      %get3A_545 = arith.constant 32 : index
      %get3A_546 = tpu.vector_load %arg7[%get3A_544, %get3A_545] {strides = array<i32>} : memref<640x64xf32, #tpu.memory_space<vmem>>, vector<1x16xf32>,
      %get3A_547 = vector.shape_cast %get3A_546 : vector<1x16xf32> to vector<16xf32>
      %add3A_548 = arith.constant 3 : i32
      %add3A_549 = arith.addi %add3A_479, %add3A_548 : i32
      %get3A_550 = arith.index_cast %add3A_549 : i32 to index
      %get3A_551 = arith.constant 32 : index
      %get3A_552 = tpu.vector_load %arg7[%get3A_550, %get3A_551] {strides = array<i32>} : memref<640x64xf32, #tpu.memory_space<vmem>>, vector<1x16xf32>,
      %get3A_553 = vector.shape_cast %get3A_552 : vector<1x16xf32> to vector<16xf32>
      %add3A_554 = arith.addf %get3A_547, %get3A_553 : vector<16xf32>
      %add3A_555 = arith.addf %add3A_541, %add3A_554 : vector<16xf32>
      %add3A_556 = arith.addf %scan3A_474, %add3A_555 : vector<16xf32>
      %get3A_557 = arith.index_cast %add3A_479 : i32 to index
      %get3A_558 = arith.constant 48 : index
      %get3A_559 = tpu.vector_load %arg7[%get3A_557, %get3A_558] {strides = array<i32>} : memref<640x64xf32, #tpu.memory_space<vmem>>, vector<1x16xf32>,
      %get3A_560 = vector.shape_cast %get3A_559 : vector<1x16xf32> to vector<16xf32>
      %add3A_561 = arith.constant 1 : i32
      %add3A_562 = arith.addi %add3A_479, %add3A_561 : i32
      %get3A_563 = arith.index_cast %add3A_562 : i32 to index
      %get3A_564 = arith.constant 48 : index
      %get3A_565 = tpu.vector_load %arg7[%get3A_563, %get3A_564] {strides = array<i32>} : memref<640x64xf32, #tpu.memory_space<vmem>>, vector<1x16xf32>,
      %get3A_566 = vector.shape_cast %get3A_565 : vector<1x16xf32> to vector<16xf32>
      %add3A_567 = arith.addf %get3A_560, %get3A_566 : vector<16xf32>
      %add3A_568 = arith.constant 2 : i32
      %add3A_569 = arith.addi %add3A_479, %add3A_568 : i32
      %get3A_570 = arith.index_cast %add3A_569 : i32 to index
      %get3A_571 = arith.constant 48 : index
      %get3A_572 = tpu.vector_load %arg7[%get3A_570, %get3A_571] {strides = array<i32>} : memref<640x64xf32, #tpu.memory_space<vmem>>, vector<1x16xf32>,
      %get3A_573 = vector.shape_cast %get3A_572 : vector<1x16xf32> to vector<16xf32>
      %add3A_574 = arith.constant 3 : i32
      %add3A_575 = arith.addi %add3A_479, %add3A_574 : i32
      %get3A_576 = arith.index_cast %add3A_575 : i32 to index
      %get3A_577 = arith.constant 48 : index
      %get3A_578 = tpu.vector_load %arg7[%get3A_576, %get3A_577] {strides = array<i32>} : memref<640x64xf32, #tpu.memory_space<vmem>>, vector<1x16xf32>,
      %get3A_579 = vector.shape_cast %get3A_578 : vector<1x16xf32> to vector<16xf32>
      %add3A_580 = arith.addf %get3A_573, %get3A_579 : vector<16xf32>
      %add3A_581 = arith.addf %add3A_567, %add3A_580 : vector<16xf32>
      %add3A_582 = arith.addf %scan3A_475, %add3A_581 : vector<16xf32>
      scf.yield %add3A_504, %add3A_530, %add3A_556, %add3A_582 : vector<16xf32>, vector<16xf32>, vector<16xf32>, vector<16xf32>
    }
    %scan3A_186 = arith.constant 32 : i32
    %swap3A_187 = arith.index_cast %shift_right_arithmetic3A_178 : i32 to index
    %swap3A_188 = arith.constant 0 : index
    %swap3A_189 = tpu.vector_load %arg9[%swap3A_187, %swap3A_188] {strides = array<i32>} : memref<200x64xf32, #tpu.memory_space<vmem>>, vector<1x16xf32>,
    %swap3A_190 = vector.shape_cast %swap3A_189 : vector<1x16xf32> to vector<16xf32>
    %swap3A_191 = vector.shape_cast %scan3A_185#0 : vector<16xf32> to vector<1x16xf32>
    tpu.vector_store %arg9[%swap3A_187, %swap3A_188], %swap3A_191 {add = true, strides = array<i32>} : memref<200x64xf32, #tpu.memory_space<vmem>>, vector<1x16xf32>,
    %swap3A_192 = arith.index_cast %shift_right_arithmetic3A_178 : i32 to index
    %swap3A_193 = arith.constant 16 : index
    %swap3A_194 = tpu.vector_load %arg9[%swap3A_192, %swap3A_193] {strides = array<i32>} : memref<200x64xf32, #tpu.memory_space<vmem>>, vector<1x16xf32>,
    %swap3A_195 = vector.shape_cast %swap3A_194 : vector<1x16xf32> to vector<16xf32>
    %swap3A_196 = vector.shape_cast %scan3A_185#1 : vector<16xf32> to vector<1x16xf32>
    tpu.vector_store %arg9[%swap3A_192, %swap3A_193], %swap3A_196 {add = true, strides = array<i32>} : memref<200x64xf32, #tpu.memory_space<vmem>>, vector<1x16xf32>,
    %swap3A_197 = arith.index_cast %shift_right_arithmetic3A_178 : i32 to index
    %swap3A_198 = arith.constant 32 : index
    %swap3A_199 = tpu.vector_load %arg9[%swap3A_197, %swap3A_198] {strides = array<i32>} : memref<200x64xf32, #tpu.memory_space<vmem>>, vector<1x16xf32>,
    %swap3A_200 = vector.shape_cast %swap3A_199 : vector<1x16xf32> to vector<16xf32>
    %swap3A_201 = vector.shape_cast %scan3A_185#2 : vector<16xf32> to vector<1x16xf32>
    tpu.vector_store %arg9[%swap3A_197, %swap3A_198], %swap3A_201 {add = true, strides = array<i32>} : memref<200x64xf32, #tpu.memory_space<vmem>>, vector<1x16xf32>,
    %swap3A_202 = arith.index_cast %shift_right_arithmetic3A_178 : i32 to index
    %swap3A_203 = arith.constant 48 : index
    %swap3A_204 = tpu.vector_load %arg9[%swap3A_202, %swap3A_203] {strides = array<i32>} : memref<200x64xf32, #tpu.memory_space<vmem>>, vector<1x16xf32>,
    %swap3A_205 = vector.shape_cast %swap3A_204 : vector<1x16xf32> to vector<16xf32>
    %swap3A_206 = vector.shape_cast %scan3A_185#3 : vector<16xf32> to vector<1x16xf32>
    tpu.vector_store %arg9[%swap3A_202, %swap3A_203], %swap3A_206 {add = true, strides = array<i32>} : memref<200x64xf32, #tpu.memory_space<vmem>>, vector<1x16xf32>,
    %add3A_207 = arith.constant 2 : i32
    %add3A_208 = arith.addi %add3A_145, %add3A_207 : i32
    %shift_right_arithmetic3A_209 = arith.constant 7 : i32
    %shift_right_arithmetic3A_210 = arith.shrsi %add3A_208, %shift_right_arithmetic3A_209 : i32
    %broadcast_in_dim3A_211 = arith.constant 0.000000e+00 : f32
    %broadcast_in_dim3A_212 = vector.broadcast %broadcast_in_dim3A_211 : f32 to vector<16xf32>
    %scan3A_213 = arith.constant 0 : i32
    %scan3A_214 = arith.constant 32 : i32
    %scan3A_215 = arith.addi %scan3A_213, %scan3A_214 : i32
    %scan3A_216 = arith.constant 1 : i32
    %scan3A_217:4 = scf.for %scan3A_471 = %scan3A_213 to %scan3A_215 step %scan3A_216 iter_args(%scan3A_472 = %broadcast_in_dim3A_212, %scan3A_473 = %broadcast_in_dim3A_212, %scan3A_474 = %broadcast_in_dim3A_212, %scan3A_475 = %broadcast_in_dim3A_212) -> (vector<16xf32>, vector<16xf32>, vector<16xf32>, vector<16xf32>)  : i32 {
      %mul3A_476 = arith.constant 4 : i32
      %mul3A_477 = arith.muli %scan3A_471, %mul3A_476 : i32
      %add3A_478 = arith.constant 256 : i32
      %add3A_479 = arith.addi %add3A_478, %mul3A_477 : i32
      %get3A = arith.index_cast %add3A_479 : i32 to index
      %get3A_480 = arith.constant 0 : index
      %get3A_481 = tpu.vector_load %arg7[%get3A, %get3A_480] {strides = array<i32>} : memref<640x64xf32, #tpu.memory_space<vmem>>, vector<1x16xf32>,
      %get3A_482 = vector.shape_cast %get3A_481 : vector<1x16xf32> to vector<16xf32>
      %add3A_483 = arith.constant 1 : i32
      %add3A_484 = arith.addi %add3A_479, %add3A_483 : i32
      %get3A_485 = arith.index_cast %add3A_484 : i32 to index
      %get3A_486 = arith.constant 0 : index
      %get3A_487 = tpu.vector_load %arg7[%get3A_485, %get3A_486] {strides = array<i32>} : memref<640x64xf32, #tpu.memory_space<vmem>>, vector<1x16xf32>,
      %get3A_488 = vector.shape_cast %get3A_487 : vector<1x16xf32> to vector<16xf32>
      %add3A_489 = arith.addf %get3A_482, %get3A_488 : vector<16xf32>
      %add3A_490 = arith.constant 2 : i32
      %add3A_491 = arith.addi %add3A_479, %add3A_490 : i32
      %get3A_492 = arith.index_cast %add3A_491 : i32 to index
      %get3A_493 = arith.constant 0 : index
      %get3A_494 = tpu.vector_load %arg7[%get3A_492, %get3A_493] {strides = array<i32>} : memref<640x64xf32, #tpu.memory_space<vmem>>, vector<1x16xf32>,
      %get3A_495 = vector.shape_cast %get3A_494 : vector<1x16xf32> to vector<16xf32>
      %add3A_496 = arith.constant 3 : i32
      %add3A_497 = arith.addi %add3A_479, %add3A_496 : i32
      %get3A_498 = arith.index_cast %add3A_497 : i32 to index
      %get3A_499 = arith.constant 0 : index
      %get3A_500 = tpu.vector_load %arg7[%get3A_498, %get3A_499] {strides = array<i32>} : memref<640x64xf32, #tpu.memory_space<vmem>>, vector<1x16xf32>,
      %get3A_501 = vector.shape_cast %get3A_500 : vector<1x16xf32> to vector<16xf32>
      %add3A_502 = arith.addf %get3A_495, %get3A_501 : vector<16xf32>
      %add3A_503 = arith.addf %add3A_489, %add3A_502 : vector<16xf32>
      %add3A_504 = arith.addf %scan3A_472, %add3A_503 : vector<16xf32>
      %get3A_505 = arith.index_cast %add3A_479 : i32 to index
      %get3A_506 = arith.constant 16 : index
      %get3A_507 = tpu.vector_load %arg7[%get3A_505, %get3A_506] {strides = array<i32>} : memref<640x64xf32, #tpu.memory_space<vmem>>, vector<1x16xf32>,
      %get3A_508 = vector.shape_cast %get3A_507 : vector<1x16xf32> to vector<16xf32>
      %add3A_509 = arith.constant 1 : i32
      %add3A_510 = arith.addi %add3A_479, %add3A_509 : i32
      %get3A_511 = arith.index_cast %add3A_510 : i32 to index
      %get3A_512 = arith.constant 16 : index
      %get3A_513 = tpu.vector_load %arg7[%get3A_511, %get3A_512] {strides = array<i32>} : memref<640x64xf32, #tpu.memory_space<vmem>>, vector<1x16xf32>,
      %get3A_514 = vector.shape_cast %get3A_513 : vector<1x16xf32> to vector<16xf32>
      %add3A_515 = arith.addf %get3A_508, %get3A_514 : vector<16xf32>
      %add3A_516 = arith.constant 2 : i32
      %add3A_517 = arith.addi %add3A_479, %add3A_516 : i32
      %get3A_518 = arith.index_cast %add3A_517 : i32 to index
      %get3A_519 = arith.constant 16 : index
      %get3A_520 = tpu.vector_load %arg7[%get3A_518, %get3A_519] {strides = array<i32>} : memref<640x64xf32, #tpu.memory_space<vmem>>, vector<1x16xf32>,
      %get3A_521 = vector.shape_cast %get3A_520 : vector<1x16xf32> to vector<16xf32>
      %add3A_522 = arith.constant 3 : i32
      %add3A_523 = arith.addi %add3A_479, %add3A_522 : i32
      %get3A_524 = arith.index_cast %add3A_523 : i32 to index
      %get3A_525 = arith.constant 16 : index
      %get3A_526 = tpu.vector_load %arg7[%get3A_524, %get3A_525] {strides = array<i32>} : memref<640x64xf32, #tpu.memory_space<vmem>>, vector<1x16xf32>,
      %get3A_527 = vector.shape_cast %get3A_526 : vector<1x16xf32> to vector<16xf32>
      %add3A_528 = arith.addf %get3A_521, %get3A_527 : vector<16xf32>
      %add3A_529 = arith.addf %add3A_515, %add3A_528 : vector<16xf32>
      %add3A_530 = arith.addf %scan3A_473, %add3A_529 : vector<16xf32>
      %get3A_531 = arith.index_cast %add3A_479 : i32 to index
      %get3A_532 = arith.constant 32 : index
      %get3A_533 = tpu.vector_load %arg7[%get3A_531, %get3A_532] {strides = array<i32>} : memref<640x64xf32, #tpu.memory_space<vmem>>, vector<1x16xf32>,
      %get3A_534 = vector.shape_cast %get3A_533 : vector<1x16xf32> to vector<16xf32>
      %add3A_535 = arith.constant 1 : i32
      %add3A_536 = arith.addi %add3A_479, %add3A_535 : i32
      %get3A_537 = arith.index_cast %add3A_536 : i32 to index
      %get3A_538 = arith.constant 32 : index
      %get3A_539 = tpu.vector_load %arg7[%get3A_537, %get3A_538] {strides = array<i32>} : memref<640x64xf32, #tpu.memory_space<vmem>>, vector<1x16xf32>,
      %get3A_540 = vector.shape_cast %get3A_539 : vector<1x16xf32> to vector<16xf32>
      %add3A_541 = arith.addf %get3A_534, %get3A_540 : vector<16xf32>
      %add3A_542 = arith.constant 2 : i32
      %add3A_543 = arith.addi %add3A_479, %add3A_542 : i32
      %get3A_544 = arith.index_cast %add3A_543 : i32 to index
      %get3A_545 = arith.constant 32 : index
      %get3A_546 = tpu.vector_load %arg7[%get3A_544, %get3A_545] {strides = array<i32>} : memref<640x64xf32, #tpu.memory_space<vmem>>, vector<1x16xf32>,
      %get3A_547 = vector.shape_cast %get3A_546 : vector<1x16xf32> to vector<16xf32>
      %add3A_548 = arith.constant 3 : i32
      %add3A_549 = arith.addi %add3A_479, %add3A_548 : i32
      %get3A_550 = arith.index_cast %add3A_549 : i32 to index
      %get3A_551 = arith.constant 32 : index
      %get3A_552 = tpu.vector_load %arg7[%get3A_550, %get3A_551] {strides = array<i32>} : memref<640x64xf32, #tpu.memory_space<vmem>>, vector<1x16xf32>,
      %get3A_553 = vector.shape_cast %get3A_552 : vector<1x16xf32> to vector<16xf32>
      %add3A_554 = arith.addf %get3A_547, %get3A_553 : vector<16xf32>
      %add3A_555 = arith.addf %add3A_541, %add3A_554 : vector<16xf32>
      %add3A_556 = arith.addf %scan3A_474, %add3A_555 : vector<16xf32>
      %get3A_557 = arith.index_cast %add3A_479 : i32 to index
      %get3A_558 = arith.constant 48 : index
      %get3A_559 = tpu.vector_load %arg7[%get3A_557, %get3A_558] {strides = array<i32>} : memref<640x64xf32, #tpu.memory_space<vmem>>, vector<1x16xf32>,
      %get3A_560 = vector.shape_cast %get3A_559 : vector<1x16xf32> to vector<16xf32>
      %add3A_561 = arith.constant 1 : i32
      %add3A_562 = arith.addi %add3A_479, %add3A_561 : i32
      %get3A_563 = arith.index_cast %add3A_562 : i32 to index
      %get3A_564 = arith.constant 48 : index
      %get3A_565 = tpu.vector_load %arg7[%get3A_563, %get3A_564] {strides = array<i32>} : memref<640x64xf32, #tpu.memory_space<vmem>>, vector<1x16xf32>,
      %get3A_566 = vector.shape_cast %get3A_565 : vector<1x16xf32> to vector<16xf32>
      %add3A_567 = arith.addf %get3A_560, %get3A_566 : vector<16xf32>
      %add3A_568 = arith.constant 2 : i32
      %add3A_569 = arith.addi %add3A_479, %add3A_568 : i32
      %get3A_570 = arith.index_cast %add3A_569 : i32 to index
      %get3A_571 = arith.constant 48 : index
      %get3A_572 = tpu.vector_load %arg7[%get3A_570, %get3A_571] {strides = array<i32>} : memref<640x64xf32, #tpu.memory_space<vmem>>, vector<1x16xf32>,
      %get3A_573 = vector.shape_cast %get3A_572 : vector<1x16xf32> to vector<16xf32>
      %add3A_574 = arith.constant 3 : i32
      %add3A_575 = arith.addi %add3A_479, %add3A_574 : i32
      %get3A_576 = arith.index_cast %add3A_575 : i32 to index
      %get3A_577 = arith.constant 48 : index
      %get3A_578 = tpu.vector_load %arg7[%get3A_576, %get3A_577] {strides = array<i32>} : memref<640x64xf32, #tpu.memory_space<vmem>>, vector<1x16xf32>,
      %get3A_579 = vector.shape_cast %get3A_578 : vector<1x16xf32> to vector<16xf32>
      %add3A_580 = arith.addf %get3A_573, %get3A_579 : vector<16xf32>
      %add3A_581 = arith.addf %add3A_567, %add3A_580 : vector<16xf32>
      %add3A_582 = arith.addf %scan3A_475, %add3A_581 : vector<16xf32>
      scf.yield %add3A_504, %add3A_530, %add3A_556, %add3A_582 : vector<16xf32>, vector<16xf32>, vector<16xf32>, vector<16xf32>
    }
    %scan3A_218 = arith.constant 32 : i32
    %swap3A_219 = arith.index_cast %shift_right_arithmetic3A_210 : i32 to index
    %swap3A_220 = arith.constant 0 : index
    %swap3A_221 = tpu.vector_load %arg9[%swap3A_219, %swap3A_220] {strides = array<i32>} : memref<200x64xf32, #tpu.memory_space<vmem>>, vector<1x16xf32>,
    %swap3A_222 = vector.shape_cast %swap3A_221 : vector<1x16xf32> to vector<16xf32>
    %swap3A_223 = vector.shape_cast %scan3A_217#0 : vector<16xf32> to vector<1x16xf32>
    tpu.vector_store %arg9[%swap3A_219, %swap3A_220], %swap3A_223 {add = true, strides = array<i32>} : memref<200x64xf32, #tpu.memory_space<vmem>>, vector<1x16xf32>,
    %swap3A_224 = arith.index_cast %shift_right_arithmetic3A_210 : i32 to index
    %swap3A_225 = arith.constant 16 : index
    %swap3A_226 = tpu.vector_load %arg9[%swap3A_224, %swap3A_225] {strides = array<i32>} : memref<200x64xf32, #tpu.memory_space<vmem>>, vector<1x16xf32>,
    %swap3A_227 = vector.shape_cast %swap3A_226 : vector<1x16xf32> to vector<16xf32>
    %swap3A_228 = vector.shape_cast %scan3A_217#1 : vector<16xf32> to vector<1x16xf32>
    tpu.vector_store %arg9[%swap3A_224, %swap3A_225], %swap3A_228 {add = true, strides = array<i32>} : memref<200x64xf32, #tpu.memory_space<vmem>>, vector<1x16xf32>,
    %swap3A_229 = arith.index_cast %shift_right_arithmetic3A_210 : i32 to index
    %swap3A_230 = arith.constant 32 : index
    %swap3A_231 = tpu.vector_load %arg9[%swap3A_229, %swap3A_230] {strides = array<i32>} : memref<200x64xf32, #tpu.memory_space<vmem>>, vector<1x16xf32>,
    %swap3A_232 = vector.shape_cast %swap3A_231 : vector<1x16xf32> to vector<16xf32>
    %swap3A_233 = vector.shape_cast %scan3A_217#2 : vector<16xf32> to vector<1x16xf32>
    tpu.vector_store %arg9[%swap3A_229, %swap3A_230], %swap3A_233 {add = true, strides = array<i32>} : memref<200x64xf32, #tpu.memory_space<vmem>>, vector<1x16xf32>,
    %swap3A_234 = arith.index_cast %shift_right_arithmetic3A_210 : i32 to index
    %swap3A_235 = arith.constant 48 : index
    %swap3A_236 = tpu.vector_load %arg9[%swap3A_234, %swap3A_235] {strides = array<i32>} : memref<200x64xf32, #tpu.memory_space<vmem>>, vector<1x16xf32>,
    %swap3A_237 = vector.shape_cast %swap3A_236 : vector<1x16xf32> to vector<16xf32>
    %swap3A_238 = vector.shape_cast %scan3A_217#3 : vector<16xf32> to vector<1x16xf32>
    tpu.vector_store %arg9[%swap3A_234, %swap3A_235], %swap3A_238 {add = true, strides = array<i32>} : memref<200x64xf32, #tpu.memory_space<vmem>>, vector<1x16xf32>,
    %add3A_239 = arith.constant 3 : i32
    %add3A_240 = arith.addi %add3A_145, %add3A_239 : i32
    %shift_right_arithmetic3A_241 = arith.constant 7 : i32
    %shift_right_arithmetic3A_242 = arith.shrsi %add3A_240, %shift_right_arithmetic3A_241 : i32
    %broadcast_in_dim3A_243 = arith.constant 0.000000e+00 : f32
    %broadcast_in_dim3A_244 = vector.broadcast %broadcast_in_dim3A_243 : f32 to vector<16xf32>
    %scan3A_245 = arith.constant 0 : i32
    %scan3A_246 = arith.constant 32 : i32
    %scan3A_247 = arith.addi %scan3A_245, %scan3A_246 : i32
    %scan3A_248 = arith.constant 1 : i32
    %scan3A_249:4 = scf.for %scan3A_471 = %scan3A_245 to %scan3A_247 step %scan3A_248 iter_args(%scan3A_472 = %broadcast_in_dim3A_244, %scan3A_473 = %broadcast_in_dim3A_244, %scan3A_474 = %broadcast_in_dim3A_244, %scan3A_475 = %broadcast_in_dim3A_244) -> (vector<16xf32>, vector<16xf32>, vector<16xf32>, vector<16xf32>)  : i32 {
      %mul3A_476 = arith.constant 4 : i32
      %mul3A_477 = arith.muli %scan3A_471, %mul3A_476 : i32
      %add3A_478 = arith.constant 384 : i32
      %add3A_479 = arith.addi %add3A_478, %mul3A_477 : i32
      %get3A = arith.index_cast %add3A_479 : i32 to index
      %get3A_480 = arith.constant 0 : index
      %get3A_481 = tpu.vector_load %arg7[%get3A, %get3A_480] {strides = array<i32>} : memref<640x64xf32, #tpu.memory_space<vmem>>, vector<1x16xf32>,
      %get3A_482 = vector.shape_cast %get3A_481 : vector<1x16xf32> to vector<16xf32>
      %add3A_483 = arith.constant 1 : i32
      %add3A_484 = arith.addi %add3A_479, %add3A_483 : i32
      %get3A_485 = arith.index_cast %add3A_484 : i32 to index
      %get3A_486 = arith.constant 0 : index
      %get3A_487 = tpu.vector_load %arg7[%get3A_485, %get3A_486] {strides = array<i32>} : memref<640x64xf32, #tpu.memory_space<vmem>>, vector<1x16xf32>,
      %get3A_488 = vector.shape_cast %get3A_487 : vector<1x16xf32> to vector<16xf32>
      %add3A_489 = arith.addf %get3A_482, %get3A_488 : vector<16xf32>
      %add3A_490 = arith.constant 2 : i32
      %add3A_491 = arith.addi %add3A_479, %add3A_490 : i32
      %get3A_492 = arith.index_cast %add3A_491 : i32 to index
      %get3A_493 = arith.constant 0 : index
      %get3A_494 = tpu.vector_load %arg7[%get3A_492, %get3A_493] {strides = array<i32>} : memref<640x64xf32, #tpu.memory_space<vmem>>, vector<1x16xf32>,
      %get3A_495 = vector.shape_cast %get3A_494 : vector<1x16xf32> to vector<16xf32>
      %add3A_496 = arith.constant 3 : i32
      %add3A_497 = arith.addi %add3A_479, %add3A_496 : i32
      %get3A_498 = arith.index_cast %add3A_497 : i32 to index
      %get3A_499 = arith.constant 0 : index
      %get3A_500 = tpu.vector_load %arg7[%get3A_498, %get3A_499] {strides = array<i32>} : memref<640x64xf32, #tpu.memory_space<vmem>>, vector<1x16xf32>,
      %get3A_501 = vector.shape_cast %get3A_500 : vector<1x16xf32> to vector<16xf32>
      %add3A_502 = arith.addf %get3A_495, %get3A_501 : vector<16xf32>
      %add3A_503 = arith.addf %add3A_489, %add3A_502 : vector<16xf32>
      %add3A_504 = arith.addf %scan3A_472, %add3A_503 : vector<16xf32>
      %get3A_505 = arith.index_cast %add3A_479 : i32 to index
      %get3A_506 = arith.constant 16 : index
      %get3A_507 = tpu.vector_load %arg7[%get3A_505, %get3A_506] {strides = array<i32>} : memref<640x64xf32, #tpu.memory_space<vmem>>, vector<1x16xf32>,
      %get3A_508 = vector.shape_cast %get3A_507 : vector<1x16xf32> to vector<16xf32>
      %add3A_509 = arith.constant 1 : i32
      %add3A_510 = arith.addi %add3A_479, %add3A_509 : i32
      %get3A_511 = arith.index_cast %add3A_510 : i32 to index
      %get3A_512 = arith.constant 16 : index
      %get3A_513 = tpu.vector_load %arg7[%get3A_511, %get3A_512] {strides = array<i32>} : memref<640x64xf32, #tpu.memory_space<vmem>>, vector<1x16xf32>,
      %get3A_514 = vector.shape_cast %get3A_513 : vector<1x16xf32> to vector<16xf32>
      %add3A_515 = arith.addf %get3A_508, %get3A_514 : vector<16xf32>
      %add3A_516 = arith.constant 2 : i32
      %add3A_517 = arith.addi %add3A_479, %add3A_516 : i32
      %get3A_518 = arith.index_cast %add3A_517 : i32 to index
      %get3A_519 = arith.constant 16 : index
      %get3A_520 = tpu.vector_load %arg7[%get3A_518, %get3A_519] {strides = array<i32>} : memref<640x64xf32, #tpu.memory_space<vmem>>, vector<1x16xf32>,
      %get3A_521 = vector.shape_cast %get3A_520 : vector<1x16xf32> to vector<16xf32>
      %add3A_522 = arith.constant 3 : i32
      %add3A_523 = arith.addi %add3A_479, %add3A_522 : i32
      %get3A_524 = arith.index_cast %add3A_523 : i32 to index
      %get3A_525 = arith.constant 16 : index
      %get3A_526 = tpu.vector_load %arg7[%get3A_524, %get3A_525] {strides = array<i32>} : memref<640x64xf32, #tpu.memory_space<vmem>>, vector<1x16xf32>,
      %get3A_527 = vector.shape_cast %get3A_526 : vector<1x16xf32> to vector<16xf32>
      %add3A_528 = arith.addf %get3A_521, %get3A_527 : vector<16xf32>
      %add3A_529 = arith.addf %add3A_515, %add3A_528 : vector<16xf32>
      %add3A_530 = arith.addf %scan3A_473, %add3A_529 : vector<16xf32>
      %get3A_531 = arith.index_cast %add3A_479 : i32 to index
      %get3A_532 = arith.constant 32 : index
      %get3A_533 = tpu.vector_load %arg7[%get3A_531, %get3A_532] {strides = array<i32>} : memref<640x64xf32, #tpu.memory_space<vmem>>, vector<1x16xf32>,
      %get3A_534 = vector.shape_cast %get3A_533 : vector<1x16xf32> to vector<16xf32>
      %add3A_535 = arith.constant 1 : i32
      %add3A_536 = arith.addi %add3A_479, %add3A_535 : i32
      %get3A_537 = arith.index_cast %add3A_536 : i32 to index
      %get3A_538 = arith.constant 32 : index
      %get3A_539 = tpu.vector_load %arg7[%get3A_537, %get3A_538] {strides = array<i32>} : memref<640x64xf32, #tpu.memory_space<vmem>>, vector<1x16xf32>,
      %get3A_540 = vector.shape_cast %get3A_539 : vector<1x16xf32> to vector<16xf32>
      %add3A_541 = arith.addf %get3A_534, %get3A_540 : vector<16xf32>
      %add3A_542 = arith.constant 2 : i32
      %add3A_543 = arith.addi %add3A_479, %add3A_542 : i32
      %get3A_544 = arith.index_cast %add3A_543 : i32 to index
      %get3A_545 = arith.constant 32 : index
      %get3A_546 = tpu.vector_load %arg7[%get3A_544, %get3A_545] {strides = array<i32>} : memref<640x64xf32, #tpu.memory_space<vmem>>, vector<1x16xf32>,
      %get3A_547 = vector.shape_cast %get3A_546 : vector<1x16xf32> to vector<16xf32>
      %add3A_548 = arith.constant 3 : i32
      %add3A_549 = arith.addi %add3A_479, %add3A_548 : i32
      %get3A_550 = arith.index_cast %add3A_549 : i32 to index
      %get3A_551 = arith.constant 32 : index
      %get3A_552 = tpu.vector_load %arg7[%get3A_550, %get3A_551] {strides = array<i32>} : memref<640x64xf32, #tpu.memory_space<vmem>>, vector<1x16xf32>,
      %get3A_553 = vector.shape_cast %get3A_552 : vector<1x16xf32> to vector<16xf32>
      %add3A_554 = arith.addf %get3A_547, %get3A_553 : vector<16xf32>
      %add3A_555 = arith.addf %add3A_541, %add3A_554 : vector<16xf32>
      %add3A_556 = arith.addf %scan3A_474, %add3A_555 : vector<16xf32>
      %get3A_557 = arith.index_cast %add3A_479 : i32 to index
      %get3A_558 = arith.constant 48 : index
      %get3A_559 = tpu.vector_load %arg7[%get3A_557, %get3A_558] {strides = array<i32>} : memref<640x64xf32, #tpu.memory_space<vmem>>, vector<1x16xf32>,
      %get3A_560 = vector.shape_cast %get3A_559 : vector<1x16xf32> to vector<16xf32>
      %add3A_561 = arith.constant 1 : i32
      %add3A_562 = arith.addi %add3A_479, %add3A_561 : i32
      %get3A_563 = arith.index_cast %add3A_562 : i32 to index
      %get3A_564 = arith.constant 48 : index
      %get3A_565 = tpu.vector_load %arg7[%get3A_563, %get3A_564] {strides = array<i32>} : memref<640x64xf32, #tpu.memory_space<vmem>>, vector<1x16xf32>,
      %get3A_566 = vector.shape_cast %get3A_565 : vector<1x16xf32> to vector<16xf32>
      %add3A_567 = arith.addf %get3A_560, %get3A_566 : vector<16xf32>
      %add3A_568 = arith.constant 2 : i32
      %add3A_569 = arith.addi %add3A_479, %add3A_568 : i32
      %get3A_570 = arith.index_cast %add3A_569 : i32 to index
      %get3A_571 = arith.constant 48 : index
      %get3A_572 = tpu.vector_load %arg7[%get3A_570, %get3A_571] {strides = array<i32>} : memref<640x64xf32, #tpu.memory_space<vmem>>, vector<1x16xf32>,
      %get3A_573 = vector.shape_cast %get3A_572 : vector<1x16xf32> to vector<16xf32>
      %add3A_574 = arith.constant 3 : i32
      %add3A_575 = arith.addi %add3A_479, %add3A_574 : i32
      %get3A_576 = arith.index_cast %add3A_575 : i32 to index
      %get3A_577 = arith.constant 48 : index
      %get3A_578 = tpu.vector_load %arg7[%get3A_576, %get3A_577] {strides = array<i32>} : memref<640x64xf32, #tpu.memory_space<vmem>>, vector<1x16xf32>,
      %get3A_579 = vector.shape_cast %get3A_578 : vector<1x16xf32> to vector<16xf32>
      %add3A_580 = arith.addf %get3A_573, %get3A_579 : vector<16xf32>
      %add3A_581 = arith.addf %add3A_567, %add3A_580 : vector<16xf32>
      %add3A_582 = arith.addf %scan3A_475, %add3A_581 : vector<16xf32>
      scf.yield %add3A_504, %add3A_530, %add3A_556, %add3A_582 : vector<16xf32>, vector<16xf32>, vector<16xf32>, vector<16xf32>
    }
    %scan3A_250 = arith.constant 32 : i32
    %swap3A_251 = arith.index_cast %shift_right_arithmetic3A_242 : i32 to index
    %swap3A_252 = arith.constant 0 : index
    %swap3A_253 = tpu.vector_load %arg9[%swap3A_251, %swap3A_252] {strides = array<i32>} : memref<200x64xf32, #tpu.memory_space<vmem>>, vector<1x16xf32>,
    %swap3A_254 = vector.shape_cast %swap3A_253 : vector<1x16xf32> to vector<16xf32>
    %swap3A_255 = vector.shape_cast %scan3A_249#0 : vector<16xf32> to vector<1x16xf32>
    tpu.vector_store %arg9[%swap3A_251, %swap3A_252], %swap3A_255 {add = true, strides = array<i32>} : memref<200x64xf32, #tpu.memory_space<vmem>>, vector<1x16xf32>,
    %swap3A_256 = arith.index_cast %shift_right_arithmetic3A_242 : i32 to index
    %swap3A_257 = arith.constant 16 : index
    %swap3A_258 = tpu.vector_load %arg9[%swap3A_256, %swap3A_257] {strides = array<i32>} : memref<200x64xf32, #tpu.memory_space<vmem>>, vector<1x16xf32>,
    %swap3A_259 = vector.shape_cast %swap3A_258 : vector<1x16xf32> to vector<16xf32>
    %swap3A_260 = vector.shape_cast %scan3A_249#1 : vector<16xf32> to vector<1x16xf32>
    tpu.vector_store %arg9[%swap3A_256, %swap3A_257], %swap3A_260 {add = true, strides = array<i32>} : memref<200x64xf32, #tpu.memory_space<vmem>>, vector<1x16xf32>,
    %swap3A_261 = arith.index_cast %shift_right_arithmetic3A_242 : i32 to index
    %swap3A_262 = arith.constant 32 : index
    %swap3A_263 = tpu.vector_load %arg9[%swap3A_261, %swap3A_262] {strides = array<i32>} : memref<200x64xf32, #tpu.memory_space<vmem>>, vector<1x16xf32>,
    %swap3A_264 = vector.shape_cast %swap3A_263 : vector<1x16xf32> to vector<16xf32>
    %swap3A_265 = vector.shape_cast %scan3A_249#2 : vector<16xf32> to vector<1x16xf32>
    tpu.vector_store %arg9[%swap3A_261, %swap3A_262], %swap3A_265 {add = true, strides = array<i32>} : memref<200x64xf32, #tpu.memory_space<vmem>>, vector<1x16xf32>,
    %swap3A_266 = arith.index_cast %shift_right_arithmetic3A_242 : i32 to index
    %swap3A_267 = arith.constant 48 : index
    %swap3A_268 = tpu.vector_load %arg9[%swap3A_266, %swap3A_267] {strides = array<i32>} : memref<200x64xf32, #tpu.memory_space<vmem>>, vector<1x16xf32>,
    %swap3A_269 = vector.shape_cast %swap3A_268 : vector<1x16xf32> to vector<16xf32>
    %swap3A_270 = vector.shape_cast %scan3A_249#3 : vector<16xf32> to vector<1x16xf32>
    tpu.vector_store %arg9[%swap3A_266, %swap3A_267], %swap3A_270 {add = true, strides = array<i32>} : memref<200x64xf32, #tpu.memory_space<vmem>>, vector<1x16xf32>,
    %add3A_271 = arith.constant 4 : i32
    %add3A_272 = arith.addi %add3A_145, %add3A_271 : i32
    %shift_right_arithmetic3A_273 = arith.constant 7 : i32
    %shift_right_arithmetic3A_274 = arith.shrsi %add3A_272, %shift_right_arithmetic3A_273 : i32
    %broadcast_in_dim3A_275 = arith.constant 0.000000e+00 : f32
    %broadcast_in_dim3A_276 = vector.broadcast %broadcast_in_dim3A_275 : f32 to vector<16xf32>
    %scan3A_277 = arith.constant 0 : i32
    %scan3A_278 = arith.constant 32 : i32
    %scan3A_279 = arith.addi %scan3A_277, %scan3A_278 : i32
    %scan3A_280 = arith.constant 1 : i32
    %scan3A_281:4 = scf.for %scan3A_471 = %scan3A_277 to %scan3A_279 step %scan3A_280 iter_args(%scan3A_472 = %broadcast_in_dim3A_276, %scan3A_473 = %broadcast_in_dim3A_276, %scan3A_474 = %broadcast_in_dim3A_276, %scan3A_475 = %broadcast_in_dim3A_276) -> (vector<16xf32>, vector<16xf32>, vector<16xf32>, vector<16xf32>)  : i32 {
      %mul3A_476 = arith.constant 4 : i32
      %mul3A_477 = arith.muli %scan3A_471, %mul3A_476 : i32
      %add3A_478 = arith.constant 512 : i32
      %add3A_479 = arith.addi %add3A_478, %mul3A_477 : i32
      %get3A = arith.index_cast %add3A_479 : i32 to index
      %get3A_480 = arith.constant 0 : index
      %get3A_481 = tpu.vector_load %arg7[%get3A, %get3A_480] {strides = array<i32>} : memref<640x64xf32, #tpu.memory_space<vmem>>, vector<1x16xf32>,
      %get3A_482 = vector.shape_cast %get3A_481 : vector<1x16xf32> to vector<16xf32>
      %add3A_483 = arith.constant 1 : i32
      %add3A_484 = arith.addi %add3A_479, %add3A_483 : i32
      %get3A_485 = arith.index_cast %add3A_484 : i32 to index
      %get3A_486 = arith.constant 0 : index
      %get3A_487 = tpu.vector_load %arg7[%get3A_485, %get3A_486] {strides = array<i32>} : memref<640x64xf32, #tpu.memory_space<vmem>>, vector<1x16xf32>,
      %get3A_488 = vector.shape_cast %get3A_487 : vector<1x16xf32> to vector<16xf32>
      %add3A_489 = arith.addf %get3A_482, %get3A_488 : vector<16xf32>
      %add3A_490 = arith.constant 2 : i32
      %add3A_491 = arith.addi %add3A_479, %add3A_490 : i32
      %get3A_492 = arith.index_cast %add3A_491 : i32 to index
      %get3A_493 = arith.constant 0 : index
      %get3A_494 = tpu.vector_load %arg7[%get3A_492, %get3A_493] {strides = array<i32>} : memref<640x64xf32, #tpu.memory_space<vmem>>, vector<1x16xf32>,
      %get3A_495 = vector.shape_cast %get3A_494 : vector<1x16xf32> to vector<16xf32>
      %add3A_496 = arith.constant 3 : i32
      %add3A_497 = arith.addi %add3A_479, %add3A_496 : i32
      %get3A_498 = arith.index_cast %add3A_497 : i32 to index
      %get3A_499 = arith.constant 0 : index
      %get3A_500 = tpu.vector_load %arg7[%get3A_498, %get3A_499] {strides = array<i32>} : memref<640x64xf32, #tpu.memory_space<vmem>>, vector<1x16xf32>,
      %get3A_501 = vector.shape_cast %get3A_500 : vector<1x16xf32> to vector<16xf32>
      %add3A_502 = arith.addf %get3A_495, %get3A_501 : vector<16xf32>
      %add3A_503 = arith.addf %add3A_489, %add3A_502 : vector<16xf32>
      %add3A_504 = arith.addf %scan3A_472, %add3A_503 : vector<16xf32>
      %get3A_505 = arith.index_cast %add3A_479 : i32 to index
      %get3A_506 = arith.constant 16 : index
      %get3A_507 = tpu.vector_load %arg7[%get3A_505, %get3A_506] {strides = array<i32>} : memref<640x64xf32, #tpu.memory_space<vmem>>, vector<1x16xf32>,
      %get3A_508 = vector.shape_cast %get3A_507 : vector<1x16xf32> to vector<16xf32>
      %add3A_509 = arith.constant 1 : i32
      %add3A_510 = arith.addi %add3A_479, %add3A_509 : i32
      %get3A_511 = arith.index_cast %add3A_510 : i32 to index
      %get3A_512 = arith.constant 16 : index
      %get3A_513 = tpu.vector_load %arg7[%get3A_511, %get3A_512] {strides = array<i32>} : memref<640x64xf32, #tpu.memory_space<vmem>>, vector<1x16xf32>,
      %get3A_514 = vector.shape_cast %get3A_513 : vector<1x16xf32> to vector<16xf32>
      %add3A_515 = arith.addf %get3A_508, %get3A_514 : vector<16xf32>
      %add3A_516 = arith.constant 2 : i32
      %add3A_517 = arith.addi %add3A_479, %add3A_516 : i32
      %get3A_518 = arith.index_cast %add3A_517 : i32 to index
      %get3A_519 = arith.constant 16 : index
      %get3A_520 = tpu.vector_load %arg7[%get3A_518, %get3A_519] {strides = array<i32>} : memref<640x64xf32, #tpu.memory_space<vmem>>, vector<1x16xf32>,
      %get3A_521 = vector.shape_cast %get3A_520 : vector<1x16xf32> to vector<16xf32>
      %add3A_522 = arith.constant 3 : i32
      %add3A_523 = arith.addi %add3A_479, %add3A_522 : i32
      %get3A_524 = arith.index_cast %add3A_523 : i32 to index
      %get3A_525 = arith.constant 16 : index
      %get3A_526 = tpu.vector_load %arg7[%get3A_524, %get3A_525] {strides = array<i32>} : memref<640x64xf32, #tpu.memory_space<vmem>>, vector<1x16xf32>,
      %get3A_527 = vector.shape_cast %get3A_526 : vector<1x16xf32> to vector<16xf32>
      %add3A_528 = arith.addf %get3A_521, %get3A_527 : vector<16xf32>
      %add3A_529 = arith.addf %add3A_515, %add3A_528 : vector<16xf32>
      %add3A_530 = arith.addf %scan3A_473, %add3A_529 : vector<16xf32>
      %get3A_531 = arith.index_cast %add3A_479 : i32 to index
      %get3A_532 = arith.constant 32 : index
      %get3A_533 = tpu.vector_load %arg7[%get3A_531, %get3A_532] {strides = array<i32>} : memref<640x64xf32, #tpu.memory_space<vmem>>, vector<1x16xf32>,
      %get3A_534 = vector.shape_cast %get3A_533 : vector<1x16xf32> to vector<16xf32>
      %add3A_535 = arith.constant 1 : i32
      %add3A_536 = arith.addi %add3A_479, %add3A_535 : i32
      %get3A_537 = arith.index_cast %add3A_536 : i32 to index
      %get3A_538 = arith.constant 32 : index
      %get3A_539 = tpu.vector_load %arg7[%get3A_537, %get3A_538] {strides = array<i32>} : memref<640x64xf32, #tpu.memory_space<vmem>>, vector<1x16xf32>,
      %get3A_540 = vector.shape_cast %get3A_539 : vector<1x16xf32> to vector<16xf32>
      %add3A_541 = arith.addf %get3A_534, %get3A_540 : vector<16xf32>
      %add3A_542 = arith.constant 2 : i32
      %add3A_543 = arith.addi %add3A_479, %add3A_542 : i32
      %get3A_544 = arith.index_cast %add3A_543 : i32 to index
      %get3A_545 = arith.constant 32 : index
      %get3A_546 = tpu.vector_load %arg7[%get3A_544, %get3A_545] {strides = array<i32>} : memref<640x64xf32, #tpu.memory_space<vmem>>, vector<1x16xf32>,
      %get3A_547 = vector.shape_cast %get3A_546 : vector<1x16xf32> to vector<16xf32>
      %add3A_548 = arith.constant 3 : i32
      %add3A_549 = arith.addi %add3A_479, %add3A_548 : i32
      %get3A_550 = arith.index_cast %add3A_549 : i32 to index
      %get3A_551 = arith.constant 32 : index
      %get3A_552 = tpu.vector_load %arg7[%get3A_550, %get3A_551] {strides = array<i32>} : memref<640x64xf32, #tpu.memory_space<vmem>>, vector<1x16xf32>,
      %get3A_553 = vector.shape_cast %get3A_552 : vector<1x16xf32> to vector<16xf32>
      %add3A_554 = arith.addf %get3A_547, %get3A_553 : vector<16xf32>
      %add3A_555 = arith.addf %add3A_541, %add3A_554 : vector<16xf32>
      %add3A_556 = arith.addf %scan3A_474, %add3A_555 : vector<16xf32>
      %get3A_557 = arith.index_cast %add3A_479 : i32 to index
      %get3A_558 = arith.constant 48 : index
      %get3A_559 = tpu.vector_load %arg7[%get3A_557, %get3A_558] {strides = array<i32>} : memref<640x64xf32, #tpu.memory_space<vmem>>, vector<1x16xf32>,
      %get3A_560 = vector.shape_cast %get3A_559 : vector<1x16xf32> to vector<16xf32>
      %add3A_561 = arith.constant 1 : i32
      %add3A_562 = arith.addi %add3A_479, %add3A_561 : i32
      %get3A_563 = arith.index_cast %add3A_562 : i32 to index
      %get3A_564 = arith.constant 48 : index
      %get3A_565 = tpu.vector_load %arg7[%get3A_563, %get3A_564] {strides = array<i32>} : memref<640x64xf32, #tpu.memory_space<vmem>>, vector<1x16xf32>,
      %get3A_566 = vector.shape_cast %get3A_565 : vector<1x16xf32> to vector<16xf32>
      %add3A_567 = arith.addf %get3A_560, %get3A_566 : vector<16xf32>
      %add3A_568 = arith.constant 2 : i32
      %add3A_569 = arith.addi %add3A_479, %add3A_568 : i32
      %get3A_570 = arith.index_cast %add3A_569 : i32 to index
      %get3A_571 = arith.constant 48 : index
      %get3A_572 = tpu.vector_load %arg7[%get3A_570, %get3A_571] {strides = array<i32>} : memref<640x64xf32, #tpu.memory_space<vmem>>, vector<1x16xf32>,
      %get3A_573 = vector.shape_cast %get3A_572 : vector<1x16xf32> to vector<16xf32>
      %add3A_574 = arith.constant 3 : i32
      %add3A_575 = arith.addi %add3A_479, %add3A_574 : i32
      %get3A_576 = arith.index_cast %add3A_575 : i32 to index
      %get3A_577 = arith.constant 48 : index
      %get3A_578 = tpu.vector_load %arg7[%get3A_576, %get3A_577] {strides = array<i32>} : memref<640x64xf32, #tpu.memory_space<vmem>>, vector<1x16xf32>,
      %get3A_579 = vector.shape_cast %get3A_578 : vector<1x16xf32> to vector<16xf32>
      %add3A_580 = arith.addf %get3A_573, %get3A_579 : vector<16xf32>
      %add3A_581 = arith.addf %add3A_567, %add3A_580 : vector<16xf32>
      %add3A_582 = arith.addf %scan3A_475, %add3A_581 : vector<16xf32>
      scf.yield %add3A_504, %add3A_530, %add3A_556, %add3A_582 : vector<16xf32>, vector<16xf32>, vector<16xf32>, vector<16xf32>
    }
    %scan3A_282 = arith.constant 32 : i32
    %swap3A_283 = arith.index_cast %shift_right_arithmetic3A_274 : i32 to index
    %swap3A_284 = arith.constant 0 : index
    %swap3A_285 = tpu.vector_load %arg9[%swap3A_283, %swap3A_284] {strides = array<i32>} : memref<200x64xf32, #tpu.memory_space<vmem>>, vector<1x16xf32>,
    %swap3A_286 = vector.shape_cast %swap3A_285 : vector<1x16xf32> to vector<16xf32>
    %swap3A_287 = vector.shape_cast %scan3A_281#0 : vector<16xf32> to vector<1x16xf32>
    tpu.vector_store %arg9[%swap3A_283, %swap3A_284], %swap3A_287 {add = true, strides = array<i32>} : memref<200x64xf32, #tpu.memory_space<vmem>>, vector<1x16xf32>,
    %swap3A_288 = arith.index_cast %shift_right_arithmetic3A_274 : i32 to index
    %swap3A_289 = arith.constant 16 : index
    %swap3A_290 = tpu.vector_load %arg9[%swap3A_288, %swap3A_289] {strides = array<i32>} : memref<200x64xf32, #tpu.memory_space<vmem>>, vector<1x16xf32>,
    %swap3A_291 = vector.shape_cast %swap3A_290 : vector<1x16xf32> to vector<16xf32>
    %swap3A_292 = vector.shape_cast %scan3A_281#1 : vector<16xf32> to vector<1x16xf32>
    tpu.vector_store %arg9[%swap3A_288, %swap3A_289], %swap3A_292 {add = true, strides = array<i32>} : memref<200x64xf32, #tpu.memory_space<vmem>>, vector<1x16xf32>,
    %swap3A_293 = arith.index_cast %shift_right_arithmetic3A_274 : i32 to index
    %swap3A_294 = arith.constant 32 : index
    %swap3A_295 = tpu.vector_load %arg9[%swap3A_293, %swap3A_294] {strides = array<i32>} : memref<200x64xf32, #tpu.memory_space<vmem>>, vector<1x16xf32>,
    %swap3A_296 = vector.shape_cast %swap3A_295 : vector<1x16xf32> to vector<16xf32>
    %swap3A_297 = vector.shape_cast %scan3A_281#2 : vector<16xf32> to vector<1x16xf32>
    tpu.vector_store %arg9[%swap3A_293, %swap3A_294], %swap3A_297 {add = true, strides = array<i32>} : memref<200x64xf32, #tpu.memory_space<vmem>>, vector<1x16xf32>,
    %swap3A_298 = arith.index_cast %shift_right_arithmetic3A_274 : i32 to index
    %swap3A_299 = arith.constant 48 : index
    %swap3A_300 = tpu.vector_load %arg9[%swap3A_298, %swap3A_299] {strides = array<i32>} : memref<200x64xf32, #tpu.memory_space<vmem>>, vector<1x16xf32>,
    %swap3A_301 = vector.shape_cast %swap3A_300 : vector<1x16xf32> to vector<16xf32>
    %swap3A_302 = vector.shape_cast %scan3A_281#3 : vector<16xf32> to vector<1x16xf32>
    tpu.vector_store %arg9[%swap3A_298, %swap3A_299], %swap3A_302 {add = true, strides = array<i32>} : memref<200x64xf32, #tpu.memory_space<vmem>>, vector<1x16xf32>,
    %dma_wait3A_303 = arith.constant 0 : i32
    %dma_wait3A_304 = arith.constant 0 : i32
    %dma_wait3A_305 = tpu.memref_slice %arg3[%dma_wait3A_303, %dma_wait3A_304] : memref<1000000x64xf32, #tpu.memory_space<hbm>> -> memref<640x64xf32, #tpu.memory_space<hbm>>
    %dma_wait3A_306 = arith.constant 0 : i32
    %dma_wait3A_307 = arith.constant 0 : i32
    %dma_wait3A_308 = tpu.memref_slice %arg3[%dma_wait3A_306, %dma_wait3A_307] : memref<1000000x64xf32, #tpu.memory_space<hbm>> -> memref<640x64xf32, #tpu.memory_space<hbm>>
    tpu.wait_dma2 semaphore(%arg11 : memref<!tpu.dma_semaphore, #tpu.memory_space<semaphore_mem>>) src(%dma_wait3A_308 : memref<640x64xf32, #tpu.memory_space<hbm>>) dst(%arg8 : memref<640x64xf32, #tpu.memory_space<vmem>>)
    %add3A_309 = arith.constant 795 : i32
    %add3A_310 = arith.addi %mul3A_2, %add3A_309 : i32
    %add3A_311 = arith.constant 0 : i32
    %add3A_312 = arith.addi %add3A_310, %add3A_311 : i32
    %shift_right_arithmetic3A_313 = arith.constant 7 : i32
    %shift_right_arithmetic3A_314 = arith.shrsi %add3A_312, %shift_right_arithmetic3A_313 : i32
    %broadcast_in_dim3A_315 = arith.constant 0.000000e+00 : f32
    %broadcast_in_dim3A_316 = vector.broadcast %broadcast_in_dim3A_315 : f32 to vector<16xf32>
    %scan3A_317 = arith.constant 0 : i32
    %scan3A_318 = arith.constant 32 : i32
    %scan3A_319 = arith.addi %scan3A_317, %scan3A_318 : i32
    %scan3A_320 = arith.constant 1 : i32
    %scan3A_321:4 = scf.for %scan3A_471 = %scan3A_317 to %scan3A_319 step %scan3A_320 iter_args(%scan3A_472 = %broadcast_in_dim3A_316, %scan3A_473 = %broadcast_in_dim3A_316, %scan3A_474 = %broadcast_in_dim3A_316, %scan3A_475 = %broadcast_in_dim3A_316) -> (vector<16xf32>, vector<16xf32>, vector<16xf32>, vector<16xf32>)  : i32 {
      %mul3A_476 = arith.constant 4 : i32
      %mul3A_477 = arith.muli %scan3A_471, %mul3A_476 : i32
      %add3A_478 = arith.constant 0 : i32
      %add3A_479 = arith.addi %add3A_478, %mul3A_477 : i32
      %get3A = arith.index_cast %add3A_479 : i32 to index
      %get3A_480 = arith.constant 0 : index
      %get3A_481 = tpu.vector_load %arg8[%get3A, %get3A_480] {strides = array<i32>} : memref<640x64xf32, #tpu.memory_space<vmem>>, vector<1x16xf32>,
      %get3A_482 = vector.shape_cast %get3A_481 : vector<1x16xf32> to vector<16xf32>
      %add3A_483 = arith.constant 1 : i32
      %add3A_484 = arith.addi %add3A_479, %add3A_483 : i32
      %get3A_485 = arith.index_cast %add3A_484 : i32 to index
      %get3A_486 = arith.constant 0 : index
      %get3A_487 = tpu.vector_load %arg8[%get3A_485, %get3A_486] {strides = array<i32>} : memref<640x64xf32, #tpu.memory_space<vmem>>, vector<1x16xf32>,
      %get3A_488 = vector.shape_cast %get3A_487 : vector<1x16xf32> to vector<16xf32>
      %add3A_489 = arith.addf %get3A_482, %get3A_488 : vector<16xf32>
      %add3A_490 = arith.constant 2 : i32
      %add3A_491 = arith.addi %add3A_479, %add3A_490 : i32
      %get3A_492 = arith.index_cast %add3A_491 : i32 to index
      %get3A_493 = arith.constant 0 : index
      %get3A_494 = tpu.vector_load %arg8[%get3A_492, %get3A_493] {strides = array<i32>} : memref<640x64xf32, #tpu.memory_space<vmem>>, vector<1x16xf32>,
      %get3A_495 = vector.shape_cast %get3A_494 : vector<1x16xf32> to vector<16xf32>
      %add3A_496 = arith.constant 3 : i32
      %add3A_497 = arith.addi %add3A_479, %add3A_496 : i32
      %get3A_498 = arith.index_cast %add3A_497 : i32 to index
      %get3A_499 = arith.constant 0 : index
      %get3A_500 = tpu.vector_load %arg8[%get3A_498, %get3A_499] {strides = array<i32>} : memref<640x64xf32, #tpu.memory_space<vmem>>, vector<1x16xf32>,
      %get3A_501 = vector.shape_cast %get3A_500 : vector<1x16xf32> to vector<16xf32>
      %add3A_502 = arith.addf %get3A_495, %get3A_501 : vector<16xf32>
      %add3A_503 = arith.addf %add3A_489, %add3A_502 : vector<16xf32>
      %add3A_504 = arith.addf %scan3A_472, %add3A_503 : vector<16xf32>
      %get3A_505 = arith.index_cast %add3A_479 : i32 to index
      %get3A_506 = arith.constant 16 : index
      %get3A_507 = tpu.vector_load %arg8[%get3A_505, %get3A_506] {strides = array<i32>} : memref<640x64xf32, #tpu.memory_space<vmem>>, vector<1x16xf32>,
      %get3A_508 = vector.shape_cast %get3A_507 : vector<1x16xf32> to vector<16xf32>
      %add3A_509 = arith.constant 1 : i32
      %add3A_510 = arith.addi %add3A_479, %add3A_509 : i32
      %get3A_511 = arith.index_cast %add3A_510 : i32 to index
      %get3A_512 = arith.constant 16 : index
      %get3A_513 = tpu.vector_load %arg8[%get3A_511, %get3A_512] {strides = array<i32>} : memref<640x64xf32, #tpu.memory_space<vmem>>, vector<1x16xf32>,
      %get3A_514 = vector.shape_cast %get3A_513 : vector<1x16xf32> to vector<16xf32>
      %add3A_515 = arith.addf %get3A_508, %get3A_514 : vector<16xf32>
      %add3A_516 = arith.constant 2 : i32
      %add3A_517 = arith.addi %add3A_479, %add3A_516 : i32
      %get3A_518 = arith.index_cast %add3A_517 : i32 to index
      %get3A_519 = arith.constant 16 : index
      %get3A_520 = tpu.vector_load %arg8[%get3A_518, %get3A_519] {strides = array<i32>} : memref<640x64xf32, #tpu.memory_space<vmem>>, vector<1x16xf32>,
      %get3A_521 = vector.shape_cast %get3A_520 : vector<1x16xf32> to vector<16xf32>
      %add3A_522 = arith.constant 3 : i32
      %add3A_523 = arith.addi %add3A_479, %add3A_522 : i32
      %get3A_524 = arith.index_cast %add3A_523 : i32 to index
      %get3A_525 = arith.constant 16 : index
      %get3A_526 = tpu.vector_load %arg8[%get3A_524, %get3A_525] {strides = array<i32>} : memref<640x64xf32, #tpu.memory_space<vmem>>, vector<1x16xf32>,
      %get3A_527 = vector.shape_cast %get3A_526 : vector<1x16xf32> to vector<16xf32>
      %add3A_528 = arith.addf %get3A_521, %get3A_527 : vector<16xf32>
      %add3A_529 = arith.addf %add3A_515, %add3A_528 : vector<16xf32>
      %add3A_530 = arith.addf %scan3A_473, %add3A_529 : vector<16xf32>
      %get3A_531 = arith.index_cast %add3A_479 : i32 to index
      %get3A_532 = arith.constant 32 : index
      %get3A_533 = tpu.vector_load %arg8[%get3A_531, %get3A_532] {strides = array<i32>} : memref<640x64xf32, #tpu.memory_space<vmem>>, vector<1x16xf32>,
      %get3A_534 = vector.shape_cast %get3A_533 : vector<1x16xf32> to vector<16xf32>
      %add3A_535 = arith.constant 1 : i32
      %add3A_536 = arith.addi %add3A_479, %add3A_535 : i32
      %get3A_537 = arith.index_cast %add3A_536 : i32 to index
      %get3A_538 = arith.constant 32 : index
      %get3A_539 = tpu.vector_load %arg8[%get3A_537, %get3A_538] {strides = array<i32>} : memref<640x64xf32, #tpu.memory_space<vmem>>, vector<1x16xf32>,
      %get3A_540 = vector.shape_cast %get3A_539 : vector<1x16xf32> to vector<16xf32>
      %add3A_541 = arith.addf %get3A_534, %get3A_540 : vector<16xf32>
      %add3A_542 = arith.constant 2 : i32
      %add3A_543 = arith.addi %add3A_479, %add3A_542 : i32
      %get3A_544 = arith.index_cast %add3A_543 : i32 to index
      %get3A_545 = arith.constant 32 : index
      %get3A_546 = tpu.vector_load %arg8[%get3A_544, %get3A_545] {strides = array<i32>} : memref<640x64xf32, #tpu.memory_space<vmem>>, vector<1x16xf32>,
      %get3A_547 = vector.shape_cast %get3A_546 : vector<1x16xf32> to vector<16xf32>
      %add3A_548 = arith.constant 3 : i32
      %add3A_549 = arith.addi %add3A_479, %add3A_548 : i32
      %get3A_550 = arith.index_cast %add3A_549 : i32 to index
      %get3A_551 = arith.constant 32 : index
      %get3A_552 = tpu.vector_load %arg8[%get3A_550, %get3A_551] {strides = array<i32>} : memref<640x64xf32, #tpu.memory_space<vmem>>, vector<1x16xf32>,
      %get3A_553 = vector.shape_cast %get3A_552 : vector<1x16xf32> to vector<16xf32>
      %add3A_554 = arith.addf %get3A_547, %get3A_553 : vector<16xf32>
      %add3A_555 = arith.addf %add3A_541, %add3A_554 : vector<16xf32>
      %add3A_556 = arith.addf %scan3A_474, %add3A_555 : vector<16xf32>
      %get3A_557 = arith.index_cast %add3A_479 : i32 to index
      %get3A_558 = arith.constant 48 : index
      %get3A_559 = tpu.vector_load %arg8[%get3A_557, %get3A_558] {strides = array<i32>} : memref<640x64xf32, #tpu.memory_space<vmem>>, vector<1x16xf32>,
      %get3A_560 = vector.shape_cast %get3A_559 : vector<1x16xf32> to vector<16xf32>
      %add3A_561 = arith.constant 1 : i32
      %add3A_562 = arith.addi %add3A_479, %add3A_561 : i32
      %get3A_563 = arith.index_cast %add3A_562 : i32 to index
      %get3A_564 = arith.constant 48 : index
      %get3A_565 = tpu.vector_load %arg8[%get3A_563, %get3A_564] {strides = array<i32>} : memref<640x64xf32, #tpu.memory_space<vmem>>, vector<1x16xf32>,
      %get3A_566 = vector.shape_cast %get3A_565 : vector<1x16xf32> to vector<16xf32>
      %add3A_567 = arith.addf %get3A_560, %get3A_566 : vector<16xf32>
      %add3A_568 = arith.constant 2 : i32
      %add3A_569 = arith.addi %add3A_479, %add3A_568 : i32
      %get3A_570 = arith.index_cast %add3A_569 : i32 to index
      %get3A_571 = arith.constant 48 : index
      %get3A_572 = tpu.vector_load %arg8[%get3A_570, %get3A_571] {strides = array<i32>} : memref<640x64xf32, #tpu.memory_space<vmem>>, vector<1x16xf32>,
      %get3A_573 = vector.shape_cast %get3A_572 : vector<1x16xf32> to vector<16xf32>
      %add3A_574 = arith.constant 3 : i32
      %add3A_575 = arith.addi %add3A_479, %add3A_574 : i32
      %get3A_576 = arith.index_cast %add3A_575 : i32 to index
      %get3A_577 = arith.constant 48 : index
      %get3A_578 = tpu.vector_load %arg8[%get3A_576, %get3A_577] {strides = array<i32>} : memref<640x64xf32, #tpu.memory_space<vmem>>, vector<1x16xf32>,
      %get3A_579 = vector.shape_cast %get3A_578 : vector<1x16xf32> to vector<16xf32>
      %add3A_580 = arith.addf %get3A_573, %get3A_579 : vector<16xf32>
      %add3A_581 = arith.addf %add3A_567, %add3A_580 : vector<16xf32>
      %add3A_582 = arith.addf %scan3A_475, %add3A_581 : vector<16xf32>
      scf.yield %add3A_504, %add3A_530, %add3A_556, %add3A_582 : vector<16xf32>, vector<16xf32>, vector<16xf32>, vector<16xf32>
    }
    %scan3A_322 = arith.constant 32 : i32
    %swap3A_323 = arith.index_cast %shift_right_arithmetic3A_314 : i32 to index
    %swap3A_324 = arith.constant 0 : index
    %swap3A_325 = tpu.vector_load %arg9[%swap3A_323, %swap3A_324] {strides = array<i32>} : memref<200x64xf32, #tpu.memory_space<vmem>>, vector<1x16xf32>,
    %swap3A_326 = vector.shape_cast %swap3A_325 : vector<1x16xf32> to vector<16xf32>
    %swap3A_327 = vector.shape_cast %scan3A_321#0 : vector<16xf32> to vector<1x16xf32>
    tpu.vector_store %arg9[%swap3A_323, %swap3A_324], %swap3A_327 {add = true, strides = array<i32>} : memref<200x64xf32, #tpu.memory_space<vmem>>, vector<1x16xf32>,
    %swap3A_328 = arith.index_cast %shift_right_arithmetic3A_314 : i32 to index
    %swap3A_329 = arith.constant 16 : index
    %swap3A_330 = tpu.vector_load %arg9[%swap3A_328, %swap3A_329] {strides = array<i32>} : memref<200x64xf32, #tpu.memory_space<vmem>>, vector<1x16xf32>,
    %swap3A_331 = vector.shape_cast %swap3A_330 : vector<1x16xf32> to vector<16xf32>
    %swap3A_332 = vector.shape_cast %scan3A_321#1 : vector<16xf32> to vector<1x16xf32>
    tpu.vector_store %arg9[%swap3A_328, %swap3A_329], %swap3A_332 {add = true, strides = array<i32>} : memref<200x64xf32, #tpu.memory_space<vmem>>, vector<1x16xf32>,
    %swap3A_333 = arith.index_cast %shift_right_arithmetic3A_314 : i32 to index
    %swap3A_334 = arith.constant 32 : index
    %swap3A_335 = tpu.vector_load %arg9[%swap3A_333, %swap3A_334] {strides = array<i32>} : memref<200x64xf32, #tpu.memory_space<vmem>>, vector<1x16xf32>,
    %swap3A_336 = vector.shape_cast %swap3A_335 : vector<1x16xf32> to vector<16xf32>
    %swap3A_337 = vector.shape_cast %scan3A_321#2 : vector<16xf32> to vector<1x16xf32>
    tpu.vector_store %arg9[%swap3A_333, %swap3A_334], %swap3A_337 {add = true, strides = array<i32>} : memref<200x64xf32, #tpu.memory_space<vmem>>, vector<1x16xf32>,
    %swap3A_338 = arith.index_cast %shift_right_arithmetic3A_314 : i32 to index
    %swap3A_339 = arith.constant 48 : index
    %swap3A_340 = tpu.vector_load %arg9[%swap3A_338, %swap3A_339] {strides = array<i32>} : memref<200x64xf32, #tpu.memory_space<vmem>>, vector<1x16xf32>,
    %swap3A_341 = vector.shape_cast %swap3A_340 : vector<1x16xf32> to vector<16xf32>
    %swap3A_342 = vector.shape_cast %scan3A_321#3 : vector<16xf32> to vector<1x16xf32>
    tpu.vector_store %arg9[%swap3A_338, %swap3A_339], %swap3A_342 {add = true, strides = array<i32>} : memref<200x64xf32, #tpu.memory_space<vmem>>, vector<1x16xf32>,
    %add3A_343 = arith.constant 1 : i32
    %add3A_344 = arith.addi %add3A_310, %add3A_343 : i32
    %shift_right_arithmetic3A_345 = arith.constant 7 : i32
    %shift_right_arithmetic3A_346 = arith.shrsi %add3A_344, %shift_right_arithmetic3A_345 : i32
    %broadcast_in_dim3A_347 = arith.constant 0.000000e+00 : f32
    %broadcast_in_dim3A_348 = vector.broadcast %broadcast_in_dim3A_347 : f32 to vector<16xf32>
    %scan3A_349 = arith.constant 0 : i32
    %scan3A_350 = arith.constant 32 : i32
    %scan3A_351 = arith.addi %scan3A_349, %scan3A_350 : i32
    %scan3A_352 = arith.constant 1 : i32
    %scan3A_353:4 = scf.for %scan3A_471 = %scan3A_349 to %scan3A_351 step %scan3A_352 iter_args(%scan3A_472 = %broadcast_in_dim3A_348, %scan3A_473 = %broadcast_in_dim3A_348, %scan3A_474 = %broadcast_in_dim3A_348, %scan3A_475 = %broadcast_in_dim3A_348) -> (vector<16xf32>, vector<16xf32>, vector<16xf32>, vector<16xf32>)  : i32 {
      %mul3A_476 = arith.constant 4 : i32
      %mul3A_477 = arith.muli %scan3A_471, %mul3A_476 : i32
      %add3A_478 = arith.constant 128 : i32
      %add3A_479 = arith.addi %add3A_478, %mul3A_477 : i32
      %get3A = arith.index_cast %add3A_479 : i32 to index
      %get3A_480 = arith.constant 0 : index
      %get3A_481 = tpu.vector_load %arg8[%get3A, %get3A_480] {strides = array<i32>} : memref<640x64xf32, #tpu.memory_space<vmem>>, vector<1x16xf32>,
      %get3A_482 = vector.shape_cast %get3A_481 : vector<1x16xf32> to vector<16xf32>
      %add3A_483 = arith.constant 1 : i32
      %add3A_484 = arith.addi %add3A_479, %add3A_483 : i32
      %get3A_485 = arith.index_cast %add3A_484 : i32 to index
      %get3A_486 = arith.constant 0 : index
      %get3A_487 = tpu.vector_load %arg8[%get3A_485, %get3A_486] {strides = array<i32>} : memref<640x64xf32, #tpu.memory_space<vmem>>, vector<1x16xf32>,
      %get3A_488 = vector.shape_cast %get3A_487 : vector<1x16xf32> to vector<16xf32>
      %add3A_489 = arith.addf %get3A_482, %get3A_488 : vector<16xf32>
      %add3A_490 = arith.constant 2 : i32
      %add3A_491 = arith.addi %add3A_479, %add3A_490 : i32
      %get3A_492 = arith.index_cast %add3A_491 : i32 to index
      %get3A_493 = arith.constant 0 : index
      %get3A_494 = tpu.vector_load %arg8[%get3A_492, %get3A_493] {strides = array<i32>} : memref<640x64xf32, #tpu.memory_space<vmem>>, vector<1x16xf32>,
      %get3A_495 = vector.shape_cast %get3A_494 : vector<1x16xf32> to vector<16xf32>
      %add3A_496 = arith.constant 3 : i32
      %add3A_497 = arith.addi %add3A_479, %add3A_496 : i32
      %get3A_498 = arith.index_cast %add3A_497 : i32 to index
      %get3A_499 = arith.constant 0 : index
      %get3A_500 = tpu.vector_load %arg8[%get3A_498, %get3A_499] {strides = array<i32>} : memref<640x64xf32, #tpu.memory_space<vmem>>, vector<1x16xf32>,
      %get3A_501 = vector.shape_cast %get3A_500 : vector<1x16xf32> to vector<16xf32>
      %add3A_502 = arith.addf %get3A_495, %get3A_501 : vector<16xf32>
      %add3A_503 = arith.addf %add3A_489, %add3A_502 : vector<16xf32>
      %add3A_504 = arith.addf %scan3A_472, %add3A_503 : vector<16xf32>
      %get3A_505 = arith.index_cast %add3A_479 : i32 to index
      %get3A_506 = arith.constant 16 : index
      %get3A_507 = tpu.vector_load %arg8[%get3A_505, %get3A_506] {strides = array<i32>} : memref<640x64xf32, #tpu.memory_space<vmem>>, vector<1x16xf32>,
      %get3A_508 = vector.shape_cast %get3A_507 : vector<1x16xf32> to vector<16xf32>
      %add3A_509 = arith.constant 1 : i32
      %add3A_510 = arith.addi %add3A_479, %add3A_509 : i32
      %get3A_511 = arith.index_cast %add3A_510 : i32 to index
      %get3A_512 = arith.constant 16 : index
      %get3A_513 = tpu.vector_load %arg8[%get3A_511, %get3A_512] {strides = array<i32>} : memref<640x64xf32, #tpu.memory_space<vmem>>, vector<1x16xf32>,
      %get3A_514 = vector.shape_cast %get3A_513 : vector<1x16xf32> to vector<16xf32>
      %add3A_515 = arith.addf %get3A_508, %get3A_514 : vector<16xf32>
      %add3A_516 = arith.constant 2 : i32
      %add3A_517 = arith.addi %add3A_479, %add3A_516 : i32
      %get3A_518 = arith.index_cast %add3A_517 : i32 to index
      %get3A_519 = arith.constant 16 : index
      %get3A_520 = tpu.vector_load %arg8[%get3A_518, %get3A_519] {strides = array<i32>} : memref<640x64xf32, #tpu.memory_space<vmem>>, vector<1x16xf32>,
      %get3A_521 = vector.shape_cast %get3A_520 : vector<1x16xf32> to vector<16xf32>
      %add3A_522 = arith.constant 3 : i32
      %add3A_523 = arith.addi %add3A_479, %add3A_522 : i32
      %get3A_524 = arith.index_cast %add3A_523 : i32 to index
      %get3A_525 = arith.constant 16 : index
      %get3A_526 = tpu.vector_load %arg8[%get3A_524, %get3A_525] {strides = array<i32>} : memref<640x64xf32, #tpu.memory_space<vmem>>, vector<1x16xf32>,
      %get3A_527 = vector.shape_cast %get3A_526 : vector<1x16xf32> to vector<16xf32>
      %add3A_528 = arith.addf %get3A_521, %get3A_527 : vector<16xf32>
      %add3A_529 = arith.addf %add3A_515, %add3A_528 : vector<16xf32>
      %add3A_530 = arith.addf %scan3A_473, %add3A_529 : vector<16xf32>
      %get3A_531 = arith.index_cast %add3A_479 : i32 to index
      %get3A_532 = arith.constant 32 : index
      %get3A_533 = tpu.vector_load %arg8[%get3A_531, %get3A_532] {strides = array<i32>} : memref<640x64xf32, #tpu.memory_space<vmem>>, vector<1x16xf32>,
      %get3A_534 = vector.shape_cast %get3A_533 : vector<1x16xf32> to vector<16xf32>
      %add3A_535 = arith.constant 1 : i32
      %add3A_536 = arith.addi %add3A_479, %add3A_535 : i32
      %get3A_537 = arith.index_cast %add3A_536 : i32 to index
      %get3A_538 = arith.constant 32 : index
      %get3A_539 = tpu.vector_load %arg8[%get3A_537, %get3A_538] {strides = array<i32>} : memref<640x64xf32, #tpu.memory_space<vmem>>, vector<1x16xf32>,
      %get3A_540 = vector.shape_cast %get3A_539 : vector<1x16xf32> to vector<16xf32>
      %add3A_541 = arith.addf %get3A_534, %get3A_540 : vector<16xf32>
      %add3A_542 = arith.constant 2 : i32
      %add3A_543 = arith.addi %add3A_479, %add3A_542 : i32
      %get3A_544 = arith.index_cast %add3A_543 : i32 to index
      %get3A_545 = arith.constant 32 : index
      %get3A_546 = tpu.vector_load %arg8[%get3A_544, %get3A_545] {strides = array<i32>} : memref<640x64xf32, #tpu.memory_space<vmem>>, vector<1x16xf32>,
      %get3A_547 = vector.shape_cast %get3A_546 : vector<1x16xf32> to vector<16xf32>
      %add3A_548 = arith.constant 3 : i32
      %add3A_549 = arith.addi %add3A_479, %add3A_548 : i32
      %get3A_550 = arith.index_cast %add3A_549 : i32 to index
      %get3A_551 = arith.constant 32 : index
      %get3A_552 = tpu.vector_load %arg8[%get3A_550, %get3A_551] {strides = array<i32>} : memref<640x64xf32, #tpu.memory_space<vmem>>, vector<1x16xf32>,
      %get3A_553 = vector.shape_cast %get3A_552 : vector<1x16xf32> to vector<16xf32>
      %add3A_554 = arith.addf %get3A_547, %get3A_553 : vector<16xf32>
      %add3A_555 = arith.addf %add3A_541, %add3A_554 : vector<16xf32>
      %add3A_556 = arith.addf %scan3A_474, %add3A_555 : vector<16xf32>
      %get3A_557 = arith.index_cast %add3A_479 : i32 to index
      %get3A_558 = arith.constant 48 : index
      %get3A_559 = tpu.vector_load %arg8[%get3A_557, %get3A_558] {strides = array<i32>} : memref<640x64xf32, #tpu.memory_space<vmem>>, vector<1x16xf32>,
      %get3A_560 = vector.shape_cast %get3A_559 : vector<1x16xf32> to vector<16xf32>
      %add3A_561 = arith.constant 1 : i32
      %add3A_562 = arith.addi %add3A_479, %add3A_561 : i32
      %get3A_563 = arith.index_cast %add3A_562 : i32 to index
      %get3A_564 = arith.constant 48 : index
      %get3A_565 = tpu.vector_load %arg8[%get3A_563, %get3A_564] {strides = array<i32>} : memref<640x64xf32, #tpu.memory_space<vmem>>, vector<1x16xf32>,
      %get3A_566 = vector.shape_cast %get3A_565 : vector<1x16xf32> to vector<16xf32>
      %add3A_567 = arith.addf %get3A_560, %get3A_566 : vector<16xf32>
      %add3A_568 = arith.constant 2 : i32
      %add3A_569 = arith.addi %add3A_479, %add3A_568 : i32
      %get3A_570 = arith.index_cast %add3A_569 : i32 to index
      %get3A_571 = arith.constant 48 : index
      %get3A_572 = tpu.vector_load %arg8[%get3A_570, %get3A_571] {strides = array<i32>} : memref<640x64xf32, #tpu.memory_space<vmem>>, vector<1x16xf32>,
      %get3A_573 = vector.shape_cast %get3A_572 : vector<1x16xf32> to vector<16xf32>
      %add3A_574 = arith.constant 3 : i32
      %add3A_575 = arith.addi %add3A_479, %add3A_574 : i32
      %get3A_576 = arith.index_cast %add3A_575 : i32 to index
      %get3A_577 = arith.constant 48 : index
      %get3A_578 = tpu.vector_load %arg8[%get3A_576, %get3A_577] {strides = array<i32>} : memref<640x64xf32, #tpu.memory_space<vmem>>, vector<1x16xf32>,
      %get3A_579 = vector.shape_cast %get3A_578 : vector<1x16xf32> to vector<16xf32>
      %add3A_580 = arith.addf %get3A_573, %get3A_579 : vector<16xf32>
      %add3A_581 = arith.addf %add3A_567, %add3A_580 : vector<16xf32>
      %add3A_582 = arith.addf %scan3A_475, %add3A_581 : vector<16xf32>
      scf.yield %add3A_504, %add3A_530, %add3A_556, %add3A_582 : vector<16xf32>, vector<16xf32>, vector<16xf32>, vector<16xf32>
    }
    %scan3A_354 = arith.constant 32 : i32
    %swap3A_355 = arith.index_cast %shift_right_arithmetic3A_346 : i32 to index
    %swap3A_356 = arith.constant 0 : index
    %swap3A_357 = tpu.vector_load %arg9[%swap3A_355, %swap3A_356] {strides = array<i32>} : memref<200x64xf32, #tpu.memory_space<vmem>>, vector<1x16xf32>,
    %swap3A_358 = vector.shape_cast %swap3A_357 : vector<1x16xf32> to vector<16xf32>
    %swap3A_359 = vector.shape_cast %scan3A_353#0 : vector<16xf32> to vector<1x16xf32>
    tpu.vector_store %arg9[%swap3A_355, %swap3A_356], %swap3A_359 {add = true, strides = array<i32>} : memref<200x64xf32, #tpu.memory_space<vmem>>, vector<1x16xf32>,
    %swap3A_360 = arith.index_cast %shift_right_arithmetic3A_346 : i32 to index
    %swap3A_361 = arith.constant 16 : index
    %swap3A_362 = tpu.vector_load %arg9[%swap3A_360, %swap3A_361] {strides = array<i32>} : memref<200x64xf32, #tpu.memory_space<vmem>>, vector<1x16xf32>,
    %swap3A_363 = vector.shape_cast %swap3A_362 : vector<1x16xf32> to vector<16xf32>
    %swap3A_364 = vector.shape_cast %scan3A_353#1 : vector<16xf32> to vector<1x16xf32>
    tpu.vector_store %arg9[%swap3A_360, %swap3A_361], %swap3A_364 {add = true, strides = array<i32>} : memref<200x64xf32, #tpu.memory_space<vmem>>, vector<1x16xf32>,
    %swap3A_365 = arith.index_cast %shift_right_arithmetic3A_346 : i32 to index
    %swap3A_366 = arith.constant 32 : index
    %swap3A_367 = tpu.vector_load %arg9[%swap3A_365, %swap3A_366] {strides = array<i32>} : memref<200x64xf32, #tpu.memory_space<vmem>>, vector<1x16xf32>,
    %swap3A_368 = vector.shape_cast %swap3A_367 : vector<1x16xf32> to vector<16xf32>
    %swap3A_369 = vector.shape_cast %scan3A_353#2 : vector<16xf32> to vector<1x16xf32>
    tpu.vector_store %arg9[%swap3A_365, %swap3A_366], %swap3A_369 {add = true, strides = array<i32>} : memref<200x64xf32, #tpu.memory_space<vmem>>, vector<1x16xf32>,
    %swap3A_370 = arith.index_cast %shift_right_arithmetic3A_346 : i32 to index
    %swap3A_371 = arith.constant 48 : index
    %swap3A_372 = tpu.vector_load %arg9[%swap3A_370, %swap3A_371] {strides = array<i32>} : memref<200x64xf32, #tpu.memory_space<vmem>>, vector<1x16xf32>,
    %swap3A_373 = vector.shape_cast %swap3A_372 : vector<1x16xf32> to vector<16xf32>
    %swap3A_374 = vector.shape_cast %scan3A_353#3 : vector<16xf32> to vector<1x16xf32>
    tpu.vector_store %arg9[%swap3A_370, %swap3A_371], %swap3A_374 {add = true, strides = array<i32>} : memref<200x64xf32, #tpu.memory_space<vmem>>, vector<1x16xf32>,
    %add3A_375 = arith.constant 2 : i32
    %add3A_376 = arith.addi %add3A_310, %add3A_375 : i32
    %shift_right_arithmetic3A_377 = arith.constant 7 : i32
    %shift_right_arithmetic3A_378 = arith.shrsi %add3A_376, %shift_right_arithmetic3A_377 : i32
    %broadcast_in_dim3A_379 = arith.constant 0.000000e+00 : f32
    %broadcast_in_dim3A_380 = vector.broadcast %broadcast_in_dim3A_379 : f32 to vector<16xf32>
    %scan3A_381 = arith.constant 0 : i32
    %scan3A_382 = arith.constant 32 : i32
    %scan3A_383 = arith.addi %scan3A_381, %scan3A_382 : i32
    %scan3A_384 = arith.constant 1 : i32
    %scan3A_385:4 = scf.for %scan3A_471 = %scan3A_381 to %scan3A_383 step %scan3A_384 iter_args(%scan3A_472 = %broadcast_in_dim3A_380, %scan3A_473 = %broadcast_in_dim3A_380, %scan3A_474 = %broadcast_in_dim3A_380, %scan3A_475 = %broadcast_in_dim3A_380) -> (vector<16xf32>, vector<16xf32>, vector<16xf32>, vector<16xf32>)  : i32 {
      %mul3A_476 = arith.constant 4 : i32
      %mul3A_477 = arith.muli %scan3A_471, %mul3A_476 : i32
      %add3A_478 = arith.constant 256 : i32
      %add3A_479 = arith.addi %add3A_478, %mul3A_477 : i32
      %get3A = arith.index_cast %add3A_479 : i32 to index
      %get3A_480 = arith.constant 0 : index
      %get3A_481 = tpu.vector_load %arg8[%get3A, %get3A_480] {strides = array<i32>} : memref<640x64xf32, #tpu.memory_space<vmem>>, vector<1x16xf32>,
      %get3A_482 = vector.shape_cast %get3A_481 : vector<1x16xf32> to vector<16xf32>
      %add3A_483 = arith.constant 1 : i32
      %add3A_484 = arith.addi %add3A_479, %add3A_483 : i32
      %get3A_485 = arith.index_cast %add3A_484 : i32 to index
      %get3A_486 = arith.constant 0 : index
      %get3A_487 = tpu.vector_load %arg8[%get3A_485, %get3A_486] {strides = array<i32>} : memref<640x64xf32, #tpu.memory_space<vmem>>, vector<1x16xf32>,
      %get3A_488 = vector.shape_cast %get3A_487 : vector<1x16xf32> to vector<16xf32>
      %add3A_489 = arith.addf %get3A_482, %get3A_488 : vector<16xf32>
      %add3A_490 = arith.constant 2 : i32
      %add3A_491 = arith.addi %add3A_479, %add3A_490 : i32
      %get3A_492 = arith.index_cast %add3A_491 : i32 to index
      %get3A_493 = arith.constant 0 : index
      %get3A_494 = tpu.vector_load %arg8[%get3A_492, %get3A_493] {strides = array<i32>} : memref<640x64xf32, #tpu.memory_space<vmem>>, vector<1x16xf32>,
      %get3A_495 = vector.shape_cast %get3A_494 : vector<1x16xf32> to vector<16xf32>
      %add3A_496 = arith.constant 3 : i32
      %add3A_497 = arith.addi %add3A_479, %add3A_496 : i32
      %get3A_498 = arith.index_cast %add3A_497 : i32 to index
      %get3A_499 = arith.constant 0 : index
      %get3A_500 = tpu.vector_load %arg8[%get3A_498, %get3A_499] {strides = array<i32>} : memref<640x64xf32, #tpu.memory_space<vmem>>, vector<1x16xf32>,
      %get3A_501 = vector.shape_cast %get3A_500 : vector<1x16xf32> to vector<16xf32>
      %add3A_502 = arith.addf %get3A_495, %get3A_501 : vector<16xf32>
      %add3A_503 = arith.addf %add3A_489, %add3A_502 : vector<16xf32>
      %add3A_504 = arith.addf %scan3A_472, %add3A_503 : vector<16xf32>
      %get3A_505 = arith.index_cast %add3A_479 : i32 to index
      %get3A_506 = arith.constant 16 : index
      %get3A_507 = tpu.vector_load %arg8[%get3A_505, %get3A_506] {strides = array<i32>} : memref<640x64xf32, #tpu.memory_space<vmem>>, vector<1x16xf32>,
      %get3A_508 = vector.shape_cast %get3A_507 : vector<1x16xf32> to vector<16xf32>
      %add3A_509 = arith.constant 1 : i32
      %add3A_510 = arith.addi %add3A_479, %add3A_509 : i32
      %get3A_511 = arith.index_cast %add3A_510 : i32 to index
      %get3A_512 = arith.constant 16 : index
      %get3A_513 = tpu.vector_load %arg8[%get3A_511, %get3A_512] {strides = array<i32>} : memref<640x64xf32, #tpu.memory_space<vmem>>, vector<1x16xf32>,
      %get3A_514 = vector.shape_cast %get3A_513 : vector<1x16xf32> to vector<16xf32>
      %add3A_515 = arith.addf %get3A_508, %get3A_514 : vector<16xf32>
      %add3A_516 = arith.constant 2 : i32
      %add3A_517 = arith.addi %add3A_479, %add3A_516 : i32
      %get3A_518 = arith.index_cast %add3A_517 : i32 to index
      %get3A_519 = arith.constant 16 : index
      %get3A_520 = tpu.vector_load %arg8[%get3A_518, %get3A_519] {strides = array<i32>} : memref<640x64xf32, #tpu.memory_space<vmem>>, vector<1x16xf32>,
      %get3A_521 = vector.shape_cast %get3A_520 : vector<1x16xf32> to vector<16xf32>
      %add3A_522 = arith.constant 3 : i32
      %add3A_523 = arith.addi %add3A_479, %add3A_522 : i32
      %get3A_524 = arith.index_cast %add3A_523 : i32 to index
      %get3A_525 = arith.constant 16 : index
      %get3A_526 = tpu.vector_load %arg8[%get3A_524, %get3A_525] {strides = array<i32>} : memref<640x64xf32, #tpu.memory_space<vmem>>, vector<1x16xf32>,
      %get3A_527 = vector.shape_cast %get3A_526 : vector<1x16xf32> to vector<16xf32>
      %add3A_528 = arith.addf %get3A_521, %get3A_527 : vector<16xf32>
      %add3A_529 = arith.addf %add3A_515, %add3A_528 : vector<16xf32>
      %add3A_530 = arith.addf %scan3A_473, %add3A_529 : vector<16xf32>
      %get3A_531 = arith.index_cast %add3A_479 : i32 to index
      %get3A_532 = arith.constant 32 : index
      %get3A_533 = tpu.vector_load %arg8[%get3A_531, %get3A_532] {strides = array<i32>} : memref<640x64xf32, #tpu.memory_space<vmem>>, vector<1x16xf32>,
      %get3A_534 = vector.shape_cast %get3A_533 : vector<1x16xf32> to vector<16xf32>
      %add3A_535 = arith.constant 1 : i32
      %add3A_536 = arith.addi %add3A_479, %add3A_535 : i32
      %get3A_537 = arith.index_cast %add3A_536 : i32 to index
      %get3A_538 = arith.constant 32 : index
      %get3A_539 = tpu.vector_load %arg8[%get3A_537, %get3A_538] {strides = array<i32>} : memref<640x64xf32, #tpu.memory_space<vmem>>, vector<1x16xf32>,
      %get3A_540 = vector.shape_cast %get3A_539 : vector<1x16xf32> to vector<16xf32>
      %add3A_541 = arith.addf %get3A_534, %get3A_540 : vector<16xf32>
      %add3A_542 = arith.constant 2 : i32
      %add3A_543 = arith.addi %add3A_479, %add3A_542 : i32
      %get3A_544 = arith.index_cast %add3A_543 : i32 to index
      %get3A_545 = arith.constant 32 : index
      %get3A_546 = tpu.vector_load %arg8[%get3A_544, %get3A_545] {strides = array<i32>} : memref<640x64xf32, #tpu.memory_space<vmem>>, vector<1x16xf32>,
      %get3A_547 = vector.shape_cast %get3A_546 : vector<1x16xf32> to vector<16xf32>
      %add3A_548 = arith.constant 3 : i32
      %add3A_549 = arith.addi %add3A_479, %add3A_548 : i32
      %get3A_550 = arith.index_cast %add3A_549 : i32 to index
      %get3A_551 = arith.constant 32 : index
      %get3A_552 = tpu.vector_load %arg8[%get3A_550, %get3A_551] {strides = array<i32>} : memref<640x64xf32, #tpu.memory_space<vmem>>, vector<1x16xf32>,
      %get3A_553 = vector.shape_cast %get3A_552 : vector<1x16xf32> to vector<16xf32>
      %add3A_554 = arith.addf %get3A_547, %get3A_553 : vector<16xf32>
      %add3A_555 = arith.addf %add3A_541, %add3A_554 : vector<16xf32>
      %add3A_556 = arith.addf %scan3A_474, %add3A_555 : vector<16xf32>
      %get3A_557 = arith.index_cast %add3A_479 : i32 to index
      %get3A_558 = arith.constant 48 : index
      %get3A_559 = tpu.vector_load %arg8[%get3A_557, %get3A_558] {strides = array<i32>} : memref<640x64xf32, #tpu.memory_space<vmem>>, vector<1x16xf32>,
      %get3A_560 = vector.shape_cast %get3A_559 : vector<1x16xf32> to vector<16xf32>
      %add3A_561 = arith.constant 1 : i32
      %add3A_562 = arith.addi %add3A_479, %add3A_561 : i32
      %get3A_563 = arith.index_cast %add3A_562 : i32 to index
      %get3A_564 = arith.constant 48 : index
      %get3A_565 = tpu.vector_load %arg8[%get3A_563, %get3A_564] {strides = array<i32>} : memref<640x64xf32, #tpu.memory_space<vmem>>, vector<1x16xf32>,
      %get3A_566 = vector.shape_cast %get3A_565 : vector<1x16xf32> to vector<16xf32>
      %add3A_567 = arith.addf %get3A_560, %get3A_566 : vector<16xf32>
      %add3A_568 = arith.constant 2 : i32
      %add3A_569 = arith.addi %add3A_479, %add3A_568 : i32
      %get3A_570 = arith.index_cast %add3A_569 : i32 to index
      %get3A_571 = arith.constant 48 : index
      %get3A_572 = tpu.vector_load %arg8[%get3A_570, %get3A_571] {strides = array<i32>} : memref<640x64xf32, #tpu.memory_space<vmem>>, vector<1x16xf32>,
      %get3A_573 = vector.shape_cast %get3A_572 : vector<1x16xf32> to vector<16xf32>
      %add3A_574 = arith.constant 3 : i32
      %add3A_575 = arith.addi %add3A_479, %add3A_574 : i32
      %get3A_576 = arith.index_cast %add3A_575 : i32 to index
      %get3A_577 = arith.constant 48 : index
      %get3A_578 = tpu.vector_load %arg8[%get3A_576, %get3A_577] {strides = array<i32>} : memref<640x64xf32, #tpu.memory_space<vmem>>, vector<1x16xf32>,
      %get3A_579 = vector.shape_cast %get3A_578 : vector<1x16xf32> to vector<16xf32>
      %add3A_580 = arith.addf %get3A_573, %get3A_579 : vector<16xf32>
      %add3A_581 = arith.addf %add3A_567, %add3A_580 : vector<16xf32>
      %add3A_582 = arith.addf %scan3A_475, %add3A_581 : vector<16xf32>
      scf.yield %add3A_504, %add3A_530, %add3A_556, %add3A_582 : vector<16xf32>, vector<16xf32>, vector<16xf32>, vector<16xf32>
    }
    %scan3A_386 = arith.constant 32 : i32
    %swap3A_387 = arith.index_cast %shift_right_arithmetic3A_378 : i32 to index
    %swap3A_388 = arith.constant 0 : index
    %swap3A_389 = tpu.vector_load %arg9[%swap3A_387, %swap3A_388] {strides = array<i32>} : memref<200x64xf32, #tpu.memory_space<vmem>>, vector<1x16xf32>,
    %swap3A_390 = vector.shape_cast %swap3A_389 : vector<1x16xf32> to vector<16xf32>
    %swap3A_391 = vector.shape_cast %scan3A_385#0 : vector<16xf32> to vector<1x16xf32>
    tpu.vector_store %arg9[%swap3A_387, %swap3A_388], %swap3A_391 {add = true, strides = array<i32>} : memref<200x64xf32, #tpu.memory_space<vmem>>, vector<1x16xf32>,
    %swap3A_392 = arith.index_cast %shift_right_arithmetic3A_378 : i32 to index
    %swap3A_393 = arith.constant 16 : index
    %swap3A_394 = tpu.vector_load %arg9[%swap3A_392, %swap3A_393] {strides = array<i32>} : memref<200x64xf32, #tpu.memory_space<vmem>>, vector<1x16xf32>,
    %swap3A_395 = vector.shape_cast %swap3A_394 : vector<1x16xf32> to vector<16xf32>
    %swap3A_396 = vector.shape_cast %scan3A_385#1 : vector<16xf32> to vector<1x16xf32>
    tpu.vector_store %arg9[%swap3A_392, %swap3A_393], %swap3A_396 {add = true, strides = array<i32>} : memref<200x64xf32, #tpu.memory_space<vmem>>, vector<1x16xf32>,
    %swap3A_397 = arith.index_cast %shift_right_arithmetic3A_378 : i32 to index
    %swap3A_398 = arith.constant 32 : index
    %swap3A_399 = tpu.vector_load %arg9[%swap3A_397, %swap3A_398] {strides = array<i32>} : memref<200x64xf32, #tpu.memory_space<vmem>>, vector<1x16xf32>,
    %swap3A_400 = vector.shape_cast %swap3A_399 : vector<1x16xf32> to vector<16xf32>
    %swap3A_401 = vector.shape_cast %scan3A_385#2 : vector<16xf32> to vector<1x16xf32>
    tpu.vector_store %arg9[%swap3A_397, %swap3A_398], %swap3A_401 {add = true, strides = array<i32>} : memref<200x64xf32, #tpu.memory_space<vmem>>, vector<1x16xf32>,
    %swap3A_402 = arith.index_cast %shift_right_arithmetic3A_378 : i32 to index
    %swap3A_403 = arith.constant 48 : index
    %swap3A_404 = tpu.vector_load %arg9[%swap3A_402, %swap3A_403] {strides = array<i32>} : memref<200x64xf32, #tpu.memory_space<vmem>>, vector<1x16xf32>,
    %swap3A_405 = vector.shape_cast %swap3A_404 : vector<1x16xf32> to vector<16xf32>
    %swap3A_406 = vector.shape_cast %scan3A_385#3 : vector<16xf32> to vector<1x16xf32>
    tpu.vector_store %arg9[%swap3A_402, %swap3A_403], %swap3A_406 {add = true, strides = array<i32>} : memref<200x64xf32, #tpu.memory_space<vmem>>, vector<1x16xf32>,
    %add3A_407 = arith.constant 3 : i32
    %add3A_408 = arith.addi %add3A_310, %add3A_407 : i32
    %shift_right_arithmetic3A_409 = arith.constant 7 : i32
    %shift_right_arithmetic3A_410 = arith.shrsi %add3A_408, %shift_right_arithmetic3A_409 : i32
    %broadcast_in_dim3A_411 = arith.constant 0.000000e+00 : f32
    %broadcast_in_dim3A_412 = vector.broadcast %broadcast_in_dim3A_411 : f32 to vector<16xf32>
    %scan3A_413 = arith.constant 0 : i32
    %scan3A_414 = arith.constant 32 : i32
    %scan3A_415 = arith.addi %scan3A_413, %scan3A_414 : i32
    %scan3A_416 = arith.constant 1 : i32
    %scan3A_417:4 = scf.for %scan3A_471 = %scan3A_413 to %scan3A_415 step %scan3A_416 iter_args(%scan3A_472 = %broadcast_in_dim3A_412, %scan3A_473 = %broadcast_in_dim3A_412, %scan3A_474 = %broadcast_in_dim3A_412, %scan3A_475 = %broadcast_in_dim3A_412) -> (vector<16xf32>, vector<16xf32>, vector<16xf32>, vector<16xf32>)  : i32 {
      %mul3A_476 = arith.constant 4 : i32
      %mul3A_477 = arith.muli %scan3A_471, %mul3A_476 : i32
      %add3A_478 = arith.constant 384 : i32
      %add3A_479 = arith.addi %add3A_478, %mul3A_477 : i32
      %get3A = arith.index_cast %add3A_479 : i32 to index
      %get3A_480 = arith.constant 0 : index
      %get3A_481 = tpu.vector_load %arg8[%get3A, %get3A_480] {strides = array<i32>} : memref<640x64xf32, #tpu.memory_space<vmem>>, vector<1x16xf32>,
      %get3A_482 = vector.shape_cast %get3A_481 : vector<1x16xf32> to vector<16xf32>
      %add3A_483 = arith.constant 1 : i32
      %add3A_484 = arith.addi %add3A_479, %add3A_483 : i32
      %get3A_485 = arith.index_cast %add3A_484 : i32 to index
      %get3A_486 = arith.constant 0 : index
      %get3A_487 = tpu.vector_load %arg8[%get3A_485, %get3A_486] {strides = array<i32>} : memref<640x64xf32, #tpu.memory_space<vmem>>, vector<1x16xf32>,
      %get3A_488 = vector.shape_cast %get3A_487 : vector<1x16xf32> to vector<16xf32>
      %add3A_489 = arith.addf %get3A_482, %get3A_488 : vector<16xf32>
      %add3A_490 = arith.constant 2 : i32
      %add3A_491 = arith.addi %add3A_479, %add3A_490 : i32
      %get3A_492 = arith.index_cast %add3A_491 : i32 to index
      %get3A_493 = arith.constant 0 : index
      %get3A_494 = tpu.vector_load %arg8[%get3A_492, %get3A_493] {strides = array<i32>} : memref<640x64xf32, #tpu.memory_space<vmem>>, vector<1x16xf32>,
      %get3A_495 = vector.shape_cast %get3A_494 : vector<1x16xf32> to vector<16xf32>
      %add3A_496 = arith.constant 3 : i32
      %add3A_497 = arith.addi %add3A_479, %add3A_496 : i32
      %get3A_498 = arith.index_cast %add3A_497 : i32 to index
      %get3A_499 = arith.constant 0 : index
      %get3A_500 = tpu.vector_load %arg8[%get3A_498, %get3A_499] {strides = array<i32>} : memref<640x64xf32, #tpu.memory_space<vmem>>, vector<1x16xf32>,
      %get3A_501 = vector.shape_cast %get3A_500 : vector<1x16xf32> to vector<16xf32>
      %add3A_502 = arith.addf %get3A_495, %get3A_501 : vector<16xf32>
      %add3A_503 = arith.addf %add3A_489, %add3A_502 : vector<16xf32>
      %add3A_504 = arith.addf %scan3A_472, %add3A_503 : vector<16xf32>
      %get3A_505 = arith.index_cast %add3A_479 : i32 to index
      %get3A_506 = arith.constant 16 : index
      %get3A_507 = tpu.vector_load %arg8[%get3A_505, %get3A_506] {strides = array<i32>} : memref<640x64xf32, #tpu.memory_space<vmem>>, vector<1x16xf32>,
      %get3A_508 = vector.shape_cast %get3A_507 : vector<1x16xf32> to vector<16xf32>
      %add3A_509 = arith.constant 1 : i32
      %add3A_510 = arith.addi %add3A_479, %add3A_509 : i32
      %get3A_511 = arith.index_cast %add3A_510 : i32 to index
      %get3A_512 = arith.constant 16 : index
      %get3A_513 = tpu.vector_load %arg8[%get3A_511, %get3A_512] {strides = array<i32>} : memref<640x64xf32, #tpu.memory_space<vmem>>, vector<1x16xf32>,
      %get3A_514 = vector.shape_cast %get3A_513 : vector<1x16xf32> to vector<16xf32>
      %add3A_515 = arith.addf %get3A_508, %get3A_514 : vector<16xf32>
      %add3A_516 = arith.constant 2 : i32
      %add3A_517 = arith.addi %add3A_479, %add3A_516 : i32
      %get3A_518 = arith.index_cast %add3A_517 : i32 to index
      %get3A_519 = arith.constant 16 : index
      %get3A_520 = tpu.vector_load %arg8[%get3A_518, %get3A_519] {strides = array<i32>} : memref<640x64xf32, #tpu.memory_space<vmem>>, vector<1x16xf32>,
      %get3A_521 = vector.shape_cast %get3A_520 : vector<1x16xf32> to vector<16xf32>
      %add3A_522 = arith.constant 3 : i32
      %add3A_523 = arith.addi %add3A_479, %add3A_522 : i32
      %get3A_524 = arith.index_cast %add3A_523 : i32 to index
      %get3A_525 = arith.constant 16 : index
      %get3A_526 = tpu.vector_load %arg8[%get3A_524, %get3A_525] {strides = array<i32>} : memref<640x64xf32, #tpu.memory_space<vmem>>, vector<1x16xf32>,
      %get3A_527 = vector.shape_cast %get3A_526 : vector<1x16xf32> to vector<16xf32>
      %add3A_528 = arith.addf %get3A_521, %get3A_527 : vector<16xf32>
      %add3A_529 = arith.addf %add3A_515, %add3A_528 : vector<16xf32>
      %add3A_530 = arith.addf %scan3A_473, %add3A_529 : vector<16xf32>
      %get3A_531 = arith.index_cast %add3A_479 : i32 to index
      %get3A_532 = arith.constant 32 : index
      %get3A_533 = tpu.vector_load %arg8[%get3A_531, %get3A_532] {strides = array<i32>} : memref<640x64xf32, #tpu.memory_space<vmem>>, vector<1x16xf32>,
      %get3A_534 = vector.shape_cast %get3A_533 : vector<1x16xf32> to vector<16xf32>
      %add3A_535 = arith.constant 1 : i32
      %add3A_536 = arith.addi %add3A_479, %add3A_535 : i32
      %get3A_537 = arith.index_cast %add3A_536 : i32 to index
      %get3A_538 = arith.constant 32 : index
      %get3A_539 = tpu.vector_load %arg8[%get3A_537, %get3A_538] {strides = array<i32>} : memref<640x64xf32, #tpu.memory_space<vmem>>, vector<1x16xf32>,
      %get3A_540 = vector.shape_cast %get3A_539 : vector<1x16xf32> to vector<16xf32>
      %add3A_541 = arith.addf %get3A_534, %get3A_540 : vector<16xf32>
      %add3A_542 = arith.constant 2 : i32
      %add3A_543 = arith.addi %add3A_479, %add3A_542 : i32
      %get3A_544 = arith.index_cast %add3A_543 : i32 to index
      %get3A_545 = arith.constant 32 : index
      %get3A_546 = tpu.vector_load %arg8[%get3A_544, %get3A_545] {strides = array<i32>} : memref<640x64xf32, #tpu.memory_space<vmem>>, vector<1x16xf32>,
      %get3A_547 = vector.shape_cast %get3A_546 : vector<1x16xf32> to vector<16xf32>
      %add3A_548 = arith.constant 3 : i32
      %add3A_549 = arith.addi %add3A_479, %add3A_548 : i32
      %get3A_550 = arith.index_cast %add3A_549 : i32 to index
      %get3A_551 = arith.constant 32 : index
      %get3A_552 = tpu.vector_load %arg8[%get3A_550, %get3A_551] {strides = array<i32>} : memref<640x64xf32, #tpu.memory_space<vmem>>, vector<1x16xf32>,
      %get3A_553 = vector.shape_cast %get3A_552 : vector<1x16xf32> to vector<16xf32>
      %add3A_554 = arith.addf %get3A_547, %get3A_553 : vector<16xf32>
      %add3A_555 = arith.addf %add3A_541, %add3A_554 : vector<16xf32>
      %add3A_556 = arith.addf %scan3A_474, %add3A_555 : vector<16xf32>
      %get3A_557 = arith.index_cast %add3A_479 : i32 to index
      %get3A_558 = arith.constant 48 : index
      %get3A_559 = tpu.vector_load %arg8[%get3A_557, %get3A_558] {strides = array<i32>} : memref<640x64xf32, #tpu.memory_space<vmem>>, vector<1x16xf32>,
      %get3A_560 = vector.shape_cast %get3A_559 : vector<1x16xf32> to vector<16xf32>
      %add3A_561 = arith.constant 1 : i32
      %add3A_562 = arith.addi %add3A_479, %add3A_561 : i32
      %get3A_563 = arith.index_cast %add3A_562 : i32 to index
      %get3A_564 = arith.constant 48 : index
      %get3A_565 = tpu.vector_load %arg8[%get3A_563, %get3A_564] {strides = array<i32>} : memref<640x64xf32, #tpu.memory_space<vmem>>, vector<1x16xf32>,
      %get3A_566 = vector.shape_cast %get3A_565 : vector<1x16xf32> to vector<16xf32>
      %add3A_567 = arith.addf %get3A_560, %get3A_566 : vector<16xf32>
      %add3A_568 = arith.constant 2 : i32
      %add3A_569 = arith.addi %add3A_479, %add3A_568 : i32
      %get3A_570 = arith.index_cast %add3A_569 : i32 to index
      %get3A_571 = arith.constant 48 : index
      %get3A_572 = tpu.vector_load %arg8[%get3A_570, %get3A_571] {strides = array<i32>} : memref<640x64xf32, #tpu.memory_space<vmem>>, vector<1x16xf32>,
      %get3A_573 = vector.shape_cast %get3A_572 : vector<1x16xf32> to vector<16xf32>
      %add3A_574 = arith.constant 3 : i32
      %add3A_575 = arith.addi %add3A_479, %add3A_574 : i32
      %get3A_576 = arith.index_cast %add3A_575 : i32 to index
      %get3A_577 = arith.constant 48 : index
      %get3A_578 = tpu.vector_load %arg8[%get3A_576, %get3A_577] {strides = array<i32>} : memref<640x64xf32, #tpu.memory_space<vmem>>, vector<1x16xf32>,
      %get3A_579 = vector.shape_cast %get3A_578 : vector<1x16xf32> to vector<16xf32>
      %add3A_580 = arith.addf %get3A_573, %get3A_579 : vector<16xf32>
      %add3A_581 = arith.addf %add3A_567, %add3A_580 : vector<16xf32>
      %add3A_582 = arith.addf %scan3A_475, %add3A_581 : vector<16xf32>
      scf.yield %add3A_504, %add3A_530, %add3A_556, %add3A_582 : vector<16xf32>, vector<16xf32>, vector<16xf32>, vector<16xf32>
    }
    %scan3A_418 = arith.constant 32 : i32
    %swap3A_419 = arith.index_cast %shift_right_arithmetic3A_410 : i32 to index
    %swap3A_420 = arith.constant 0 : index
    %swap3A_421 = tpu.vector_load %arg9[%swap3A_419, %swap3A_420] {strides = array<i32>} : memref<200x64xf32, #tpu.memory_space<vmem>>, vector<1x16xf32>,
    %swap3A_422 = vector.shape_cast %swap3A_421 : vector<1x16xf32> to vector<16xf32>
    %swap3A_423 = vector.shape_cast %scan3A_417#0 : vector<16xf32> to vector<1x16xf32>
    tpu.vector_store %arg9[%swap3A_419, %swap3A_420], %swap3A_423 {add = true, strides = array<i32>} : memref<200x64xf32, #tpu.memory_space<vmem>>, vector<1x16xf32>,
    %swap3A_424 = arith.index_cast %shift_right_arithmetic3A_410 : i32 to index
    %swap3A_425 = arith.constant 16 : index
    %swap3A_426 = tpu.vector_load %arg9[%swap3A_424, %swap3A_425] {strides = array<i32>} : memref<200x64xf32, #tpu.memory_space<vmem>>, vector<1x16xf32>,
    %swap3A_427 = vector.shape_cast %swap3A_426 : vector<1x16xf32> to vector<16xf32>
    %swap3A_428 = vector.shape_cast %scan3A_417#1 : vector<16xf32> to vector<1x16xf32>
    tpu.vector_store %arg9[%swap3A_424, %swap3A_425], %swap3A_428 {add = true, strides = array<i32>} : memref<200x64xf32, #tpu.memory_space<vmem>>, vector<1x16xf32>,
    %swap3A_429 = arith.index_cast %shift_right_arithmetic3A_410 : i32 to index
    %swap3A_430 = arith.constant 32 : index
    %swap3A_431 = tpu.vector_load %arg9[%swap3A_429, %swap3A_430] {strides = array<i32>} : memref<200x64xf32, #tpu.memory_space<vmem>>, vector<1x16xf32>,
    %swap3A_432 = vector.shape_cast %swap3A_431 : vector<1x16xf32> to vector<16xf32>
    %swap3A_433 = vector.shape_cast %scan3A_417#2 : vector<16xf32> to vector<1x16xf32>
    tpu.vector_store %arg9[%swap3A_429, %swap3A_430], %swap3A_433 {add = true, strides = array<i32>} : memref<200x64xf32, #tpu.memory_space<vmem>>, vector<1x16xf32>,
    %swap3A_434 = arith.index_cast %shift_right_arithmetic3A_410 : i32 to index
    %swap3A_435 = arith.constant 48 : index
    %swap3A_436 = tpu.vector_load %arg9[%swap3A_434, %swap3A_435] {strides = array<i32>} : memref<200x64xf32, #tpu.memory_space<vmem>>, vector<1x16xf32>,
    %swap3A_437 = vector.shape_cast %swap3A_436 : vector<1x16xf32> to vector<16xf32>
    %swap3A_438 = vector.shape_cast %scan3A_417#3 : vector<16xf32> to vector<1x16xf32>
    tpu.vector_store %arg9[%swap3A_434, %swap3A_435], %swap3A_438 {add = true, strides = array<i32>} : memref<200x64xf32, #tpu.memory_space<vmem>>, vector<1x16xf32>,
    %add3A_439 = arith.constant 4 : i32
    %add3A_440 = arith.addi %add3A_310, %add3A_439 : i32
    %shift_right_arithmetic3A_441 = arith.constant 7 : i32
    %shift_right_arithmetic3A_442 = arith.shrsi %add3A_440, %shift_right_arithmetic3A_441 : i32
    %broadcast_in_dim3A_443 = arith.constant 0.000000e+00 : f32
    %broadcast_in_dim3A_444 = vector.broadcast %broadcast_in_dim3A_443 : f32 to vector<16xf32>
    %scan3A_445 = arith.constant 0 : i32
    %scan3A_446 = arith.constant 32 : i32
    %scan3A_447 = arith.addi %scan3A_445, %scan3A_446 : i32
    %scan3A_448 = arith.constant 1 : i32
    %scan3A_449:4 = scf.for %scan3A_471 = %scan3A_445 to %scan3A_447 step %scan3A_448 iter_args(%scan3A_472 = %broadcast_in_dim3A_444, %scan3A_473 = %broadcast_in_dim3A_444, %scan3A_474 = %broadcast_in_dim3A_444, %scan3A_475 = %broadcast_in_dim3A_444) -> (vector<16xf32>, vector<16xf32>, vector<16xf32>, vector<16xf32>)  : i32 {
      %mul3A_476 = arith.constant 4 : i32
      %mul3A_477 = arith.muli %scan3A_471, %mul3A_476 : i32
      %add3A_478 = arith.constant 512 : i32
      %add3A_479 = arith.addi %add3A_478, %mul3A_477 : i32
      %get3A = arith.index_cast %add3A_479 : i32 to index
      %get3A_480 = arith.constant 0 : index
      %get3A_481 = tpu.vector_load %arg8[%get3A, %get3A_480] {strides = array<i32>} : memref<640x64xf32, #tpu.memory_space<vmem>>, vector<1x16xf32>,
      %get3A_482 = vector.shape_cast %get3A_481 : vector<1x16xf32> to vector<16xf32>
      %add3A_483 = arith.constant 1 : i32
      %add3A_484 = arith.addi %add3A_479, %add3A_483 : i32
      %get3A_485 = arith.index_cast %add3A_484 : i32 to index
      %get3A_486 = arith.constant 0 : index
      %get3A_487 = tpu.vector_load %arg8[%get3A_485, %get3A_486] {strides = array<i32>} : memref<640x64xf32, #tpu.memory_space<vmem>>, vector<1x16xf32>,
      %get3A_488 = vector.shape_cast %get3A_487 : vector<1x16xf32> to vector<16xf32>
      %add3A_489 = arith.addf %get3A_482, %get3A_488 : vector<16xf32>
      %add3A_490 = arith.constant 2 : i32
      %add3A_491 = arith.addi %add3A_479, %add3A_490 : i32
      %get3A_492 = arith.index_cast %add3A_491 : i32 to index
      %get3A_493 = arith.constant 0 : index
      %get3A_494 = tpu.vector_load %arg8[%get3A_492, %get3A_493] {strides = array<i32>} : memref<640x64xf32, #tpu.memory_space<vmem>>, vector<1x16xf32>,
      %get3A_495 = vector.shape_cast %get3A_494 : vector<1x16xf32> to vector<16xf32>
      %add3A_496 = arith.constant 3 : i32
      %add3A_497 = arith.addi %add3A_479, %add3A_496 : i32
      %get3A_498 = arith.index_cast %add3A_497 : i32 to index
      %get3A_499 = arith.constant 0 : index
      %get3A_500 = tpu.vector_load %arg8[%get3A_498, %get3A_499] {strides = array<i32>} : memref<640x64xf32, #tpu.memory_space<vmem>>, vector<1x16xf32>,
      %get3A_501 = vector.shape_cast %get3A_500 : vector<1x16xf32> to vector<16xf32>
      %add3A_502 = arith.addf %get3A_495, %get3A_501 : vector<16xf32>
      %add3A_503 = arith.addf %add3A_489, %add3A_502 : vector<16xf32>
      %add3A_504 = arith.addf %scan3A_472, %add3A_503 : vector<16xf32>
      %get3A_505 = arith.index_cast %add3A_479 : i32 to index
      %get3A_506 = arith.constant 16 : index
      %get3A_507 = tpu.vector_load %arg8[%get3A_505, %get3A_506] {strides = array<i32>} : memref<640x64xf32, #tpu.memory_space<vmem>>, vector<1x16xf32>,
      %get3A_508 = vector.shape_cast %get3A_507 : vector<1x16xf32> to vector<16xf32>
      %add3A_509 = arith.constant 1 : i32
      %add3A_510 = arith.addi %add3A_479, %add3A_509 : i32
      %get3A_511 = arith.index_cast %add3A_510 : i32 to index
      %get3A_512 = arith.constant 16 : index
      %get3A_513 = tpu.vector_load %arg8[%get3A_511, %get3A_512] {strides = array<i32>} : memref<640x64xf32, #tpu.memory_space<vmem>>, vector<1x16xf32>,
      %get3A_514 = vector.shape_cast %get3A_513 : vector<1x16xf32> to vector<16xf32>
      %add3A_515 = arith.addf %get3A_508, %get3A_514 : vector<16xf32>
      %add3A_516 = arith.constant 2 : i32
      %add3A_517 = arith.addi %add3A_479, %add3A_516 : i32
      %get3A_518 = arith.index_cast %add3A_517 : i32 to index
      %get3A_519 = arith.constant 16 : index
      %get3A_520 = tpu.vector_load %arg8[%get3A_518, %get3A_519] {strides = array<i32>} : memref<640x64xf32, #tpu.memory_space<vmem>>, vector<1x16xf32>,
      %get3A_521 = vector.shape_cast %get3A_520 : vector<1x16xf32> to vector<16xf32>
      %add3A_522 = arith.constant 3 : i32
      %add3A_523 = arith.addi %add3A_479, %add3A_522 : i32
      %get3A_524 = arith.index_cast %add3A_523 : i32 to index
      %get3A_525 = arith.constant 16 : index
      %get3A_526 = tpu.vector_load %arg8[%get3A_524, %get3A_525] {strides = array<i32>} : memref<640x64xf32, #tpu.memory_space<vmem>>, vector<1x16xf32>,
      %get3A_527 = vector.shape_cast %get3A_526 : vector<1x16xf32> to vector<16xf32>
      %add3A_528 = arith.addf %get3A_521, %get3A_527 : vector<16xf32>
      %add3A_529 = arith.addf %add3A_515, %add3A_528 : vector<16xf32>
      %add3A_530 = arith.addf %scan3A_473, %add3A_529 : vector<16xf32>
      %get3A_531 = arith.index_cast %add3A_479 : i32 to index
      %get3A_532 = arith.constant 32 : index
      %get3A_533 = tpu.vector_load %arg8[%get3A_531, %get3A_532] {strides = array<i32>} : memref<640x64xf32, #tpu.memory_space<vmem>>, vector<1x16xf32>,
      %get3A_534 = vector.shape_cast %get3A_533 : vector<1x16xf32> to vector<16xf32>
      %add3A_535 = arith.constant 1 : i32
      %add3A_536 = arith.addi %add3A_479, %add3A_535 : i32
      %get3A_537 = arith.index_cast %add3A_536 : i32 to index
      %get3A_538 = arith.constant 32 : index
      %get3A_539 = tpu.vector_load %arg8[%get3A_537, %get3A_538] {strides = array<i32>} : memref<640x64xf32, #tpu.memory_space<vmem>>, vector<1x16xf32>,
      %get3A_540 = vector.shape_cast %get3A_539 : vector<1x16xf32> to vector<16xf32>
      %add3A_541 = arith.addf %get3A_534, %get3A_540 : vector<16xf32>
      %add3A_542 = arith.constant 2 : i32
      %add3A_543 = arith.addi %add3A_479, %add3A_542 : i32
      %get3A_544 = arith.index_cast %add3A_543 : i32 to index
      %get3A_545 = arith.constant 32 : index
      %get3A_546 = tpu.vector_load %arg8[%get3A_544, %get3A_545] {strides = array<i32>} : memref<640x64xf32, #tpu.memory_space<vmem>>, vector<1x16xf32>,
      %get3A_547 = vector.shape_cast %get3A_546 : vector<1x16xf32> to vector<16xf32>
      %add3A_548 = arith.constant 3 : i32
      %add3A_549 = arith.addi %add3A_479, %add3A_548 : i32
      %get3A_550 = arith.index_cast %add3A_549 : i32 to index
      %get3A_551 = arith.constant 32 : index
      %get3A_552 = tpu.vector_load %arg8[%get3A_550, %get3A_551] {strides = array<i32>} : memref<640x64xf32, #tpu.memory_space<vmem>>, vector<1x16xf32>,
      %get3A_553 = vector.shape_cast %get3A_552 : vector<1x16xf32> to vector<16xf32>
      %add3A_554 = arith.addf %get3A_547, %get3A_553 : vector<16xf32>
      %add3A_555 = arith.addf %add3A_541, %add3A_554 : vector<16xf32>
      %add3A_556 = arith.addf %scan3A_474, %add3A_555 : vector<16xf32>
      %get3A_557 = arith.index_cast %add3A_479 : i32 to index
      %get3A_558 = arith.constant 48 : index
      %get3A_559 = tpu.vector_load %arg8[%get3A_557, %get3A_558] {strides = array<i32>} : memref<640x64xf32, #tpu.memory_space<vmem>>, vector<1x16xf32>,
      %get3A_560 = vector.shape_cast %get3A_559 : vector<1x16xf32> to vector<16xf32>
      %add3A_561 = arith.constant 1 : i32
      %add3A_562 = arith.addi %add3A_479, %add3A_561 : i32
      %get3A_563 = arith.index_cast %add3A_562 : i32 to index
      %get3A_564 = arith.constant 48 : index
      %get3A_565 = tpu.vector_load %arg8[%get3A_563, %get3A_564] {strides = array<i32>} : memref<640x64xf32, #tpu.memory_space<vmem>>, vector<1x16xf32>,
      %get3A_566 = vector.shape_cast %get3A_565 : vector<1x16xf32> to vector<16xf32>
      %add3A_567 = arith.addf %get3A_560, %get3A_566 : vector<16xf32>
      %add3A_568 = arith.constant 2 : i32
      %add3A_569 = arith.addi %add3A_479, %add3A_568 : i32
      %get3A_570 = arith.index_cast %add3A_569 : i32 to index
      %get3A_571 = arith.constant 48 : index
      %get3A_572 = tpu.vector_load %arg8[%get3A_570, %get3A_571] {strides = array<i32>} : memref<640x64xf32, #tpu.memory_space<vmem>>, vector<1x16xf32>,
      %get3A_573 = vector.shape_cast %get3A_572 : vector<1x16xf32> to vector<16xf32>
      %add3A_574 = arith.constant 3 : i32
      %add3A_575 = arith.addi %add3A_479, %add3A_574 : i32
      %get3A_576 = arith.index_cast %add3A_575 : i32 to index
      %get3A_577 = arith.constant 48 : index
      %get3A_578 = tpu.vector_load %arg8[%get3A_576, %get3A_577] {strides = array<i32>} : memref<640x64xf32, #tpu.memory_space<vmem>>, vector<1x16xf32>,
      %get3A_579 = vector.shape_cast %get3A_578 : vector<1x16xf32> to vector<16xf32>
      %add3A_580 = arith.addf %get3A_573, %get3A_579 : vector<16xf32>
      %add3A_581 = arith.addf %add3A_567, %add3A_580 : vector<16xf32>
      %add3A_582 = arith.addf %scan3A_475, %add3A_581 : vector<16xf32>
      scf.yield %add3A_504, %add3A_530, %add3A_556, %add3A_582 : vector<16xf32>, vector<16xf32>, vector<16xf32>, vector<16xf32>
    }
    %scan3A_450 = arith.constant 32 : i32
    %swap3A_451 = arith.index_cast %shift_right_arithmetic3A_442 : i32 to index
    %swap3A_452 = arith.constant 0 : index
    %swap3A_453 = tpu.vector_load %arg9[%swap3A_451, %swap3A_452] {strides = array<i32>} : memref<200x64xf32, #tpu.memory_space<vmem>>, vector<1x16xf32>,
    %swap3A_454 = vector.shape_cast %swap3A_453 : vector<1x16xf32> to vector<16xf32>
    %swap3A_455 = vector.shape_cast %scan3A_449#0 : vector<16xf32> to vector<1x16xf32>
    tpu.vector_store %arg9[%swap3A_451, %swap3A_452], %swap3A_455 {add = true, strides = array<i32>} : memref<200x64xf32, #tpu.memory_space<vmem>>, vector<1x16xf32>,
    %swap3A_456 = arith.index_cast %shift_right_arithmetic3A_442 : i32 to index
    %swap3A_457 = arith.constant 16 : index
    %swap3A_458 = tpu.vector_load %arg9[%swap3A_456, %swap3A_457] {strides = array<i32>} : memref<200x64xf32, #tpu.memory_space<vmem>>, vector<1x16xf32>,
    %swap3A_459 = vector.shape_cast %swap3A_458 : vector<1x16xf32> to vector<16xf32>
    %swap3A_460 = vector.shape_cast %scan3A_449#1 : vector<16xf32> to vector<1x16xf32>
    tpu.vector_store %arg9[%swap3A_456, %swap3A_457], %swap3A_460 {add = true, strides = array<i32>} : memref<200x64xf32, #tpu.memory_space<vmem>>, vector<1x16xf32>,
    %swap3A_461 = arith.index_cast %shift_right_arithmetic3A_442 : i32 to index
    %swap3A_462 = arith.constant 32 : index
    %swap3A_463 = tpu.vector_load %arg9[%swap3A_461, %swap3A_462] {strides = array<i32>} : memref<200x64xf32, #tpu.memory_space<vmem>>, vector<1x16xf32>,
    %swap3A_464 = vector.shape_cast %swap3A_463 : vector<1x16xf32> to vector<16xf32>
    %swap3A_465 = vector.shape_cast %scan3A_449#2 : vector<16xf32> to vector<1x16xf32>
    tpu.vector_store %arg9[%swap3A_461, %swap3A_462], %swap3A_465 {add = true, strides = array<i32>} : memref<200x64xf32, #tpu.memory_space<vmem>>, vector<1x16xf32>,
    %swap3A_466 = arith.index_cast %shift_right_arithmetic3A_442 : i32 to index
    %swap3A_467 = arith.constant 48 : index
    %swap3A_468 = tpu.vector_load %arg9[%swap3A_466, %swap3A_467] {strides = array<i32>} : memref<200x64xf32, #tpu.memory_space<vmem>>, vector<1x16xf32>,
    %swap3A_469 = vector.shape_cast %swap3A_468 : vector<1x16xf32> to vector<16xf32>
    %swap3A_470 = vector.shape_cast %scan3A_449#3 : vector<16xf32> to vector<1x16xf32>
    tpu.vector_store %arg9[%swap3A_466, %swap3A_467], %swap3A_470 {add = true, strides = array<i32>} : memref<200x64xf32, #tpu.memory_space<vmem>>, vector<1x16xf32>,
    "tpu.region"() ({
      %run_scoped3A = tpu.sem_alloc : memref<!tpu.dma_semaphore, #tpu.memory_space<semaphore_mem>>
      %dma_start3A_471 = arith.constant 0 : i32
      %dma_start3A_472 = arith.constant 0 : i32
      %dma_start3A_473 = tpu.memref_slice %arg4[%add3A, %dma_start3A_471, %dma_start3A_472] : memref<32x200x64xf32, #tpu.memory_space<hbm>> -> memref<1x200x64xf32, #tpu.memory_space<hbm>>
      %dma_start3A_474 = tpu.memref_squeeze %dma_start3A_473 : memref<1x200x64xf32, #tpu.memory_space<hbm>> -> memref<200x64xf32, #tpu.memory_space<hbm>>
      %dma_start3A_475 = arith.constant 0 : i32
      %dma_start3A_476 = arith.constant 0 : i32
      %dma_start3A_477 = tpu.memref_slice %arg4[%add3A, %dma_start3A_475, %dma_start3A_476] : memref<32x200x64xf32, #tpu.memory_space<hbm>> -> memref<1x200x64xf32, #tpu.memory_space<hbm>>
      %dma_start3A_478 = tpu.memref_squeeze %dma_start3A_477 : memref<1x200x64xf32, #tpu.memory_space<hbm>> -> memref<200x64xf32, #tpu.memory_space<hbm>>
      tpu.enqueue_dma source(%arg9 : memref<200x64xf32, #tpu.memory_space<vmem>>) target(%dma_start3A_478 : memref<200x64xf32, #tpu.memory_space<hbm>>) target_semaphore(%run_scoped3A : memref<!tpu.dma_semaphore, #tpu.memory_space<semaphore_mem>>)
      %dma_wait3A_479 = arith.constant 0 : i32
      %dma_wait3A_480 = arith.constant 0 : i32
      %dma_wait3A_481 = tpu.memref_slice %arg4[%add3A, %dma_wait3A_479, %dma_wait3A_480] : memref<32x200x64xf32, #tpu.memory_space<hbm>> -> memref<1x200x64xf32, #tpu.memory_space<hbm>>
      %dma_wait3A_482 = tpu.memref_squeeze %dma_wait3A_481 : memref<1x200x64xf32, #tpu.memory_space<hbm>> -> memref<200x64xf32, #tpu.memory_space<hbm>>
      %dma_wait3A_483 = arith.constant 0 : i32
      %dma_wait3A_484 = arith.constant 0 : i32
      %dma_wait3A_485 = tpu.memref_slice %arg4[%add3A, %dma_wait3A_483, %dma_wait3A_484] : memref<32x200x64xf32, #tpu.memory_space<hbm>> -> memref<1x200x64xf32, #tpu.memory_space<hbm>>
      %dma_wait3A_486 = tpu.memref_squeeze %dma_wait3A_485 : memref<1x200x64xf32, #tpu.memory_space<hbm>> -> memref<200x64xf32, #tpu.memory_space<hbm>>
      tpu.wait_dma2 semaphore(%run_scoped3A : memref<!tpu.dma_semaphore, #tpu.memory_space<semaphore_mem>>) src(%arg9 : memref<200x64xf32, #tpu.memory_space<vmem>>) dst(%dma_wait3A_486 : memref<200x64xf32, #tpu.memory_space<hbm>>)
      tpu.yield
    }) : () -> ()
    return
  }
}

module attributes {stable_mosaic.version = 14 : i64} {
  func.func @body(%arg0: memref<32x200x64xf32, #tpu.memory_space<vmem>>, %arg1: memref<64x64xf32, #tpu.memory_space<vmem>>, %arg2: memref<1x64xf32, #tpu.memory_space<vmem>>, %arg3: memref<64x64xf32, #tpu.memory_space<vmem>>, %arg4: memref<1x64xf32, #tpu.memory_space<vmem>>, %arg5: memref<64x64xf32, #tpu.memory_space<vmem>>, %arg6: memref<1x64xf32, #tpu.memory_space<vmem>>, %arg7: memref<200x64xf32, #tpu.memory_space<vmem>>) attributes {dimension_semantics = [], scalar_prefetch = 0 : i64, scratch_operands = 0 : i64, tpu.core_type = #tpu.core_type<tc>} {
    %get3A = arith.constant 0 : index
    %get3A_0 = arith.constant 0 : index
    %get3A_1 = arith.constant 0 : index
    %get3A_2 = vector.load %arg0[%get3A, %get3A_0, %get3A_1] : memref<32x200x64xf32, #tpu.memory_space<vmem>>, vector<32x200x64xf32>
    %reduce_sum3A = arith.constant dense<0.000000e+00> : vector<200x64xf32>
    %reduce_sum3A_3 = vector.multi_reduction <add>, %get3A_2, %reduce_sum3A [0] : vector<32x200x64xf32> to vector<200x64xf32>
    %mul3A = arith.constant 6.10351563E-5 : f32
    %mul3A_4 = vector.broadcast %mul3A : f32 to vector<200x64xf32>
    %mul3A_5 = arith.mulf %reduce_sum3A_3, %mul3A_4 : vector<200x64xf32>
    %get3A_6 = arith.constant 0 : index
    %get3A_7 = arith.constant 0 : index
    %get3A_8 = vector.load %arg1[%get3A_6, %get3A_7] : memref<64x64xf32, #tpu.memory_space<vmem>>, vector<64x64xf32>
    %dot_general3A = arith.constant dense<0.000000e+00> : vector<200x64xf32>
    %dot_general3A_9 = tpu.matmul %mul3A_5, %get3A_8, %dot_general3A {dimension_numbers = #tpu.dot_dimension_numbers<[1], [0], [0], [1], [0, 0, 1, 1], [], []>, transpose_lhs_hint = false} : vector<200x64xf32>, vector<64x64xf32>, vector<200x64xf32> -> vector<200x64xf32>
    %get3A_10 = arith.constant 0 : index
    %get3A_11 = arith.constant 0 : index
    %get3A_12 = vector.load %arg2[%get3A_10, %get3A_11] : memref<1x64xf32, #tpu.memory_space<vmem>>, vector<1x64xf32>
    %add3A = vector.broadcast %get3A_12 : vector<1x64xf32> to vector<200x64xf32>
    %add3A_13 = arith.addf %dot_general3A_9, %add3A : vector<200x64xf32>
    %max3A = arith.constant 0.000000e+00 : f32
    %max3A_14 = vector.broadcast %max3A : f32 to vector<200x64xf32>
    %max3A_15 = arith.maximumf %add3A_13, %max3A_14 : vector<200x64xf32>
    %get3A_16 = arith.constant 0 : index
    %get3A_17 = arith.constant 0 : index
    %get3A_18 = vector.load %arg3[%get3A_16, %get3A_17] : memref<64x64xf32, #tpu.memory_space<vmem>>, vector<64x64xf32>
    %dot_general3A_19 = arith.constant dense<0.000000e+00> : vector<200x64xf32>
    %dot_general3A_20 = tpu.matmul %max3A_15, %get3A_18, %dot_general3A_19 {dimension_numbers = #tpu.dot_dimension_numbers<[1], [0], [0], [1], [0, 0, 1, 1], [], []>, transpose_lhs_hint = false} : vector<200x64xf32>, vector<64x64xf32>, vector<200x64xf32> -> vector<200x64xf32>
    %get3A_21 = arith.constant 0 : index
    %get3A_22 = arith.constant 0 : index
    %get3A_23 = vector.load %arg4[%get3A_21, %get3A_22] : memref<1x64xf32, #tpu.memory_space<vmem>>, vector<1x64xf32>
    %add3A_24 = vector.broadcast %get3A_23 : vector<1x64xf32> to vector<200x64xf32>
    %add3A_25 = arith.addf %dot_general3A_20, %add3A_24 : vector<200x64xf32>
    %max3A_26 = arith.constant 0.000000e+00 : f32
    %max3A_27 = vector.broadcast %max3A_26 : f32 to vector<200x64xf32>
    %max3A_28 = arith.maximumf %add3A_25, %max3A_27 : vector<200x64xf32>
    %get3A_29 = arith.constant 0 : index
    %get3A_30 = arith.constant 0 : index
    %get3A_31 = vector.load %arg5[%get3A_29, %get3A_30] : memref<64x64xf32, #tpu.memory_space<vmem>>, vector<64x64xf32>
    %dot_general3A_32 = arith.constant dense<0.000000e+00> : vector<200x64xf32>
    %dot_general3A_33 = tpu.matmul %max3A_28, %get3A_31, %dot_general3A_32 {dimension_numbers = #tpu.dot_dimension_numbers<[1], [0], [0], [1], [0, 0, 1, 1], [], []>, transpose_lhs_hint = false} : vector<200x64xf32>, vector<64x64xf32>, vector<200x64xf32> -> vector<200x64xf32>
    %get3A_34 = arith.constant 0 : index
    %get3A_35 = arith.constant 0 : index
    %get3A_36 = vector.load %arg6[%get3A_34, %get3A_35] : memref<1x64xf32, #tpu.memory_space<vmem>>, vector<1x64xf32>
    %add3A_37 = vector.broadcast %get3A_36 : vector<1x64xf32> to vector<200x64xf32>
    %add3A_38 = arith.addf %dot_general3A_33, %add3A_37 : vector<200x64xf32>
    %swap3A = arith.constant 0 : index
    %swap3A_39 = arith.constant 0 : index
    %swap3A_40 = vector.load %arg7[%swap3A, %swap3A_39] : memref<200x64xf32, #tpu.memory_space<vmem>>, vector<200x64xf32>
    tpu.vector_store %arg7[%swap3A, %swap3A_39], %add3A_38 {strides = array<i32>} : memref<200x64xf32, #tpu.memory_space<vmem>>, vector<200x64xf32>,
    return
  }
}

</mosaic_0001>

<sc_bundles>
// kernel: kernel.4.cloned.1.call-start
scs
__scs_entry_jumppad:
0x0: {  	(pc) =	sbr.rel $0x88, $3  }
0x1: {  	(tag) =	ssettag $0x0;
	lr =	simm.s32 $0x1  }
0x2: {  	[smem:$0x3F99] =	sst lr;
	_ =	strace $0xD0000000  }
0x3: {  	_ = 	snop  }
0x4: {  	_ = 	snop  }
0x5: {  	_ = 	snop  }
0x6: {  	_ = 	snop  }
0x7: {  	_ = 	snop  }
__scs_overlays_trampoline_lowered:
0x8: {  	[smem:$0x3FA8] =	sst s0  }
0x9: {  	[smem:$0x3FA9] =	sst s1  }
0xa: {  	[smem:$0x3FAA] =	sst s2  }
0xb: {  	[smem:$0x3FAB] =	sst s3  }
0xc: {  	[smem:$0x3FAC] =	sst s4  }
0xd: {  	[smem:$0x3FAD] =	sst s5  }
0xe: {  	[smem:$0x3FAE] =	sst s6  }
0xf: {  	[smem:$0x3FAF] =	sst s7  }
0x10: {  	[smem:$0x3FB0] =	sst s8  }
0x11: {  	[smem:$0x3FB1] =	sst s9;
	s0 =	simm.s32 @!p0 $0x0  }
0x12: {  	s1 =	sld [smem:$0x3F97];
	s0 =	simm.s32 @p0 $0x1  }
0x13: {  	[smem:$0x3FB2] =	sst s0;
	s0 =	simm.s32 @!p1 $0x0  }
0x14: {  	s2 =	sld [smem:$0x3F96];
	s0 =	simm.s32 @p1 $0x1  }
0x15: {  	[smem:$0x3FB3] =	sst s0;
	s0 =	simm.s32 @!p2 $0x0  }
0x16: {  	s3 =	sld [smem:$0x3FDB];
	s0 =	simm.s32 @p2 $0x1  }
0x17: {  	s4 =	simm.s32 $0x1BF5;
	[smem:$0x3FB5] =	sst s0  }
0x18: {  	s0 =	sld [smem:$0x3F98];
	_ =	swait.ge [sflag:s4], $0x0  }
0x19: {  	s7 =	sld [smem:$0x3F99]  }
0x1a: {  	s8 =	sadd.s32 $0xFFFFE003, lr  }
0x1b: {  	s9 =	sadd.s32 $0xFFFFFEF7, lr;
	s5 =	simm.s32 $0xFFFFFFFF;
	p2 =	slt.u32 s8, $0xFFFFF086  }
0x1c: {  	p1 =	slt.u32 s9, $0xF7A;
	s5 =	simm.s32 @!p2 $0x0  }
0x1d: {  	s5 =	simm.s32 @p1 $0x1;
	p0 =	seq.s32 s7, s2  }
0x1e: {  	s7 =	smul.u32 @!p0 $0xF7A, s2;
	p2 =	seq.s32 @!p0 s5, $0x0  }
0x1f: {  	s9 =	smul.u32 $0xF7A, s1;
	s8 =	simm.s32 @!p0 $0x1BF5;
	p2 =	por !p2, p0  }
0x20: {  	[sflag:s8] =	ssyncset.s32 @!p0 $0xFFFFF086;
	s6 =	sadd.s32 @!p0 s3, s7;
	s7 =	simm.s32 @!p0 $0x108  }
0x21: {  	s3 =	sadd.s32 s3, s9;
	s6 =	sadd.s32 @!p0 $0x88, s6;
	s7 =	simm.s32 @p2 $0x1082  }
0x22: {  	[simem:s7], [sflag:s8] =	dma.local @!p0 [hbm:s6], $0xF7A  }
0x23: {  	s9 =	sor.u32 $0xD0000000, s2;
	s6 =	simm.s32 $0x108;
	_ =	swait.ge @!p0 [sflag:s8], $0x0  }
0x24: {  	s3 =	sadd.s32 $0x88, s3;
	s6 =	simm.s32 @!p1 $0x1082;
	[sflag:s4] =	ssyncset.s32 $0xFFFFF086  }
0x25: {  	[simem:s6], [sflag:s4] =	dma.local [hbm:s3], $0xF7A  }
0x26: {  	[smem:$0x3F99] =	sst s1;
	(tag) =	ssettag s2;
	_ =	strace s9  }
0x27: {  	s1 =	sld [smem:$0x3FA9]  }
0x28: {  	s2 =	sld [smem:$0x3FAA]  }
0x29: {  	s4 =	sld [smem:$0x3FAC]  }
0x2a: {  	p0 =	seq.s32 s5, $0x0;
	s5 =	sld [smem:$0x3FAD]  }
0x2b: {  	s6 =	sld [smem:$0x3FAE]  }
0x2c: {  	s7 =	sld [smem:$0x3FAF]  }
0x2d: {  	s3 =	simm.s32 $0x108;
	s8 =	sld [smem:$0x3FB0]  }
0x2e: {  	s3 =	simm.s32 @!p0 $0x1082;
	s9 =	sld [smem:$0x3FB1]  }
0x2f: {  	lr =	sadd.s32 s0, s3;
	s0 =	sld [smem:$0x3FA8]  }
0x30: {  	s3 =	sld [smem:$0x3FAB]  }
0x31: {  	[smem:$0x3FB4] =	sst s10  }
0x32: {  	s10 =	sld [smem:$0x3FB2];
	_ =	sdelay $0x3  }
0x33: {  	p0 =	seq.s32 s10, $0x1;
	s10 =	sld [smem:$0x3FB4];
	_ =	sdelay $0x3  }
0x34: {  	[smem:$0x3FB4] =	sst s10  }
0x35: {  	s10 =	sld [smem:$0x3FB3];
	_ =	sdelay $0x3  }
0x36: {  	p1 =	seq.s32 s10, $0x1;
	s10 =	sld [smem:$0x3FB4];
	_ =	sdelay $0x3  }
0x37: {  	[smem:$0x3FB4] =	sst s10  }
0x38: {  	s10 =	sld [smem:$0x3FB5]  }
0x39: {  	_ = 	snop;
	(pc) =	sbr.ind lr, $3  }
0x3a: {  	_ = 	snop  }
0x3b: {  	_ = 	snop  }
0x3c: {  	p2 =	seq.s32 s10, $0x1;
	s10 =	sld [smem:$0x3FB4]  }
0x3d: {  	_ =	shalt  }
0x3e: {  	_ =	shalt  }
0x3f: {  	_ =	shalt  }
0x40: {  	_ =	shalt  }
0x41: {  	_ =	shalt  }
0x42: {  	_ =	shalt  }
0x43: {  	_ =	shalt  }
0x44: {  	_ =	shalt  }
0x45: {  	_ =	shalt  }
0x46: {  	_ =	shalt  }
0x47: {  	_ =	shalt  }
0x48: {  	_ =	shalt  }
0x49: {  	_ =	shalt  }
0x4a: {  	_ =	shalt  }
0x4b: {  	_ =	shalt  }
0x4c: {  	_ =	shalt  }
0x4d: {  	_ =	shalt  }
0x4e: {  	_ =	shalt  }
0x4f: {  	_ =	shalt  }
0x50: {  	_ =	shalt  }
0x51: {  	_ =	shalt  }
0x52: {  	_ =	shalt  }
0x53: {  	_ =	shalt  }
0x54: {  	_ =	shalt  }
0x55: {  	_ =	shalt  }
0x56: {  	_ =	shalt  }
0x57: {  	_ =	shalt  }
0x58: {  	_ =	shalt  }
0x59: {  	_ =	shalt  }
0x5a: {  	_ =	shalt  }
0x5b: {  	_ =	shalt  }
0x5c: {  	_ =	shalt  }
0x5d: {  	_ =	shalt  }
0x5e: {  	_ =	shalt  }
0x5f: {  	_ =	shalt  }
0x60: {  	_ =	shalt  }
0x61: {  	_ =	shalt  }
0x62: {  	_ =	shalt  }
0x63: {  	_ =	shalt  }
0x64: {  	_ =	shalt  }
0x65: {  	_ =	shalt  }
0x66: {  	_ =	shalt  }
0x67: {  	_ =	shalt  }
0x68: {  	_ =	shalt  }
0x69: {  	_ =	shalt  }
0x6a: {  	_ =	shalt  }
0x6b: {  	_ =	shalt  }
0x6c: {  	_ =	shalt  }
0x6d: {  	_ =	shalt  }
0x6e: {  	_ =	shalt  }
0x6f: {  	_ =	shalt  }
0x70: {  	_ =	shalt  }
0x71: {  	_ =	shalt  }
0x72: {  	_ =	shalt  }
0x73: {  	_ =	shalt  }
0x74: {  	_ =	shalt  }
0x75: {  	_ =	shalt  }
0x76: {  	_ =	shalt  }
0x77: {  	_ =	shalt  }
0x78: {  	_ =	shalt  }
0x79: {  	_ =	shalt  }
0x7a: {  	_ =	shalt  }
0x7b: {  	_ =	shalt  }
0x7c: {  	_ =	shalt  }
0x7d: {  	_ =	shalt  }
0x7e: {  	_ =	shalt  }
0x7f: {  	_ =	shalt  }
0x80: {  	_ =	shalt  }
0x81: {  	_ =	shalt  }
0x82: {  	_ =	shalt  }
0x83: {  	_ =	shalt  }
0x84: {  	_ =	shalt  }
0x85: {  	_ =	shalt  }
0x86: {  	_ =	shalt  }
0x87: {  	_ =	shalt  }
.Lfunc_end0:
.L_simem_size_0:
called_computation_lowered:
.L_overlay_start_0:
0x88: {  	s2 =	sld [smem:$0x3FD9]  }
0x89: {  	s3 =	sld [smem:$0x3FFE];
	_ =	sdelay $0x1  }
0x8a: {  	s1 =	srdreg.scid  }
0x8b: {  	s0 =	sand.u32 $0x1, s1  }
0x8c: {  	s16 =	sshll.u32 s0, $0xA;
	s2 =	sadd.s32 s3, s2  }
0x8d: {  	s2 =	sadd.s32 s2, s16  }
0x8e: {  	[smem:$0x3FC0] =	sst s2  }
0x8f: {  	_ = 	snop  }
0x90: {  	(tm) =	ssettm $0x1  }
0x91: {  	s17 =	sld [smem:$0x3FFB];
	_ =	sdelay $0x3  }
0x92: {  	_ =	strace s17  }
0x93: {  	s2 =	sld [smem:$0x3FFC];
	_ =	sdelay $0x3  }
0x94: {  	_ =	strace s2  }
0x95: {  	s2 =	sld [smem:$0x3FFD];
	_ =	sdelay $0x3  }
0x96: {  	_ =	strace s2  }
0x97: {  	_ =	strace $0x8FFFFFFF  }
0x98: {  	s18 =	sld [smem:$0x3FDB];
	_ =	sdelay $0x1  }
0x99: {  	s19 =	simm.s32 $_scs_section_size  }
0x9a: {  	s4 =	simm.s32 $_size__tile_overlayer_lowered;
	s5 =	simm.s32 $_tile_overlayer_lowered  }
0x9b: {  	s22 =	simm.s32 $0x1BFF;
	s21 =	sshll.u32 s5, $0x1;
	s2 =	sadd.s32 s19, s18  }
0x9c: {  	s6 =	simm.s32 $0x0;
	s20 =	sshll.u32 s4, $0x1;
	s4 =	sadd.s32 s21, s2  }
0x9d: {  	[timem:s6], [sflag:s22] =	dma.local [hbm:s4], s20  }
0x9e: {  	_ =	swait.ge [sflag:s22], s20  }
0x9f: {  	s3 =	ssub.s32 $0x0, s20;
	[sflag:s22] =	ssyncset.done $0x0  }
0xa0: {  	[sflag:s22] =	ssyncadd.s32 s3;
	_ =	sdelay $0x1  }
0xa1: {  	s23 =	simm.s32 $0x1B8B  }
0xa2: {  	_ =	swait.ge [sflag:s23], $0x1  }
0xa3: {  	[sflag:s23] =	ssyncset.done $0x0  }
0xa4: {  	s25 =	simm.s32 $0x1B8E;
	s24 =	sld [smem:$0x3FFE];
	[sflag:s23] =	ssyncadd.s32 $0xFFFFFFFF  }
0xa5: {  	s26 =	simm.s32 $execute0_lowered;
	[smem:$0x3FD2] =	sst s25  }
0xa6: {  	s4 =	sshll.u32 s26, $0x1;
	_ =	strace $0x80000046;
	[dreg:$0x1] =	wrdreg $0xFFFFFFFF  }
0xa7: {  	s28 =	simm.s32 $_size_execute0_lowered;
	s2 =	sadd.s32 s2, s4;
	[dreg:$0x0] =	wrdreg $0x0  }
0xa8: {  	s4 =	sshll.u32 s28, $0x1;
	[dreg:$0x2] =	wrdreg s2  }
0xa9: {  	[dreg:$0x3] =	wrdreg s4  }
0xaa: {  	[dreg:$0x4] =	wrdreg $0xC0  }
0xab: {  	_ =	task [dreg:s6], $0x5FFFF  }
0xac: {  	[dreg:$0x1] =	wrdreg $0xFFFFFFFF  }
0xad: {  	[dreg:$0x0] =	wrdreg $0x60  }
0xae: {  	[dreg:$0x2] =	wrdreg s24  }
0xaf: {  	[dreg:$0x3] =	wrdreg $0x9  }
0xb0: {  	_ =	task.clear_ibuf [dreg:s6], $0x4FFFF;
	_ =	strace $0x90000046  }
0xb1: {  	s29 =	simm.s32 $0x9;
	_ =	strace $0x80000048  }
0xb2: {  	_ =	swait.ge [sflag:s29], $0x1  }
0xb3: {  	[sflag:s29] =	ssyncadd.s32 $0xFFFFFFFF  }
0xb4: {  	_ =	strace $0x90000048  }
0xb5: {  	_ =	sfence  }
0xb6: {  	s30 =	sld [smem:$0x0];
	_ =	sdelay $0x2  }
0xb7: {  	s31 =	sshll.u32 s1, $0xD;
	s1 =	sshrl.u32 s1, $0x2  }
0xb8: {  	s3 =	sand.u32 $0x4000, s31;
	s1 =	sadd.s32 s1, s30  }
0xb9: {  	s0 =	sor.u32 s3, s0;
	s1 =	sshll.u32 s1, $0x11  }
0xba: {  	s0 =	sor.u32 s1, s0  }
0xbb: {  	s0 =	sadd.s32 $0x8F2B, s0  }
0xbc: {  	[sflag:s0] =	ssyncadd.remote.s32 $0x1  }
0xbd: {  	_ =	sfence.sel $0xFFFF  }
0xbe: {  	[dreg:$0x0] =	wrdreg $0xFFFFFFFF;
	(pc) =	sbr.abs _section_cstart, $3  }
0xbf: {  	[dreg:$0x1] =	wrdreg $0xFFFFFFFF  }
0xc0: {  	_ =	task.clear_ibuf [dreg:s6], $0x2FFFF;
	_ =	strace $0x9FFFFFFF  }
0xc1: {  	(tm) =	ssettm $0x7FFFFFFF  }
tec
execute0_lowered:
.L_overlay_start_1:
0x0: {  	(tag) =	ssettag $0x1  }
0x1: {  	s0 =	srdreg.scid  }
0x2: {  	s2 =	stileid.u32;
	s1 =	rddreg [dreg:$0x0]  }
0x3: {  	s3 =	simm.s32 $0x0;
	s15 =	simm.s32 $0x3;
	s16 =	simm.s32 $0x80  }
0x4: {  	s28 =	simm.s32 $0x300;
	s29 =	simm.s32 $0xC500;
	s30 =	simm.s32 $0x380  }
0x5: {  	s31 =	simm.s32 $0xE500;
	s0 =	sand.u32 $0x1, s0;
	s2 =	sshll.u32 s2, $0x1  }
0x6: {  	s13 =	simm.s32 $0x1;
	s14 =	simm.s32 $0x2;
	s2 =	sor.u32 s0, s2  }
0x7: {  	s18 =	simm.s32 $0x0;
	[smem:$0x7FF] =	sst s3;
	s6 =	smul.u32 $0x640, s2  }
0x8: {  	s3 =	sadd.s32 $0x1200, s1;
	s0 =	ssub.s32 $0x2, s0;
	s7 =	smul.u32 $0x3200, s2  }
0x9: {  	s4 =	sadd.s32 $0xF43600, s1;
	s5 =	smul.u32 $0x320, s2;
	s23 =	sshrl.u32 s0, $0x1  }
0xa: {  	_ =	strace $0x80000047;
	s0 =	ssub.s32 s0, s23;
	s23 =	simm.s32 $0x200  }
0xb: {  	s1 =	sadd.s32 s6, s1;
	s24 =	sadd.s32 s3, s7;
	s26 =	sshrl.u32 s5, $0x1  }
0xc: {  	s8 =	sor.u32 $0xA, s5;
	s9 =	sor.u32 $0xF, s5;
	s10 =	sor.u32 $0x5, s5  }
0xd: {  	s0 =	smax.u32 s0, $0x1;
	s7 =	simm.s32 $0x12500;
	[dreg:$0x2] =	wrdreg s24  }
0xe: {  	s25 =	sadd.s32 $0x50, s24;
	s2 =	sadd.s32 $0x180, s26;
	s1 =	sadd.s32 $0x65200, s1  }
0xf: {  	[dreg:$0x6] =	wrdreg s0;
	s24 =	simm.s32 $0x8500;
	s26 =	simm.s32 $0xA500  }
0x10: {  	s0 =	simm.s32 $0x10500;
	[dreg:$0x3] =	wrdreg s25;
	s11 =	sand.u32 $0x7FC0, s2  }
0x11: {  	s17 =	sor.u32 $0x30, s2;
	[dreg:$0x5] =	wrdreg s1;
	s25 =	simm.s32 $0x280  }
0x12: {  	v0 =	vimm.f32 $0.0e+00;
	s1 =	simm.s32 $0x400;
	s2 =	simm.s32 $0x480;
	[dreg:$0x4] =	wrdreg s17  }
.LBB2_1:
0x13: {  	[dreg:$0x7] =	wrdreg s18;
	s12 =	simm.s32 $0x100;
	s6 =	simm.s32 $0x0  }
.LBB2_2:
0x14: {  	p0 =	sne.s32 s12, $0xC700;
	[tilespmem:s6+$0x14530] =	vst v0;
	s17 =	smov.u32 s12;
	s12 =	sadd.s32 $0x100, s12  }
.Ltmp0:
0x15: {  	[tilespmem:s6+$0x14520] =	vst v0;
	(pc) =	sbr.rel @p0 .LBB2_2-.Ltmp0, $3  }
0x16: {  	[tilespmem:s6+$0x14500] =	vst v0  }
0x17: {  	[tilespmem:s6+$0x14510] =	vst v0;
	_ =	sdelay $0x1  }
0x18: {  	s6 =	sshra.s32 s17, $0x2  }
0x19: {  	[tilespmem:s6+$0x14530] =	vst v0  }
0x1a: {  	[tilespmem:s6+$0x14520] =	vst v0  }
0x1b: {  	[tilespmem:s6+$0x14500] =	vst v0  }
0x1c: {  	[tilespmem:s6+$0x14510] =	vst v0;
	s6 =	simm.s32 $0x0;
	s12 =	rddreg [dreg:$0x2]  }
0x1d: {  	[tilespmem:s6], [sflag:$0x3] =	stream.linear.gather [hbm4b:s12+s6], $0x280, $0x38;
	[tilespmem:$0x17700] =	vst v63  }
0x1e: {  	_ =	swait.ge [sflag:s15], $0x280  }
0x1f: {  	[sflag:s15] =	ssyncset.done $0x0  }
0x20: {  	s17 =	simm.s32 $0x500;
	[sflag:s15] =	ssyncadd.s32 $0xFFFFFD80  }
0x21: {  	[tilespmem:s17], [sflag:$0x1] =	stream.indirect.gather [hbm4b:s4+s16], $0x40, s6, s16, $0xb8;
	[tilespmem:$0x17700] =	vst v63  }
0x22: {  	s18 =	simm.s32 $0x2500  }
0x23: {  	[tilespmem:s18], [sflag:$0x1] =	stream.indirect.gather [hbm4b:s4+s16], $0x40, s16, s16, $0xb8;
	[tilespmem:$0x17700] =	vst v63  }
0x24: {  	s19 =	simm.s32 $0x100;
	s17 =	simm.s32 $0x4500  }
0x25: {  	[tilespmem:s17], [sflag:$0x1] =	stream.indirect.gather [hbm4b:s4+s16], $0x40, s19, s16, $0xb8;
	[tilespmem:$0x17700] =	vst v63  }
0x26: {  	s20 =	simm.s32 $0x180;
	s21 =	simm.s32 $0x6500  }
0x27: {  	[tilespmem:s21], [sflag:$0x1] =	stream.indirect.gather [hbm4b:s4+s16], $0x40, s20, s16, $0xb8;
	[tilespmem:$0x17700] =	vst v63  }
0x28: {  	_ = 	snop  }
0x29: {  	[tilespmem:s24], [sflag:$0x1] =	stream.indirect.gather [hbm4b:s4+s16], $0x40, s23, s16, $0xb8;
	[tilespmem:$0x17700] =	vst v63  }
0x2a: {  	s12 =	simm.s32 $0x0;
	s22 =	rddreg [dreg:$0x3]  }
0x2b: {  	[tilespmem:s25], [sflag:$0x3] =	stream.linear.gather [hbm4b:s22+s6], $0x280, $0x38;
	[tilespmem:$0x17700] =	vst v63  }
.LBB2_4:
0x2c: {  	_ =	swait.ge [sflag:s15], $0x280  }
0x2d: {  	[sflag:s15] =	ssyncset.done $0x0  }
0x2e: {  	[sflag:s15] =	ssyncadd.s32 $0xFFFFFD80  }
0x2f: {  	[tilespmem:s26], [sflag:$0x2] =	stream.indirect.gather [hbm4b:s4+s16], $0x40, s25, s16, $0xb8;
	[tilespmem:$0x17700] =	vst v63  }
0x30: {  	_ = 	snop  }
0x31: {  	[tilespmem:s29], [sflag:$0x2] =	stream.indirect.gather [hbm4b:s4+s16], $0x40, s28, s16, $0xb8;
	[tilespmem:$0x17700] =	vst v63  }
0x32: {  	_ = 	snop  }
0x33: {  	[tilespmem:s31], [sflag:$0x2] =	stream.indirect.gather [hbm4b:s4+s16], $0x40, s30, s16, $0xb8;
	[tilespmem:$0x17700] =	vst v63  }
0x34: {  	s17 =	smul.u32 $0xA, s12  }
0x35: {  	[tilespmem:s0], [sflag:$0x2] =	stream.indirect.gather [hbm4b:s4+s16], $0x40, s1, s16, $0xb8;
	[tilespmem:$0x17700] =	vst v63  }
0x36: {  	s18 =	sadd.s32 s17, s8  }
0x37: {  	[tilespmem:s7], [sflag:$0x2] =	stream.indirect.gather [hbm4b:s4+s16], $0x40, s2, s16, $0xb8;
	[tilespmem:$0x17700] =	vst v63  }
0x38: {  	s18 =	sshll.u32 s18, $0x4;
	_ =	swait.ge [sflag:s13], $0xA000  }
0x39: {  	s18 =	sand.u32 $0x1FFFFFE0, s18;
	[sflag:s13] =	ssyncset.done $0x0  }
0x3a: {  	s19 =	simm.s32 $0x0;
	s18 =	sadd.s32 s3, s18;
	[sflag:s13] =	ssyncadd.s32 $0xFFFF6000  }
0x3b: {  	[tilespmem:s6], [sflag:$0x3] =	stream.linear.gather [hbm4b:s18+s6], $0x280, $0x38;
	[tilespmem:$0x17700] =	vst v63  }
0x3c: {  	v1 =	vld [tilespmem:s19+$0x530]  }
0x3d: {  	v2 =	vld [tilespmem:s19+$0x570]  }
0x3e: {  	v3 =	vld [tilespmem:s19+$0x5B0]  }
0x3f: {  	v4 =	vld [tilespmem:s19+$0x5F0]  }
0x40: {  	v5 =	vld [tilespmem:s19+$0x500]  }
0x41: {  	v6 =	vld [tilespmem:s19+$0x540]  }
0x42: {  	v7 =	vld [tilespmem:s19+$0x580]  }
0x43: {  	v8 =	vld [tilespmem:s19+$0x5C0]  }
0x44: {  	v9 =	vld [tilespmem:s19+$0x510]  }
0x45: {  	v10 =	vld [tilespmem:s19+$0x550]  }
0x46: {  	v11 =	vld [tilespmem:s19+$0x590]  }
0x47: {  	v12 =	vld [tilespmem:s19+$0x5D0];
	_ =	sdelay $0x1  }
0x48: {  	v13 =	vld [tilespmem:s19+$0x560];
	v1 =	vadd.f32 v2, v1  }
0x49: {  	v2 =	vadd.f32 v4, v3;
	v3 =	vld [tilespmem:s19+$0x520];
	v4 =	vadd.f32 v6, v5  }
0x4a: {  	v5 =	vadd.f32 v8, v7;
	v6 =	vld [tilespmem:s19+$0x5A0];
	v10 =	vadd.f32 v10, v9  }
0x4b: {  	s18 =	simm.s32 $0x100;
	v8 =	vld [tilespmem:s19+$0x5E0];
	v11 =	vadd.f32 v12, v11;
	v1 =	vadd.f32 v2, v1  }
0x4c: {  	v7 =	vld [tilespmem:s18+$0x570];
	v2 =	vadd.f32 v5, v4;
	v4 =	vimm.f32 $0.0e+00  }
0x4d: {  	v9 =	vld [tilespmem:s18+$0x5B0];
	v11 =	vadd.f32 v11, v10;
	v1 =	vadd.f32 v1, v4  }
0x4e: {  	s19 =	simm.s32 $0x800;
	v5 =	vld [tilespmem:s18+$0x530];
	v2 =	vadd.f32 v2, v4;
	v10 =	vadd.f32 v13, v3;
	v3 =	vimm.f32 $0.0e+00  }
.LBB2_5:
0x4f: {  	p0 =	sne.s32 s19, $0x7C00;
	v12 =	vld [tilespmem:s18+$0x5F0]  }
0x50: {  	v13 =	vld [tilespmem:s18+$0x500];
	v4 =	vadd.f32 v11, v4;
	v6 =	vadd.f32 v8, v6  }
0x51: {  	v8 =	vld [tilespmem:s18+$0x540]  }
0x52: {  	v11 =	vld [tilespmem:s18+$0x580];
	v6 =	vadd.f32 v6, v10  }
0x53: {  	v10 =	vld [tilespmem:s18+$0x5C0]  }
0x54: {  	v5 =	vadd.f32 v7, v5;
	v14 =	vld [tilespmem:s18+$0x510];
	v7 =	vadd.f32 v12, v9  }
0x55: {  	v3 =	vadd.f32 v6, v3;
	v9 =	vld [tilespmem:s18+$0x550]  }
0x56: {  	v6 =	vadd.f32 v8, v13;
	v12 =	vld [tilespmem:s18+$0x590];
	v5 =	vadd.f32 v7, v5  }
0x57: {  	v7 =	vld [tilespmem:s18+$0x5D0]  }
0x58: {  	v8 =	vadd.f32 v10, v11;
	v10 =	vld [tilespmem:s18+$0x520];
	v1 =	vadd.f32 v5, v1  }
0x59: {  	v13 =	vld [tilespmem:s18+$0x560]  }
.Ltmp1:
0x5a: {  	v11 =	vadd.f32 v8, v6;
	v14 =	vadd.f32 v9, v14;
	v6 =	vld [tilespmem:s18+$0x5A0];
	(pc) =	sbr.rel @p0 .LBB2_5-.Ltmp1, $4  }
0x5b: {  	v8 =	vld [tilespmem:s18+$0x5E0];
	s18 =	sshra.s32 s19, $0x2  }
0x5c: {  	v5 =	vld [tilespmem:s18+$0x530];
	v2 =	vadd.f32 v11, v2;
	v11 =	vadd.f32 v7, v12  }
0x5d: {  	v7 =	vld [tilespmem:s18+$0x570]  }
0x5e: {  	s19 =	sadd.s32 $0x400, s19;
	v9 =	vld [tilespmem:s18+$0x5B0];
	v11 =	vadd.f32 v11, v14;
	v10 =	vadd.f32 v13, v10  }
0x5f: {  	v12 =	vld [tilespmem:s18+$0x5F0]  }
0x60: {  	v13 =	vld [tilespmem:s18+$0x500]  }
0x61: {  	v14 =	vld [tilespmem:s18+$0x540]  }
0x62: {  	v15 =	vld [tilespmem:s18+$0x580]  }
0x63: {  	v16 =	vld [tilespmem:s18+$0x5C0]  }
0x64: {  	v17 =	vld [tilespmem:s18+$0x510]  }
0x65: {  	v18 =	vld [tilespmem:s18+$0x550]  }
0x66: {  	v19 =	vld [tilespmem:s18+$0x590]  }
0x67: {  	v21 =	vld [tilespmem:s18+$0x520]  }
0x68: {  	v22 =	vld [tilespmem:s18+$0x560]  }
0x69: {  	v23 =	vld [tilespmem:s18+$0x5A0];
	v6 =	vadd.f32 v8, v6  }
0x6a: {  	v4 =	vadd.f32 v11, v4;
	v8 =	vld [tilespmem:s18+$0x5E0]  }
0x6b: {  	v20 =	vld [tilespmem:s18+$0x5D0];
	v6 =	vadd.f32 v6, v10;
	v5 =	vadd.f32 v7, v5  }
0x6c: {  	v11 =	vadd.f32 v14, v13;
	v60 =	vadd.f32 v16, v15  }
0x6d: {  	v7 =	vadd.f32 v12, v9;
	v10 =	vadd.f32 v18, v17  }
0x6e: {  	v61 =	vadd.f32 v22, v21;
	v3 =	vadd.f32 v6, v3  }
0x6f: {  	v8 =	vadd.f32 v8, v23;
	v9 =	vadd.f32 v60, v11  }
0x70: {  	s19 =	sadd.s32 s5, s17;
	v11 =	vadd.f32 v20, v19;
	v5 =	vadd.f32 v7, v5  }
0x71: {  	s18 =	sshrl.u32 s19, $0x1;
	v8 =	vadd.f32 v8, v61;
	v2 =	vadd.f32 v9, v2  }
0x72: {  	s20 =	sand.u32 $0x3FFFFFC0, s18;
	v6 =	vadd.f32 v11, v10;
	v1 =	vadd.f32 v5, v1  }
0x73: {  	v3 =	vadd.f32 v8, v3;
	[tilespmem:s20+$0x14500] =	vst.add.f32.msk $0xffff, v2  }
0x74: {  	v4 =	vadd.f32 v6, v4;
	[tilespmem:s20+$0x14530] =	vst.add.f32.msk $0xffff, v1  }
0x75: {  	[tilespmem:s20+$0x14520] =	vst.add.f32.msk $0xffff, v3  }
0x76: {  	s22 =	simm.s32 $0x0;
	[tilespmem:s20+$0x14510] =	vst.add.f32.msk $0xffff, v4  }
0x77: {  	v1 =	vld [tilespmem:s22+$0x2530]  }
0x78: {  	v2 =	vld [tilespmem:s22+$0x2570]  }
0x79: {  	v3 =	vld [tilespmem:s22+$0x25B0]  }
0x7a: {  	v4 =	vld [tilespmem:s22+$0x25F0]  }
0x7b: {  	v5 =	vld [tilespmem:s22+$0x2500]  }
0x7c: {  	v6 =	vld [tilespmem:s22+$0x2540]  }
0x7d: {  	v7 =	vld [tilespmem:s22+$0x2580]  }
0x7e: {  	v8 =	vld [tilespmem:s22+$0x25C0]  }
0x7f: {  	v9 =	vld [tilespmem:s22+$0x2510]  }
0x80: {  	v10 =	vld [tilespmem:s22+$0x2550]  }
0x81: {  	v11 =	vld [tilespmem:s22+$0x2590]  }
0x82: {  	v62 =	vld [tilespmem:s22+$0x25D0];
	_ =	sdelay $0x1  }
0x83: {  	v63 =	vld [tilespmem:s22+$0x2560];
	v1 =	vadd.f32 v2, v1  }
0x84: {  	v2 =	vadd.f32 v4, v3;
	v3 =	vld [tilespmem:s22+$0x2520];
	v4 =	vadd.f32 v6, v5  }
0x85: {  	v5 =	vadd.f32 v8, v7;
	v6 =	vld [tilespmem:s22+$0x25A0];
	v10 =	vadd.f32 v10, v9  }
0x86: {  	s21 =	simm.s32 $0x100;
	v8 =	vld [tilespmem:s22+$0x25E0];
	v11 =	vadd.f32 v62, v11;
	v1 =	vadd.f32 v2, v1  }
0x87: {  	v7 =	vld [tilespmem:s21+$0x2570];
	v2 =	vadd.f32 v5, v4;
	v4 =	vimm.f32 $0.0e+00  }
0x88: {  	v9 =	vld [tilespmem:s21+$0x25B0];
	v11 =	vadd.f32 v11, v10;
	v1 =	vadd.f32 v1, v4  }
0x89: {  	s22 =	simm.s32 $0x800;
	v5 =	vld [tilespmem:s21+$0x2530];
	v2 =	vadd.f32 v2, v4;
	v10 =	vadd.f32 v63, v3;
	v3 =	vimm.f32 $0.0e+00  }
.LBB2_7:
0x8a: {  	p0 =	sne.s32 s22, $0x7C00;
	v12 =	vld [tilespmem:s21+$0x25F0]  }
0x8b: {  	v13 =	vld [tilespmem:s21+$0x2500];
	v4 =	vadd.f32 v11, v4;
	v6 =	vadd.f32 v8, v6  }
0x8c: {  	v8 =	vld [tilespmem:s21+$0x2540]  }
0x8d: {  	v11 =	vld [tilespmem:s21+$0x2580];
	v6 =	vadd.f32 v6, v10  }
0x8e: {  	v10 =	vld [tilespmem:s21+$0x25C0]  }
0x8f: {  	v5 =	vadd.f32 v7, v5;
	v14 =	vld [tilespmem:s21+$0x2510];
	v7 =	vadd.f32 v12, v9  }
0x90: {  	v3 =	vadd.f32 v6, v3;
	v9 =	vld [tilespmem:s21+$0x2550]  }
0x91: {  	v6 =	vadd.f32 v8, v13;
	v12 =	vld [tilespmem:s21+$0x2590];
	v5 =	vadd.f32 v7, v5  }
0x92: {  	v7 =	vld [tilespmem:s21+$0x25D0]  }
0x93: {  	v8 =	vadd.f32 v10, v11;
	v10 =	vld [tilespmem:s21+$0x2520];
	v1 =	vadd.f32 v5, v1  }
0x94: {  	v13 =	vld [tilespmem:s21+$0x2560]  }
.Ltmp2:
0x95: {  	v11 =	vadd.f32 v8, v6;
	v14 =	vadd.f32 v9, v14;
	v6 =	vld [tilespmem:s21+$0x25A0];
	(pc) =	sbr.rel @p0 .LBB2_7-.Ltmp2, $4  }
0x96: {  	v8 =	vld [tilespmem:s21+$0x25E0];
	s21 =	sshra.s32 s22, $0x2  }
0x97: {  	v5 =	vld [tilespmem:s21+$0x2530];
	v2 =	vadd.f32 v11, v2;
	v11 =	vadd.f32 v7, v12  }
0x98: {  	v7 =	vld [tilespmem:s21+$0x2570]  }
0x99: {  	s22 =	sadd.s32 $0x400, s22;
	v9 =	vld [tilespmem:s21+$0x25B0];
	v11 =	vadd.f32 v11, v14;
	v10 =	vadd.f32 v13, v10  }
0x9a: {  	v12 =	vld [tilespmem:s21+$0x25F0]  }
0x9b: {  	v13 =	vld [tilespmem:s21+$0x2500]  }
0x9c: {  	v14 =	vld [tilespmem:s21+$0x2540]  }
0x9d: {  	v15 =	vld [tilespmem:s21+$0x2580]  }
0x9e: {  	v16 =	vld [tilespmem:s21+$0x25C0]  }
0x9f: {  	v17 =	vld [tilespmem:s21+$0x2510]  }
0xa0: {  	v18 =	vld [tilespmem:s21+$0x2550]  }
0xa1: {  	v19 =	vld [tilespmem:s21+$0x2590]  }
0xa2: {  	v21 =	vld [tilespmem:s21+$0x2520]  }
0xa3: {  	v22 =	vld [tilespmem:s21+$0x2560]  }
0xa4: {  	v23 =	vld [tilespmem:s21+$0x25A0];
	v6 =	vadd.f32 v8, v6  }
0xa5: {  	v4 =	vadd.f32 v11, v4;
	v8 =	vld [tilespmem:s21+$0x25E0]  }
0xa6: {  	v20 =	vld [tilespmem:s21+$0x25D0];
	v6 =	vadd.f32 v6, v10;
	v5 =	vadd.f32 v7, v5  }
0xa7: {  	v11 =	vadd.f32 v14, v13;
	v60 =	vadd.f32 v16, v15  }
0xa8: {  	v7 =	vadd.f32 v12, v9;
	v10 =	vadd.f32 v18, v17  }
0xa9: {  	v61 =	vadd.f32 v22, v21;
	v3 =	vadd.f32 v6, v3  }
0xaa: {  	v8 =	vadd.f32 v8, v23;
	v9 =	vadd.f32 v60, v11  }
0xab: {  	v11 =	vadd.f32 v20, v19;
	v5 =	vadd.f32 v7, v5  }
0xac: {  	v8 =	vadd.f32 v8, v61;
	v2 =	vadd.f32 v9, v2  }
0xad: {  	v6 =	vadd.f32 v11, v10;
	v1 =	vadd.f32 v5, v1  }
0xae: {  	v3 =	vadd.f32 v8, v3;
	[tilespmem:s20+$0x14500] =	vst.add.f32.msk $0xffff, v2  }
0xaf: {  	v4 =	vadd.f32 v6, v4;
	[tilespmem:s20+$0x14530] =	vst.add.f32.msk $0xffff, v1  }
0xb0: {  	[tilespmem:s20+$0x14520] =	vst.add.f32.msk $0xffff, v3  }
0xb1: {  	s22 =	simm.s32 $0x0;
	[tilespmem:s20+$0x14510] =	vst.add.f32.msk $0xffff, v4  }
0xb2: {  	v1 =	vld [tilespmem:s22+$0x4530]  }
0xb3: {  	v2 =	vld [tilespmem:s22+$0x4570]  }
0xb4: {  	v3 =	vld [tilespmem:s22+$0x45B0]  }
0xb5: {  	v4 =	vld [tilespmem:s22+$0x45F0]  }
0xb6: {  	v5 =	vld [tilespmem:s22+$0x4500]  }
0xb7: {  	v6 =	vld [tilespmem:s22+$0x4540]  }
0xb8: {  	v7 =	vld [tilespmem:s22+$0x4580]  }
0xb9: {  	v8 =	vld [tilespmem:s22+$0x45C0]  }
0xba: {  	v9 =	vld [tilespmem:s22+$0x4510]  }
0xbb: {  	v10 =	vld [tilespmem:s22+$0x4550]  }
0xbc: {  	v11 =	vld [tilespmem:s22+$0x4590]  }
0xbd: {  	v62 =	vld [tilespmem:s22+$0x45D0];
	_ =	sdelay $0x1  }
0xbe: {  	v63 =	vld [tilespmem:s22+$0x4560];
	v1 =	vadd.f32 v2, v1  }
0xbf: {  	v2 =	vadd.f32 v4, v3;
	v3 =	vld [tilespmem:s22+$0x4520];
	v4 =	vadd.f32 v6, v5  }
0xc0: {  	v5 =	vadd.f32 v8, v7;
	v6 =	vld [tilespmem:s22+$0x45A0];
	v10 =	vadd.f32 v10, v9  }
0xc1: {  	s20 =	simm.s32 $0x100;
	v8 =	vld [tilespmem:s22+$0x45E0];
	v11 =	vadd.f32 v62, v11;
	v1 =	vadd.f32 v2, v1  }
0xc2: {  	v7 =	vld [tilespmem:s20+$0x4570];
	v2 =	vadd.f32 v5, v4;
	v4 =	vimm.f32 $0.0e+00  }
0xc3: {  	v9 =	vld [tilespmem:s20+$0x45B0];
	v11 =	vadd.f32 v11, v10;
	v1 =	vadd.f32 v1, v4  }
0xc4: {  	s21 =	simm.s32 $0x800;
	v5 =	vld [tilespmem:s20+$0x4530];
	v2 =	vadd.f32 v2, v4;
	v10 =	vadd.f32 v63, v3;
	v3 =	vimm.f32 $0.0e+00  }
.LBB2_9:
0xc5: {  	p0 =	sne.s32 s21, $0x7C00;
	v12 =	vld [tilespmem:s20+$0x45F0]  }
0xc6: {  	v13 =	vld [tilespmem:s20+$0x4500];
	v4 =	vadd.f32 v11, v4;
	v6 =	vadd.f32 v8, v6  }
0xc7: {  	v8 =	vld [tilespmem:s20+$0x4540]  }
0xc8: {  	v11 =	vld [tilespmem:s20+$0x4580];
	v6 =	vadd.f32 v6, v10  }
0xc9: {  	v10 =	vld [tilespmem:s20+$0x45C0]  }
0xca: {  	v5 =	vadd.f32 v7, v5;
	v14 =	vld [tilespmem:s20+$0x4510];
	v7 =	vadd.f32 v12, v9  }
0xcb: {  	v3 =	vadd.f32 v6, v3;
	v9 =	vld [tilespmem:s20+$0x4550]  }
0xcc: {  	v6 =	vadd.f32 v8, v13;
	v12 =	vld [tilespmem:s20+$0x4590];
	v5 =	vadd.f32 v7, v5  }
0xcd: {  	v7 =	vld [tilespmem:s20+$0x45D0]  }
0xce: {  	v8 =	vadd.f32 v10, v11;
	v10 =	vld [tilespmem:s20+$0x4520];
	v1 =	vadd.f32 v5, v1  }
0xcf: {  	v13 =	vld [tilespmem:s20+$0x4560]  }
.Ltmp3:
0xd0: {  	v11 =	vadd.f32 v8, v6;
	v14 =	vadd.f32 v9, v14;
	v6 =	vld [tilespmem:s20+$0x45A0];
	(pc) =	sbr.rel @p0 .LBB2_9-.Ltmp3, $4  }
0xd1: {  	v8 =	vld [tilespmem:s20+$0x45E0];
	s20 =	sshra.s32 s21, $0x2  }
0xd2: {  	v5 =	vld [tilespmem:s20+$0x4530];
	v2 =	vadd.f32 v11, v2;
	v11 =	vadd.f32 v7, v12  }
0xd3: {  	v7 =	vld [tilespmem:s20+$0x4570]  }
0xd4: {  	s21 =	sadd.s32 $0x400, s21;
	v9 =	vld [tilespmem:s20+$0x45B0];
	v11 =	vadd.f32 v11, v14;
	v10 =	vadd.f32 v13, v10  }
0xd5: {  	v12 =	vld [tilespmem:s20+$0x45F0]  }
0xd6: {  	v13 =	vld [tilespmem:s20+$0x4500]  }
0xd7: {  	v14 =	vld [tilespmem:s20+$0x4540]  }
0xd8: {  	v15 =	vld [tilespmem:s20+$0x4580]  }
0xd9: {  	v16 =	vld [tilespmem:s20+$0x45C0]  }
0xda: {  	v17 =	vld [tilespmem:s20+$0x4510]  }
0xdb: {  	v18 =	vld [tilespmem:s20+$0x4550]  }
0xdc: {  	v19 =	vld [tilespmem:s20+$0x4590]  }
0xdd: {  	v21 =	vld [tilespmem:s20+$0x4520]  }
0xde: {  	v22 =	vld [tilespmem:s20+$0x4560]  }
0xdf: {  	v23 =	vld [tilespmem:s20+$0x45A0];
	v6 =	vadd.f32 v8, v6  }
0xe0: {  	v4 =	vadd.f32 v11, v4;
	v8 =	vld [tilespmem:s20+$0x45E0]  }
0xe1: {  	v20 =	vld [tilespmem:s20+$0x45D0];
	v6 =	vadd.f32 v6, v10;
	v5 =	vadd.f32 v7, v5  }
0xe2: {  	v11 =	vadd.f32 v14, v13;
	v60 =	vadd.f32 v16, v15  }
0xe3: {  	v7 =	vadd.f32 v12, v9;
	v10 =	vadd.f32 v18, v17  }
0xe4: {  	v61 =	vadd.f32 v22, v21;
	v3 =	vadd.f32 v6, v3  }
0xe5: {  	v8 =	vadd.f32 v8, v23;
	v9 =	vadd.f32 v60, v11  }
0xe6: {  	s19 =	sadd.s32 $0x2, s19;
	v11 =	vadd.f32 v20, v19;
	v5 =	vadd.f32 v7, v5  }
0xe7: {  	s19 =	sshrl.u32 s19, $0x1;
	v8 =	vadd.f32 v8, v61;
	v2 =	vadd.f32 v9, v2  }
0xe8: {  	s19 =	sand.u32 $0x3FFFFFC0, s19;
	v6 =	vadd.f32 v11, v10;
	v1 =	vadd.f32 v5, v1  }
0xe9: {  	v3 =	vadd.f32 v8, v3;
	[tilespmem:s19+$0x14500] =	vst.add.f32.msk $0xffff, v2  }
0xea: {  	v4 =	vadd.f32 v6, v4;
	[tilespmem:s19+$0x14530] =	vst.add.f32.msk $0xffff, v1  }
0xeb: {  	[tilespmem:s19+$0x14520] =	vst.add.f32.msk $0xffff, v3  }
0xec: {  	s21 =	simm.s32 $0x0;
	[tilespmem:s19+$0x14510] =	vst.add.f32.msk $0xffff, v4  }
0xed: {  	v1 =	vld [tilespmem:s21+$0x6530]  }
0xee: {  	v2 =	vld [tilespmem:s21+$0x6570]  }
0xef: {  	v3 =	vld [tilespmem:s21+$0x65B0]  }
0xf0: {  	v4 =	vld [tilespmem:s21+$0x65F0]  }
0xf1: {  	v5 =	vld [tilespmem:s21+$0x6500]  }
0xf2: {  	v6 =	vld [tilespmem:s21+$0x6540]  }
0xf3: {  	v7 =	vld [tilespmem:s21+$0x6580]  }
0xf4: {  	v8 =	vld [tilespmem:s21+$0x65C0]  }
0xf5: {  	v9 =	vld [tilespmem:s21+$0x6510]  }
0xf6: {  	v10 =	vld [tilespmem:s21+$0x6550]  }
0xf7: {  	v11 =	vld [tilespmem:s21+$0x6590]  }
0xf8: {  	v62 =	vld [tilespmem:s21+$0x65D0];
	_ =	sdelay $0x1  }
0xf9: {  	v63 =	vld [tilespmem:s21+$0x6560];
	v1 =	vadd.f32 v2, v1  }
0xfa: {  	v2 =	vadd.f32 v4, v3;
	v3 =	vld [tilespmem:s21+$0x6520];
	v4 =	vadd.f32 v6, v5  }
0xfb: {  	v5 =	vadd.f32 v8, v7;
	v6 =	vld [tilespmem:s21+$0x65A0];
	v10 =	vadd.f32 v10, v9  }
0xfc: {  	s20 =	simm.s32 $0x100;
	v8 =	vld [tilespmem:s21+$0x65E0];
	v11 =	vadd.f32 v62, v11;
	v1 =	vadd.f32 v2, v1  }
0xfd: {  	v7 =	vld [tilespmem:s20+$0x6570];
	v2 =	vadd.f32 v5, v4;
	v4 =	vimm.f32 $0.0e+00  }
0xfe: {  	v9 =	vld [tilespmem:s20+$0x65B0];
	v11 =	vadd.f32 v11, v10;
	v1 =	vadd.f32 v1, v4  }
0xff: {  	s21 =	simm.s32 $0x800;
	v5 =	vld [tilespmem:s20+$0x6530];
	v2 =	vadd.f32 v2, v4;
	v10 =	vadd.f32 v63, v3;
	v3 =	vimm.f32 $0.0e+00  }
.LBB2_11:
0x100: {  	p0 =	sne.s32 s21, $0x7C00;
	v12 =	vld [tilespmem:s20+$0x65F0]  }
0x101: {  	v13 =	vld [tilespmem:s20+$0x6500];
	v4 =	vadd.f32 v11, v4;
	v6 =	vadd.f32 v8, v6  }
0x102: {  	v8 =	vld [tilespmem:s20+$0x6540]  }
0x103: {  	v11 =	vld [tilespmem:s20+$0x6580];
	v6 =	vadd.f32 v6, v10  }
0x104: {  	v10 =	vld [tilespmem:s20+$0x65C0]  }
0x105: {  	v5 =	vadd.f32 v7, v5;
	v14 =	vld [tilespmem:s20+$0x6510];
	v7 =	vadd.f32 v12, v9  }
0x106: {  	v3 =	vadd.f32 v6, v3;
	v9 =	vld [tilespmem:s20+$0x6550]  }
0x107: {  	v6 =	vadd.f32 v8, v13;
	v12 =	vld [tilespmem:s20+$0x6590];
	v5 =	vadd.f32 v7, v5  }
0x108: {  	v7 =	vld [tilespmem:s20+$0x65D0]  }
0x109: {  	v8 =	vadd.f32 v10, v11;
	v10 =	vld [tilespmem:s20+$0x6520];
	v1 =	vadd.f32 v5, v1  }
0x10a: {  	v13 =	vld [tilespmem:s20+$0x6560]  }
.Ltmp4:
0x10b: {  	v11 =	vadd.f32 v8, v6;
	v14 =	vadd.f32 v9, v14;
	v6 =	vld [tilespmem:s20+$0x65A0];
	(pc) =	sbr.rel @p0 .LBB2_11-.Ltmp4, $4  }
0x10c: {  	v8 =	vld [tilespmem:s20+$0x65E0];
	s20 =	sshra.s32 s21, $0x2  }
0x10d: {  	v5 =	vld [tilespmem:s20+$0x6530];
	v2 =	vadd.f32 v11, v2;
	v11 =	vadd.f32 v7, v12  }
0x10e: {  	v7 =	vld [tilespmem:s20+$0x6570]  }
0x10f: {  	s21 =	sadd.s32 $0x400, s21;
	v9 =	vld [tilespmem:s20+$0x65B0];
	v11 =	vadd.f32 v11, v14;
	v10 =	vadd.f32 v13, v10  }
0x110: {  	v12 =	vld [tilespmem:s20+$0x65F0]  }
0x111: {  	v13 =	vld [tilespmem:s20+$0x6500]  }
0x112: {  	v14 =	vld [tilespmem:s20+$0x6540]  }
0x113: {  	v15 =	vld [tilespmem:s20+$0x6580]  }
0x114: {  	v16 =	vld [tilespmem:s20+$0x65C0]  }
0x115: {  	v17 =	vld [tilespmem:s20+$0x6510]  }
0x116: {  	v18 =	vld [tilespmem:s20+$0x6550]  }
0x117: {  	v19 =	vld [tilespmem:s20+$0x6590]  }
0x118: {  	v21 =	vld [tilespmem:s20+$0x6520]  }
0x119: {  	v22 =	vld [tilespmem:s20+$0x6560]  }
0x11a: {  	v23 =	vld [tilespmem:s20+$0x65A0];
	v6 =	vadd.f32 v8, v6  }
0x11b: {  	v4 =	vadd.f32 v11, v4;
	v8 =	vld [tilespmem:s20+$0x65E0]  }
0x11c: {  	v20 =	vld [tilespmem:s20+$0x65D0];
	v6 =	vadd.f32 v6, v10;
	v5 =	vadd.f32 v7, v5  }
0x11d: {  	v11 =	vadd.f32 v14, v13;
	v60 =	vadd.f32 v16, v15  }
0x11e: {  	v7 =	vadd.f32 v12, v9;
	v10 =	vadd.f32 v18, v17  }
0x11f: {  	v61 =	vadd.f32 v22, v21;
	v3 =	vadd.f32 v6, v3  }
0x120: {  	v8 =	vadd.f32 v8, v23;
	v9 =	vadd.f32 v60, v11  }
0x121: {  	v11 =	vadd.f32 v20, v19;
	v5 =	vadd.f32 v7, v5  }
0x122: {  	v8 =	vadd.f32 v8, v61;
	v2 =	vadd.f32 v9, v2  }
0x123: {  	v6 =	vadd.f32 v11, v10;
	v1 =	vadd.f32 v5, v1  }
0x124: {  	v3 =	vadd.f32 v8, v3;
	[tilespmem:s19+$0x14500] =	vst.add.f32.msk $0xffff, v2  }
0x125: {  	v4 =	vadd.f32 v6, v4;
	[tilespmem:s19+$0x14530] =	vst.add.f32.msk $0xffff, v1  }
0x126: {  	[tilespmem:s19+$0x14520] =	vst.add.f32.msk $0xffff, v3  }
0x127: {  	s22 =	simm.s32 $0x0;
	[tilespmem:s19+$0x14510] =	vst.add.f32.msk $0xffff, v4  }
0x128: {  	v1 =	vld [tilespmem:s22+$0x8530]  }
0x129: {  	v2 =	vld [tilespmem:s22+$0x8570]  }
0x12a: {  	v3 =	vld [tilespmem:s22+$0x85B0]  }
0x12b: {  	v4 =	vld [tilespmem:s22+$0x85F0]  }
0x12c: {  	v5 =	vld [tilespmem:s22+$0x8500]  }
0x12d: {  	v6 =	vld [tilespmem:s22+$0x8540]  }
0x12e: {  	v7 =	vld [tilespmem:s22+$0x8580]  }
0x12f: {  	v8 =	vld [tilespmem:s22+$0x85C0]  }
0x130: {  	v9 =	vld [tilespmem:s22+$0x8510]  }
0x131: {  	v10 =	vld [tilespmem:s22+$0x8550]  }
0x132: {  	v11 =	vld [tilespmem:s22+$0x8590]  }
0x133: {  	v62 =	vld [tilespmem:s22+$0x85D0];
	_ =	sdelay $0x1  }
0x134: {  	v63 =	vld [tilespmem:s22+$0x8560];
	v1 =	vadd.f32 v2, v1  }
0x135: {  	v2 =	vadd.f32 v4, v3;
	v3 =	vld [tilespmem:s22+$0x8520];
	v4 =	vadd.f32 v6, v5  }
0x136: {  	v5 =	vadd.f32 v8, v7;
	v6 =	vld [tilespmem:s22+$0x85A0];
	v10 =	vadd.f32 v10, v9  }
0x137: {  	s19 =	simm.s32 $0x100;
	v8 =	vld [tilespmem:s22+$0x85E0];
	v11 =	vadd.f32 v62, v11;
	v1 =	vadd.f32 v2, v1  }
0x138: {  	v7 =	vld [tilespmem:s19+$0x8570];
	v2 =	vadd.f32 v5, v4;
	v4 =	vimm.f32 $0.0e+00  }
0x139: {  	v9 =	vld [tilespmem:s19+$0x85B0];
	v11 =	vadd.f32 v11, v10;
	v1 =	vadd.f32 v1, v4  }
0x13a: {  	s20 =	simm.s32 $0x800;
	v5 =	vld [tilespmem:s19+$0x8530];
	v2 =	vadd.f32 v2, v4;
	v10 =	vadd.f32 v63, v3;
	v3 =	vimm.f32 $0.0e+00  }
.LBB2_13:
0x13b: {  	p0 =	sne.s32 s20, $0x7C00;
	v12 =	vld [tilespmem:s19+$0x85F0]  }
0x13c: {  	v13 =	vld [tilespmem:s19+$0x8500];
	v4 =	vadd.f32 v11, v4;
	v6 =	vadd.f32 v8, v6  }
0x13d: {  	v8 =	vld [tilespmem:s19+$0x8540]  }
0x13e: {  	v11 =	vld [tilespmem:s19+$0x8580];
	v6 =	vadd.f32 v6, v10  }
0x13f: {  	v10 =	vld [tilespmem:s19+$0x85C0]  }
0x140: {  	v5 =	vadd.f32 v7, v5;
	v14 =	vld [tilespmem:s19+$0x8510];
	v7 =	vadd.f32 v12, v9  }
0x141: {  	v3 =	vadd.f32 v6, v3;
	v9 =	vld [tilespmem:s19+$0x8550]  }
0x142: {  	v6 =	vadd.f32 v8, v13;
	v12 =	vld [tilespmem:s19+$0x8590];
	v5 =	vadd.f32 v7, v5  }
0x143: {  	v7 =	vld [tilespmem:s19+$0x85D0]  }
0x144: {  	v8 =	vadd.f32 v10, v11;
	v10 =	vld [tilespmem:s19+$0x8520];
	v1 =	vadd.f32 v5, v1  }
0x145: {  	v13 =	vld [tilespmem:s19+$0x8560]  }
.Ltmp5:
0x146: {  	v11 =	vadd.f32 v8, v6;
	v14 =	vadd.f32 v9, v14;
	v6 =	vld [tilespmem:s19+$0x85A0];
	(pc) =	sbr.rel @p0 .LBB2_13-.Ltmp5, $4  }
0x147: {  	v8 =	vld [tilespmem:s19+$0x85E0];
	s19 =	sshra.s32 s20, $0x2  }
0x148: {  	v5 =	vld [tilespmem:s19+$0x8530];
	v2 =	vadd.f32 v11, v2;
	v11 =	vadd.f32 v7, v12  }
0x149: {  	v7 =	vld [tilespmem:s19+$0x8570]  }
0x14a: {  	s20 =	sadd.s32 $0x400, s20;
	v9 =	vld [tilespmem:s19+$0x85B0];
	v11 =	vadd.f32 v11, v14;
	v10 =	vadd.f32 v13, v10  }
0x14b: {  	v12 =	vld [tilespmem:s19+$0x85F0]  }
0x14c: {  	v13 =	vld [tilespmem:s19+$0x8500]  }
0x14d: {  	v14 =	vld [tilespmem:s19+$0x8540]  }
0x14e: {  	v15 =	vld [tilespmem:s19+$0x8580]  }
0x14f: {  	v16 =	vld [tilespmem:s19+$0x85C0]  }
0x150: {  	v17 =	vld [tilespmem:s19+$0x8510]  }
0x151: {  	v18 =	vld [tilespmem:s19+$0x8550]  }
0x152: {  	v19 =	vld [tilespmem:s19+$0x8590]  }
0x153: {  	v21 =	vld [tilespmem:s19+$0x8520]  }
0x154: {  	v22 =	vld [tilespmem:s19+$0x8560]  }
0x155: {  	v23 =	vld [tilespmem:s19+$0x85A0];
	v6 =	vadd.f32 v8, v6  }
0x156: {  	v4 =	vadd.f32 v11, v4;
	v8 =	vld [tilespmem:s19+$0x85E0]  }
0x157: {  	v20 =	vld [tilespmem:s19+$0x85D0];
	v6 =	vadd.f32 v6, v10;
	v5 =	vadd.f32 v7, v5  }
0x158: {  	v11 =	vadd.f32 v14, v13;
	v60 =	vadd.f32 v16, v15  }
0x159: {  	v7 =	vadd.f32 v12, v9;
	v10 =	vadd.f32 v18, v17  }
0x15a: {  	v61 =	vadd.f32 v22, v21;
	v3 =	vadd.f32 v6, v3  }
0x15b: {  	v8 =	vadd.f32 v8, v23;
	v9 =	vadd.f32 v60, v11  }
0x15c: {  	v11 =	vadd.f32 v20, v19;
	v5 =	vadd.f32 v7, v5  }
0x15d: {  	s18 =	sadd.s32 $0x2, s18;
	v8 =	vadd.f32 v8, v61;
	v2 =	vadd.f32 v9, v2  }
0x15e: {  	s18 =	sand.u32 $0x3FFFFFC0, s18;
	v6 =	vadd.f32 v11, v10;
	v1 =	vadd.f32 v5, v1  }
0x15f: {  	v3 =	vadd.f32 v8, v3;
	[tilespmem:s18+$0x14500] =	vst.add.f32.msk $0xffff, v2  }
0x160: {  	v4 =	vadd.f32 v6, v4;
	[tilespmem:s18+$0x14530] =	vst.add.f32.msk $0xffff, v1  }
0x161: {  	[tilespmem:s18+$0x14520] =	vst.add.f32.msk $0xffff, v3  }
0x162: {  	[tilespmem:s18+$0x14510] =	vst.add.f32.msk $0xffff, v4  }
0x163: {  	_ =	swait.ge [sflag:s15], $0x280  }
0x164: {  	[sflag:s15] =	ssyncset.done $0x0  }
0x165: {  	s20 =	simm.s32 $0x500;
	s18 =	simm.s32 $0x0;
	[sflag:s15] =	ssyncadd.s32 $0xFFFFFD80  }
0x166: {  	[tilespmem:s20], [sflag:$0x1] =	stream.indirect.gather [hbm4b:s4+s16], $0x40, s18, s16, $0xb8;
	[tilespmem:$0x17700] =	vst v63  }
0x167: {  	s21 =	simm.s32 $0x2500  }
0x168: {  	[tilespmem:s21], [sflag:$0x1] =	stream.indirect.gather [hbm4b:s4+s16], $0x40, s16, s16, $0xb8;
	[tilespmem:$0x17700] =	vst v63  }
0x169: {  	s22 =	simm.s32 $0x100;
	s20 =	simm.s32 $0x4500  }
0x16a: {  	[tilespmem:s20], [sflag:$0x1] =	stream.indirect.gather [hbm4b:s4+s16], $0x40, s22, s16, $0xb8;
	[tilespmem:$0x17700] =	vst v63  }
0x16b: {  	s21 =	simm.s32 $0x180;
	s22 =	simm.s32 $0x6500  }
0x16c: {  	[tilespmem:s22], [sflag:$0x1] =	stream.indirect.gather [hbm4b:s4+s16], $0x40, s21, s16, $0xb8;
	[tilespmem:$0x17700] =	vst v63  }
0x16d: {  	s21 =	sadd.s32 s17, s9  }
0x16e: {  	[tilespmem:s24], [sflag:$0x1] =	stream.indirect.gather [hbm4b:s4+s16], $0x40, s23, s16, $0xb8;
	[tilespmem:$0x17700] =	vst v63  }
0x16f: {  	s19 =	sshll.u32 s21, $0x4;
	_ =	swait.ge [sflag:s14], $0xA000  }
0x170: {  	s19 =	sand.u32 $0x1FFFFFF0, s19;
	[sflag:s14] =	ssyncset.done $0x0  }
0x171: {  	s22 =	simm.s32 $0x0;
	s19 =	sadd.s32 s3, s19;
	[sflag:s14] =	ssyncadd.s32 $0xFFFF6000  }
0x172: {  	[tilespmem:s25], [sflag:$0x3] =	stream.linear.gather [hbm4b:s19+s18], $0x280, $0x38;
	[tilespmem:$0x17700] =	vst v63  }
0x173: {  	v1 =	vld [tilespmem:s22+$0xA530]  }
0x174: {  	v2 =	vld [tilespmem:s22+$0xA570]  }
0x175: {  	v3 =	vld [tilespmem:s22+$0xA5B0]  }
0x176: {  	v4 =	vld [tilespmem:s22+$0xA5F0]  }
0x177: {  	v5 =	vld [tilespmem:s22+$0xA500]  }
0x178: {  	v6 =	vld [tilespmem:s22+$0xA540]  }
0x179: {  	v7 =	vld [tilespmem:s22+$0xA580]  }
0x17a: {  	v8 =	vld [tilespmem:s22+$0xA5C0]  }
0x17b: {  	v9 =	vld [tilespmem:s22+$0xA510]  }
0x17c: {  	v10 =	vld [tilespmem:s22+$0xA550]  }
0x17d: {  	v11 =	vld [tilespmem:s22+$0xA590]  }
0x17e: {  	v62 =	vld [tilespmem:s22+$0xA5D0];
	_ =	sdelay $0x1  }
0x17f: {  	v63 =	vld [tilespmem:s22+$0xA560];
	v1 =	vadd.f32 v2, v1  }
0x180: {  	v2 =	vadd.f32 v4, v3;
	v3 =	vld [tilespmem:s22+$0xA520];
	v4 =	vadd.f32 v6, v5  }
0x181: {  	v5 =	vadd.f32 v8, v7;
	v6 =	vld [tilespmem:s22+$0xA5A0];
	v10 =	vadd.f32 v10, v9  }
0x182: {  	s18 =	simm.s32 $0x100;
	v8 =	vld [tilespmem:s22+$0xA5E0];
	v11 =	vadd.f32 v62, v11;
	v1 =	vadd.f32 v2, v1  }
0x183: {  	v7 =	vld [tilespmem:s18+$0xA570];
	v2 =	vadd.f32 v5, v4;
	v4 =	vimm.f32 $0.0e+00  }
0x184: {  	v9 =	vld [tilespmem:s18+$0xA5B0];
	v11 =	vadd.f32 v11, v10;
	v1 =	vadd.f32 v1, v4  }
0x185: {  	s19 =	simm.s32 $0x800;
	v5 =	vld [tilespmem:s18+$0xA530];
	v2 =	vadd.f32 v2, v4;
	v10 =	vadd.f32 v63, v3;
	v3 =	vimm.f32 $0.0e+00  }
.LBB2_15:
0x186: {  	p0 =	sne.s32 s19, $0x7C00;
	v12 =	vld [tilespmem:s18+$0xA5F0]  }
0x187: {  	v13 =	vld [tilespmem:s18+$0xA500];
	v4 =	vadd.f32 v11, v4;
	v6 =	vadd.f32 v8, v6  }
0x188: {  	v8 =	vld [tilespmem:s18+$0xA540]  }
0x189: {  	v11 =	vld [tilespmem:s18+$0xA580];
	v6 =	vadd.f32 v6, v10  }
0x18a: {  	v10 =	vld [tilespmem:s18+$0xA5C0]  }
0x18b: {  	v5 =	vadd.f32 v7, v5;
	v14 =	vld [tilespmem:s18+$0xA510];
	v7 =	vadd.f32 v12, v9  }
0x18c: {  	v3 =	vadd.f32 v6, v3;
	v9 =	vld [tilespmem:s18+$0xA550]  }
0x18d: {  	v6 =	vadd.f32 v8, v13;
	v12 =	vld [tilespmem:s18+$0xA590];
	v5 =	vadd.f32 v7, v5  }
0x18e: {  	v7 =	vld [tilespmem:s18+$0xA5D0]  }
0x18f: {  	v8 =	vadd.f32 v10, v11;
	v10 =	vld [tilespmem:s18+$0xA520];
	v1 =	vadd.f32 v5, v1  }
0x190: {  	v13 =	vld [tilespmem:s18+$0xA560]  }
.Ltmp6:
0x191: {  	v11 =	vadd.f32 v8, v6;
	v14 =	vadd.f32 v9, v14;
	v6 =	vld [tilespmem:s18+$0xA5A0];
	(pc) =	sbr.rel @p0 .LBB2_15-.Ltmp6, $4  }
0x192: {  	v8 =	vld [tilespmem:s18+$0xA5E0];
	s18 =	sshra.s32 s19, $0x2  }
0x193: {  	v5 =	vld [tilespmem:s18+$0xA530];
	v2 =	vadd.f32 v11, v2;
	v11 =	vadd.f32 v7, v12  }
0x194: {  	v7 =	vld [tilespmem:s18+$0xA570]  }
0x195: {  	s19 =	sadd.s32 $0x400, s19;
	v9 =	vld [tilespmem:s18+$0xA5B0];
	v11 =	vadd.f32 v11, v14;
	v10 =	vadd.f32 v13, v10  }
0x196: {  	v12 =	vld [tilespmem:s18+$0xA5F0]  }
0x197: {  	v13 =	vld [tilespmem:s18+$0xA500]  }
0x198: {  	v14 =	vld [tilespmem:s18+$0xA540]  }
0x199: {  	v15 =	vld [tilespmem:s18+$0xA580]  }
0x19a: {  	v16 =	vld [tilespmem:s18+$0xA5C0]  }
0x19b: {  	v17 =	vld [tilespmem:s18+$0xA510]  }
0x19c: {  	v18 =	vld [tilespmem:s18+$0xA550]  }
0x19d: {  	v19 =	vld [tilespmem:s18+$0xA590]  }
0x19e: {  	v21 =	vld [tilespmem:s18+$0xA520]  }
0x19f: {  	v22 =	vld [tilespmem:s18+$0xA560]  }
0x1a0: {  	v23 =	vld [tilespmem:s18+$0xA5A0];
	v6 =	vadd.f32 v8, v6  }
0x1a1: {  	v4 =	vadd.f32 v11, v4;
	v8 =	vld [tilespmem:s18+$0xA5E0]  }
0x1a2: {  	v20 =	vld [tilespmem:s18+$0xA5D0];
	v6 =	vadd.f32 v6, v10;
	v5 =	vadd.f32 v7, v5  }
0x1a3: {  	v11 =	vadd.f32 v14, v13;
	v60 =	vadd.f32 v16, v15  }
0x1a4: {  	v7 =	vadd.f32 v12, v9;
	v10 =	vadd.f32 v18, v17  }
0x1a5: {  	v61 =	vadd.f32 v22, v21;
	v3 =	vadd.f32 v6, v3  }
0x1a6: {  	v8 =	vadd.f32 v8, v23;
	v9 =	vadd.f32 v60, v11  }
0x1a7: {  	s18 =	sadd.s32 s17, s10;
	v11 =	vadd.f32 v20, v19;
	v5 =	vadd.f32 v7, v5  }
0x1a8: {  	s17 =	sshrl.u32 s18, $0x1;
	v8 =	vadd.f32 v8, v61;
	v2 =	vadd.f32 v9, v2  }
0x1a9: {  	s19 =	sand.u32 $0x3FFFFFC0, s17;
	v6 =	vadd.f32 v11, v10;
	v1 =	vadd.f32 v5, v1  }
0x1aa: {  	v3 =	vadd.f32 v8, v3;
	[tilespmem:s19+$0x14500] =	vst.add.f32.msk $0xffff, v2  }
0x1ab: {  	v4 =	vadd.f32 v6, v4;
	[tilespmem:s19+$0x14530] =	vst.add.f32.msk $0xffff, v1  }
0x1ac: {  	[tilespmem:s19+$0x14520] =	vst.add.f32.msk $0xffff, v3  }
0x1ad: {  	s20 =	simm.s32 $0x0;
	[tilespmem:s19+$0x14510] =	vst.add.f32.msk $0xffff, v4  }
0x1ae: {  	v1 =	vld [tilespmem:s20+$0xC530]  }
0x1af: {  	v2 =	vld [tilespmem:s20+$0xC570]  }
0x1b0: {  	v3 =	vld [tilespmem:s20+$0xC5B0]  }
0x1b1: {  	v4 =	vld [tilespmem:s20+$0xC5F0]  }
0x1b2: {  	v5 =	vld [tilespmem:s20+$0xC500]  }
0x1b3: {  	v6 =	vld [tilespmem:s20+$0xC540]  }
0x1b4: {  	v7 =	vld [tilespmem:s20+$0xC580]  }
0x1b5: {  	v8 =	vld [tilespmem:s20+$0xC5C0]  }
0x1b6: {  	v9 =	vld [tilespmem:s20+$0xC510]  }
0x1b7: {  	v10 =	vld [tilespmem:s20+$0xC550]  }
0x1b8: {  	v11 =	vld [tilespmem:s20+$0xC590]  }
0x1b9: {  	v62 =	vld [tilespmem:s20+$0xC5D0];
	_ =	sdelay $0x1  }
0x1ba: {  	v63 =	vld [tilespmem:s20+$0xC560];
	v1 =	vadd.f32 v2, v1  }
0x1bb: {  	v2 =	vadd.f32 v4, v3;
	v3 =	vld [tilespmem:s20+$0xC520];
	v4 =	vadd.f32 v6, v5  }
0x1bc: {  	v5 =	vadd.f32 v8, v7;
	v6 =	vld [tilespmem:s20+$0xC5A0];
	v10 =	vadd.f32 v10, v9  }
0x1bd: {  	s19 =	simm.s32 $0x100;
	v8 =	vld [tilespmem:s20+$0xC5E0];
	v11 =	vadd.f32 v62, v11;
	v1 =	vadd.f32 v2, v1  }
0x1be: {  	v7 =	vld [tilespmem:s19+$0xC570];
	v2 =	vadd.f32 v5, v4;
	v4 =	vimm.f32 $0.0e+00  }
0x1bf: {  	v9 =	vld [tilespmem:s19+$0xC5B0];
	v11 =	vadd.f32 v11, v10;
	v1 =	vadd.f32 v1, v4  }
0x1c0: {  	s20 =	simm.s32 $0x800;
	v5 =	vld [tilespmem:s19+$0xC530];
	v2 =	vadd.f32 v2, v4;
	v10 =	vadd.f32 v63, v3;
	v3 =	vimm.f32 $0.0e+00  }
.LBB2_17:
0x1c1: {  	p0 =	sne.s32 s20, $0x7C00;
	v12 =	vld [tilespmem:s19+$0xC5F0]  }
0x1c2: {  	v13 =	vld [tilespmem:s19+$0xC500];
	v4 =	vadd.f32 v11, v4;
	v6 =	vadd.f32 v8, v6  }
0x1c3: {  	v8 =	vld [tilespmem:s19+$0xC540]  }
0x1c4: {  	v11 =	vld [tilespmem:s19+$0xC580];
	v6 =	vadd.f32 v6, v10  }
0x1c5: {  	v10 =	vld [tilespmem:s19+$0xC5C0]  }
0x1c6: {  	v5 =	vadd.f32 v7, v5;
	v14 =	vld [tilespmem:s19+$0xC510];
	v7 =	vadd.f32 v12, v9  }
0x1c7: {  	v3 =	vadd.f32 v6, v3;
	v9 =	vld [tilespmem:s19+$0xC550]  }
0x1c8: {  	v6 =	vadd.f32 v8, v13;
	v12 =	vld [tilespmem:s19+$0xC590];
	v5 =	vadd.f32 v7, v5  }
0x1c9: {  	v7 =	vld [tilespmem:s19+$0xC5D0]  }
0x1ca: {  	v8 =	vadd.f32 v10, v11;
	v10 =	vld [tilespmem:s19+$0xC520];
	v1 =	vadd.f32 v5, v1  }
0x1cb: {  	v13 =	vld [tilespmem:s19+$0xC560]  }
.Ltmp7:
0x1cc: {  	v11 =	vadd.f32 v8, v6;
	v14 =	vadd.f32 v9, v14;
	v6 =	vld [tilespmem:s19+$0xC5A0];
	(pc) =	sbr.rel @p0 .LBB2_17-.Ltmp7, $4  }
0x1cd: {  	v8 =	vld [tilespmem:s19+$0xC5E0];
	s19 =	sshra.s32 s20, $0x2  }
0x1ce: {  	v5 =	vld [tilespmem:s19+$0xC530];
	v2 =	vadd.f32 v11, v2;
	v11 =	vadd.f32 v7, v12  }
0x1cf: {  	v7 =	vld [tilespmem:s19+$0xC570]  }
0x1d0: {  	s20 =	sadd.s32 $0x400, s20;
	v9 =	vld [tilespmem:s19+$0xC5B0];
	v11 =	vadd.f32 v11, v14;
	v10 =	vadd.f32 v13, v10  }
0x1d1: {  	v12 =	vld [tilespmem:s19+$0xC5F0]  }
0x1d2: {  	v13 =	vld [tilespmem:s19+$0xC500]  }
0x1d3: {  	v14 =	vld [tilespmem:s19+$0xC540]  }
0x1d4: {  	v15 =	vld [tilespmem:s19+$0xC580]  }
0x1d5: {  	v16 =	vld [tilespmem:s19+$0xC5C0]  }
0x1d6: {  	v17 =	vld [tilespmem:s19+$0xC510]  }
0x1d7: {  	v18 =	vld [tilespmem:s19+$0xC550]  }
0x1d8: {  	v19 =	vld [tilespmem:s19+$0xC590]  }
0x1d9: {  	v21 =	vld [tilespmem:s19+$0xC520]  }
0x1da: {  	v22 =	vld [tilespmem:s19+$0xC560]  }
0x1db: {  	v23 =	vld [tilespmem:s19+$0xC5A0];
	v6 =	vadd.f32 v8, v6  }
0x1dc: {  	v4 =	vadd.f32 v11, v4;
	v8 =	vld [tilespmem:s19+$0xC5E0]  }
0x1dd: {  	v20 =	vld [tilespmem:s19+$0xC5D0];
	v6 =	vadd.f32 v6, v10;
	v5 =	vadd.f32 v7, v5  }
0x1de: {  	v11 =	vadd.f32 v14, v13;
	v60 =	vadd.f32 v16, v15  }
0x1df: {  	v7 =	vadd.f32 v12, v9;
	v10 =	vadd.f32 v18, v17  }
0x1e0: {  	v61 =	vadd.f32 v22, v21;
	v3 =	vadd.f32 v6, v3  }
0x1e1: {  	v8 =	vadd.f32 v8, v23;
	v9 =	vadd.f32 v60, v11  }
0x1e2: {  	s22 =	sadd.s32 $0x1, s18;
	v11 =	vadd.f32 v20, v19;
	v5 =	vadd.f32 v7, v5  }
0x1e3: {  	s19 =	sshrl.u32 s22, $0x1;
	v8 =	vadd.f32 v8, v61;
	v2 =	vadd.f32 v9, v2  }
0x1e4: {  	s19 =	sand.u32 $0x3FFFFFC0, s19;
	v6 =	vadd.f32 v11, v10;
	v1 =	vadd.f32 v5, v1  }
0x1e5: {  	v3 =	vadd.f32 v8, v3;
	[tilespmem:s19+$0x14500] =	vst.add.f32.msk $0xffff, v2  }
0x1e6: {  	v4 =	vadd.f32 v6, v4;
	[tilespmem:s19+$0x14530] =	vst.add.f32.msk $0xffff, v1  }
0x1e7: {  	[tilespmem:s19+$0x14520] =	vst.add.f32.msk $0xffff, v3  }
0x1e8: {  	s20 =	simm.s32 $0x0;
	[tilespmem:s19+$0x14510] =	vst.add.f32.msk $0xffff, v4  }
0x1e9: {  	v1 =	vld [tilespmem:s20+$0xE530]  }
0x1ea: {  	v2 =	vld [tilespmem:s20+$0xE570]  }
0x1eb: {  	v3 =	vld [tilespmem:s20+$0xE5B0]  }
0x1ec: {  	v4 =	vld [tilespmem:s20+$0xE5F0]  }
0x1ed: {  	v5 =	vld [tilespmem:s20+$0xE500]  }
0x1ee: {  	v6 =	vld [tilespmem:s20+$0xE540]  }
0x1ef: {  	v7 =	vld [tilespmem:s20+$0xE580]  }
0x1f0: {  	v8 =	vld [tilespmem:s20+$0xE5C0]  }
0x1f1: {  	v9 =	vld [tilespmem:s20+$0xE510]  }
0x1f2: {  	v10 =	vld [tilespmem:s20+$0xE550]  }
0x1f3: {  	v11 =	vld [tilespmem:s20+$0xE590]  }
0x1f4: {  	v62 =	vld [tilespmem:s20+$0xE5D0];
	_ =	sdelay $0x1  }
0x1f5: {  	v63 =	vld [tilespmem:s20+$0xE560];
	v1 =	vadd.f32 v2, v1  }
0x1f6: {  	v2 =	vadd.f32 v4, v3;
	v3 =	vld [tilespmem:s20+$0xE520];
	v4 =	vadd.f32 v6, v5  }
0x1f7: {  	v5 =	vadd.f32 v8, v7;
	v6 =	vld [tilespmem:s20+$0xE5A0];
	v10 =	vadd.f32 v10, v9  }
0x1f8: {  	s19 =	simm.s32 $0x100;
	v8 =	vld [tilespmem:s20+$0xE5E0];
	v11 =	vadd.f32 v62, v11;
	v1 =	vadd.f32 v2, v1  }
0x1f9: {  	v7 =	vld [tilespmem:s19+$0xE570];
	v2 =	vadd.f32 v5, v4;
	v4 =	vimm.f32 $0.0e+00  }
0x1fa: {  	v9 =	vld [tilespmem:s19+$0xE5B0];
	v11 =	vadd.f32 v11, v10;
	v1 =	vadd.f32 v1, v4  }
0x1fb: {  	s20 =	simm.s32 $0x800;
	v5 =	vld [tilespmem:s19+$0xE530];
	v2 =	vadd.f32 v2, v4;
	v10 =	vadd.f32 v63, v3;
	v3 =	vimm.f32 $0.0e+00  }
.LBB2_19:
0x1fc: {  	p0 =	sne.s32 s20, $0x7C00;
	v12 =	vld [tilespmem:s19+$0xE5F0]  }
0x1fd: {  	v13 =	vld [tilespmem:s19+$0xE500];
	v4 =	vadd.f32 v11, v4;
	v6 =	vadd.f32 v8, v6  }
0x1fe: {  	v8 =	vld [tilespmem:s19+$0xE540]  }
0x1ff: {  	v11 =	vld [tilespmem:s19+$0xE580];
	v6 =	vadd.f32 v6, v10  }
0x200: {  	v10 =	vld [tilespmem:s19+$0xE5C0]  }
0x201: {  	v5 =	vadd.f32 v7, v5;
	v14 =	vld [tilespmem:s19+$0xE510];
	v7 =	vadd.f32 v12, v9  }
0x202: {  	v3 =	vadd.f32 v6, v3;
	v9 =	vld [tilespmem:s19+$0xE550]  }
0x203: {  	v6 =	vadd.f32 v8, v13;
	v12 =	vld [tilespmem:s19+$0xE590];
	v5 =	vadd.f32 v7, v5  }
0x204: {  	v7 =	vld [tilespmem:s19+$0xE5D0]  }
0x205: {  	v8 =	vadd.f32 v10, v11;
	v10 =	vld [tilespmem:s19+$0xE520];
	v1 =	vadd.f32 v5, v1  }
0x206: {  	v13 =	vld [tilespmem:s19+$0xE560]  }
.Ltmp8:
0x207: {  	v11 =	vadd.f32 v8, v6;
	v14 =	vadd.f32 v9, v14;
	v6 =	vld [tilespmem:s19+$0xE5A0];
	(pc) =	sbr.rel @p0 .LBB2_19-.Ltmp8, $4  }
0x208: {  	v8 =	vld [tilespmem:s19+$0xE5E0];
	s19 =	sshra.s32 s20, $0x2  }
0x209: {  	v5 =	vld [tilespmem:s19+$0xE530];
	v2 =	vadd.f32 v11, v2;
	v11 =	vadd.f32 v7, v12  }
0x20a: {  	v7 =	vld [tilespmem:s19+$0xE570]  }
0x20b: {  	s20 =	sadd.s32 $0x400, s20;
	v9 =	vld [tilespmem:s19+$0xE5B0];
	v11 =	vadd.f32 v11, v14;
	v10 =	vadd.f32 v13, v10  }
0x20c: {  	v12 =	vld [tilespmem:s19+$0xE5F0]  }
0x20d: {  	v13 =	vld [tilespmem:s19+$0xE500]  }
0x20e: {  	v14 =	vld [tilespmem:s19+$0xE540]  }
0x20f: {  	v15 =	vld [tilespmem:s19+$0xE580]  }
0x210: {  	v16 =	vld [tilespmem:s19+$0xE5C0]  }
0x211: {  	v17 =	vld [tilespmem:s19+$0xE510]  }
0x212: {  	v18 =	vld [tilespmem:s19+$0xE550]  }
0x213: {  	v19 =	vld [tilespmem:s19+$0xE590]  }
0x214: {  	v21 =	vld [tilespmem:s19+$0xE520]  }
0x215: {  	v22 =	vld [tilespmem:s19+$0xE560]  }
0x216: {  	v23 =	vld [tilespmem:s19+$0xE5A0];
	v6 =	vadd.f32 v8, v6  }
0x217: {  	v4 =	vadd.f32 v11, v4;
	v8 =	vld [tilespmem:s19+$0xE5E0]  }
0x218: {  	v20 =	vld [tilespmem:s19+$0xE5D0];
	v6 =	vadd.f32 v6, v10;
	v5 =	vadd.f32 v7, v5  }
0x219: {  	v11 =	vadd.f32 v14, v13;
	v60 =	vadd.f32 v16, v15  }
0x21a: {  	v7 =	vadd.f32 v12, v9;
	v10 =	vadd.f32 v18, v17  }
0x21b: {  	v61 =	vadd.f32 v22, v21;
	v3 =	vadd.f32 v6, v3  }
0x21c: {  	v8 =	vadd.f32 v8, v23;
	v9 =	vadd.f32 v60, v11  }
0x21d: {  	s22 =	sadd.s32 $0x2, s18;
	v11 =	vadd.f32 v20, v19;
	v5 =	vadd.f32 v7, v5  }
0x21e: {  	s19 =	sshrl.u32 s22, $0x1;
	v8 =	vadd.f32 v8, v61;
	v2 =	vadd.f32 v9, v2  }
0x21f: {  	s19 =	sand.u32 $0x3FFFFFC0, s19;
	v6 =	vadd.f32 v11, v10;
	v1 =	vadd.f32 v5, v1  }
0x220: {  	v3 =	vadd.f32 v8, v3;
	[tilespmem:s19+$0x14500] =	vst.add.f32.msk $0xffff, v2  }
0x221: {  	v4 =	vadd.f32 v6, v4;
	[tilespmem:s19+$0x14530] =	vst.add.f32.msk $0xffff, v1  }
0x222: {  	[tilespmem:s19+$0x14520] =	vst.add.f32.msk $0xffff, v3  }
0x223: {  	s20 =	simm.s32 $0x0;
	[tilespmem:s19+$0x14510] =	vst.add.f32.msk $0xffff, v4  }
0x224: {  	v1 =	vld [tilespmem:s20+$0x10530]  }
0x225: {  	v2 =	vld [tilespmem:s20+$0x10570]  }
0x226: {  	v3 =	vld [tilespmem:s20+$0x105B0]  }
0x227: {  	v4 =	vld [tilespmem:s20+$0x105F0]  }
0x228: {  	v5 =	vld [tilespmem:s20+$0x10500]  }
0x229: {  	v6 =	vld [tilespmem:s20+$0x10540]  }
0x22a: {  	v7 =	vld [tilespmem:s20+$0x10580]  }
0x22b: {  	v8 =	vld [tilespmem:s20+$0x105C0]  }
0x22c: {  	v9 =	vld [tilespmem:s20+$0x10510]  }
0x22d: {  	v10 =	vld [tilespmem:s20+$0x10550]  }
0x22e: {  	v11 =	vld [tilespmem:s20+$0x10590]  }
0x22f: {  	v62 =	vld [tilespmem:s20+$0x105D0];
	_ =	sdelay $0x1  }
0x230: {  	v63 =	vld [tilespmem:s20+$0x10560];
	v1 =	vadd.f32 v2, v1  }
0x231: {  	v2 =	vadd.f32 v4, v3;
	v3 =	vld [tilespmem:s20+$0x10520];
	v4 =	vadd.f32 v6, v5  }
0x232: {  	v5 =	vadd.f32 v8, v7;
	v6 =	vld [tilespmem:s20+$0x105A0];
	v10 =	vadd.f32 v10, v9  }
0x233: {  	s19 =	simm.s32 $0x100;
	v8 =	vld [tilespmem:s20+$0x105E0];
	v11 =	vadd.f32 v62, v11;
	v1 =	vadd.f32 v2, v1  }
0x234: {  	v7 =	vld [tilespmem:s19+$0x10570];
	v2 =	vadd.f32 v5, v4;
	v4 =	vimm.f32 $0.0e+00  }
0x235: {  	v9 =	vld [tilespmem:s19+$0x105B0];
	v11 =	vadd.f32 v11, v10;
	v1 =	vadd.f32 v1, v4  }
0x236: {  	s20 =	simm.s32 $0x800;
	v5 =	vld [tilespmem:s19+$0x10530];
	v2 =	vadd.f32 v2, v4;
	v10 =	vadd.f32 v63, v3;
	v3 =	vimm.f32 $0.0e+00  }
.LBB2_21:
0x237: {  	p0 =	sne.s32 s20, $0x7C00;
	v12 =	vld [tilespmem:s19+$0x105F0]  }
0x238: {  	v13 =	vld [tilespmem:s19+$0x10500];
	v4 =	vadd.f32 v11, v4;
	v6 =	vadd.f32 v8, v6  }
0x239: {  	v8 =	vld [tilespmem:s19+$0x10540]  }
0x23a: {  	v11 =	vld [tilespmem:s19+$0x10580];
	v6 =	vadd.f32 v6, v10  }
0x23b: {  	v10 =	vld [tilespmem:s19+$0x105C0]  }
0x23c: {  	v5 =	vadd.f32 v7, v5;
	v14 =	vld [tilespmem:s19+$0x10510];
	v7 =	vadd.f32 v12, v9  }
0x23d: {  	v3 =	vadd.f32 v6, v3;
	v9 =	vld [tilespmem:s19+$0x10550]  }
0x23e: {  	v6 =	vadd.f32 v8, v13;
	v12 =	vld [tilespmem:s19+$0x10590];
	v5 =	vadd.f32 v7, v5  }
0x23f: {  	v7 =	vld [tilespmem:s19+$0x105D0]  }
0x240: {  	v8 =	vadd.f32 v10, v11;
	v10 =	vld [tilespmem:s19+$0x10520];
	v1 =	vadd.f32 v5, v1  }
0x241: {  	v13 =	vld [tilespmem:s19+$0x10560]  }
.Ltmp9:
0x242: {  	v11 =	vadd.f32 v8, v6;
	v14 =	vadd.f32 v9, v14;
	v6 =	vld [tilespmem:s19+$0x105A0];
	(pc) =	sbr.rel @p0 .LBB2_21-.Ltmp9, $4  }
0x243: {  	v8 =	vld [tilespmem:s19+$0x105E0];
	s19 =	sshra.s32 s20, $0x2  }
0x244: {  	v5 =	vld [tilespmem:s19+$0x10530];
	v2 =	vadd.f32 v11, v2;
	v11 =	vadd.f32 v7, v12  }
0x245: {  	v7 =	vld [tilespmem:s19+$0x10570]  }
0x246: {  	s20 =	sadd.s32 $0x400, s20;
	v9 =	vld [tilespmem:s19+$0x105B0];
	v11 =	vadd.f32 v11, v14;
	v10 =	vadd.f32 v13, v10  }
0x247: {  	v12 =	vld [tilespmem:s19+$0x105F0]  }
0x248: {  	v13 =	vld [tilespmem:s19+$0x10500]  }
0x249: {  	v14 =	vld [tilespmem:s19+$0x10540]  }
0x24a: {  	v15 =	vld [tilespmem:s19+$0x10580]  }
0x24b: {  	v16 =	vld [tilespmem:s19+$0x105C0]  }
0x24c: {  	v17 =	vld [tilespmem:s19+$0x10510]  }
0x24d: {  	v18 =	vld [tilespmem:s19+$0x10550]  }
0x24e: {  	v19 =	vld [tilespmem:s19+$0x10590]  }
0x24f: {  	v21 =	vld [tilespmem:s19+$0x10520]  }
0x250: {  	v22 =	vld [tilespmem:s19+$0x10560]  }
0x251: {  	v23 =	vld [tilespmem:s19+$0x105A0];
	v6 =	vadd.f32 v8, v6  }
0x252: {  	v4 =	vadd.f32 v11, v4;
	v8 =	vld [tilespmem:s19+$0x105E0]  }
0x253: {  	v20 =	vld [tilespmem:s19+$0x105D0];
	v6 =	vadd.f32 v6, v10;
	v5 =	vadd.f32 v7, v5  }
0x254: {  	v11 =	vadd.f32 v14, v13;
	v60 =	vadd.f32 v16, v15  }
0x255: {  	v7 =	vadd.f32 v12, v9;
	v10 =	vadd.f32 v18, v17  }
0x256: {  	v61 =	vadd.f32 v22, v21;
	v3 =	vadd.f32 v6, v3  }
0x257: {  	v8 =	vadd.f32 v8, v23;
	v9 =	vadd.f32 v60, v11  }
0x258: {  	s18 =	sadd.s32 $0x3, s18;
	v11 =	vadd.f32 v20, v19;
	v5 =	vadd.f32 v7, v5  }
0x259: {  	s18 =	sshrl.u32 s18, $0x1;
	v8 =	vadd.f32 v8, v61;
	v2 =	vadd.f32 v9, v2  }
0x25a: {  	s18 =	sand.u32 $0x3FFFFFC0, s18;
	v6 =	vadd.f32 v11, v10;
	v1 =	vadd.f32 v5, v1  }
0x25b: {  	v3 =	vadd.f32 v8, v3;
	[tilespmem:s18+$0x14500] =	vst.add.f32.msk $0xffff, v2  }
0x25c: {  	v4 =	vadd.f32 v6, v4;
	[tilespmem:s18+$0x14530] =	vst.add.f32.msk $0xffff, v1  }
0x25d: {  	[tilespmem:s18+$0x14520] =	vst.add.f32.msk $0xffff, v3  }
0x25e: {  	s22 =	simm.s32 $0x0;
	[tilespmem:s18+$0x14510] =	vst.add.f32.msk $0xffff, v4  }
0x25f: {  	v1 =	vld [tilespmem:s22+$0x12530]  }
0x260: {  	v2 =	vld [tilespmem:s22+$0x12570]  }
0x261: {  	v3 =	vld [tilespmem:s22+$0x125B0]  }
0x262: {  	v4 =	vld [tilespmem:s22+$0x125F0]  }
0x263: {  	v5 =	vld [tilespmem:s22+$0x12500]  }
0x264: {  	v6 =	vld [tilespmem:s22+$0x12540]  }
0x265: {  	v7 =	vld [tilespmem:s22+$0x12580]  }
0x266: {  	v8 =	vld [tilespmem:s22+$0x125C0]  }
0x267: {  	v9 =	vld [tilespmem:s22+$0x12510]  }
0x268: {  	v10 =	vld [tilespmem:s22+$0x12550]  }
0x269: {  	v11 =	vld [tilespmem:s22+$0x12590]  }
0x26a: {  	v62 =	vld [tilespmem:s22+$0x125D0];
	_ =	sdelay $0x1  }
0x26b: {  	v63 =	vld [tilespmem:s22+$0x12560];
	v1 =	vadd.f32 v2, v1  }
0x26c: {  	v2 =	vadd.f32 v4, v3;
	v3 =	vld [tilespmem:s22+$0x12520];
	v4 =	vadd.f32 v6, v5  }
0x26d: {  	v5 =	vadd.f32 v8, v7;
	v6 =	vld [tilespmem:s22+$0x125A0];
	v10 =	vadd.f32 v10, v9  }
0x26e: {  	s18 =	simm.s32 $0x100;
	v8 =	vld [tilespmem:s22+$0x125E0];
	v11 =	vadd.f32 v62, v11;
	v1 =	vadd.f32 v2, v1  }
0x26f: {  	v7 =	vld [tilespmem:s18+$0x12570];
	v2 =	vadd.f32 v5, v4;
	v4 =	vimm.f32 $0.0e+00  }
0x270: {  	v9 =	vld [tilespmem:s18+$0x125B0];
	v11 =	vadd.f32 v11, v10;
	v1 =	vadd.f32 v1, v4  }
0x271: {  	s19 =	simm.s32 $0x800;
	v5 =	vld [tilespmem:s18+$0x12530];
	v2 =	vadd.f32 v2, v4;
	v10 =	vadd.f32 v63, v3;
	v3 =	vimm.f32 $0.0e+00  }
.LBB2_23:
0x272: {  	p0 =	sne.s32 s19, $0x7C00;
	v12 =	vld [tilespmem:s18+$0x125F0]  }
0x273: {  	v13 =	vld [tilespmem:s18+$0x12500];
	v4 =	vadd.f32 v11, v4;
	v6 =	vadd.f32 v8, v6  }
0x274: {  	v8 =	vld [tilespmem:s18+$0x12540]  }
0x275: {  	v11 =	vld [tilespmem:s18+$0x12580];
	v6 =	vadd.f32 v6, v10  }
0x276: {  	v10 =	vld [tilespmem:s18+$0x125C0]  }
0x277: {  	v5 =	vadd.f32 v7, v5;
	v14 =	vld [tilespmem:s18+$0x12510];
	v7 =	vadd.f32 v12, v9  }
0x278: {  	v3 =	vadd.f32 v6, v3;
	v9 =	vld [tilespmem:s18+$0x12550]  }
0x279: {  	v6 =	vadd.f32 v8, v13;
	v12 =	vld [tilespmem:s18+$0x12590];
	v5 =	vadd.f32 v7, v5  }
0x27a: {  	v7 =	vld [tilespmem:s18+$0x125D0]  }
0x27b: {  	v8 =	vadd.f32 v10, v11;
	v10 =	vld [tilespmem:s18+$0x12520];
	v1 =	vadd.f32 v5, v1  }
0x27c: {  	v13 =	vld [tilespmem:s18+$0x12560]  }
.Ltmp10:
0x27d: {  	v11 =	vadd.f32 v8, v6;
	v14 =	vadd.f32 v9, v14;
	v6 =	vld [tilespmem:s18+$0x125A0];
	(pc) =	sbr.rel @p0 .LBB2_23-.Ltmp10, $4  }
0x27e: {  	v8 =	vld [tilespmem:s18+$0x125E0];
	s18 =	sshra.s32 s19, $0x2  }
0x27f: {  	v5 =	vld [tilespmem:s18+$0x12530];
	v2 =	vadd.f32 v11, v2;
	v11 =	vadd.f32 v7, v12  }
0x280: {  	v7 =	vld [tilespmem:s18+$0x12570]  }
0x281: {  	s19 =	sadd.s32 $0x400, s19;
	v9 =	vld [tilespmem:s18+$0x125B0];
	v11 =	vadd.f32 v11, v14;
	v10 =	vadd.f32 v13, v10  }
0x282: {  	v12 =	vld [tilespmem:s18+$0x125F0]  }
0x283: {  	v13 =	vld [tilespmem:s18+$0x12500]  }
0x284: {  	v14 =	vld [tilespmem:s18+$0x12540]  }
0x285: {  	v15 =	vld [tilespmem:s18+$0x12580]  }
0x286: {  	v16 =	vld [tilespmem:s18+$0x125C0]  }
0x287: {  	v17 =	vld [tilespmem:s18+$0x12510]  }
0x288: {  	v18 =	vld [tilespmem:s18+$0x12550]  }
0x289: {  	v19 =	vld [tilespmem:s18+$0x12590]  }
0x28a: {  	v20 =	vld [tilespmem:s18+$0x125D0]  }
0x28b: {  	v21 =	vld [tilespmem:s18+$0x12520]  }
0x28c: {  	v22 =	vld [tilespmem:s18+$0x12560]  }
0x28d: {  	v23 =	vld [tilespmem:s18+$0x125A0];
	v6 =	vadd.f32 v8, v6  }
0x28e: {  	v55 =	vld [tilespmem:s18+$0x125E0];
	v4 =	vadd.f32 v11, v4  }
0x28f: {  	v6 =	vadd.f32 v6, v10;
	v5 =	vadd.f32 v7, v5  }
0x290: {  	v56 =	vadd.f32 v14, v13;
	v57 =	vadd.f32 v16, v15  }
0x291: {  	v58 =	vadd.f32 v12, v9;
	v60 =	vadd.f32 v18, v17  }
0x292: {  	v61 =	vadd.f32 v20, v19;
	v62 =	vadd.f32 v22, v21  }
0x293: {  	v8 =	vadd.f32 v55, v23;
	v59 =	vadd.f32 v57, v56  }
0x294: {  	s12 =	sadd.s32 $0x1, s12;
	v3 =	vadd.f32 v6, v3;
	v63 =	vadd.f32 v61, v60  }
0x295: {  	s17 =	sadd.s32 $0x2, s17;
	p0 =	sne.s32 s12, $0x4F;
	v8 =	vadd.f32 v8, v62;
	v2 =	vadd.f32 v59, v2  }
.Ltmp11:
0x296: {  	s17 =	sand.u32 $0x3FFFFFC0, s17;
	v5 =	vadd.f32 v58, v5;
	v4 =	vadd.f32 v63, v4;
	(pc) =	sbr.rel @p0 .LBB2_4-.Ltmp11, $4  }
0x297: {  	v3 =	vadd.f32 v8, v3;
	[tilespmem:s17+$0x14500] =	vst.add.f32.msk $0xffff, v2  }
0x298: {  	v1 =	vadd.f32 v5, v1;
	[tilespmem:s17+$0x14510] =	vst.add.f32.msk $0xffff, v4  }
0x299: {  	[tilespmem:s17+$0x14520] =	vst.add.f32.msk $0xffff, v3  }
0x29a: {  	[tilespmem:s17+$0x14530] =	vst.add.f32.msk $0xffff, v1  }
0x29b: {  	_ =	swait.ge [sflag:s15], $0x280  }
0x29c: {  	[sflag:s15] =	ssyncset.done $0x0  }
0x29d: {  	[sflag:s15] =	ssyncadd.s32 $0xFFFFFD80  }
0x29e: {  	[tilespmem:s26], [sflag:$0x2] =	stream.indirect.gather [hbm4b:s4+s16], $0x40, s25, s16, $0xb8;
	[tilespmem:$0x17700] =	vst v63  }
0x29f: {  	_ = 	snop  }
0x2a0: {  	[tilespmem:s29], [sflag:$0x2] =	stream.indirect.gather [hbm4b:s4+s16], $0x40, s28, s16, $0xb8;
	[tilespmem:$0x17700] =	vst v63  }
0x2a1: {  	_ = 	snop  }
0x2a2: {  	[tilespmem:s31], [sflag:$0x2] =	stream.indirect.gather [hbm4b:s4+s16], $0x40, s30, s16, $0xb8;
	[tilespmem:$0x17700] =	vst v63  }
0x2a3: {  	_ = 	snop  }
0x2a4: {  	[tilespmem:s0], [sflag:$0x2] =	stream.indirect.gather [hbm4b:s4+s16], $0x40, s1, s16, $0xb8;
	[tilespmem:$0x17700] =	vst v63  }
0x2a5: {  	_ = 	snop  }
0x2a6: {  	[tilespmem:s7], [sflag:$0x2] =	stream.indirect.gather [hbm4b:s4+s16], $0x40, s2, s16, $0xb8;
	[tilespmem:$0x17700] =	vst v63  }
0x2a7: {  	_ =	swait.ge [sflag:s13], $0xA000  }
0x2a8: {  	[sflag:s13] =	ssyncset.done $0x0  }
0x2a9: {  	s12 =	simm.s32 $0x0;
	[sflag:s13] =	ssyncadd.s32 $0xFFFF6000  }
0x2aa: {  	v1 =	vld [tilespmem:s12+$0x530]  }
0x2ab: {  	v2 =	vld [tilespmem:s12+$0x570]  }
0x2ac: {  	v3 =	vld [tilespmem:s12+$0x5B0]  }
0x2ad: {  	v4 =	vld [tilespmem:s12+$0x5F0]  }
0x2ae: {  	v5 =	vld [tilespmem:s12+$0x500]  }
0x2af: {  	v6 =	vld [tilespmem:s12+$0x540]  }
0x2b0: {  	v7 =	vld [tilespmem:s12+$0x580]  }
0x2b1: {  	v8 =	vld [tilespmem:s12+$0x5C0]  }
0x2b2: {  	v9 =	vld [tilespmem:s12+$0x510]  }
0x2b3: {  	v10 =	vld [tilespmem:s12+$0x550]  }
0x2b4: {  	v11 =	vld [tilespmem:s12+$0x590]  }
0x2b5: {  	v12 =	vld [tilespmem:s12+$0x5D0];
	_ =	sdelay $0x1  }
0x2b6: {  	v13 =	vld [tilespmem:s12+$0x560];
	v1 =	vadd.f32 v2, v1  }
0x2b7: {  	v2 =	vadd.f32 v4, v3;
	v3 =	vld [tilespmem:s12+$0x520];
	v4 =	vadd.f32 v6, v5  }
0x2b8: {  	v5 =	vadd.f32 v8, v7;
	v6 =	vld [tilespmem:s12+$0x5A0];
	v10 =	vadd.f32 v10, v9  }
0x2b9: {  	s6 =	simm.s32 $0x100;
	v8 =	vld [tilespmem:s12+$0x5E0];
	v11 =	vadd.f32 v12, v11;
	v1 =	vadd.f32 v2, v1  }
0x2ba: {  	v7 =	vld [tilespmem:s6+$0x570];
	v2 =	vadd.f32 v5, v4;
	v4 =	vimm.f32 $0.0e+00  }
0x2bb: {  	v9 =	vld [tilespmem:s6+$0x5B0];
	v11 =	vadd.f32 v11, v10;
	v1 =	vadd.f32 v1, v4  }
0x2bc: {  	s12 =	simm.s32 $0x800;
	v5 =	vld [tilespmem:s6+$0x530];
	v2 =	vadd.f32 v2, v4;
	v10 =	vadd.f32 v13, v3;
	v3 =	vimm.f32 $0.0e+00  }
.LBB2_26:
0x2bd: {  	p0 =	sne.s32 s12, $0x7C00;
	v12 =	vld [tilespmem:s6+$0x5F0]  }
0x2be: {  	v13 =	vld [tilespmem:s6+$0x500];
	v4 =	vadd.f32 v11, v4;
	v6 =	vadd.f32 v8, v6  }
0x2bf: {  	v8 =	vld [tilespmem:s6+$0x540]  }
0x2c0: {  	v11 =	vld [tilespmem:s6+$0x580];
	v6 =	vadd.f32 v6, v10  }
0x2c1: {  	v10 =	vld [tilespmem:s6+$0x5C0]  }
0x2c2: {  	v5 =	vadd.f32 v7, v5;
	v14 =	vld [tilespmem:s6+$0x510];
	v7 =	vadd.f32 v12, v9  }
0x2c3: {  	v3 =	vadd.f32 v6, v3;
	v9 =	vld [tilespmem:s6+$0x550]  }
0x2c4: {  	v6 =	vadd.f32 v8, v13;
	v12 =	vld [tilespmem:s6+$0x590];
	v5 =	vadd.f32 v7, v5  }
0x2c5: {  	v7 =	vld [tilespmem:s6+$0x5D0]  }
0x2c6: {  	v8 =	vadd.f32 v10, v11;
	v10 =	vld [tilespmem:s6+$0x520];
	v1 =	vadd.f32 v5, v1  }
0x2c7: {  	v13 =	vld [tilespmem:s6+$0x560]  }
.Ltmp12:
0x2c8: {  	v11 =	vadd.f32 v8, v6;
	v14 =	vadd.f32 v9, v14;
	v6 =	vld [tilespmem:s6+$0x5A0];
	(pc) =	sbr.rel @p0 .LBB2_26-.Ltmp12, $4  }
0x2c9: {  	v8 =	vld [tilespmem:s6+$0x5E0];
	s6 =	sshra.s32 s12, $0x2  }
0x2ca: {  	v5 =	vld [tilespmem:s6+$0x530];
	v2 =	vadd.f32 v11, v2;
	v11 =	vadd.f32 v7, v12  }
0x2cb: {  	v7 =	vld [tilespmem:s6+$0x570]  }
0x2cc: {  	s12 =	sadd.s32 $0x400, s12;
	v9 =	vld [tilespmem:s6+$0x5B0];
	v11 =	vadd.f32 v11, v14;
	v10 =	vadd.f32 v13, v10  }
0x2cd: {  	v12 =	vld [tilespmem:s6+$0x5F0]  }
0x2ce: {  	v13 =	vld [tilespmem:s6+$0x500]  }
0x2cf: {  	v14 =	vld [tilespmem:s6+$0x540]  }
0x2d0: {  	v15 =	vld [tilespmem:s6+$0x580]  }
0x2d1: {  	v16 =	vld [tilespmem:s6+$0x5C0]  }
0x2d2: {  	v17 =	vld [tilespmem:s6+$0x510]  }
0x2d3: {  	v18 =	vld [tilespmem:s6+$0x550]  }
0x2d4: {  	v19 =	vld [tilespmem:s6+$0x590]  }
0x2d5: {  	v21 =	vld [tilespmem:s6+$0x520]  }
0x2d6: {  	v22 =	vld [tilespmem:s6+$0x560]  }
0x2d7: {  	v23 =	vld [tilespmem:s6+$0x5A0]  }
0x2d8: {  	v6 =	vadd.f32 v8, v6;
	v8 =	vld [tilespmem:s6+$0x5E0]  }
0x2d9: {  	v20 =	vld [tilespmem:s6+$0x5D0];
	v4 =	vadd.f32 v11, v4  }
0x2da: {  	v6 =	vadd.f32 v6, v10;
	v5 =	vadd.f32 v7, v5  }
0x2db: {  	v11 =	vadd.f32 v14, v13;
	v60 =	vadd.f32 v16, v15  }
0x2dc: {  	v7 =	vadd.f32 v12, v9;
	v10 =	vadd.f32 v18, v17  }
0x2dd: {  	v61 =	vadd.f32 v22, v21;
	v8 =	vadd.f32 v8, v23  }
0x2de: {  	v9 =	vadd.f32 v60, v11;
	v11 =	vadd.f32 v20, v19  }
0x2df: {  	v3 =	vadd.f32 v6, v3;
	v8 =	vadd.f32 v8, v61  }
0x2e0: {  	v6 =	vadd.f32 v11, v10;
	v2 =	vadd.f32 v9, v2  }
0x2e1: {  	v5 =	vadd.f32 v7, v5;
	v3 =	vadd.f32 v8, v3  }
0x2e2: {  	v4 =	vadd.f32 v6, v4;
	[tilespmem:s11+$0x14500] =	vst.add.f32.msk $0xffff, v2  }
0x2e3: {  	v1 =	vadd.f32 v5, v1;
	[tilespmem:s11+$0x14520] =	vst.add.f32.msk $0xffff, v3  }
0x2e4: {  	s17 =	rddreg [dreg:$0x4];
	[tilespmem:s11+$0x14510] =	vst.add.f32.msk $0xffff, v4  }
0x2e5: {  	s12 =	simm.s32 $0x0;
	[tilespmem:s17+$0x14500] =	vst.add.f32.msk $0xffff, v1  }
0x2e6: {  	v1 =	vld [tilespmem:s12+$0x2530]  }
0x2e7: {  	v2 =	vld [tilespmem:s12+$0x2570]  }
0x2e8: {  	v3 =	vld [tilespmem:s12+$0x25B0]  }
0x2e9: {  	v4 =	vld [tilespmem:s12+$0x25F0]  }
0x2ea: {  	v5 =	vld [tilespmem:s12+$0x2500]  }
0x2eb: {  	v6 =	vld [tilespmem:s12+$0x2540]  }
0x2ec: {  	v7 =	vld [tilespmem:s12+$0x2580]  }
0x2ed: {  	v8 =	vld [tilespmem:s12+$0x25C0]  }
0x2ee: {  	v9 =	vld [tilespmem:s12+$0x2510]  }
0x2ef: {  	v10 =	vld [tilespmem:s12+$0x2550]  }
0x2f0: {  	v11 =	vld [tilespmem:s12+$0x2590]  }
0x2f1: {  	v62 =	vld [tilespmem:s12+$0x25D0];
	_ =	sdelay $0x1  }
0x2f2: {  	v63 =	vld [tilespmem:s12+$0x2560];
	v1 =	vadd.f32 v2, v1  }
0x2f3: {  	v2 =	vadd.f32 v4, v3;
	v3 =	vld [tilespmem:s12+$0x2520];
	v4 =	vadd.f32 v6, v5  }
0x2f4: {  	v5 =	vadd.f32 v8, v7;
	v6 =	vld [tilespmem:s12+$0x25A0];
	v10 =	vadd.f32 v10, v9  }
0x2f5: {  	s6 =	simm.s32 $0x100;
	v8 =	vld [tilespmem:s12+$0x25E0];
	v11 =	vadd.f32 v62, v11;
	v1 =	vadd.f32 v2, v1  }
0x2f6: {  	v7 =	vld [tilespmem:s6+$0x2570];
	v2 =	vadd.f32 v5, v4;
	v4 =	vimm.f32 $0.0e+00  }
0x2f7: {  	v9 =	vld [tilespmem:s6+$0x25B0];
	v11 =	vadd.f32 v11, v10;
	v1 =	vadd.f32 v1, v4  }
0x2f8: {  	s12 =	simm.s32 $0x800;
	v5 =	vld [tilespmem:s6+$0x2530];
	v2 =	vadd.f32 v2, v4;
	v10 =	vadd.f32 v63, v3;
	v3 =	vimm.f32 $0.0e+00  }
.LBB2_28:
0x2f9: {  	p0 =	sne.s32 s12, $0x7C00;
	v12 =	vld [tilespmem:s6+$0x25F0]  }
0x2fa: {  	v13 =	vld [tilespmem:s6+$0x2500];
	v4 =	vadd.f32 v11, v4;
	v6 =	vadd.f32 v8, v6  }
0x2fb: {  	v8 =	vld [tilespmem:s6+$0x2540]  }
0x2fc: {  	v11 =	vld [tilespmem:s6+$0x2580];
	v6 =	vadd.f32 v6, v10  }
0x2fd: {  	v10 =	vld [tilespmem:s6+$0x25C0]  }
0x2fe: {  	v5 =	vadd.f32 v7, v5;
	v14 =	vld [tilespmem:s6+$0x2510];
	v7 =	vadd.f32 v12, v9  }
0x2ff: {  	v3 =	vadd.f32 v6, v3;
	v9 =	vld [tilespmem:s6+$0x2550]  }
0x300: {  	v6 =	vadd.f32 v8, v13;
	v12 =	vld [tilespmem:s6+$0x2590];
	v5 =	vadd.f32 v7, v5  }
0x301: {  	v7 =	vld [tilespmem:s6+$0x25D0]  }
0x302: {  	v8 =	vadd.f32 v10, v11;
	v10 =	vld [tilespmem:s6+$0x2520];
	v1 =	vadd.f32 v5, v1  }
0x303: {  	v13 =	vld [tilespmem:s6+$0x2560]  }
.Ltmp13:
0x304: {  	v11 =	vadd.f32 v8, v6;
	v14 =	vadd.f32 v9, v14;
	v6 =	vld [tilespmem:s6+$0x25A0];
	(pc) =	sbr.rel @p0 .LBB2_28-.Ltmp13, $4  }
0x305: {  	v8 =	vld [tilespmem:s6+$0x25E0];
	s6 =	sshra.s32 s12, $0x2  }
0x306: {  	v5 =	vld [tilespmem:s6+$0x2530];
	v2 =	vadd.f32 v11, v2;
	v11 =	vadd.f32 v7, v12  }
0x307: {  	v7 =	vld [tilespmem:s6+$0x2570]  }
0x308: {  	s12 =	sadd.s32 $0x400, s12;
	v9 =	vld [tilespmem:s6+$0x25B0];
	v11 =	vadd.f32 v11, v14;
	v10 =	vadd.f32 v13, v10  }
0x309: {  	v12 =	vld [tilespmem:s6+$0x25F0]  }
0x30a: {  	v13 =	vld [tilespmem:s6+$0x2500]  }
0x30b: {  	v14 =	vld [tilespmem:s6+$0x2540]  }
0x30c: {  	v15 =	vld [tilespmem:s6+$0x2580]  }
0x30d: {  	v16 =	vld [tilespmem:s6+$0x25C0]  }
0x30e: {  	v17 =	vld [tilespmem:s6+$0x2510]  }
0x30f: {  	v18 =	vld [tilespmem:s6+$0x2550]  }
0x310: {  	v19 =	vld [tilespmem:s6+$0x2590]  }
0x311: {  	v21 =	vld [tilespmem:s6+$0x2520]  }
0x312: {  	v22 =	vld [tilespmem:s6+$0x2560]  }
0x313: {  	v23 =	vld [tilespmem:s6+$0x25A0]  }
0x314: {  	v6 =	vadd.f32 v8, v6;
	v8 =	vld [tilespmem:s6+$0x25E0]  }
0x315: {  	v20 =	vld [tilespmem:s6+$0x25D0];
	v4 =	vadd.f32 v11, v4  }
0x316: {  	v6 =	vadd.f32 v6, v10;
	v5 =	vadd.f32 v7, v5  }
0x317: {  	v11 =	vadd.f32 v14, v13;
	v60 =	vadd.f32 v16, v15  }
0x318: {  	v7 =	vadd.f32 v12, v9;
	v10 =	vadd.f32 v18, v17  }
0x319: {  	v61 =	vadd.f32 v22, v21;
	v8 =	vadd.f32 v8, v23  }
0x31a: {  	v9 =	vadd.f32 v60, v11;
	v11 =	vadd.f32 v20, v19  }
0x31b: {  	v3 =	vadd.f32 v6, v3;
	v8 =	vadd.f32 v8, v61  }
0x31c: {  	v6 =	vadd.f32 v11, v10;
	v2 =	vadd.f32 v9, v2  }
0x31d: {  	v5 =	vadd.f32 v7, v5;
	v3 =	vadd.f32 v8, v3  }
0x31e: {  	v4 =	vadd.f32 v6, v4;
	[tilespmem:s11+$0x14500] =	vst.add.f32.msk $0xffff, v2  }
0x31f: {  	v1 =	vadd.f32 v5, v1;
	[tilespmem:s11+$0x14520] =	vst.add.f32.msk $0xffff, v3  }
0x320: {  	[tilespmem:s11+$0x14510] =	vst.add.f32.msk $0xffff, v4  }
0x321: {  	s12 =	simm.s32 $0x0;
	[tilespmem:s17+$0x14500] =	vst.add.f32.msk $0xffff, v1  }
0x322: {  	v1 =	vld [tilespmem:s12+$0x4530]  }
0x323: {  	v2 =	vld [tilespmem:s12+$0x4570]  }
0x324: {  	v3 =	vld [tilespmem:s12+$0x45B0]  }
0x325: {  	v4 =	vld [tilespmem:s12+$0x45F0]  }
0x326: {  	v5 =	vld [tilespmem:s12+$0x4500]  }
0x327: {  	v6 =	vld [tilespmem:s12+$0x4540]  }
0x328: {  	v7 =	vld [tilespmem:s12+$0x4580]  }
0x329: {  	v8 =	vld [tilespmem:s12+$0x45C0]  }
0x32a: {  	v9 =	vld [tilespmem:s12+$0x4510]  }
0x32b: {  	v10 =	vld [tilespmem:s12+$0x4550]  }
0x32c: {  	v11 =	vld [tilespmem:s12+$0x4590]  }
0x32d: {  	v62 =	vld [tilespmem:s12+$0x45D0];
	_ =	sdelay $0x1  }
0x32e: {  	v63 =	vld [tilespmem:s12+$0x4560];
	v1 =	vadd.f32 v2, v1  }
0x32f: {  	v2 =	vadd.f32 v4, v3;
	v3 =	vld [tilespmem:s12+$0x4520];
	v4 =	vadd.f32 v6, v5  }
0x330: {  	v5 =	vadd.f32 v8, v7;
	v6 =	vld [tilespmem:s12+$0x45A0];
	v10 =	vadd.f32 v10, v9  }
0x331: {  	s6 =	simm.s32 $0x100;
	v8 =	vld [tilespmem:s12+$0x45E0];
	v11 =	vadd.f32 v62, v11;
	v1 =	vadd.f32 v2, v1  }
0x332: {  	v7 =	vld [tilespmem:s6+$0x4570];
	v2 =	vadd.f32 v5, v4;
	v4 =	vimm.f32 $0.0e+00  }
0x333: {  	v9 =	vld [tilespmem:s6+$0x45B0];
	v11 =	vadd.f32 v11, v10;
	v1 =	vadd.f32 v1, v4  }
0x334: {  	s12 =	simm.s32 $0x800;
	v5 =	vld [tilespmem:s6+$0x4530];
	v2 =	vadd.f32 v2, v4;
	v10 =	vadd.f32 v63, v3;
	v3 =	vimm.f32 $0.0e+00  }
.LBB2_30:
0x335: {  	p0 =	sne.s32 s12, $0x7C00;
	v12 =	vld [tilespmem:s6+$0x45F0]  }
0x336: {  	v13 =	vld [tilespmem:s6+$0x4500];
	v4 =	vadd.f32 v11, v4;
	v6 =	vadd.f32 v8, v6  }
0x337: {  	v8 =	vld [tilespmem:s6+$0x4540]  }
0x338: {  	v11 =	vld [tilespmem:s6+$0x4580];
	v6 =	vadd.f32 v6, v10  }
0x339: {  	v10 =	vld [tilespmem:s6+$0x45C0]  }
0x33a: {  	v5 =	vadd.f32 v7, v5;
	v14 =	vld [tilespmem:s6+$0x4510];
	v7 =	vadd.f32 v12, v9  }
0x33b: {  	v3 =	vadd.f32 v6, v3;
	v9 =	vld [tilespmem:s6+$0x4550]  }
0x33c: {  	v6 =	vadd.f32 v8, v13;
	v12 =	vld [tilespmem:s6+$0x4590];
	v5 =	vadd.f32 v7, v5  }
0x33d: {  	v7 =	vld [tilespmem:s6+$0x45D0]  }
0x33e: {  	v8 =	vadd.f32 v10, v11;
	v10 =	vld [tilespmem:s6+$0x4520];
	v1 =	vadd.f32 v5, v1  }
0x33f: {  	v13 =	vld [tilespmem:s6+$0x4560]  }
.Ltmp14:
0x340: {  	v11 =	vadd.f32 v8, v6;
	v14 =	vadd.f32 v9, v14;
	v6 =	vld [tilespmem:s6+$0x45A0];
	(pc) =	sbr.rel @p0 .LBB2_30-.Ltmp14, $4  }
0x341: {  	v8 =	vld [tilespmem:s6+$0x45E0];
	s6 =	sshra.s32 s12, $0x2  }
0x342: {  	v5 =	vld [tilespmem:s6+$0x4530];
	v2 =	vadd.f32 v11, v2;
	v11 =	vadd.f32 v7, v12  }
0x343: {  	v7 =	vld [tilespmem:s6+$0x4570]  }
0x344: {  	s12 =	sadd.s32 $0x400, s12;
	v9 =	vld [tilespmem:s6+$0x45B0];
	v11 =	vadd.f32 v11, v14;
	v10 =	vadd.f32 v13, v10  }
0x345: {  	v12 =	vld [tilespmem:s6+$0x45F0]  }
0x346: {  	v13 =	vld [tilespmem:s6+$0x4500]  }
0x347: {  	v14 =	vld [tilespmem:s6+$0x4540]  }
0x348: {  	v15 =	vld [tilespmem:s6+$0x4580]  }
0x349: {  	v16 =	vld [tilespmem:s6+$0x45C0]  }
0x34a: {  	v17 =	vld [tilespmem:s6+$0x4510]  }
0x34b: {  	v18 =	vld [tilespmem:s6+$0x4550]  }
0x34c: {  	v19 =	vld [tilespmem:s6+$0x4590]  }
0x34d: {  	v21 =	vld [tilespmem:s6+$0x4520]  }
0x34e: {  	v22 =	vld [tilespmem:s6+$0x4560]  }
0x34f: {  	v23 =	vld [tilespmem:s6+$0x45A0]  }
0x350: {  	v6 =	vadd.f32 v8, v6;
	v8 =	vld [tilespmem:s6+$0x45E0]  }
0x351: {  	v20 =	vld [tilespmem:s6+$0x45D0];
	v4 =	vadd.f32 v11, v4  }
0x352: {  	v6 =	vadd.f32 v6, v10;
	v5 =	vadd.f32 v7, v5  }
0x353: {  	v11 =	vadd.f32 v14, v13;
	v60 =	vadd.f32 v16, v15  }
0x354: {  	v7 =	vadd.f32 v12, v9;
	v10 =	vadd.f32 v18, v17  }
0x355: {  	v61 =	vadd.f32 v22, v21;
	v8 =	vadd.f32 v8, v23  }
0x356: {  	v9 =	vadd.f32 v60, v11;
	v11 =	vadd.f32 v20, v19  }
0x357: {  	v3 =	vadd.f32 v6, v3;
	v8 =	vadd.f32 v8, v61  }
0x358: {  	v6 =	vadd.f32 v11, v10;
	v2 =	vadd.f32 v9, v2  }
0x359: {  	v5 =	vadd.f32 v7, v5;
	v3 =	vadd.f32 v8, v3  }
0x35a: {  	v4 =	vadd.f32 v6, v4;
	[tilespmem:s11+$0x14500] =	vst.add.f32.msk $0xffff, v2  }
0x35b: {  	v1 =	vadd.f32 v5, v1;
	[tilespmem:s11+$0x14520] =	vst.add.f32.msk $0xffff, v3  }
0x35c: {  	[tilespmem:s11+$0x14510] =	vst.add.f32.msk $0xffff, v4  }
0x35d: {  	s12 =	simm.s32 $0x0;
	[tilespmem:s17+$0x14500] =	vst.add.f32.msk $0xffff, v1  }
0x35e: {  	v1 =	vld [tilespmem:s12+$0x6530]  }
0x35f: {  	v2 =	vld [tilespmem:s12+$0x6570]  }
0x360: {  	v3 =	vld [tilespmem:s12+$0x65B0]  }
0x361: {  	v4 =	vld [tilespmem:s12+$0x65F0]  }
0x362: {  	v5 =	vld [tilespmem:s12+$0x6500]  }
0x363: {  	v6 =	vld [tilespmem:s12+$0x6540]  }
0x364: {  	v7 =	vld [tilespmem:s12+$0x6580]  }
0x365: {  	v8 =	vld [tilespmem:s12+$0x65C0]  }
0x366: {  	v9 =	vld [tilespmem:s12+$0x6510]  }
0x367: {  	v10 =	vld [tilespmem:s12+$0x6550]  }
0x368: {  	v11 =	vld [tilespmem:s12+$0x6590]  }
0x369: {  	v62 =	vld [tilespmem:s12+$0x65D0];
	_ =	sdelay $0x1  }
0x36a: {  	v63 =	vld [tilespmem:s12+$0x6560];
	v1 =	vadd.f32 v2, v1  }
0x36b: {  	v2 =	vadd.f32 v4, v3;
	v3 =	vld [tilespmem:s12+$0x6520];
	v4 =	vadd.f32 v6, v5  }
0x36c: {  	v5 =	vadd.f32 v8, v7;
	v6 =	vld [tilespmem:s12+$0x65A0];
	v10 =	vadd.f32 v10, v9  }
0x36d: {  	s6 =	simm.s32 $0x100;
	v8 =	vld [tilespmem:s12+$0x65E0];
	v11 =	vadd.f32 v62, v11;
	v1 =	vadd.f32 v2, v1  }
0x36e: {  	v7 =	vld [tilespmem:s6+$0x6570];
	v2 =	vadd.f32 v5, v4;
	v4 =	vimm.f32 $0.0e+00  }
0x36f: {  	v9 =	vld [tilespmem:s6+$0x65B0];
	v11 =	vadd.f32 v11, v10;
	v1 =	vadd.f32 v1, v4  }
0x370: {  	s12 =	simm.s32 $0x800;
	v5 =	vld [tilespmem:s6+$0x6530];
	v2 =	vadd.f32 v2, v4;
	v10 =	vadd.f32 v63, v3;
	v3 =	vimm.f32 $0.0e+00  }
.LBB2_32:
0x371: {  	p0 =	sne.s32 s12, $0x7C00;
	v12 =	vld [tilespmem:s6+$0x65F0]  }
0x372: {  	v13 =	vld [tilespmem:s6+$0x6500];
	v4 =	vadd.f32 v11, v4;
	v6 =	vadd.f32 v8, v6  }
0x373: {  	v8 =	vld [tilespmem:s6+$0x6540]  }
0x374: {  	v11 =	vld [tilespmem:s6+$0x6580];
	v6 =	vadd.f32 v6, v10  }
0x375: {  	v10 =	vld [tilespmem:s6+$0x65C0]  }
0x376: {  	v5 =	vadd.f32 v7, v5;
	v14 =	vld [tilespmem:s6+$0x6510];
	v7 =	vadd.f32 v12, v9  }
0x377: {  	v3 =	vadd.f32 v6, v3;
	v9 =	vld [tilespmem:s6+$0x6550]  }
0x378: {  	v6 =	vadd.f32 v8, v13;
	v12 =	vld [tilespmem:s6+$0x6590];
	v5 =	vadd.f32 v7, v5  }
0x379: {  	v7 =	vld [tilespmem:s6+$0x65D0]  }
0x37a: {  	v8 =	vadd.f32 v10, v11;
	v10 =	vld [tilespmem:s6+$0x6520];
	v1 =	vadd.f32 v5, v1  }
0x37b: {  	v13 =	vld [tilespmem:s6+$0x6560]  }
.Ltmp15:
0x37c: {  	v11 =	vadd.f32 v8, v6;
	v14 =	vadd.f32 v9, v14;
	v6 =	vld [tilespmem:s6+$0x65A0];
	(pc) =	sbr.rel @p0 .LBB2_32-.Ltmp15, $4  }
0x37d: {  	v8 =	vld [tilespmem:s6+$0x65E0];
	s6 =	sshra.s32 s12, $0x2  }
0x37e: {  	v5 =	vld [tilespmem:s6+$0x6530];
	v2 =	vadd.f32 v11, v2;
	v11 =	vadd.f32 v7, v12  }
0x37f: {  	v7 =	vld [tilespmem:s6+$0x6570]  }
0x380: {  	s12 =	sadd.s32 $0x400, s12;
	v9 =	vld [tilespmem:s6+$0x65B0];
	v11 =	vadd.f32 v11, v14;
	v10 =	vadd.f32 v13, v10  }
0x381: {  	v12 =	vld [tilespmem:s6+$0x65F0]  }
0x382: {  	v13 =	vld [tilespmem:s6+$0x6500]  }
0x383: {  	v14 =	vld [tilespmem:s6+$0x6540]  }
0x384: {  	v15 =	vld [tilespmem:s6+$0x6580]  }
0x385: {  	v16 =	vld [tilespmem:s6+$0x65C0]  }
0x386: {  	v17 =	vld [tilespmem:s6+$0x6510]  }
0x387: {  	v18 =	vld [tilespmem:s6+$0x6550]  }
0x388: {  	v19 =	vld [tilespmem:s6+$0x6590]  }
0x389: {  	v21 =	vld [tilespmem:s6+$0x6520]  }
0x38a: {  	v22 =	vld [tilespmem:s6+$0x6560]  }
0x38b: {  	v23 =	vld [tilespmem:s6+$0x65A0]  }
0x38c: {  	v6 =	vadd.f32 v8, v6;
	v8 =	vld [tilespmem:s6+$0x65E0]  }
0x38d: {  	v20 =	vld [tilespmem:s6+$0x65D0];
	v4 =	vadd.f32 v11, v4  }
0x38e: {  	v6 =	vadd.f32 v6, v10;
	v5 =	vadd.f32 v7, v5  }
0x38f: {  	v11 =	vadd.f32 v14, v13;
	v60 =	vadd.f32 v16, v15  }
0x390: {  	v7 =	vadd.f32 v12, v9;
	v10 =	vadd.f32 v18, v17  }
0x391: {  	v61 =	vadd.f32 v22, v21;
	v8 =	vadd.f32 v8, v23  }
0x392: {  	v9 =	vadd.f32 v60, v11;
	v11 =	vadd.f32 v20, v19  }
0x393: {  	v3 =	vadd.f32 v6, v3;
	v8 =	vadd.f32 v8, v61  }
0x394: {  	v6 =	vadd.f32 v11, v10;
	v2 =	vadd.f32 v9, v2  }
0x395: {  	v5 =	vadd.f32 v7, v5;
	v3 =	vadd.f32 v8, v3  }
0x396: {  	v4 =	vadd.f32 v6, v4;
	[tilespmem:s11+$0x14500] =	vst.add.f32.msk $0xffff, v2  }
0x397: {  	v1 =	vadd.f32 v5, v1;
	[tilespmem:s11+$0x14520] =	vst.add.f32.msk $0xffff, v3  }
0x398: {  	[tilespmem:s11+$0x14510] =	vst.add.f32.msk $0xffff, v4  }
0x399: {  	s12 =	simm.s32 $0x0;
	[tilespmem:s17+$0x14500] =	vst.add.f32.msk $0xffff, v1  }
0x39a: {  	v1 =	vld [tilespmem:s12+$0x8530]  }
0x39b: {  	v2 =	vld [tilespmem:s12+$0x8570]  }
0x39c: {  	v3 =	vld [tilespmem:s12+$0x85B0]  }
0x39d: {  	v4 =	vld [tilespmem:s12+$0x85F0]  }
0x39e: {  	v5 =	vld [tilespmem:s12+$0x8500]  }
0x39f: {  	v6 =	vld [tilespmem:s12+$0x8540]  }
0x3a0: {  	v7 =	vld [tilespmem:s12+$0x8580]  }
0x3a1: {  	v8 =	vld [tilespmem:s12+$0x85C0]  }
0x3a2: {  	v9 =	vld [tilespmem:s12+$0x8510]  }
0x3a3: {  	v10 =	vld [tilespmem:s12+$0x8550]  }
0x3a4: {  	v11 =	vld [tilespmem:s12+$0x8590]  }
0x3a5: {  	v62 =	vld [tilespmem:s12+$0x85D0];
	_ =	sdelay $0x1  }
0x3a6: {  	v63 =	vld [tilespmem:s12+$0x8560];
	v1 =	vadd.f32 v2, v1  }
0x3a7: {  	v2 =	vadd.f32 v4, v3;
	v3 =	vld [tilespmem:s12+$0x8520];
	v4 =	vadd.f32 v6, v5  }
0x3a8: {  	v5 =	vadd.f32 v8, v7;
	v6 =	vld [tilespmem:s12+$0x85A0];
	v10 =	vadd.f32 v10, v9  }
0x3a9: {  	s6 =	simm.s32 $0x100;
	v8 =	vld [tilespmem:s12+$0x85E0];
	v11 =	vadd.f32 v62, v11;
	v1 =	vadd.f32 v2, v1  }
0x3aa: {  	v7 =	vld [tilespmem:s6+$0x8570];
	v2 =	vadd.f32 v5, v4;
	v4 =	vimm.f32 $0.0e+00  }
0x3ab: {  	v9 =	vld [tilespmem:s6+$0x85B0];
	v11 =	vadd.f32 v11, v10;
	v1 =	vadd.f32 v1, v4  }
0x3ac: {  	s12 =	simm.s32 $0x800;
	v5 =	vld [tilespmem:s6+$0x8530];
	v2 =	vadd.f32 v2, v4;
	v10 =	vadd.f32 v63, v3;
	v3 =	vimm.f32 $0.0e+00  }
.LBB2_34:
0x3ad: {  	p0 =	sne.s32 s12, $0x7C00;
	v12 =	vld [tilespmem:s6+$0x85F0]  }
0x3ae: {  	v13 =	vld [tilespmem:s6+$0x8500];
	v4 =	vadd.f32 v11, v4;
	v6 =	vadd.f32 v8, v6  }
0x3af: {  	v8 =	vld [tilespmem:s6+$0x8540]  }
0x3b0: {  	v11 =	vld [tilespmem:s6+$0x8580];
	v6 =	vadd.f32 v6, v10  }
0x3b1: {  	v10 =	vld [tilespmem:s6+$0x85C0]  }
0x3b2: {  	v5 =	vadd.f32 v7, v5;
	v14 =	vld [tilespmem:s6+$0x8510];
	v7 =	vadd.f32 v12, v9  }
0x3b3: {  	v3 =	vadd.f32 v6, v3;
	v9 =	vld [tilespmem:s6+$0x8550]  }
0x3b4: {  	v6 =	vadd.f32 v8, v13;
	v12 =	vld [tilespmem:s6+$0x8590];
	v5 =	vadd.f32 v7, v5  }
0x3b5: {  	v7 =	vld [tilespmem:s6+$0x85D0]  }
0x3b6: {  	v8 =	vadd.f32 v10, v11;
	v10 =	vld [tilespmem:s6+$0x8520];
	v1 =	vadd.f32 v5, v1  }
0x3b7: {  	v13 =	vld [tilespmem:s6+$0x8560]  }
.Ltmp16:
0x3b8: {  	v11 =	vadd.f32 v8, v6;
	v14 =	vadd.f32 v9, v14;
	v6 =	vld [tilespmem:s6+$0x85A0];
	(pc) =	sbr.rel @p0 .LBB2_34-.Ltmp16, $4  }
0x3b9: {  	v8 =	vld [tilespmem:s6+$0x85E0];
	s6 =	sshra.s32 s12, $0x2  }
0x3ba: {  	v5 =	vld [tilespmem:s6+$0x8530];
	v2 =	vadd.f32 v11, v2;
	v11 =	vadd.f32 v7, v12  }
0x3bb: {  	v7 =	vld [tilespmem:s6+$0x8570]  }
0x3bc: {  	s12 =	sadd.s32 $0x400, s12;
	v9 =	vld [tilespmem:s6+$0x85B0];
	v11 =	vadd.f32 v11, v14;
	v10 =	vadd.f32 v13, v10  }
0x3bd: {  	v12 =	vld [tilespmem:s6+$0x85F0]  }
0x3be: {  	v13 =	vld [tilespmem:s6+$0x8500]  }
0x3bf: {  	v14 =	vld [tilespmem:s6+$0x8540]  }
0x3c0: {  	v15 =	vld [tilespmem:s6+$0x8580]  }
0x3c1: {  	v16 =	vld [tilespmem:s6+$0x85C0]  }
0x3c2: {  	v17 =	vld [tilespmem:s6+$0x8510]  }
0x3c3: {  	v18 =	vld [tilespmem:s6+$0x8550]  }
0x3c4: {  	v19 =	vld [tilespmem:s6+$0x8590]  }
0x3c5: {  	v21 =	vld [tilespmem:s6+$0x8520]  }
0x3c6: {  	v22 =	vld [tilespmem:s6+$0x8560]  }
0x3c7: {  	v23 =	vld [tilespmem:s6+$0x85A0]  }
0x3c8: {  	v6 =	vadd.f32 v8, v6;
	v8 =	vld [tilespmem:s6+$0x85E0]  }
0x3c9: {  	v20 =	vld [tilespmem:s6+$0x85D0];
	v4 =	vadd.f32 v11, v4  }
0x3ca: {  	v6 =	vadd.f32 v6, v10;
	v5 =	vadd.f32 v7, v5  }
0x3cb: {  	v11 =	vadd.f32 v14, v13;
	v60 =	vadd.f32 v16, v15  }
0x3cc: {  	v7 =	vadd.f32 v12, v9;
	v10 =	vadd.f32 v18, v17  }
0x3cd: {  	v61 =	vadd.f32 v22, v21;
	v8 =	vadd.f32 v8, v23  }
0x3ce: {  	v9 =	vadd.f32 v60, v11;
	v11 =	vadd.f32 v20, v19  }
0x3cf: {  	v3 =	vadd.f32 v6, v3;
	v8 =	vadd.f32 v8, v61  }
0x3d0: {  	v6 =	vadd.f32 v11, v10;
	v2 =	vadd.f32 v9, v2  }
0x3d1: {  	v5 =	vadd.f32 v7, v5;
	v3 =	vadd.f32 v8, v3  }
0x3d2: {  	v4 =	vadd.f32 v6, v4;
	[tilespmem:s11+$0x14500] =	vst.add.f32.msk $0xffff, v2  }
0x3d3: {  	v1 =	vadd.f32 v5, v1;
	[tilespmem:s11+$0x14520] =	vst.add.f32.msk $0xffff, v3  }
0x3d4: {  	[tilespmem:s11+$0x14510] =	vst.add.f32.msk $0xffff, v4  }
0x3d5: {  	[tilespmem:s17+$0x14500] =	vst.add.f32.msk $0xffff, v1  }
0x3d6: {  	_ =	swait.ge [sflag:s14], $0xA000  }
0x3d7: {  	[sflag:s14] =	ssyncset.done $0x0  }
0x3d8: {  	s12 =	simm.s32 $0x0;
	[sflag:s14] =	ssyncadd.s32 $0xFFFF6000  }
0x3d9: {  	v1 =	vld [tilespmem:s12+$0xA530]  }
0x3da: {  	v2 =	vld [tilespmem:s12+$0xA570]  }
0x3db: {  	v3 =	vld [tilespmem:s12+$0xA5B0]  }
0x3dc: {  	v4 =	vld [tilespmem:s12+$0xA5F0]  }
0x3dd: {  	v5 =	vld [tilespmem:s12+$0xA500]  }
0x3de: {  	v6 =	vld [tilespmem:s12+$0xA540]  }
0x3df: {  	v7 =	vld [tilespmem:s12+$0xA580]  }
0x3e0: {  	v8 =	vld [tilespmem:s12+$0xA5C0]  }
0x3e1: {  	v9 =	vld [tilespmem:s12+$0xA510]  }
0x3e2: {  	v10 =	vld [tilespmem:s12+$0xA550]  }
0x3e3: {  	v11 =	vld [tilespmem:s12+$0xA590]  }
0x3e4: {  	v62 =	vld [tilespmem:s12+$0xA5D0];
	_ =	sdelay $0x1  }
0x3e5: {  	v63 =	vld [tilespmem:s12+$0xA560];
	v1 =	vadd.f32 v2, v1  }
0x3e6: {  	v2 =	vadd.f32 v4, v3;
	v3 =	vld [tilespmem:s12+$0xA520];
	v4 =	vadd.f32 v6, v5  }
0x3e7: {  	v5 =	vadd.f32 v8, v7;
	v6 =	vld [tilespmem:s12+$0xA5A0];
	v10 =	vadd.f32 v10, v9  }
0x3e8: {  	s6 =	simm.s32 $0x100;
	v8 =	vld [tilespmem:s12+$0xA5E0];
	v11 =	vadd.f32 v62, v11;
	v1 =	vadd.f32 v2, v1  }
0x3e9: {  	v7 =	vld [tilespmem:s6+$0xA570];
	v2 =	vadd.f32 v5, v4;
	v4 =	vimm.f32 $0.0e+00  }
0x3ea: {  	v9 =	vld [tilespmem:s6+$0xA5B0];
	v11 =	vadd.f32 v11, v10;
	v1 =	vadd.f32 v1, v4  }
0x3eb: {  	s12 =	simm.s32 $0x800;
	v5 =	vld [tilespmem:s6+$0xA530];
	v2 =	vadd.f32 v2, v4;
	v10 =	vadd.f32 v63, v3;
	v3 =	vimm.f32 $0.0e+00  }
.LBB2_36:
0x3ec: {  	p0 =	sne.s32 s12, $0x7C00;
	v12 =	vld [tilespmem:s6+$0xA5F0]  }
0x3ed: {  	v13 =	vld [tilespmem:s6+$0xA500];
	v4 =	vadd.f32 v11, v4;
	v6 =	vadd.f32 v8, v6  }
0x3ee: {  	v8 =	vld [tilespmem:s6+$0xA540]  }
0x3ef: {  	v11 =	vld [tilespmem:s6+$0xA580];
	v6 =	vadd.f32 v6, v10  }
0x3f0: {  	v10 =	vld [tilespmem:s6+$0xA5C0]  }
0x3f1: {  	v5 =	vadd.f32 v7, v5;
	v14 =	vld [tilespmem:s6+$0xA510];
	v7 =	vadd.f32 v12, v9  }
0x3f2: {  	v3 =	vadd.f32 v6, v3;
	v9 =	vld [tilespmem:s6+$0xA550]  }
0x3f3: {  	v6 =	vadd.f32 v8, v13;
	v12 =	vld [tilespmem:s6+$0xA590];
	v5 =	vadd.f32 v7, v5  }
0x3f4: {  	v7 =	vld [tilespmem:s6+$0xA5D0]  }
0x3f5: {  	v8 =	vadd.f32 v10, v11;
	v10 =	vld [tilespmem:s6+$0xA520];
	v1 =	vadd.f32 v5, v1  }
0x3f6: {  	v13 =	vld [tilespmem:s6+$0xA560]  }
.Ltmp17:
0x3f7: {  	v11 =	vadd.f32 v8, v6;
	v14 =	vadd.f32 v9, v14;
	v6 =	vld [tilespmem:s6+$0xA5A0];
	(pc) =	sbr.rel @p0 .LBB2_36-.Ltmp17, $4  }
0x3f8: {  	v8 =	vld [tilespmem:s6+$0xA5E0];
	s6 =	sshra.s32 s12, $0x2  }
0x3f9: {  	v5 =	vld [tilespmem:s6+$0xA530];
	v2 =	vadd.f32 v11, v2;
	v11 =	vadd.f32 v7, v12  }
0x3fa: {  	v7 =	vld [tilespmem:s6+$0xA570]  }
0x3fb: {  	s12 =	sadd.s32 $0x400, s12;
	v9 =	vld [tilespmem:s6+$0xA5B0];
	v11 =	vadd.f32 v11, v14;
	v10 =	vadd.f32 v13, v10  }
0x3fc: {  	v12 =	vld [tilespmem:s6+$0xA5F0]  }
0x3fd: {  	v13 =	vld [tilespmem:s6+$0xA500]  }
0x3fe: {  	v14 =	vld [tilespmem:s6+$0xA540]  }
0x3ff: {  	v15 =	vld [tilespmem:s6+$0xA580]  }
0x400: {  	v16 =	vld [tilespmem:s6+$0xA5C0]  }
0x401: {  	v17 =	vld [tilespmem:s6+$0xA510]  }
0x402: {  	v18 =	vld [tilespmem:s6+$0xA550]  }
0x403: {  	v19 =	vld [tilespmem:s6+$0xA590]  }
0x404: {  	v21 =	vld [tilespmem:s6+$0xA520]  }
0x405: {  	v22 =	vld [tilespmem:s6+$0xA560]  }
0x406: {  	v23 =	vld [tilespmem:s6+$0xA5A0]  }
0x407: {  	v6 =	vadd.f32 v8, v6;
	v8 =	vld [tilespmem:s6+$0xA5E0]  }
0x408: {  	v20 =	vld [tilespmem:s6+$0xA5D0];
	v4 =	vadd.f32 v11, v4  }
0x409: {  	v6 =	vadd.f32 v6, v10;
	v5 =	vadd.f32 v7, v5  }
0x40a: {  	v11 =	vadd.f32 v14, v13;
	v60 =	vadd.f32 v16, v15  }
0x40b: {  	v7 =	vadd.f32 v12, v9;
	v10 =	vadd.f32 v18, v17  }
0x40c: {  	v61 =	vadd.f32 v22, v21;
	v8 =	vadd.f32 v8, v23  }
0x40d: {  	v9 =	vadd.f32 v60, v11;
	v11 =	vadd.f32 v20, v19  }
0x40e: {  	v3 =	vadd.f32 v6, v3;
	v8 =	vadd.f32 v8, v61  }
0x40f: {  	v6 =	vadd.f32 v11, v10;
	v2 =	vadd.f32 v9, v2  }
0x410: {  	v5 =	vadd.f32 v7, v5;
	v3 =	vadd.f32 v8, v3  }
0x411: {  	v4 =	vadd.f32 v6, v4;
	[tilespmem:s11+$0x14500] =	vst.add.f32.msk $0xffff, v2  }
0x412: {  	v1 =	vadd.f32 v5, v1;
	[tilespmem:s11+$0x14520] =	vst.add.f32.msk $0xffff, v3  }
0x413: {  	[tilespmem:s11+$0x14510] =	vst.add.f32.msk $0xffff, v4  }
0x414: {  	s12 =	simm.s32 $0x0;
	[tilespmem:s17+$0x14500] =	vst.add.f32.msk $0xffff, v1  }
0x415: {  	v1 =	vld [tilespmem:s12+$0xC530]  }
0x416: {  	v2 =	vld [tilespmem:s12+$0xC570]  }
0x417: {  	v3 =	vld [tilespmem:s12+$0xC5B0]  }
0x418: {  	v4 =	vld [tilespmem:s12+$0xC5F0]  }
0x419: {  	v5 =	vld [tilespmem:s12+$0xC500]  }
0x41a: {  	v6 =	vld [tilespmem:s12+$0xC540]  }
0x41b: {  	v7 =	vld [tilespmem:s12+$0xC580]  }
0x41c: {  	v8 =	vld [tilespmem:s12+$0xC5C0]  }
0x41d: {  	v9 =	vld [tilespmem:s12+$0xC510]  }
0x41e: {  	v10 =	vld [tilespmem:s12+$0xC550]  }
0x41f: {  	v11 =	vld [tilespmem:s12+$0xC590]  }
0x420: {  	v62 =	vld [tilespmem:s12+$0xC5D0];
	_ =	sdelay $0x1  }
0x421: {  	v63 =	vld [tilespmem:s12+$0xC560];
	v1 =	vadd.f32 v2, v1  }
0x422: {  	v2 =	vadd.f32 v4, v3;
	v3 =	vld [tilespmem:s12+$0xC520];
	v4 =	vadd.f32 v6, v5  }
0x423: {  	v5 =	vadd.f32 v8, v7;
	v6 =	vld [tilespmem:s12+$0xC5A0];
	v10 =	vadd.f32 v10, v9  }
0x424: {  	s6 =	simm.s32 $0x100;
	v8 =	vld [tilespmem:s12+$0xC5E0];
	v11 =	vadd.f32 v62, v11;
	v1 =	vadd.f32 v2, v1  }
0x425: {  	v7 =	vld [tilespmem:s6+$0xC570];
	v2 =	vadd.f32 v5, v4;
	v4 =	vimm.f32 $0.0e+00  }
0x426: {  	v9 =	vld [tilespmem:s6+$0xC5B0];
	v11 =	vadd.f32 v11, v10;
	v1 =	vadd.f32 v1, v4  }
0x427: {  	s12 =	simm.s32 $0x800;
	v5 =	vld [tilespmem:s6+$0xC530];
	v2 =	vadd.f32 v2, v4;
	v10 =	vadd.f32 v63, v3;
	v3 =	vimm.f32 $0.0e+00  }
.LBB2_38:
0x428: {  	p0 =	sne.s32 s12, $0x7C00;
	v12 =	vld [tilespmem:s6+$0xC5F0]  }
0x429: {  	v13 =	vld [tilespmem:s6+$0xC500];
	v4 =	vadd.f32 v11, v4;
	v6 =	vadd.f32 v8, v6  }
0x42a: {  	v8 =	vld [tilespmem:s6+$0xC540]  }
0x42b: {  	v11 =	vld [tilespmem:s6+$0xC580];
	v6 =	vadd.f32 v6, v10  }
0x42c: {  	v10 =	vld [tilespmem:s6+$0xC5C0]  }
0x42d: {  	v5 =	vadd.f32 v7, v5;
	v14 =	vld [tilespmem:s6+$0xC510];
	v7 =	vadd.f32 v12, v9  }
0x42e: {  	v3 =	vadd.f32 v6, v3;
	v9 =	vld [tilespmem:s6+$0xC550]  }
0x42f: {  	v6 =	vadd.f32 v8, v13;
	v12 =	vld [tilespmem:s6+$0xC590];
	v5 =	vadd.f32 v7, v5  }
0x430: {  	v7 =	vld [tilespmem:s6+$0xC5D0]  }
0x431: {  	v8 =	vadd.f32 v10, v11;
	v10 =	vld [tilespmem:s6+$0xC520];
	v1 =	vadd.f32 v5, v1  }
0x432: {  	v13 =	vld [tilespmem:s6+$0xC560]  }
.Ltmp18:
0x433: {  	v11 =	vadd.f32 v8, v6;
	v14 =	vadd.f32 v9, v14;
	v6 =	vld [tilespmem:s6+$0xC5A0];
	(pc) =	sbr.rel @p0 .LBB2_38-.Ltmp18, $4  }
0x434: {  	v8 =	vld [tilespmem:s6+$0xC5E0];
	s6 =	sshra.s32 s12, $0x2  }
0x435: {  	v5 =	vld [tilespmem:s6+$0xC530];
	v2 =	vadd.f32 v11, v2;
	v11 =	vadd.f32 v7, v12  }
0x436: {  	v7 =	vld [tilespmem:s6+$0xC570]  }
0x437: {  	s12 =	sadd.s32 $0x400, s12;
	v9 =	vld [tilespmem:s6+$0xC5B0];
	v11 =	vadd.f32 v11, v14;
	v10 =	vadd.f32 v13, v10  }
0x438: {  	v12 =	vld [tilespmem:s6+$0xC5F0]  }
0x439: {  	v13 =	vld [tilespmem:s6+$0xC500]  }
0x43a: {  	v14 =	vld [tilespmem:s6+$0xC540]  }
0x43b: {  	v15 =	vld [tilespmem:s6+$0xC580]  }
0x43c: {  	v16 =	vld [tilespmem:s6+$0xC5C0]  }
0x43d: {  	v17 =	vld [tilespmem:s6+$0xC510]  }
0x43e: {  	v18 =	vld [tilespmem:s6+$0xC550]  }
0x43f: {  	v19 =	vld [tilespmem:s6+$0xC590]  }
0x440: {  	v21 =	vld [tilespmem:s6+$0xC520]  }
0x441: {  	v22 =	vld [tilespmem:s6+$0xC560]  }
0x442: {  	v23 =	vld [tilespmem:s6+$0xC5A0]  }
0x443: {  	v6 =	vadd.f32 v8, v6;
	v8 =	vld [tilespmem:s6+$0xC5E0]  }
0x444: {  	v20 =	vld [tilespmem:s6+$0xC5D0];
	v4 =	vadd.f32 v11, v4  }
0x445: {  	v6 =	vadd.f32 v6, v10;
	v5 =	vadd.f32 v7, v5  }
0x446: {  	v11 =	vadd.f32 v14, v13;
	v60 =	vadd.f32 v16, v15  }
0x447: {  	v7 =	vadd.f32 v12, v9;
	v10 =	vadd.f32 v18, v17  }
0x448: {  	v61 =	vadd.f32 v22, v21;
	v8 =	vadd.f32 v8, v23  }
0x449: {  	v9 =	vadd.f32 v60, v11;
	v11 =	vadd.f32 v20, v19  }
0x44a: {  	v3 =	vadd.f32 v6, v3;
	v8 =	vadd.f32 v8, v61  }
0x44b: {  	v6 =	vadd.f32 v11, v10;
	v2 =	vadd.f32 v9, v2  }
0x44c: {  	v5 =	vadd.f32 v7, v5;
	v3 =	vadd.f32 v8, v3  }
0x44d: {  	v4 =	vadd.f32 v6, v4;
	[tilespmem:s11+$0x14500] =	vst.add.f32.msk $0xffff, v2  }
0x44e: {  	v1 =	vadd.f32 v5, v1;
	[tilespmem:s11+$0x14520] =	vst.add.f32.msk $0xffff, v3  }
0x44f: {  	[tilespmem:s11+$0x14510] =	vst.add.f32.msk $0xffff, v4  }
0x450: {  	s12 =	simm.s32 $0x0;
	[tilespmem:s17+$0x14500] =	vst.add.f32.msk $0xffff, v1  }
0x451: {  	v1 =	vld [tilespmem:s12+$0xE530]  }
0x452: {  	v2 =	vld [tilespmem:s12+$0xE570]  }
0x453: {  	v3 =	vld [tilespmem:s12+$0xE5B0]  }
0x454: {  	v4 =	vld [tilespmem:s12+$0xE5F0]  }
0x455: {  	v5 =	vld [tilespmem:s12+$0xE500]  }
0x456: {  	v6 =	vld [tilespmem:s12+$0xE540]  }
0x457: {  	v7 =	vld [tilespmem:s12+$0xE580]  }
0x458: {  	v8 =	vld [tilespmem:s12+$0xE5C0]  }
0x459: {  	v9 =	vld [tilespmem:s12+$0xE510]  }
0x45a: {  	v10 =	vld [tilespmem:s12+$0xE550]  }
0x45b: {  	v11 =	vld [tilespmem:s12+$0xE590]  }
0x45c: {  	v62 =	vld [tilespmem:s12+$0xE5D0];
	_ =	sdelay $0x1  }
0x45d: {  	v63 =	vld [tilespmem:s12+$0xE560];
	v1 =	vadd.f32 v2, v1  }
0x45e: {  	v2 =	vadd.f32 v4, v3;
	v3 =	vld [tilespmem:s12+$0xE520];
	v4 =	vadd.f32 v6, v5  }
0x45f: {  	v5 =	vadd.f32 v8, v7;
	v6 =	vld [tilespmem:s12+$0xE5A0];
	v10 =	vadd.f32 v10, v9  }
0x460: {  	s6 =	simm.s32 $0x100;
	v8 =	vld [tilespmem:s12+$0xE5E0];
	v11 =	vadd.f32 v62, v11;
	v1 =	vadd.f32 v2, v1  }
0x461: {  	v7 =	vld [tilespmem:s6+$0xE570];
	v2 =	vadd.f32 v5, v4;
	v4 =	vimm.f32 $0.0e+00  }
0x462: {  	v9 =	vld [tilespmem:s6+$0xE5B0];
	v11 =	vadd.f32 v11, v10;
	v1 =	vadd.f32 v1, v4  }
0x463: {  	s12 =	simm.s32 $0x800;
	v5 =	vld [tilespmem:s6+$0xE530];
	v2 =	vadd.f32 v2, v4;
	v10 =	vadd.f32 v63, v3;
	v3 =	vimm.f32 $0.0e+00  }
.LBB2_40:
0x464: {  	p0 =	sne.s32 s12, $0x7C00;
	v12 =	vld [tilespmem:s6+$0xE5F0]  }
0x465: {  	v13 =	vld [tilespmem:s6+$0xE500];
	v4 =	vadd.f32 v11, v4;
	v6 =	vadd.f32 v8, v6  }
0x466: {  	v8 =	vld [tilespmem:s6+$0xE540]  }
0x467: {  	v11 =	vld [tilespmem:s6+$0xE580];
	v6 =	vadd.f32 v6, v10  }
0x468: {  	v10 =	vld [tilespmem:s6+$0xE5C0]  }
0x469: {  	v5 =	vadd.f32 v7, v5;
	v14 =	vld [tilespmem:s6+$0xE510];
	v7 =	vadd.f32 v12, v9  }
0x46a: {  	v3 =	vadd.f32 v6, v3;
	v9 =	vld [tilespmem:s6+$0xE550]  }
0x46b: {  	v6 =	vadd.f32 v8, v13;
	v12 =	vld [tilespmem:s6+$0xE590];
	v5 =	vadd.f32 v7, v5  }
0x46c: {  	v7 =	vld [tilespmem:s6+$0xE5D0]  }
0x46d: {  	v8 =	vadd.f32 v10, v11;
	v10 =	vld [tilespmem:s6+$0xE520];
	v1 =	vadd.f32 v5, v1  }
0x46e: {  	v13 =	vld [tilespmem:s6+$0xE560]  }
.Ltmp19:
0x46f: {  	v11 =	vadd.f32 v8, v6;
	v14 =	vadd.f32 v9, v14;
	v6 =	vld [tilespmem:s6+$0xE5A0];
	(pc) =	sbr.rel @p0 .LBB2_40-.Ltmp19, $4  }
0x470: {  	v8 =	vld [tilespmem:s6+$0xE5E0];
	s6 =	sshra.s32 s12, $0x2  }
0x471: {  	v5 =	vld [tilespmem:s6+$0xE530];
	v2 =	vadd.f32 v11, v2;
	v11 =	vadd.f32 v7, v12  }
0x472: {  	v7 =	vld [tilespmem:s6+$0xE570]  }
0x473: {  	s12 =	sadd.s32 $0x400, s12;
	v9 =	vld [tilespmem:s6+$0xE5B0];
	v11 =	vadd.f32 v11, v14;
	v10 =	vadd.f32 v13, v10  }
0x474: {  	v12 =	vld [tilespmem:s6+$0xE5F0]  }
0x475: {  	v13 =	vld [tilespmem:s6+$0xE500]  }
0x476: {  	v14 =	vld [tilespmem:s6+$0xE540]  }
0x477: {  	v15 =	vld [tilespmem:s6+$0xE580]  }
0x478: {  	v16 =	vld [tilespmem:s6+$0xE5C0]  }
0x479: {  	v17 =	vld [tilespmem:s6+$0xE510]  }
0x47a: {  	v18 =	vld [tilespmem:s6+$0xE550]  }
0x47b: {  	v19 =	vld [tilespmem:s6+$0xE590]  }
0x47c: {  	v21 =	vld [tilespmem:s6+$0xE520]  }
0x47d: {  	v22 =	vld [tilespmem:s6+$0xE560]  }
0x47e: {  	v23 =	vld [tilespmem:s6+$0xE5A0]  }
0x47f: {  	v6 =	vadd.f32 v8, v6;
	v8 =	vld [tilespmem:s6+$0xE5E0]  }
0x480: {  	v20 =	vld [tilespmem:s6+$0xE5D0];
	v4 =	vadd.f32 v11, v4  }
0x481: {  	v6 =	vadd.f32 v6, v10;
	v5 =	vadd.f32 v7, v5  }
0x482: {  	v11 =	vadd.f32 v14, v13;
	v60 =	vadd.f32 v16, v15  }
0x483: {  	v7 =	vadd.f32 v12, v9;
	v10 =	vadd.f32 v18, v17  }
0x484: {  	v61 =	vadd.f32 v22, v21;
	v8 =	vadd.f32 v8, v23  }
0x485: {  	v9 =	vadd.f32 v60, v11;
	v11 =	vadd.f32 v20, v19  }
0x486: {  	v3 =	vadd.f32 v6, v3;
	v8 =	vadd.f32 v8, v61  }
0x487: {  	v6 =	vadd.f32 v11, v10;
	v2 =	vadd.f32 v9, v2  }
0x488: {  	v5 =	vadd.f32 v7, v5;
	v3 =	vadd.f32 v8, v3  }
0x489: {  	v4 =	vadd.f32 v6, v4;
	[tilespmem:s11+$0x14500] =	vst.add.f32.msk $0xffff, v2  }
0x48a: {  	v1 =	vadd.f32 v5, v1;
	[tilespmem:s11+$0x14520] =	vst.add.f32.msk $0xffff, v3  }
0x48b: {  	[tilespmem:s11+$0x14510] =	vst.add.f32.msk $0xffff, v4  }
0x48c: {  	s12 =	simm.s32 $0x0;
	[tilespmem:s17+$0x14500] =	vst.add.f32.msk $0xffff, v1  }
0x48d: {  	v1 =	vld [tilespmem:s12+$0x10530]  }
0x48e: {  	v2 =	vld [tilespmem:s12+$0x10570]  }
0x48f: {  	v3 =	vld [tilespmem:s12+$0x105B0]  }
0x490: {  	v4 =	vld [tilespmem:s12+$0x105F0]  }
0x491: {  	v5 =	vld [tilespmem:s12+$0x10500]  }
0x492: {  	v6 =	vld [tilespmem:s12+$0x10540]  }
0x493: {  	v7 =	vld [tilespmem:s12+$0x10580]  }
0x494: {  	v8 =	vld [tilespmem:s12+$0x105C0]  }
0x495: {  	v9 =	vld [tilespmem:s12+$0x10510]  }
0x496: {  	v10 =	vld [tilespmem:s12+$0x10550]  }
0x497: {  	v11 =	vld [tilespmem:s12+$0x10590]  }
0x498: {  	v62 =	vld [tilespmem:s12+$0x105D0];
	_ =	sdelay $0x1  }
0x499: {  	v63 =	vld [tilespmem:s12+$0x10560];
	v1 =	vadd.f32 v2, v1  }
0x49a: {  	v2 =	vadd.f32 v4, v3;
	v3 =	vld [tilespmem:s12+$0x10520];
	v4 =	vadd.f32 v6, v5  }
0x49b: {  	v5 =	vadd.f32 v8, v7;
	v6 =	vld [tilespmem:s12+$0x105A0];
	v10 =	vadd.f32 v10, v9  }
0x49c: {  	s6 =	simm.s32 $0x100;
	v8 =	vld [tilespmem:s12+$0x105E0];
	v11 =	vadd.f32 v62, v11;
	v1 =	vadd.f32 v2, v1  }
0x49d: {  	v7 =	vld [tilespmem:s6+$0x10570];
	v2 =	vadd.f32 v5, v4;
	v4 =	vimm.f32 $0.0e+00  }
0x49e: {  	v9 =	vld [tilespmem:s6+$0x105B0];
	v11 =	vadd.f32 v11, v10;
	v1 =	vadd.f32 v1, v4  }
0x49f: {  	s12 =	simm.s32 $0x800;
	v5 =	vld [tilespmem:s6+$0x10530];
	v2 =	vadd.f32 v2, v4;
	v10 =	vadd.f32 v63, v3;
	v3 =	vimm.f32 $0.0e+00  }
.LBB2_42:
0x4a0: {  	p0 =	sne.s32 s12, $0x7C00;
	v12 =	vld [tilespmem:s6+$0x105F0]  }
0x4a1: {  	v13 =	vld [tilespmem:s6+$0x10500];
	v4 =	vadd.f32 v11, v4;
	v6 =	vadd.f32 v8, v6  }
0x4a2: {  	v8 =	vld [tilespmem:s6+$0x10540]  }
0x4a3: {  	v11 =	vld [tilespmem:s6+$0x10580];
	v6 =	vadd.f32 v6, v10  }
0x4a4: {  	v10 =	vld [tilespmem:s6+$0x105C0]  }
0x4a5: {  	v5 =	vadd.f32 v7, v5;
	v14 =	vld [tilespmem:s6+$0x10510];
	v7 =	vadd.f32 v12, v9  }
0x4a6: {  	v3 =	vadd.f32 v6, v3;
	v9 =	vld [tilespmem:s6+$0x10550]  }
0x4a7: {  	v6 =	vadd.f32 v8, v13;
	v12 =	vld [tilespmem:s6+$0x10590];
	v5 =	vadd.f32 v7, v5  }
0x4a8: {  	v7 =	vld [tilespmem:s6+$0x105D0]  }
0x4a9: {  	v8 =	vadd.f32 v10, v11;
	v10 =	vld [tilespmem:s6+$0x10520];
	v1 =	vadd.f32 v5, v1  }
0x4aa: {  	v13 =	vld [tilespmem:s6+$0x10560]  }
.Ltmp20:
0x4ab: {  	v11 =	vadd.f32 v8, v6;
	v14 =	vadd.f32 v9, v14;
	v6 =	vld [tilespmem:s6+$0x105A0];
	(pc) =	sbr.rel @p0 .LBB2_42-.Ltmp20, $4  }
0x4ac: {  	v8 =	vld [tilespmem:s6+$0x105E0];
	s6 =	sshra.s32 s12, $0x2  }
0x4ad: {  	v5 =	vld [tilespmem:s6+$0x10530];
	v2 =	vadd.f32 v11, v2;
	v11 =	vadd.f32 v7, v12  }
0x4ae: {  	v7 =	vld [tilespmem:s6+$0x10570]  }
0x4af: {  	s12 =	sadd.s32 $0x400, s12;
	v9 =	vld [tilespmem:s6+$0x105B0];
	v11 =	vadd.f32 v11, v14;
	v10 =	vadd.f32 v13, v10  }
0x4b0: {  	v12 =	vld [tilespmem:s6+$0x105F0]  }
0x4b1: {  	v13 =	vld [tilespmem:s6+$0x10500]  }
0x4b2: {  	v14 =	vld [tilespmem:s6+$0x10540]  }
0x4b3: {  	v15 =	vld [tilespmem:s6+$0x10580]  }
0x4b4: {  	v16 =	vld [tilespmem:s6+$0x105C0]  }
0x4b5: {  	v17 =	vld [tilespmem:s6+$0x10510]  }
0x4b6: {  	v18 =	vld [tilespmem:s6+$0x10550]  }
0x4b7: {  	v19 =	vld [tilespmem:s6+$0x10590]  }
0x4b8: {  	v21 =	vld [tilespmem:s6+$0x10520]  }
0x4b9: {  	v22 =	vld [tilespmem:s6+$0x10560]  }
0x4ba: {  	v23 =	vld [tilespmem:s6+$0x105A0]  }
0x4bb: {  	v6 =	vadd.f32 v8, v6;
	v8 =	vld [tilespmem:s6+$0x105E0]  }
0x4bc: {  	v20 =	vld [tilespmem:s6+$0x105D0];
	v4 =	vadd.f32 v11, v4  }
0x4bd: {  	v6 =	vadd.f32 v6, v10;
	v5 =	vadd.f32 v7, v5  }
0x4be: {  	v11 =	vadd.f32 v14, v13;
	v60 =	vadd.f32 v16, v15  }
0x4bf: {  	v7 =	vadd.f32 v12, v9;
	v10 =	vadd.f32 v18, v17  }
0x4c0: {  	v61 =	vadd.f32 v22, v21;
	v8 =	vadd.f32 v8, v23  }
0x4c1: {  	v9 =	vadd.f32 v60, v11;
	v11 =	vadd.f32 v20, v19  }
0x4c2: {  	v3 =	vadd.f32 v6, v3;
	v8 =	vadd.f32 v8, v61  }
0x4c3: {  	v6 =	vadd.f32 v11, v10;
	v2 =	vadd.f32 v9, v2  }
0x4c4: {  	v5 =	vadd.f32 v7, v5;
	v3 =	vadd.f32 v8, v3  }
0x4c5: {  	v4 =	vadd.f32 v6, v4;
	[tilespmem:s11+$0x14500] =	vst.add.f32.msk $0xffff, v2  }
0x4c6: {  	v1 =	vadd.f32 v5, v1;
	[tilespmem:s11+$0x14520] =	vst.add.f32.msk $0xffff, v3  }
0x4c7: {  	[tilespmem:s11+$0x14510] =	vst.add.f32.msk $0xffff, v4  }
0x4c8: {  	s12 =	simm.s32 $0x0;
	[tilespmem:s17+$0x14500] =	vst.add.f32.msk $0xffff, v1  }
0x4c9: {  	v1 =	vld [tilespmem:s12+$0x12530]  }
0x4ca: {  	v2 =	vld [tilespmem:s12+$0x12570]  }
0x4cb: {  	v3 =	vld [tilespmem:s12+$0x125B0]  }
0x4cc: {  	v4 =	vld [tilespmem:s12+$0x125F0]  }
0x4cd: {  	v5 =	vld [tilespmem:s12+$0x12500]  }
0x4ce: {  	v6 =	vld [tilespmem:s12+$0x12540]  }
0x4cf: {  	v7 =	vld [tilespmem:s12+$0x12580]  }
0x4d0: {  	v8 =	vld [tilespmem:s12+$0x125C0]  }
0x4d1: {  	v9 =	vld [tilespmem:s12+$0x12510]  }
0x4d2: {  	v10 =	vld [tilespmem:s12+$0x12550]  }
0x4d3: {  	v11 =	vld [tilespmem:s12+$0x12590]  }
0x4d4: {  	v62 =	vld [tilespmem:s12+$0x125D0];
	_ =	sdelay $0x1  }
0x4d5: {  	v63 =	vld [tilespmem:s12+$0x12560];
	v1 =	vadd.f32 v2, v1  }
0x4d6: {  	v2 =	vadd.f32 v4, v3;
	v3 =	vld [tilespmem:s12+$0x12520];
	v4 =	vadd.f32 v6, v5  }
0x4d7: {  	v5 =	vadd.f32 v8, v7;
	v6 =	vld [tilespmem:s12+$0x125A0];
	v10 =	vadd.f32 v10, v9  }
0x4d8: {  	s6 =	simm.s32 $0x100;
	v8 =	vld [tilespmem:s12+$0x125E0];
	v11 =	vadd.f32 v62, v11;
	v1 =	vadd.f32 v2, v1  }
0x4d9: {  	v7 =	vld [tilespmem:s6+$0x12570];
	v2 =	vadd.f32 v5, v4;
	v4 =	vimm.f32 $0.0e+00  }
0x4da: {  	v9 =	vld [tilespmem:s6+$0x125B0];
	v11 =	vadd.f32 v11, v10;
	v1 =	vadd.f32 v1, v4  }
0x4db: {  	s12 =	simm.s32 $0x800;
	v5 =	vld [tilespmem:s6+$0x12530];
	v2 =	vadd.f32 v2, v4;
	v10 =	vadd.f32 v63, v3;
	v3 =	vimm.f32 $0.0e+00  }
.LBB2_44:
0x4dc: {  	p0 =	sne.s32 s12, $0x7C00;
	v12 =	vld [tilespmem:s6+$0x125F0]  }
0x4dd: {  	v13 =	vld [tilespmem:s6+$0x12500];
	v4 =	vadd.f32 v11, v4;
	v6 =	vadd.f32 v8, v6  }
0x4de: {  	v8 =	vld [tilespmem:s6+$0x12540]  }
0x4df: {  	v11 =	vld [tilespmem:s6+$0x12580];
	v6 =	vadd.f32 v6, v10  }
0x4e0: {  	v10 =	vld [tilespmem:s6+$0x125C0]  }
0x4e1: {  	v5 =	vadd.f32 v7, v5;
	v14 =	vld [tilespmem:s6+$0x12510];
	v7 =	vadd.f32 v12, v9  }
0x4e2: {  	v3 =	vadd.f32 v6, v3;
	v9 =	vld [tilespmem:s6+$0x12550]  }
0x4e3: {  	v6 =	vadd.f32 v8, v13;
	v12 =	vld [tilespmem:s6+$0x12590];
	v5 =	vadd.f32 v7, v5  }
0x4e4: {  	v7 =	vld [tilespmem:s6+$0x125D0]  }
0x4e5: {  	v8 =	vadd.f32 v10, v11;
	v10 =	vld [tilespmem:s6+$0x12520];
	v1 =	vadd.f32 v5, v1  }
0x4e6: {  	v13 =	vld [tilespmem:s6+$0x12560]  }
.Ltmp21:
0x4e7: {  	v11 =	vadd.f32 v8, v6;
	v14 =	vadd.f32 v9, v14;
	v6 =	vld [tilespmem:s6+$0x125A0];
	(pc) =	sbr.rel @p0 .LBB2_44-.Ltmp21, $4  }
0x4e8: {  	v8 =	vld [tilespmem:s6+$0x125E0];
	s6 =	sshra.s32 s12, $0x2  }
0x4e9: {  	v5 =	vld [tilespmem:s6+$0x12530];
	v2 =	vadd.f32 v11, v2;
	v11 =	vadd.f32 v7, v12  }
0x4ea: {  	v7 =	vld [tilespmem:s6+$0x12570]  }
0x4eb: {  	s12 =	sadd.s32 $0x400, s12;
	v9 =	vld [tilespmem:s6+$0x125B0];
	v11 =	vadd.f32 v11, v14;
	v10 =	vadd.f32 v13, v10  }
0x4ec: {  	v12 =	vld [tilespmem:s6+$0x125F0]  }
0x4ed: {  	v13 =	vld [tilespmem:s6+$0x12500]  }
0x4ee: {  	v14 =	vld [tilespmem:s6+$0x12540]  }
0x4ef: {  	v15 =	vld [tilespmem:s6+$0x12580]  }
0x4f0: {  	v16 =	vld [tilespmem:s6+$0x125C0]  }
0x4f1: {  	v17 =	vld [tilespmem:s6+$0x12510]  }
0x4f2: {  	v18 =	vld [tilespmem:s6+$0x12550]  }
0x4f3: {  	v19 =	vld [tilespmem:s6+$0x12590]  }
0x4f4: {  	v20 =	vld [tilespmem:s6+$0x125D0]  }
0x4f5: {  	v21 =	vld [tilespmem:s6+$0x12520]  }
0x4f6: {  	v22 =	vld [tilespmem:s6+$0x12560]  }
0x4f7: {  	v23 =	vld [tilespmem:s6+$0x125A0];
	v6 =	vadd.f32 v8, v6  }
0x4f8: {  	v55 =	vld [tilespmem:s6+$0x125E0];
	v4 =	vadd.f32 v11, v4  }
0x4f9: {  	v6 =	vadd.f32 v6, v10;
	v5 =	vadd.f32 v7, v5  }
0x4fa: {  	v56 =	vadd.f32 v14, v13;
	v57 =	vadd.f32 v16, v15  }
0x4fb: {  	v58 =	vadd.f32 v12, v9;
	v60 =	vadd.f32 v18, v17  }
0x4fc: {  	v61 =	vadd.f32 v20, v19;
	v62 =	vadd.f32 v22, v21  }
0x4fd: {  	v8 =	vadd.f32 v55, v23;
	v59 =	vadd.f32 v57, v56  }
0x4fe: {  	v3 =	vadd.f32 v6, v3;
	v63 =	vadd.f32 v61, v60  }
0x4ff: {  	v8 =	vadd.f32 v8, v62;
	v2 =	vadd.f32 v59, v2  }
0x500: {  	v5 =	vadd.f32 v58, v5;
	v4 =	vadd.f32 v63, v4  }
0x501: {  	v3 =	vadd.f32 v8, v3;
	[tilespmem:s11+$0x14500] =	vst.add.f32.msk $0xffff, v2  }
0x502: {  	v1 =	vadd.f32 v5, v1;
	[tilespmem:s11+$0x14510] =	vst.add.f32.msk $0xffff, v4  }
0x503: {  	s19 =	simm.s32 $0x0;
	[tilespmem:s11+$0x14520] =	vst.add.f32.msk $0xffff, v3  }
0x504: {  	s12 =	rddreg [dreg:$0x5];
	s18 =	simm.s32 $0x14500;
	s20 =	simm.s32 $0x4;
	[tilespmem:s17+$0x14500] =	vst.add.f32.msk $0xffff, v1  }
0x505: {  	[hbm4b:s12+s19] =	stream.linear.scatter [tilespmem:s18], [sflag:$0x4], $0x3200, $0x38;
	[tilespmem:$0x17700] =	vst v63  }
0x506: {  	_ =	swait.ge [sflag:s20], $0x3200  }
0x507: {  	s21 =	rddreg [dreg:$0x7]  }
0x508: {  	s22 =	rddreg [dreg:$0x6];
	s18 =	sadd.s32 $0x1, s21  }
0x509: {  	p0 =	sne.s32 s18, s22  }
.Ltmp22:
0x50a: {  	_ = 	snop;
	(pc) =	sbr.rel @p0 .LBB2_1-.Ltmp22, $3  }
0x50b: {  	_ =	sdelay $0x1  }
0x50c: {  	[sflag:s20] =	ssyncset.done $0x0  }
0x50d: {  	[sflag:s20] =	ssyncadd.s32 $0xFFFFCE00  }
0x50e: {  	_ =	sfence.sel $0x180000  }
0x50f: {  	[bflag:$0x0] =	sbarrier.arrive $0xFFFF  }
0x510: {  	_ =	strace $0x90000047  }
0x511: {  	s0 =	stileid.u32;
	[bflag:$0x2] =	sbarrier.arrive $0xFFFF  }
0x512: {  	p0 =	sne.s32 s0, $0x0;
	s0 =	rddreg [dreg:$0x1]  }
0x513: {  	s0 =	sadd.s32 @!p0 $0x100000, s0  }
0x514: {  	[sflag:s0] =	ssyncadd.tile.s32 @!p0 $0x1;
	_ =	shalt  }
.Lfunc_end2:
_tile_overlayer_lowered:
.L_overlay_start_2:
0x515: {  	(tag) =	ssettag $0x2  }
0x516: {  	s0 =	rddreg [dreg:$0x0];
	s2 =	stileid.u32  }
0x517: {  	s1 =	rddreg [dreg:$0x1];
	p0 =	sne.s32 s2, $0x0  }
0x518: {  	s3 =	rddreg [dreg:$0x2];
	[bflag:$0x3] =	sbarrier.arrive $0xFFFF;
	s2 =	simm.s32 @!p0 $0x1C04  }
0x519: {  	[timem:s3], [sflag:s2] =	dma.local @!p0 [hbm:s0], s1  }
0x51a: {  	s0 =	simm.s32 @!p0 $0x4  }
0x51b: {  	_ =	swait.ge @!p0 [sflag:s0], s1  }
0x51c: {  	s1 =	ssub.s32 @!p0 $0x0, s1;
	[sflag:s0] =	ssyncset.done @!p0 $0x0  }
0x51d: {  	[sflag:s0] =	ssyncadd.s32 @!p0 s1  }
0x51e: {  	[bflag:$0x3] =	sbarrier.arrive $0xFFFF  }
0x51f: {  	_ =	shalt  }

</sc_bundles>
